<compile_context>
chip_gen: v7x
topology: tpu7x:2x2x1
jax: 0.10.2.dev20260603
libtpu: 0.0.44.dev20260713+nightly
codegen_flags: <defaults>
</compile_context>

<pallas_src>
import functools

import jax
import jax.numpy as jnp
from jax import lax
from jax.experimental import pallas as pl
from jax.experimental.pallas import tpu as pltpu
from jax.experimental.pallas import tpu_sc as plsc

N = 10000
E = 320000
D_EMB = 128
HID = 256
NCLS = 64

NC, NS = 2, 16
NW = NC * NS
CHUNK = 125
EROWS = E // CHUNK
ACC = 10240
SROW = ACC // NS

_MESH = plsc.VectorSubcoreMesh(core_axis_name="c", subcore_axis_name="s")
_CP = pltpu.CompilerParams(use_tc_tiling_on_sc=False)


def _deg_body(dstr, degp, ddst, e0, zb, degacc, dsem):
    c = lax.axis_index("c")
    s = lax.axis_index("s")
    w = c * NS + s
    rpw = EROWS // NW
    zero16 = jnp.zeros((16,), jnp.float32)

    def zrow(i, _):
        zb[i, :] = zero16
        return 0
    lax.fori_loop(0, SROW, zrow, 0)
    pltpu.sync_copy(zb, degacc.at[pl.ds(s * SROW, SROW)])

    lane = lax.broadcasted_iota(jnp.int32, (16,), 0)
    one0 = jnp.where(lane == 0, 1.0, 0.0).astype(jnp.float32)

    def erow(i, _):
        e0[i, :] = one0
        return 0
    lax.fori_loop(0, CHUNK, erow, 0)

    pltpu.sync_copy(dstr.at[pl.ds(w * rpw, rpw), :], ddst)
    plsc.subcore_barrier()

    DEGW = 8

    def issue(i):
        pltpu.async_copy(e0, degacc.at[ddst.at[i]], dsem, add=True)

    def retire(i):
        pltpu.make_async_copy(e0, degacc.at[ddst.at[i]], dsem).wait()

    for i in range(DEGW):
        issue(i)

    def drow(i, _):
        retire(i - DEGW)
        issue(i)
        return 0
    lax.fori_loop(DEGW, rpw, drow, 0)

    def drain(i, _):
        retire(i)
        return 0
    lax.fori_loop(rpw - DEGW, rpw, drain, 0)

    plsc.subcore_barrier()
    pltpu.sync_copy(degacc.at[pl.ds(s * SROW, SROW)],
                    degp.at[c, pl.ds(s * SROW, SROW)])


_deg = pl.kernel(
    _deg_body,
    out_type=jax.ShapeDtypeStruct((NC, ACC, 16), jnp.float32),
    mesh=_MESH,
    compiler_params=_CP,
    scratch_types=[
        pltpu.VMEM((EROWS // NW, CHUNK), jnp.int32),
        pltpu.VMEM((CHUNK, 16), jnp.float32),
        pltpu.VMEM((SROW, 16), jnp.float32),
        pltpu.VMEM_SHARED((ACC, 16), jnp.float32),
        pltpu.SemaphoreType.DMA,
    ],
)


SEG = 40


def _spmm_run(xin, srcr, dstr, base, nseg,
              sseg, dseg, buf0, buf1, acc, sem0, sem1):
    for g in range(nseg):
        pltpu.sync_copy(srcr.at[pl.ds(base + g * SEG, SEG), :], sseg)
        pltpu.sync_copy(dstr.at[pl.ds(base + g * SEG, SEG), :], dseg)
        pltpu.async_copy(xin.at[sseg.at[0]], buf0, sem0)

        def pbody(p, _):
            j0 = 2 * p
            pltpu.async_copy(xin.at[sseg.at[j0 + 1]], buf1, sem1)
            pltpu.make_async_copy(xin.at[sseg.at[j0]], buf0, sem0).wait()
            pltpu.sync_copy(buf0, acc.at[dseg.at[j0]], add=True)

            @pl.when(p + 1 < SEG // 2)
            def _():
                pltpu.async_copy(xin.at[sseg.at[j0 + 2]], buf0, sem0)
            pltpu.make_async_copy(xin.at[sseg.at[j0 + 1]], buf1, sem1).wait()
            pltpu.sync_copy(buf1, acc.at[dseg.at[j0 + 1]], add=True)
            return 0
        lax.fori_loop(0, SEG // 2, pbody, 0)


def _spmm_body(xa, xb, srcr, dstr, sout,
               sseg, dseg, buf0, buf1, acc, sem0, sem1, *, F, split):
    c = lax.axis_index("c")
    s = lax.axis_index("s")

    if split == "edge":
        nrows = EROWS // NW
        base = (c * NS + s) * nrows
    else:
        nrows = EROWS // NS
        base = s * nrows
    nseg = nrows // SEG

    zero16 = jnp.zeros((16,), jnp.float32)

    def zrow(i, _):
        for k in range(F // 16):
            buf0[i, pl.ds(k * 16, 16)] = zero16
        return 0
    lax.fori_loop(0, CHUNK, zrow, 0)
    for r in range(SROW // CHUNK):
        pltpu.sync_copy(buf0, acc.at[pl.ds(s * SROW + r * CHUNK, CHUNK)])
    pltpu.sync_copy(buf0.at[pl.ds(0, SROW - (SROW // CHUNK) * CHUNK)],
                    acc.at[pl.ds(s * SROW + (SROW // CHUNK) * CHUNK,
                                 SROW - (SROW // CHUNK) * CHUNK)])
    plsc.subcore_barrier()

    if split == "edge":
        _spmm_run(xa, srcr, dstr, base, nseg,
                  sseg, dseg, buf0, buf1, acc, sem0, sem1)
    else:
        @pl.when(c == 0)
        def _():
            _spmm_run(xa, srcr, dstr, base, nseg,
                      sseg, dseg, buf0, buf1, acc, sem0, sem1)

        @pl.when(c == 1)
        def _():
            _spmm_run(xb, srcr, dstr, base, nseg,
                      sseg, dseg, buf0, buf1, acc, sem0, sem1)

    plsc.subcore_barrier()
    pltpu.sync_copy(acc.at[pl.ds(s * SROW, SROW)],
                    sout.at[c, pl.ds(s * SROW, SROW)])


def _make_spmm(F, split):
    return pl.kernel(
        functools.partial(_spmm_body, F=F, split=split),
        out_type=jax.ShapeDtypeStruct((NC, ACC, F), jnp.float32),
        mesh=_MESH,
        compiler_params=_CP,
        scratch_types=[
            pltpu.VMEM((SEG, CHUNK), jnp.int32),
            pltpu.VMEM((SEG, CHUNK), jnp.int32),
            pltpu.VMEM((CHUNK, F), jnp.float32),
            pltpu.VMEM((CHUNK, F), jnp.float32),
            pltpu.VMEM_SHARED((ACC, F), jnp.float32),
            pltpu.SemaphoreType.DMA,
            pltpu.SemaphoreType.DMA,
        ],
    )


_spmm1 = _make_spmm(D_EMB, "edge")
_spmm2 = _make_spmm(HID // 2, "feat")


RING = 5


def _ring_run(xin, nrows, sidx, didx, bufs, acc, sems):
    def gath(j, b):
        pltpu.async_copy(xin.at[sidx.at[j]], bufs[b], sems[b])

    def wait_gath(j, b):
        pltpu.make_async_copy(xin.at[sidx.at[j]], bufs[b], sems[b]).wait()

    def scat(j, b):
        pltpu.async_copy(bufs[b], acc.at[didx.at[j]], sems[b], add=True)

    def wait_scat(j, b):
        pltpu.make_async_copy(bufs[b], acc.at[didx.at[j]], sems[b]).wait()

    gath(0, 0)
    gath(1, 1)
    gath(2, 2); wait_gath(0, 0); scat(0, 0)
    gath(3, 3); wait_gath(1, 1); scat(1, 1)
    gath(4, 4); wait_gath(2, 2); scat(2, 2)
    wait_scat(0, 0); gath(5, 0); wait_gath(3, 3); scat(3, 3)
    wait_scat(1, 1); gath(6, 1); wait_gath(4, 4); scat(4, 4)

    def group(g, _):
        j0 = g * RING
        for b in range(RING):
            j = j0 + b
            bg = (b + 2) % RING
            wait_scat(j - 3, bg)

            @pl.when(j + 2 < nrows)
            def _(j=j, bg=bg):
                gath(j + 2, bg)
            wait_gath(j, b)
            scat(j, b)
        return 0
    lax.fori_loop(1, nrows // RING, group, 0)
    wait_scat(nrows - 3, 2)
    wait_scat(nrows - 2, 3)
    wait_scat(nrows - 1, 4)


def _spmm3_body(xin, srcr, dstr, sout,
                sidx, didx, b0, b1, b2, b3, b4, acc,
                m0, m1, m2, m3, m4):
    c = lax.axis_index("c")
    s = lax.axis_index("s")
    nrows = EROWS // NW
    base = (c * NS + s) * nrows
    bufs = (b0, b1, b2, b3, b4)
    sems = (m0, m1, m2, m3, m4)

    pltpu.sync_copy(srcr.at[pl.ds(base, nrows), :], sidx)
    pltpu.sync_copy(dstr.at[pl.ds(base, nrows), :], didx)

    zero16 = jnp.zeros((16,), jnp.float32)

    def zrow(i, _):
        for k in range(NCLS // 16):
            b0[i, pl.ds(k * 16, 16)] = zero16
        return 0
    lax.fori_loop(0, CHUNK, zrow, 0)
    for r in range(SROW // CHUNK):
        pltpu.sync_copy(b0, acc.at[pl.ds(s * SROW + r * CHUNK, CHUNK)])
    pltpu.sync_copy(b0.at[pl.ds(0, SROW - (SROW // CHUNK) * CHUNK)],
                    acc.at[pl.ds(s * SROW + (SROW // CHUNK) * CHUNK,
                                 SROW - (SROW // CHUNK) * CHUNK)])
    plsc.subcore_barrier()
    _ring_run(xin, nrows, sidx, didx, bufs, acc, sems)
    plsc.subcore_barrier()
    pltpu.sync_copy(acc.at[pl.ds(s * SROW, SROW)],
                    sout.at[c, pl.ds(s * SROW, SROW)])


_spmm3 = pl.kernel(
    _spmm3_body,
    out_type=jax.ShapeDtypeStruct((NC, ACC, NCLS), jnp.float32),
    mesh=_MESH,
    compiler_params=_CP,
    scratch_types=(
        [pltpu.VMEM((EROWS // NW, CHUNK), jnp.int32)] * 2
        + [pltpu.VMEM((CHUNK, NCLS), jnp.float32)] * RING
        + [pltpu.VMEM_SHARED((ACC, NCLS), jnp.float32)]
        + [pltpu.SemaphoreType.DMA] * RING
    ),
)


def _gather_body(out3, nodes, res, idxv, gbuf, sem):
    c = lax.axis_index("c")
    s = lax.axis_index("s")
    w = s * NC + c
    base = jnp.minimum(w * 320, N - 320)
    pltpu.sync_copy(nodes.at[pl.ds(base, 320)], idxv)
    for lo, sz in ((0, 128), (128, 128), (256, 64)):
        pltpu.async_copy(out3.at[idxv.at[pl.ds(lo, sz)]],
                         gbuf.at[pl.ds(lo, sz)], sem)
    for lo, sz in ((0, 128), (128, 128), (256, 64)):
        pltpu.make_async_copy(out3.at[idxv.at[pl.ds(lo, sz)]],
                              gbuf.at[pl.ds(lo, sz)], sem).wait()
    pltpu.sync_copy(gbuf, res.at[pl.ds(base, 320)])


_gather = pl.kernel(
    _gather_body,
    out_type=jax.ShapeDtypeStruct((N, NCLS), jnp.float32),
    mesh=_MESH,
    compiler_params=_CP,
    scratch_types=[
        pltpu.VMEM((320,), jnp.int32),
        pltpu.VMEM((320, NCLS), jnp.float32),
        pltpu.SemaphoreType.DMA,
    ],
)


_BR = 1000


def _row_spec(F):
    return pl.BlockSpec((NC, _BR, F), lambda i: (0, i, 0))


def _tca_body(deg_ref, emb_ref, dinv_ref, xp_ref):
    d = deg_ref[0, :, 0:1] + deg_ref[1, :, 0:1] + 1.0
    dinv = lax.rsqrt(d)
    dinv_ref[...] = dinv
    xp_ref[...] = emb_ref[...] * dinv


def _tca(degp, emb):
    return pl.pallas_call(
        _tca_body,
        grid=(N // _BR,),
        in_specs=[pl.BlockSpec((NC, _BR, 16), lambda i: (0, i, 0)),
                  pl.BlockSpec((_BR, D_EMB), lambda i: (i, 0))],
        out_specs=(pl.BlockSpec((_BR, 1), lambda i: (i, 0)),
                   pl.BlockSpec((_BR, D_EMB), lambda i: (i, 0))),
        out_shape=(jax.ShapeDtypeStruct((N, 1), jnp.float32),
                   jax.ShapeDtypeStruct((N, D_EMB), jnp.float32)),
    )(degp, emb)


def _layer1_body(s_ref, xp_ref, dinv_ref, w_ref, b_ref, oa_ref, ob_ref):
    dinv = dinv_ref[...]
    t = (s_ref[0] + s_ref[1] + xp_ref[...]) * dinv
    y = jnp.dot(t, w_ref[...], preferred_element_type=jnp.float32)
    h = jax.nn.relu(y + b_ref[...]) * dinv
    oa_ref[...] = h[:, : HID // 2]
    ob_ref[...] = h[:, HID // 2:]


def _tc1(s1, xp, dinv, W1, b1):
    return pl.pallas_call(
        _layer1_body,
        grid=(N // _BR,),
        in_specs=[_row_spec(D_EMB),
                  pl.BlockSpec((_BR, D_EMB), lambda i: (i, 0)),
                  pl.BlockSpec((_BR, 1), lambda i: (i, 0)),
                  pl.BlockSpec((D_EMB, HID), lambda i: (0, 0)),
                  pl.BlockSpec((1, HID), lambda i: (0, 0))],
        out_specs=(pl.BlockSpec((_BR, HID // 2), lambda i: (i, 0)),
                   pl.BlockSpec((_BR, HID // 2), lambda i: (i, 0))),
        out_shape=(jax.ShapeDtypeStruct((N, HID // 2), jnp.float32),
                   jax.ShapeDtypeStruct((N, HID // 2), jnp.float32)),
    )(s1, xp, dinv, W1, b1)


def _layer2_body(s_ref, ha_ref, hb_ref, dinv_ref, w2_ref, b2_ref, w3_ref,
                 o_ref):
    dinv = dinv_ref[...]
    sfull = jnp.concatenate([s_ref[0], s_ref[1]], axis=1)
    hfull = jnp.concatenate([ha_ref[...], hb_ref[...]], axis=1)
    t = (sfull + hfull) * dinv
    y = jnp.dot(t, w2_ref[...], preferred_element_type=jnp.float32)
    h2p = jax.nn.relu(y + b2_ref[...]) * dinv
    o_ref[...] = jnp.dot(h2p, w3_ref[...], preferred_element_type=jnp.float32)


def _tc2(s2, h1a, h1b, dinv, W2, b2, W3):
    return pl.pallas_call(
        _layer2_body,
        grid=(N // _BR,),
        in_specs=[_row_spec(HID // 2),
                  pl.BlockSpec((_BR, HID // 2), lambda i: (i, 0)),
                  pl.BlockSpec((_BR, HID // 2), lambda i: (i, 0)),
                  pl.BlockSpec((_BR, 1), lambda i: (i, 0)),
                  pl.BlockSpec((HID, HID), lambda i: (0, 0)),
                  pl.BlockSpec((1, HID), lambda i: (0, 0)),
                  pl.BlockSpec((HID, NCLS), lambda i: (0, 0))],
        out_specs=pl.BlockSpec((_BR, NCLS), lambda i: (i, 0)),
        out_shape=jax.ShapeDtypeStruct((N, NCLS), jnp.float32),
    )(s2, h1a, h1b, dinv, W2, b2, W3)


def _layer3_body(s_ref, g_ref, dinv_ref, b_ref, o_ref):
    o_ref[...] = ((s_ref[0] + s_ref[1] + g_ref[...]) * dinv_ref[...]
                  + b_ref[...])


def _tc3(s3, gp, dinv, b3):
    return pl.pallas_call(
        _layer3_body,
        grid=(N // _BR,),
        in_specs=[_row_spec(NCLS),
                  pl.BlockSpec((_BR, NCLS), lambda i: (i, 0)),
                  pl.BlockSpec((_BR, 1), lambda i: (i, 0)),
                  pl.BlockSpec((1, NCLS), lambda i: (0, 0))],
        out_specs=pl.BlockSpec((_BR, NCLS), lambda i: (i, 0)),
        out_shape=jax.ShapeDtypeStruct((N, NCLS), jnp.float32),
    )(s3, gp, dinv, b3)


def kernel(nodes, edge_index, emb_weight, W1, b1, W2, b2, W3, b3):
    srcr = edge_index[0].reshape(EROWS, CHUNK)
    dstr = edge_index[1].reshape(EROWS, CHUNK)

    degp = _deg(dstr)
    dinv, xp = _tca(degp, emb_weight)
    s1 = _spmm1(xp, xp, srcr, dstr)
    h1a, h1b = _tc1(s1, xp, dinv, W1, b1.reshape(1, HID))
    s2 = _spmm2(h1a, h1b, srcr, dstr)
    gp = _tc2(s2, h1a, h1b, dinv, W2, b2.reshape(1, HID), W3)
    s3 = _spmm3(gp, srcr, dstr)
    out3 = _tc3(s3, gp, dinv, b3.reshape(1, NCLS))
    return _gather(out3, nodes)

# --- scband reference (transcript-rebuilt; emitter-appended) ---
"""Pipeline reference for scband-gnn-88639535055082 (READ-ONLY COPY).

The authoritative reference and input builder live on the scoring server;
editing this copy changes nothing except your own understanding.
"""

import jax, jax.numpy as jnp
import numpy as np

N_NODES = 10000
N_EDGES = 320000
D_EMB = 128
H1 = 256
H2 = 256
N_CLASSES = 64


def gcn_conv(x, src, dst, W, b, n):
    # PyG GCNConv with add_self_loops=True, normalize=True, bias=True
    loop = jnp.arange(n, dtype=src.dtype)
    src_sl = jnp.concatenate([src, loop])
    dst_sl = jnp.concatenate([dst, loop])
    xw = x @ W
    deg = jnp.zeros((n,), x.dtype).at[dst_sl].add(1.0)
    dinv = jnp.where(deg > 0, jax.lax.rsqrt(deg), 0.0)
    norm = dinv[src_sl] * dinv[dst_sl]
    msg = xw[src_sl] * norm[:, None]
    out = jnp.zeros((n, W.shape[1]), x.dtype).at[dst_sl].add(msg)
    return out + b


def setup_inputs(seed: int = 0) -> dict:
    key = jax.random.key(seed)
    ks = jax.random.split(key, 9)
    inp = {}
    inp["nodes"] = jax.random.randint(ks[0], (N_NODES,), 0, N_NODES, dtype=jnp.int32)
    inp["edge_index"] = jax.random.randint(ks[1], (2, N_EDGES), 0, N_NODES, dtype=jnp.int32)
    # learned parameters (embedding table = pretrained `weights`, GCN layer weights)
    inp["emb_weight"] = jax.random.normal(ks[2], (N_NODES, D_EMB), dtype=jnp.float32)
    inp["W1"] = jax.random.normal(ks[3], (D_EMB, H1), dtype=jnp.float32) * (1.0 / np.sqrt(D_EMB))
    inp["b1"] = jnp.zeros((H1,), dtype=jnp.float32)
    inp["W2"] = jax.random.normal(ks[4], (H1, H2), dtype=jnp.float32) * (1.0 / np.sqrt(H1))
    inp["b2"] = jnp.zeros((H2,), dtype=jnp.float32)
    inp["W3"] = jax.random.normal(ks[5], (H2, N_CLASSES), dtype=jnp.float32) * (1.0 / np.sqrt(H2))
    inp["b3"] = jnp.zeros((N_CLASSES,), dtype=jnp.float32)
    return inp


def reference(nodes, edge_index, emb_weight, W1, b1, W2, b2, W3, b3):
    src, dst = edge_index[0], edge_index[1]
    x = emb_weight  # x = self.embedding.weight
    # layer 1 (relu + dropout; dropout is identity in eval mode)
    x = jax.nn.relu(gcn_conv(x, src, dst, W1, b1, N_NODES))
    # layer 2
    x = jax.nn.relu(gcn_conv(x, src, dst, W2, b2, N_NODES))
    # output layer (no relu/dropout)
    x = gcn_conv(x, src, dst, W3, b3, N_NODES)
    return x[nodes]

if __name__ == "__main__":
    import jax
    _d = setup_inputs()
    print(jax.jit(kernel)(*tuple(_d.values())))

</pallas_src>

<mosaic_0001>
#map = affine_map<(d0, d1) -> (0, 0)>
#map1 = affine_map<(d0, d1) -> (0, 0, 0)>
module attributes {stable_mosaic.version = 14 : i64} {
  func.func @_spmm_body(%arg0: i32, %arg1: i32, %arg2: memref<10000x128xf32, #tpu.memory_space<hbm>>, %arg3: memref<10000x128xf32, #tpu.memory_space<hbm>>, %arg4: memref<2560x125xi32, #tpu.memory_space<hbm>>, %arg5: memref<2560x125xi32, #tpu.memory_space<hbm>>, %arg6: memref<2x10240x128xf32, #tpu.memory_space<hbm>>, %arg7: memref<40x125xi32, #tpu.memory_space<vmem>>, %arg8: memref<40x125xi32, #tpu.memory_space<vmem>>, %arg9: memref<125x128xf32, #tpu.memory_space<vmem>>, %arg10: memref<125x128xf32, #tpu.memory_space<vmem>>, %arg11: memref<10240x128xf32, #tpu.memory_space<vmem_shared>>, %arg12: memref<!tpu.dma_semaphore, #tpu.memory_space<semaphore_mem>>, %arg13: memref<!tpu.dma_semaphore, #tpu.memory_space<semaphore_mem>>) attributes {dimension_semantics = [#tpu.dimension_semantics<core_parallel>, #tpu.dimension_semantics<subcore_parallel>], iteration_bounds = array<i64: 2, 16>, scalar_prefetch = 0 : i64, scratch_operands = 7 : i64, tpu.core_type = #tpu.core_type<sc_vector_subcore>, window_params = [{transform_indices = #map}, {transform_indices = #map}, {transform_indices = #map}, {transform_indices = #map}, {transform_indices = #map1}]} {
    %mul3A = arith.constant 16 : i32
    %mul3A_0 = arith.muli %arg0, %mul3A : i32
    %add3A = arith.addi %mul3A_0, %arg1 : i32
    %mul3A_1 = arith.constant 80 : i32
    %mul3A_2 = arith.muli %add3A, %mul3A_1 : i32
    %broadcast_in_dim3A = arith.constant 0.000000e+00 : f32
    %broadcast_in_dim3A_3 = vector.broadcast %broadcast_in_dim3A : f32 to vector<16xf32>
    %scan3A = arith.constant 0 : i32
    %scan3A_4 = arith.constant 0 : i32
    %scan3A_5 = arith.constant 125 : i32
    %scan3A_6 = arith.addi %scan3A_4, %scan3A_5 : i32
    %scan3A_7 = arith.constant 1 : i32
    %scan3A_8 = scf.for %scan3A_74 = %scan3A_4 to %scan3A_6 step %scan3A_7 iter_args(%scan3A_75 = %scan3A) -> (i32)  : i32 {
      %swap3A = arith.index_cast %scan3A_74 : i32 to index
      %swap3A_76 = arith.constant 0 : index
      %swap3A_77 = tpu.vector_load %arg9[%swap3A, %swap3A_76] {strides = array<i32>} : memref<125x128xf32, #tpu.memory_space<vmem>>, vector<1x16xf32>,
      %swap3A_78 = vector.shape_cast %swap3A_77 : vector<1x16xf32> to vector<16xf32>
      %swap3A_79 = vector.shape_cast %broadcast_in_dim3A_3 : vector<16xf32> to vector<1x16xf32>
      tpu.vector_store %arg9[%swap3A, %swap3A_76], %swap3A_79 {strides = array<i32>} : memref<125x128xf32, #tpu.memory_space<vmem>>, vector<1x16xf32>,
      %swap3A_80 = arith.index_cast %scan3A_74 : i32 to index
      %swap3A_81 = arith.constant 16 : index
      %swap3A_82 = tpu.vector_load %arg9[%swap3A_80, %swap3A_81] {strides = array<i32>} : memref<125x128xf32, #tpu.memory_space<vmem>>, vector<1x16xf32>,
      %swap3A_83 = vector.shape_cast %swap3A_82 : vector<1x16xf32> to vector<16xf32>
      %swap3A_84 = vector.shape_cast %broadcast_in_dim3A_3 : vector<16xf32> to vector<1x16xf32>
      tpu.vector_store %arg9[%swap3A_80, %swap3A_81], %swap3A_84 {strides = array<i32>} : memref<125x128xf32, #tpu.memory_space<vmem>>, vector<1x16xf32>,
      %swap3A_85 = arith.index_cast %scan3A_74 : i32 to index
      %swap3A_86 = arith.constant 32 : index
      %swap3A_87 = tpu.vector_load %arg9[%swap3A_85, %swap3A_86] {strides = array<i32>} : memref<125x128xf32, #tpu.memory_space<vmem>>, vector<1x16xf32>,
      %swap3A_88 = vector.shape_cast %swap3A_87 : vector<1x16xf32> to vector<16xf32>
      %swap3A_89 = vector.shape_cast %broadcast_in_dim3A_3 : vector<16xf32> to vector<1x16xf32>
      tpu.vector_store %arg9[%swap3A_85, %swap3A_86], %swap3A_89 {strides = array<i32>} : memref<125x128xf32, #tpu.memory_space<vmem>>, vector<1x16xf32>,
      %swap3A_90 = arith.index_cast %scan3A_74 : i32 to index
      %swap3A_91 = arith.constant 48 : index
      %swap3A_92 = tpu.vector_load %arg9[%swap3A_90, %swap3A_91] {strides = array<i32>} : memref<125x128xf32, #tpu.memory_space<vmem>>, vector<1x16xf32>,
      %swap3A_93 = vector.shape_cast %swap3A_92 : vector<1x16xf32> to vector<16xf32>
      %swap3A_94 = vector.shape_cast %broadcast_in_dim3A_3 : vector<16xf32> to vector<1x16xf32>
      tpu.vector_store %arg9[%swap3A_90, %swap3A_91], %swap3A_94 {strides = array<i32>} : memref<125x128xf32, #tpu.memory_space<vmem>>, vector<1x16xf32>,
      %swap3A_95 = arith.index_cast %scan3A_74 : i32 to index
      %swap3A_96 = arith.constant 64 : index
      %swap3A_97 = tpu.vector_load %arg9[%swap3A_95, %swap3A_96] {strides = array<i32>} : memref<125x128xf32, #tpu.memory_space<vmem>>, vector<1x16xf32>,
      %swap3A_98 = vector.shape_cast %swap3A_97 : vector<1x16xf32> to vector<16xf32>
      %swap3A_99 = vector.shape_cast %broadcast_in_dim3A_3 : vector<16xf32> to vector<1x16xf32>
      tpu.vector_store %arg9[%swap3A_95, %swap3A_96], %swap3A_99 {strides = array<i32>} : memref<125x128xf32, #tpu.memory_space<vmem>>, vector<1x16xf32>,
      %swap3A_100 = arith.index_cast %scan3A_74 : i32 to index
      %swap3A_101 = arith.constant 80 : index
      %swap3A_102 = tpu.vector_load %arg9[%swap3A_100, %swap3A_101] {strides = array<i32>} : memref<125x128xf32, #tpu.memory_space<vmem>>, vector<1x16xf32>,
      %swap3A_103 = vector.shape_cast %swap3A_102 : vector<1x16xf32> to vector<16xf32>
      %swap3A_104 = vector.shape_cast %broadcast_in_dim3A_3 : vector<16xf32> to vector<1x16xf32>
      tpu.vector_store %arg9[%swap3A_100, %swap3A_101], %swap3A_104 {strides = array<i32>} : memref<125x128xf32, #tpu.memory_space<vmem>>, vector<1x16xf32>,
      %swap3A_105 = arith.index_cast %scan3A_74 : i32 to index
      %swap3A_106 = arith.constant 96 : index
      %swap3A_107 = tpu.vector_load %arg9[%swap3A_105, %swap3A_106] {strides = array<i32>} : memref<125x128xf32, #tpu.memory_space<vmem>>, vector<1x16xf32>,
      %swap3A_108 = vector.shape_cast %swap3A_107 : vector<1x16xf32> to vector<16xf32>
      %swap3A_109 = vector.shape_cast %broadcast_in_dim3A_3 : vector<16xf32> to vector<1x16xf32>
      tpu.vector_store %arg9[%swap3A_105, %swap3A_106], %swap3A_109 {strides = array<i32>} : memref<125x128xf32, #tpu.memory_space<vmem>>, vector<1x16xf32>,
      %swap3A_110 = arith.index_cast %scan3A_74 : i32 to index
      %swap3A_111 = arith.constant 112 : index
      %swap3A_112 = tpu.vector_load %arg9[%swap3A_110, %swap3A_111] {strides = array<i32>} : memref<125x128xf32, #tpu.memory_space<vmem>>, vector<1x16xf32>,
      %swap3A_113 = vector.shape_cast %swap3A_112 : vector<1x16xf32> to vector<16xf32>
      %swap3A_114 = vector.shape_cast %broadcast_in_dim3A_3 : vector<16xf32> to vector<1x16xf32>
      tpu.vector_store %arg9[%swap3A_110, %swap3A_111], %swap3A_114 {strides = array<i32>} : memref<125x128xf32, #tpu.memory_space<vmem>>, vector<1x16xf32>,
      %scan3A_115 = arith.constant 0 : i32
      scf.yield %scan3A_115 : i32
    }
    %scan3A_9 = arith.constant 125 : i32
    %mul3A_10 = arith.constant 640 : i32
    %mul3A_11 = arith.muli %arg1, %mul3A_10 : i32
    %add3A_12 = arith.constant 0 : i32
    %add3A_13 = arith.addi %mul3A_11, %add3A_12 : i32
    "tpu.region"() ({
      %run_scoped3A = tpu.sem_alloc : memref<!tpu.dma_semaphore, #tpu.memory_space<semaphore_mem>>
      %dma_start3A_74 = arith.constant 0 : i32
      %dma_start3A_75 = tpu.memref_slice %arg11[%add3A_13, %dma_start3A_74] : memref<10240x128xf32, #tpu.memory_space<vmem_shared>> -> memref<125x128xf32, #tpu.memory_space<vmem_shared>>
      %dma_start3A_76 = arith.constant 0 : i32
      %dma_start3A_77 = tpu.memref_slice %arg11[%add3A_13, %dma_start3A_76] : memref<10240x128xf32, #tpu.memory_space<vmem_shared>> -> memref<125x128xf32, #tpu.memory_space<vmem_shared>>
      tpu.enqueue_dma source(%arg9 : memref<125x128xf32, #tpu.memory_space<vmem>>) target(%dma_start3A_77 : memref<125x128xf32, #tpu.memory_space<vmem_shared>>) target_semaphore(%run_scoped3A : memref<!tpu.dma_semaphore, #tpu.memory_space<semaphore_mem>>)
      %dma_wait3A = arith.constant 0 : i32
      %dma_wait3A_78 = tpu.memref_slice %arg11[%add3A_13, %dma_wait3A] : memref<10240x128xf32, #tpu.memory_space<vmem_shared>> -> memref<125x128xf32, #tpu.memory_space<vmem_shared>>
      %dma_wait3A_79 = arith.constant 0 : i32
      %dma_wait3A_80 = tpu.memref_slice %arg11[%add3A_13, %dma_wait3A_79] : memref<10240x128xf32, #tpu.memory_space<vmem_shared>> -> memref<125x128xf32, #tpu.memory_space<vmem_shared>>
      tpu.wait_dma2 semaphore(%run_scoped3A : memref<!tpu.dma_semaphore, #tpu.memory_space<semaphore_mem>>) src(%arg9 : memref<125x128xf32, #tpu.memory_space<vmem>>) dst(%dma_wait3A_80 : memref<125x128xf32, #tpu.memory_space<vmem_shared>>)
      tpu.yield
    }) : () -> ()
    %mul3A_14 = arith.constant 640 : i32
    %mul3A_15 = arith.muli %arg1, %mul3A_14 : i32
    %add3A_16 = arith.constant 125 : i32
    %add3A_17 = arith.addi %mul3A_15, %add3A_16 : i32
    "tpu.region"() ({
      %run_scoped3A = tpu.sem_alloc : memref<!tpu.dma_semaphore, #tpu.memory_space<semaphore_mem>>
      %dma_start3A_74 = arith.constant 0 : i32
      %dma_start3A_75 = tpu.memref_slice %arg11[%add3A_17, %dma_start3A_74] : memref<10240x128xf32, #tpu.memory_space<vmem_shared>> -> memref<125x128xf32, #tpu.memory_space<vmem_shared>>
      %dma_start3A_76 = arith.constant 0 : i32
      %dma_start3A_77 = tpu.memref_slice %arg11[%add3A_17, %dma_start3A_76] : memref<10240x128xf32, #tpu.memory_space<vmem_shared>> -> memref<125x128xf32, #tpu.memory_space<vmem_shared>>
      tpu.enqueue_dma source(%arg9 : memref<125x128xf32, #tpu.memory_space<vmem>>) target(%dma_start3A_77 : memref<125x128xf32, #tpu.memory_space<vmem_shared>>) target_semaphore(%run_scoped3A : memref<!tpu.dma_semaphore, #tpu.memory_space<semaphore_mem>>)
      %dma_wait3A = arith.constant 0 : i32
      %dma_wait3A_78 = tpu.memref_slice %arg11[%add3A_17, %dma_wait3A] : memref<10240x128xf32, #tpu.memory_space<vmem_shared>> -> memref<125x128xf32, #tpu.memory_space<vmem_shared>>
      %dma_wait3A_79 = arith.constant 0 : i32
      %dma_wait3A_80 = tpu.memref_slice %arg11[%add3A_17, %dma_wait3A_79] : memref<10240x128xf32, #tpu.memory_space<vmem_shared>> -> memref<125x128xf32, #tpu.memory_space<vmem_shared>>
      tpu.wait_dma2 semaphore(%run_scoped3A : memref<!tpu.dma_semaphore, #tpu.memory_space<semaphore_mem>>) src(%arg9 : memref<125x128xf32, #tpu.memory_space<vmem>>) dst(%dma_wait3A_80 : memref<125x128xf32, #tpu.memory_space<vmem_shared>>)
      tpu.yield
    }) : () -> ()
    %mul3A_18 = arith.constant 640 : i32
    %mul3A_19 = arith.muli %arg1, %mul3A_18 : i32
    %add3A_20 = arith.constant 250 : i32
    %add3A_21 = arith.addi %mul3A_19, %add3A_20 : i32
    "tpu.region"() ({
      %run_scoped3A = tpu.sem_alloc : memref<!tpu.dma_semaphore, #tpu.memory_space<semaphore_mem>>
      %dma_start3A_74 = arith.constant 0 : i32
      %dma_start3A_75 = tpu.memref_slice %arg11[%add3A_21, %dma_start3A_74] : memref<10240x128xf32, #tpu.memory_space<vmem_shared>> -> memref<125x128xf32, #tpu.memory_space<vmem_shared>>
      %dma_start3A_76 = arith.constant 0 : i32
      %dma_start3A_77 = tpu.memref_slice %arg11[%add3A_21, %dma_start3A_76] : memref<10240x128xf32, #tpu.memory_space<vmem_shared>> -> memref<125x128xf32, #tpu.memory_space<vmem_shared>>
      tpu.enqueue_dma source(%arg9 : memref<125x128xf32, #tpu.memory_space<vmem>>) target(%dma_start3A_77 : memref<125x128xf32, #tpu.memory_space<vmem_shared>>) target_semaphore(%run_scoped3A : memref<!tpu.dma_semaphore, #tpu.memory_space<semaphore_mem>>)
      %dma_wait3A = arith.constant 0 : i32
      %dma_wait3A_78 = tpu.memref_slice %arg11[%add3A_21, %dma_wait3A] : memref<10240x128xf32, #tpu.memory_space<vmem_shared>> -> memref<125x128xf32, #tpu.memory_space<vmem_shared>>
      %dma_wait3A_79 = arith.constant 0 : i32
      %dma_wait3A_80 = tpu.memref_slice %arg11[%add3A_21, %dma_wait3A_79] : memref<10240x128xf32, #tpu.memory_space<vmem_shared>> -> memref<125x128xf32, #tpu.memory_space<vmem_shared>>
      tpu.wait_dma2 semaphore(%run_scoped3A : memref<!tpu.dma_semaphore, #tpu.memory_space<semaphore_mem>>) src(%arg9 : memref<125x128xf32, #tpu.memory_space<vmem>>) dst(%dma_wait3A_80 : memref<125x128xf32, #tpu.memory_space<vmem_shared>>)
      tpu.yield
    }) : () -> ()
    %mul3A_22 = arith.constant 640 : i32
    %mul3A_23 = arith.muli %arg1, %mul3A_22 : i32
    %add3A_24 = arith.constant 375 : i32
    %add3A_25 = arith.addi %mul3A_23, %add3A_24 : i32
    "tpu.region"() ({
      %run_scoped3A = tpu.sem_alloc : memref<!tpu.dma_semaphore, #tpu.memory_space<semaphore_mem>>
      %dma_start3A_74 = arith.constant 0 : i32
      %dma_start3A_75 = tpu.memref_slice %arg11[%add3A_25, %dma_start3A_74] : memref<10240x128xf32, #tpu.memory_space<vmem_shared>> -> memref<125x128xf32, #tpu.memory_space<vmem_shared>>
      %dma_start3A_76 = arith.constant 0 : i32
      %dma_start3A_77 = tpu.memref_slice %arg11[%add3A_25, %dma_start3A_76] : memref<10240x128xf32, #tpu.memory_space<vmem_shared>> -> memref<125x128xf32, #tpu.memory_space<vmem_shared>>
      tpu.enqueue_dma source(%arg9 : memref<125x128xf32, #tpu.memory_space<vmem>>) target(%dma_start3A_77 : memref<125x128xf32, #tpu.memory_space<vmem_shared>>) target_semaphore(%run_scoped3A : memref<!tpu.dma_semaphore, #tpu.memory_space<semaphore_mem>>)
      %dma_wait3A = arith.constant 0 : i32
      %dma_wait3A_78 = tpu.memref_slice %arg11[%add3A_25, %dma_wait3A] : memref<10240x128xf32, #tpu.memory_space<vmem_shared>> -> memref<125x128xf32, #tpu.memory_space<vmem_shared>>
      %dma_wait3A_79 = arith.constant 0 : i32
      %dma_wait3A_80 = tpu.memref_slice %arg11[%add3A_25, %dma_wait3A_79] : memref<10240x128xf32, #tpu.memory_space<vmem_shared>> -> memref<125x128xf32, #tpu.memory_space<vmem_shared>>
      tpu.wait_dma2 semaphore(%run_scoped3A : memref<!tpu.dma_semaphore, #tpu.memory_space<semaphore_mem>>) src(%arg9 : memref<125x128xf32, #tpu.memory_space<vmem>>) dst(%dma_wait3A_80 : memref<125x128xf32, #tpu.memory_space<vmem_shared>>)
      tpu.yield
    }) : () -> ()
    %mul3A_26 = arith.constant 640 : i32
    %mul3A_27 = arith.muli %arg1, %mul3A_26 : i32
    %add3A_28 = arith.constant 500 : i32
    %add3A_29 = arith.addi %mul3A_27, %add3A_28 : i32
    "tpu.region"() ({
      %run_scoped3A = tpu.sem_alloc : memref<!tpu.dma_semaphore, #tpu.memory_space<semaphore_mem>>
      %dma_start3A_74 = arith.constant 0 : i32
      %dma_start3A_75 = tpu.memref_slice %arg11[%add3A_29, %dma_start3A_74] : memref<10240x128xf32, #tpu.memory_space<vmem_shared>> -> memref<125x128xf32, #tpu.memory_space<vmem_shared>>
      %dma_start3A_76 = arith.constant 0 : i32
      %dma_start3A_77 = tpu.memref_slice %arg11[%add3A_29, %dma_start3A_76] : memref<10240x128xf32, #tpu.memory_space<vmem_shared>> -> memref<125x128xf32, #tpu.memory_space<vmem_shared>>
      tpu.enqueue_dma source(%arg9 : memref<125x128xf32, #tpu.memory_space<vmem>>) target(%dma_start3A_77 : memref<125x128xf32, #tpu.memory_space<vmem_shared>>) target_semaphore(%run_scoped3A : memref<!tpu.dma_semaphore, #tpu.memory_space<semaphore_mem>>)
      %dma_wait3A = arith.constant 0 : i32
      %dma_wait3A_78 = tpu.memref_slice %arg11[%add3A_29, %dma_wait3A] : memref<10240x128xf32, #tpu.memory_space<vmem_shared>> -> memref<125x128xf32, #tpu.memory_space<vmem_shared>>
      %dma_wait3A_79 = arith.constant 0 : i32
      %dma_wait3A_80 = tpu.memref_slice %arg11[%add3A_29, %dma_wait3A_79] : memref<10240x128xf32, #tpu.memory_space<vmem_shared>> -> memref<125x128xf32, #tpu.memory_space<vmem_shared>>
      tpu.wait_dma2 semaphore(%run_scoped3A : memref<!tpu.dma_semaphore, #tpu.memory_space<semaphore_mem>>) src(%arg9 : memref<125x128xf32, #tpu.memory_space<vmem>>) dst(%dma_wait3A_80 : memref<125x128xf32, #tpu.memory_space<vmem_shared>>)
      tpu.yield
    }) : () -> ()
    %mul3A_30 = arith.constant 640 : i32
    %mul3A_31 = arith.muli %arg1, %mul3A_30 : i32
    %add3A_32 = arith.constant 625 : i32
    %add3A_33 = arith.addi %mul3A_31, %add3A_32 : i32
    "tpu.region"() ({
      %run_scoped3A = tpu.sem_alloc : memref<!tpu.dma_semaphore, #tpu.memory_space<semaphore_mem>>
      %dma_start3A_74 = arith.constant 0 : i32
      %dma_start3A_75 = arith.constant 0 : i32
      %dma_start3A_76 = tpu.memref_slice %arg9[%dma_start3A_74, %dma_start3A_75] : memref<125x128xf32, #tpu.memory_space<vmem>> -> memref<15x128xf32, #tpu.memory_space<vmem>>
      %dma_start3A_77 = arith.constant 0 : i32
      %dma_start3A_78 = tpu.memref_slice %arg11[%add3A_33, %dma_start3A_77] : memref<10240x128xf32, #tpu.memory_space<vmem_shared>> -> memref<15x128xf32, #tpu.memory_space<vmem_shared>>
      %dma_start3A_79 = arith.constant 0 : i32
      %dma_start3A_80 = tpu.memref_slice %arg11[%add3A_33, %dma_start3A_79] : memref<10240x128xf32, #tpu.memory_space<vmem_shared>> -> memref<15x128xf32, #tpu.memory_space<vmem_shared>>
      %dma_start3A_81 = arith.constant 0 : i32
      %dma_start3A_82 = arith.constant 0 : i32
      %dma_start3A_83 = tpu.memref_slice %arg9[%dma_start3A_81, %dma_start3A_82] : memref<125x128xf32, #tpu.memory_space<vmem>> -> memref<15x128xf32, #tpu.memory_space<vmem>>
      tpu.enqueue_dma source(%dma_start3A_83 : memref<15x128xf32, #tpu.memory_space<vmem>>) target(%dma_start3A_80 : memref<15x128xf32, #tpu.memory_space<vmem_shared>>) target_semaphore(%run_scoped3A : memref<!tpu.dma_semaphore, #tpu.memory_space<semaphore_mem>>)
      %dma_wait3A = arith.constant 0 : i32
      %dma_wait3A_84 = arith.constant 0 : i32
      %dma_wait3A_85 = tpu.memref_slice %arg9[%dma_wait3A, %dma_wait3A_84] : memref<125x128xf32, #tpu.memory_space<vmem>> -> memref<15x128xf32, #tpu.memory_space<vmem>>
      %dma_wait3A_86 = arith.constant 0 : i32
      %dma_wait3A_87 = tpu.memref_slice %arg11[%add3A_33, %dma_wait3A_86] : memref<10240x128xf32, #tpu.memory_space<vmem_shared>> -> memref<15x128xf32, #tpu.memory_space<vmem_shared>>
      %dma_wait3A_88 = arith.constant 0 : i32
      %dma_wait3A_89 = tpu.memref_slice %arg11[%add3A_33, %dma_wait3A_88] : memref<10240x128xf32, #tpu.memory_space<vmem_shared>> -> memref<15x128xf32, #tpu.memory_space<vmem_shared>>
      %dma_wait3A_90 = arith.constant 0 : i32
      %dma_wait3A_91 = arith.constant 0 : i32
      %dma_wait3A_92 = tpu.memref_slice %arg9[%dma_wait3A_90, %dma_wait3A_91] : memref<125x128xf32, #tpu.memory_space<vmem>> -> memref<15x128xf32, #tpu.memory_space<vmem>>
      tpu.wait_dma2 semaphore(%run_scoped3A : memref<!tpu.dma_semaphore, #tpu.memory_space<semaphore_mem>>) src(%dma_wait3A_92 : memref<15x128xf32, #tpu.memory_space<vmem>>) dst(%dma_wait3A_89 : memref<15x128xf32, #tpu.memory_space<vmem_shared>>)
      tpu.yield
    }) : () -> ()
    %barrier3A = arith.constant 0 : index
    tpu.barrier barrier_id(%barrier3A)
    %add3A_34 = arith.constant 0 : i32
    %add3A_35 = arith.addi %mul3A_2, %add3A_34 : i32
    "tpu.region"() ({
      %run_scoped3A = tpu.sem_alloc : memref<!tpu.dma_semaphore, #tpu.memory_space<semaphore_mem>>
      %dma_start3A_74 = arith.constant 0 : i32
      %dma_start3A_75 = tpu.memref_slice %arg4[%add3A_35, %dma_start3A_74] : memref<2560x125xi32, #tpu.memory_space<hbm>> -> memref<40x125xi32, #tpu.memory_space<hbm>>
      %dma_start3A_76 = arith.constant 0 : i32
      %dma_start3A_77 = tpu.memref_slice %arg4[%add3A_35, %dma_start3A_76] : memref<2560x125xi32, #tpu.memory_space<hbm>> -> memref<40x125xi32, #tpu.memory_space<hbm>>
      tpu.enqueue_dma source(%dma_start3A_77 : memref<40x125xi32, #tpu.memory_space<hbm>>) target(%arg7 : memref<40x125xi32, #tpu.memory_space<vmem>>) target_semaphore(%run_scoped3A : memref<!tpu.dma_semaphore, #tpu.memory_space<semaphore_mem>>)
      %dma_wait3A = arith.constant 0 : i32
      %dma_wait3A_78 = tpu.memref_slice %arg4[%add3A_35, %dma_wait3A] : memref<2560x125xi32, #tpu.memory_space<hbm>> -> memref<40x125xi32, #tpu.memory_space<hbm>>
      %dma_wait3A_79 = arith.constant 0 : i32
      %dma_wait3A_80 = tpu.memref_slice %arg4[%add3A_35, %dma_wait3A_79] : memref<2560x125xi32, #tpu.memory_space<hbm>> -> memref<40x125xi32, #tpu.memory_space<hbm>>
      tpu.wait_dma2 semaphore(%run_scoped3A : memref<!tpu.dma_semaphore, #tpu.memory_space<semaphore_mem>>) src(%dma_wait3A_80 : memref<40x125xi32, #tpu.memory_space<hbm>>) dst(%arg7 : memref<40x125xi32, #tpu.memory_space<vmem>>)
      tpu.yield
    }) : () -> ()
    %add3A_36 = arith.constant 0 : i32
    %add3A_37 = arith.addi %mul3A_2, %add3A_36 : i32
    "tpu.region"() ({
      %run_scoped3A = tpu.sem_alloc : memref<!tpu.dma_semaphore, #tpu.memory_space<semaphore_mem>>
      %dma_start3A_74 = arith.constant 0 : i32
      %dma_start3A_75 = tpu.memref_slice %arg5[%add3A_37, %dma_start3A_74] : memref<2560x125xi32, #tpu.memory_space<hbm>> -> memref<40x125xi32, #tpu.memory_space<hbm>>
      %dma_start3A_76 = arith.constant 0 : i32
      %dma_start3A_77 = tpu.memref_slice %arg5[%add3A_37, %dma_start3A_76] : memref<2560x125xi32, #tpu.memory_space<hbm>> -> memref<40x125xi32, #tpu.memory_space<hbm>>
      tpu.enqueue_dma source(%dma_start3A_77 : memref<40x125xi32, #tpu.memory_space<hbm>>) target(%arg8 : memref<40x125xi32, #tpu.memory_space<vmem>>) target_semaphore(%run_scoped3A : memref<!tpu.dma_semaphore, #tpu.memory_space<semaphore_mem>>)
      %dma_wait3A = arith.constant 0 : i32
      %dma_wait3A_78 = tpu.memref_slice %arg5[%add3A_37, %dma_wait3A] : memref<2560x125xi32, #tpu.memory_space<hbm>> -> memref<40x125xi32, #tpu.memory_space<hbm>>
      %dma_wait3A_79 = arith.constant 0 : i32
      %dma_wait3A_80 = tpu.memref_slice %arg5[%add3A_37, %dma_wait3A_79] : memref<2560x125xi32, #tpu.memory_space<hbm>> -> memref<40x125xi32, #tpu.memory_space<hbm>>
      tpu.wait_dma2 semaphore(%run_scoped3A : memref<!tpu.dma_semaphore, #tpu.memory_space<semaphore_mem>>) src(%dma_wait3A_80 : memref<40x125xi32, #tpu.memory_space<hbm>>) dst(%arg8 : memref<40x125xi32, #tpu.memory_space<vmem>>)
      tpu.yield
    }) : () -> ()
    %dma_start3A = arith.constant 0 : i32
    %dma_start3A_38 = arith.constant 0 : i32
    %dma_start3A_39 = tpu.memref_slice %arg7[%dma_start3A, %dma_start3A_38] : memref<40x125xi32, #tpu.memory_space<vmem>> -> memref<1x125xi32, #tpu.memory_space<vmem>>
    %dma_start3A_40 = tpu.memref_squeeze %dma_start3A_39 : memref<1x125xi32, #tpu.memory_space<vmem>> -> memref<125xi32, #tpu.memory_space<vmem>>
    %dma_start3A_41 = arith.constant 0 : i32
    %dma_start3A_42 = arith.constant 0 : i32
    %dma_start3A_43 = tpu.memref_slice %arg2[%dma_start3A_41, %dma_start3A_42] : memref<10000x128xf32, #tpu.memory_space<hbm>> -> memref<10000x128xf32, #tpu.memory_space<hbm>>
    tpu.enqueue_indirect_dma source(%dma_start3A_43 : memref<10000x128xf32, #tpu.memory_space<hbm>>) target(%arg9 : memref<125x128xf32, #tpu.memory_space<vmem>>) offsets(%dma_start3A_40 : memref<125xi32, #tpu.memory_space<vmem>>) semaphore(%arg12 : memref<!tpu.dma_semaphore, #tpu.memory_space<semaphore_mem>>)
    %scan3A_44 = arith.constant 0 : i32
    %scan3A_45 = arith.constant 0 : i32
    %scan3A_46 = arith.constant 20 : i32
    %scan3A_47 = arith.addi %scan3A_45, %scan3A_46 : i32
    %scan3A_48 = arith.constant 1 : i32
    %scan3A_49 = scf.for %scan3A_74 = %scan3A_45 to %scan3A_47 step %scan3A_48 iter_args(%scan3A_75 = %scan3A_44) -> (i32)  : i32 {
      %mul3A_76 = arith.constant 2 : i32
      %mul3A_77 = arith.muli %mul3A_76, %scan3A_74 : i32
      %add3A_78 = arith.constant 1 : i32
      %add3A_79 = arith.addi %mul3A_77, %add3A_78 : i32
      %dma_start3A_80 = arith.constant 0 : i32
      %dma_start3A_81 = tpu.memref_slice %arg7[%add3A_79, %dma_start3A_80] : memref<40x125xi32, #tpu.memory_space<vmem>> -> memref<1x125xi32, #tpu.memory_space<vmem>>
      %dma_start3A_82 = tpu.memref_squeeze %dma_start3A_81 : memref<1x125xi32, #tpu.memory_space<vmem>> -> memref<125xi32, #tpu.memory_space<vmem>>
      %dma_start3A_83 = arith.constant 0 : i32
      %dma_start3A_84 = arith.constant 0 : i32
      %dma_start3A_85 = tpu.memref_slice %arg2[%dma_start3A_83, %dma_start3A_84] : memref<10000x128xf32, #tpu.memory_space<hbm>> -> memref<10000x128xf32, #tpu.memory_space<hbm>>
      tpu.enqueue_indirect_dma source(%dma_start3A_85 : memref<10000x128xf32, #tpu.memory_space<hbm>>) target(%arg10 : memref<125x128xf32, #tpu.memory_space<vmem>>) offsets(%dma_start3A_82 : memref<125xi32, #tpu.memory_space<vmem>>) semaphore(%arg13 : memref<!tpu.dma_semaphore, #tpu.memory_space<semaphore_mem>>)
      %dma_wait3A = arith.constant 0 : i32
      %dma_wait3A_86 = tpu.memref_slice %arg7[%mul3A_77, %dma_wait3A] : memref<40x125xi32, #tpu.memory_space<vmem>> -> memref<1x125xi32, #tpu.memory_space<vmem>>
      %dma_wait3A_87 = tpu.memref_squeeze %dma_wait3A_86 : memref<1x125xi32, #tpu.memory_space<vmem>> -> memref<125xi32, #tpu.memory_space<vmem>>
      %dma_wait3A_88 = arith.constant 0 : i32
      %dma_wait3A_89 = arith.constant 0 : i32
      %dma_wait3A_90 = tpu.memref_slice %arg2[%dma_wait3A_88, %dma_wait3A_89] : memref<10000x128xf32, #tpu.memory_space<hbm>> -> memref<10000x128xf32, #tpu.memory_space<hbm>>
      tpu.wait_indirect_dma semaphore(%arg12 : memref<!tpu.dma_semaphore, #tpu.memory_space<semaphore_mem>>) src(%dma_wait3A_90 : memref<10000x128xf32, #tpu.memory_space<hbm>>) dst(%arg9 : memref<125x128xf32, #tpu.memory_space<vmem>>)
      "tpu.region"() ({
        %run_scoped3A = tpu.sem_alloc : memref<!tpu.dma_semaphore, #tpu.memory_space<semaphore_mem>>
        %dma_start3A_106 = arith.constant 0 : i32
        %dma_start3A_107 = tpu.memref_slice %arg8[%mul3A_77, %dma_start3A_106] : memref<40x125xi32, #tpu.memory_space<vmem>> -> memref<1x125xi32, #tpu.memory_space<vmem>>
        %dma_start3A_108 = tpu.memref_squeeze %dma_start3A_107 : memref<1x125xi32, #tpu.memory_space<vmem>> -> memref<125xi32, #tpu.memory_space<vmem>>
        %dma_start3A_109 = arith.constant 0 : i32
        %dma_start3A_110 = arith.constant 0 : i32
        %dma_start3A_111 = tpu.memref_slice %arg11[%dma_start3A_109, %dma_start3A_110] : memref<10240x128xf32, #tpu.memory_space<vmem_shared>> -> memref<10240x128xf32, #tpu.memory_space<vmem_shared>>
        tpu.enqueue_indirect_dma source(%arg9 : memref<125x128xf32, #tpu.memory_space<vmem>>) target(%dma_start3A_111 : memref<10240x128xf32, #tpu.memory_space<vmem_shared>>) offsets(%dma_start3A_108 : memref<125xi32, #tpu.memory_space<vmem>>) semaphore(%run_scoped3A : memref<!tpu.dma_semaphore, #tpu.memory_space<semaphore_mem>>) {add = true}
        %dma_wait3A_112 = arith.constant 0 : i32
        %dma_wait3A_113 = tpu.memref_slice %arg8[%mul3A_77, %dma_wait3A_112] : memref<40x125xi32, #tpu.memory_space<vmem>> -> memref<1x125xi32, #tpu.memory_space<vmem>>
        %dma_wait3A_114 = tpu.memref_squeeze %dma_wait3A_113 : memref<1x125xi32, #tpu.memory_space<vmem>> -> memref<125xi32, #tpu.memory_space<vmem>>
        %dma_wait3A_115 = arith.constant 0 : i32
        %dma_wait3A_116 = arith.constant 0 : i32
        %dma_wait3A_117 = tpu.memref_slice %arg11[%dma_wait3A_115, %dma_wait3A_116] : memref<10240x128xf32, #tpu.memory_space<vmem_shared>> -> memref<10240x128xf32, #tpu.memory_space<vmem_shared>>
        tpu.wait_indirect_dma semaphore(%run_scoped3A : memref<!tpu.dma_semaphore, #tpu.memory_space<semaphore_mem>>) src(%arg9 : memref<125x128xf32, #tpu.memory_space<vmem>>) dst(%dma_wait3A_117 : memref<10240x128xf32, #tpu.memory_space<vmem_shared>>)
        tpu.yield
      }) : () -> ()
      %add3A_91 = arith.constant 1 : i32
      %add3A_92 = arith.addi %scan3A_74, %add3A_91 : i32
      %lt3A = arith.constant 20 : i32
      %lt3A_93 = arith.cmpi slt, %add3A_92, %lt3A : i32
      %convert_element_type3A = arith.extui %lt3A_93 : i1 to i32
      %cond3A = arith.constant 0 : i32
      %cond3A_94 = arith.cmpi ne, %convert_element_type3A, %cond3A : i32
      scf.if %cond3A_94 {
        %add3A_106 = arith.constant 2 : i32
        %add3A_107 = arith.addi %mul3A_77, %add3A_106 : i32
        %dma_start3A_108 = arith.constant 0 : i32
        %dma_start3A_109 = tpu.memref_slice %arg7[%add3A_107, %dma_start3A_108] : memref<40x125xi32, #tpu.memory_space<vmem>> -> memref<1x125xi32, #tpu.memory_space<vmem>>
        %dma_start3A_110 = tpu.memref_squeeze %dma_start3A_109 : memref<1x125xi32, #tpu.memory_space<vmem>> -> memref<125xi32, #tpu.memory_space<vmem>>
        %dma_start3A_111 = arith.constant 0 : i32
        %dma_start3A_112 = arith.constant 0 : i32
        %dma_start3A_113 = tpu.memref_slice %arg2[%dma_start3A_111, %dma_start3A_112] : memref<10000x128xf32, #tpu.memory_space<hbm>> -> memref<10000x128xf32, #tpu.memory_space<hbm>>
        tpu.enqueue_indirect_dma source(%dma_start3A_113 : memref<10000x128xf32, #tpu.memory_space<hbm>>) target(%arg9 : memref<125x128xf32, #tpu.memory_space<vmem>>) offsets(%dma_start3A_110 : memref<125xi32, #tpu.memory_space<vmem>>) semaphore(%arg12 : memref<!tpu.dma_semaphore, #tpu.memory_space<semaphore_mem>>)
      } else {
      }
      %add3A_95 = arith.constant 1 : i32
      %add3A_96 = arith.addi %mul3A_77, %add3A_95 : i32
      %dma_wait3A_97 = arith.constant 0 : i32
      %dma_wait3A_98 = tpu.memref_slice %arg7[%add3A_96, %dma_wait3A_97] : memref<40x125xi32, #tpu.memory_space<vmem>> -> memref<1x125xi32, #tpu.memory_space<vmem>>
      %dma_wait3A_99 = tpu.memref_squeeze %dma_wait3A_98 : memref<1x125xi32, #tpu.memory_space<vmem>> -> memref<125xi32, #tpu.memory_space<vmem>>
      %dma_wait3A_100 = arith.constant 0 : i32
      %dma_wait3A_101 = arith.constant 0 : i32
      %dma_wait3A_102 = tpu.memref_slice %arg2[%dma_wait3A_100, %dma_wait3A_101] : memref<10000x128xf32, #tpu.memory_space<hbm>> -> memref<10000x128xf32, #tpu.memory_space<hbm>>
      tpu.wait_indirect_dma semaphore(%arg13 : memref<!tpu.dma_semaphore, #tpu.memory_space<semaphore_mem>>) src(%dma_wait3A_102 : memref<10000x128xf32, #tpu.memory_space<hbm>>) dst(%arg10 : memref<125x128xf32, #tpu.memory_space<vmem>>)
      %add3A_103 = arith.constant 1 : i32
      %add3A_104 = arith.addi %mul3A_77, %add3A_103 : i32
      "tpu.region"() ({
        %run_scoped3A = tpu.sem_alloc : memref<!tpu.dma_semaphore, #tpu.memory_space<semaphore_mem>>
        %dma_start3A_106 = arith.constant 0 : i32
        %dma_start3A_107 = tpu.memref_slice %arg8[%add3A_104, %dma_start3A_106] : memref<40x125xi32, #tpu.memory_space<vmem>> -> memref<1x125xi32, #tpu.memory_space<vmem>>
        %dma_start3A_108 = tpu.memref_squeeze %dma_start3A_107 : memref<1x125xi32, #tpu.memory_space<vmem>> -> memref<125xi32, #tpu.memory_space<vmem>>
        %dma_start3A_109 = arith.constant 0 : i32
        %dma_start3A_110 = arith.constant 0 : i32
        %dma_start3A_111 = tpu.memref_slice %arg11[%dma_start3A_109, %dma_start3A_110] : memref<10240x128xf32, #tpu.memory_space<vmem_shared>> -> memref<10240x128xf32, #tpu.memory_space<vmem_shared>>
        tpu.enqueue_indirect_dma source(%arg10 : memref<125x128xf32, #tpu.memory_space<vmem>>) target(%dma_start3A_111 : memref<10240x128xf32, #tpu.memory_space<vmem_shared>>) offsets(%dma_start3A_108 : memref<125xi32, #tpu.memory_space<vmem>>) semaphore(%run_scoped3A : memref<!tpu.dma_semaphore, #tpu.memory_space<semaphore_mem>>) {add = true}
        %dma_wait3A_112 = arith.constant 0 : i32
        %dma_wait3A_113 = tpu.memref_slice %arg8[%add3A_104, %dma_wait3A_112] : memref<40x125xi32, #tpu.memory_space<vmem>> -> memref<1x125xi32, #tpu.memory_space<vmem>>
        %dma_wait3A_114 = tpu.memref_squeeze %dma_wait3A_113 : memref<1x125xi32, #tpu.memory_space<vmem>> -> memref<125xi32, #tpu.memory_space<vmem>>
        %dma_wait3A_115 = arith.constant 0 : i32
        %dma_wait3A_116 = arith.constant 0 : i32
        %dma_wait3A_117 = tpu.memref_slice %arg11[%dma_wait3A_115, %dma_wait3A_116] : memref<10240x128xf32, #tpu.memory_space<vmem_shared>> -> memref<10240x128xf32, #tpu.memory_space<vmem_shared>>
        tpu.wait_indirect_dma semaphore(%run_scoped3A : memref<!tpu.dma_semaphore, #tpu.memory_space<semaphore_mem>>) src(%arg10 : memref<125x128xf32, #tpu.memory_space<vmem>>) dst(%dma_wait3A_117 : memref<10240x128xf32, #tpu.memory_space<vmem_shared>>)
        tpu.yield
      }) : () -> ()
      %scan3A_105 = arith.constant 0 : i32
      scf.yield %scan3A_105 : i32
    }
    %scan3A_50 = arith.constant 20 : i32
    %add3A_51 = arith.constant 40 : i32
    %add3A_52 = arith.addi %mul3A_2, %add3A_51 : i32
    "tpu.region"() ({
      %run_scoped3A = tpu.sem_alloc : memref<!tpu.dma_semaphore, #tpu.memory_space<semaphore_mem>>
      %dma_start3A_74 = arith.constant 0 : i32
      %dma_start3A_75 = tpu.memref_slice %arg4[%add3A_52, %dma_start3A_74] : memref<2560x125xi32, #tpu.memory_space<hbm>> -> memref<40x125xi32, #tpu.memory_space<hbm>>
      %dma_start3A_76 = arith.constant 0 : i32
      %dma_start3A_77 = tpu.memref_slice %arg4[%add3A_52, %dma_start3A_76] : memref<2560x125xi32, #tpu.memory_space<hbm>> -> memref<40x125xi32, #tpu.memory_space<hbm>>
      tpu.enqueue_dma source(%dma_start3A_77 : memref<40x125xi32, #tpu.memory_space<hbm>>) target(%arg7 : memref<40x125xi32, #tpu.memory_space<vmem>>) target_semaphore(%run_scoped3A : memref<!tpu.dma_semaphore, #tpu.memory_space<semaphore_mem>>)
      %dma_wait3A = arith.constant 0 : i32
      %dma_wait3A_78 = tpu.memref_slice %arg4[%add3A_52, %dma_wait3A] : memref<2560x125xi32, #tpu.memory_space<hbm>> -> memref<40x125xi32, #tpu.memory_space<hbm>>
      %dma_wait3A_79 = arith.constant 0 : i32
      %dma_wait3A_80 = tpu.memref_slice %arg4[%add3A_52, %dma_wait3A_79] : memref<2560x125xi32, #tpu.memory_space<hbm>> -> memref<40x125xi32, #tpu.memory_space<hbm>>
      tpu.wait_dma2 semaphore(%run_scoped3A : memref<!tpu.dma_semaphore, #tpu.memory_space<semaphore_mem>>) src(%dma_wait3A_80 : memref<40x125xi32, #tpu.memory_space<hbm>>) dst(%arg7 : memref<40x125xi32, #tpu.memory_space<vmem>>)
      tpu.yield
    }) : () -> ()
    %add3A_53 = arith.constant 40 : i32
    %add3A_54 = arith.addi %mul3A_2, %add3A_53 : i32
    "tpu.region"() ({
      %run_scoped3A = tpu.sem_alloc : memref<!tpu.dma_semaphore, #tpu.memory_space<semaphore_mem>>
      %dma_start3A_74 = arith.constant 0 : i32
      %dma_start3A_75 = tpu.memref_slice %arg5[%add3A_54, %dma_start3A_74] : memref<2560x125xi32, #tpu.memory_space<hbm>> -> memref<40x125xi32, #tpu.memory_space<hbm>>
      %dma_start3A_76 = arith.constant 0 : i32
      %dma_start3A_77 = tpu.memref_slice %arg5[%add3A_54, %dma_start3A_76] : memref<2560x125xi32, #tpu.memory_space<hbm>> -> memref<40x125xi32, #tpu.memory_space<hbm>>
      tpu.enqueue_dma source(%dma_start3A_77 : memref<40x125xi32, #tpu.memory_space<hbm>>) target(%arg8 : memref<40x125xi32, #tpu.memory_space<vmem>>) target_semaphore(%run_scoped3A : memref<!tpu.dma_semaphore, #tpu.memory_space<semaphore_mem>>)
      %dma_wait3A = arith.constant 0 : i32
      %dma_wait3A_78 = tpu.memref_slice %arg5[%add3A_54, %dma_wait3A] : memref<2560x125xi32, #tpu.memory_space<hbm>> -> memref<40x125xi32, #tpu.memory_space<hbm>>
      %dma_wait3A_79 = arith.constant 0 : i32
      %dma_wait3A_80 = tpu.memref_slice %arg5[%add3A_54, %dma_wait3A_79] : memref<2560x125xi32, #tpu.memory_space<hbm>> -> memref<40x125xi32, #tpu.memory_space<hbm>>
      tpu.wait_dma2 semaphore(%run_scoped3A : memref<!tpu.dma_semaphore, #tpu.memory_space<semaphore_mem>>) src(%dma_wait3A_80 : memref<40x125xi32, #tpu.memory_space<hbm>>) dst(%arg8 : memref<40x125xi32, #tpu.memory_space<vmem>>)
      tpu.yield
    }) : () -> ()
    %dma_start3A_55 = arith.constant 0 : i32
    %dma_start3A_56 = arith.constant 0 : i32
    %dma_start3A_57 = tpu.memref_slice %arg7[%dma_start3A_55, %dma_start3A_56] : memref<40x125xi32, #tpu.memory_space<vmem>> -> memref<1x125xi32, #tpu.memory_space<vmem>>
    %dma_start3A_58 = tpu.memref_squeeze %dma_start3A_57 : memref<1x125xi32, #tpu.memory_space<vmem>> -> memref<125xi32, #tpu.memory_space<vmem>>
    %dma_start3A_59 = arith.constant 0 : i32
    %dma_start3A_60 = arith.constant 0 : i32
    %dma_start3A_61 = tpu.memref_slice %arg2[%dma_start3A_59, %dma_start3A_60] : memref<10000x128xf32, #tpu.memory_space<hbm>> -> memref<10000x128xf32, #tpu.memory_space<hbm>>
    tpu.enqueue_indirect_dma source(%dma_start3A_61 : memref<10000x128xf32, #tpu.memory_space<hbm>>) target(%arg9 : memref<125x128xf32, #tpu.memory_space<vmem>>) offsets(%dma_start3A_58 : memref<125xi32, #tpu.memory_space<vmem>>) semaphore(%arg12 : memref<!tpu.dma_semaphore, #tpu.memory_space<semaphore_mem>>)
    %scan3A_62 = arith.constant 0 : i32
    %scan3A_63 = arith.constant 0 : i32
    %scan3A_64 = arith.constant 20 : i32
    %scan3A_65 = arith.addi %scan3A_63, %scan3A_64 : i32
    %scan3A_66 = arith.constant 1 : i32
    %scan3A_67 = scf.for %scan3A_74 = %scan3A_63 to %scan3A_65 step %scan3A_66 iter_args(%scan3A_75 = %scan3A_62) -> (i32)  : i32 {
      %mul3A_76 = arith.constant 2 : i32
      %mul3A_77 = arith.muli %mul3A_76, %scan3A_74 : i32
      %add3A_78 = arith.constant 1 : i32
      %add3A_79 = arith.addi %mul3A_77, %add3A_78 : i32
      %dma_start3A_80 = arith.constant 0 : i32
      %dma_start3A_81 = tpu.memref_slice %arg7[%add3A_79, %dma_start3A_80] : memref<40x125xi32, #tpu.memory_space<vmem>> -> memref<1x125xi32, #tpu.memory_space<vmem>>
      %dma_start3A_82 = tpu.memref_squeeze %dma_start3A_81 : memref<1x125xi32, #tpu.memory_space<vmem>> -> memref<125xi32, #tpu.memory_space<vmem>>
      %dma_start3A_83 = arith.constant 0 : i32
      %dma_start3A_84 = arith.constant 0 : i32
      %dma_start3A_85 = tpu.memref_slice %arg2[%dma_start3A_83, %dma_start3A_84] : memref<10000x128xf32, #tpu.memory_space<hbm>> -> memref<10000x128xf32, #tpu.memory_space<hbm>>
      tpu.enqueue_indirect_dma source(%dma_start3A_85 : memref<10000x128xf32, #tpu.memory_space<hbm>>) target(%arg10 : memref<125x128xf32, #tpu.memory_space<vmem>>) offsets(%dma_start3A_82 : memref<125xi32, #tpu.memory_space<vmem>>) semaphore(%arg13 : memref<!tpu.dma_semaphore, #tpu.memory_space<semaphore_mem>>)
      %dma_wait3A = arith.constant 0 : i32
      %dma_wait3A_86 = tpu.memref_slice %arg7[%mul3A_77, %dma_wait3A] : memref<40x125xi32, #tpu.memory_space<vmem>> -> memref<1x125xi32, #tpu.memory_space<vmem>>
      %dma_wait3A_87 = tpu.memref_squeeze %dma_wait3A_86 : memref<1x125xi32, #tpu.memory_space<vmem>> -> memref<125xi32, #tpu.memory_space<vmem>>
      %dma_wait3A_88 = arith.constant 0 : i32
      %dma_wait3A_89 = arith.constant 0 : i32
      %dma_wait3A_90 = tpu.memref_slice %arg2[%dma_wait3A_88, %dma_wait3A_89] : memref<10000x128xf32, #tpu.memory_space<hbm>> -> memref<10000x128xf32, #tpu.memory_space<hbm>>
      tpu.wait_indirect_dma semaphore(%arg12 : memref<!tpu.dma_semaphore, #tpu.memory_space<semaphore_mem>>) src(%dma_wait3A_90 : memref<10000x128xf32, #tpu.memory_space<hbm>>) dst(%arg9 : memref<125x128xf32, #tpu.memory_space<vmem>>)
      "tpu.region"() ({
        %run_scoped3A = tpu.sem_alloc : memref<!tpu.dma_semaphore, #tpu.memory_space<semaphore_mem>>
        %dma_start3A_106 = arith.constant 0 : i32
        %dma_start3A_107 = tpu.memref_slice %arg8[%mul3A_77, %dma_start3A_106] : memref<40x125xi32, #tpu.memory_space<vmem>> -> memref<1x125xi32, #tpu.memory_space<vmem>>
        %dma_start3A_108 = tpu.memref_squeeze %dma_start3A_107 : memref<1x125xi32, #tpu.memory_space<vmem>> -> memref<125xi32, #tpu.memory_space<vmem>>
        %dma_start3A_109 = arith.constant 0 : i32
        %dma_start3A_110 = arith.constant 0 : i32
        %dma_start3A_111 = tpu.memref_slice %arg11[%dma_start3A_109, %dma_start3A_110] : memref<10240x128xf32, #tpu.memory_space<vmem_shared>> -> memref<10240x128xf32, #tpu.memory_space<vmem_shared>>
        tpu.enqueue_indirect_dma source(%arg9 : memref<125x128xf32, #tpu.memory_space<vmem>>) target(%dma_start3A_111 : memref<10240x128xf32, #tpu.memory_space<vmem_shared>>) offsets(%dma_start3A_108 : memref<125xi32, #tpu.memory_space<vmem>>) semaphore(%run_scoped3A : memref<!tpu.dma_semaphore, #tpu.memory_space<semaphore_mem>>) {add = true}
        %dma_wait3A_112 = arith.constant 0 : i32
        %dma_wait3A_113 = tpu.memref_slice %arg8[%mul3A_77, %dma_wait3A_112] : memref<40x125xi32, #tpu.memory_space<vmem>> -> memref<1x125xi32, #tpu.memory_space<vmem>>
        %dma_wait3A_114 = tpu.memref_squeeze %dma_wait3A_113 : memref<1x125xi32, #tpu.memory_space<vmem>> -> memref<125xi32, #tpu.memory_space<vmem>>
        %dma_wait3A_115 = arith.constant 0 : i32
        %dma_wait3A_116 = arith.constant 0 : i32
        %dma_wait3A_117 = tpu.memref_slice %arg11[%dma_wait3A_115, %dma_wait3A_116] : memref<10240x128xf32, #tpu.memory_space<vmem_shared>> -> memref<10240x128xf32, #tpu.memory_space<vmem_shared>>
        tpu.wait_indirect_dma semaphore(%run_scoped3A : memref<!tpu.dma_semaphore, #tpu.memory_space<semaphore_mem>>) src(%arg9 : memref<125x128xf32, #tpu.memory_space<vmem>>) dst(%dma_wait3A_117 : memref<10240x128xf32, #tpu.memory_space<vmem_shared>>)
        tpu.yield
      }) : () -> ()
      %add3A_91 = arith.constant 1 : i32
      %add3A_92 = arith.addi %scan3A_74, %add3A_91 : i32
      %lt3A = arith.constant 20 : i32
      %lt3A_93 = arith.cmpi slt, %add3A_92, %lt3A : i32
      %convert_element_type3A = arith.extui %lt3A_93 : i1 to i32
      %cond3A = arith.constant 0 : i32
      %cond3A_94 = arith.cmpi ne, %convert_element_type3A, %cond3A : i32
      scf.if %cond3A_94 {
        %add3A_106 = arith.constant 2 : i32
        %add3A_107 = arith.addi %mul3A_77, %add3A_106 : i32
        %dma_start3A_108 = arith.constant 0 : i32
        %dma_start3A_109 = tpu.memref_slice %arg7[%add3A_107, %dma_start3A_108] : memref<40x125xi32, #tpu.memory_space<vmem>> -> memref<1x125xi32, #tpu.memory_space<vmem>>
        %dma_start3A_110 = tpu.memref_squeeze %dma_start3A_109 : memref<1x125xi32, #tpu.memory_space<vmem>> -> memref<125xi32, #tpu.memory_space<vmem>>
        %dma_start3A_111 = arith.constant 0 : i32
        %dma_start3A_112 = arith.constant 0 : i32
        %dma_start3A_113 = tpu.memref_slice %arg2[%dma_start3A_111, %dma_start3A_112] : memref<10000x128xf32, #tpu.memory_space<hbm>> -> memref<10000x128xf32, #tpu.memory_space<hbm>>
        tpu.enqueue_indirect_dma source(%dma_start3A_113 : memref<10000x128xf32, #tpu.memory_space<hbm>>) target(%arg9 : memref<125x128xf32, #tpu.memory_space<vmem>>) offsets(%dma_start3A_110 : memref<125xi32, #tpu.memory_space<vmem>>) semaphore(%arg12 : memref<!tpu.dma_semaphore, #tpu.memory_space<semaphore_mem>>)
      } else {
      }
      %add3A_95 = arith.constant 1 : i32
      %add3A_96 = arith.addi %mul3A_77, %add3A_95 : i32
      %dma_wait3A_97 = arith.constant 0 : i32
      %dma_wait3A_98 = tpu.memref_slice %arg7[%add3A_96, %dma_wait3A_97] : memref<40x125xi32, #tpu.memory_space<vmem>> -> memref<1x125xi32, #tpu.memory_space<vmem>>
      %dma_wait3A_99 = tpu.memref_squeeze %dma_wait3A_98 : memref<1x125xi32, #tpu.memory_space<vmem>> -> memref<125xi32, #tpu.memory_space<vmem>>
      %dma_wait3A_100 = arith.constant 0 : i32
      %dma_wait3A_101 = arith.constant 0 : i32
      %dma_wait3A_102 = tpu.memref_slice %arg2[%dma_wait3A_100, %dma_wait3A_101] : memref<10000x128xf32, #tpu.memory_space<hbm>> -> memref<10000x128xf32, #tpu.memory_space<hbm>>
      tpu.wait_indirect_dma semaphore(%arg13 : memref<!tpu.dma_semaphore, #tpu.memory_space<semaphore_mem>>) src(%dma_wait3A_102 : memref<10000x128xf32, #tpu.memory_space<hbm>>) dst(%arg10 : memref<125x128xf32, #tpu.memory_space<vmem>>)
      %add3A_103 = arith.constant 1 : i32
      %add3A_104 = arith.addi %mul3A_77, %add3A_103 : i32
      "tpu.region"() ({
        %run_scoped3A = tpu.sem_alloc : memref<!tpu.dma_semaphore, #tpu.memory_space<semaphore_mem>>
        %dma_start3A_106 = arith.constant 0 : i32
        %dma_start3A_107 = tpu.memref_slice %arg8[%add3A_104, %dma_start3A_106] : memref<40x125xi32, #tpu.memory_space<vmem>> -> memref<1x125xi32, #tpu.memory_space<vmem>>
        %dma_start3A_108 = tpu.memref_squeeze %dma_start3A_107 : memref<1x125xi32, #tpu.memory_space<vmem>> -> memref<125xi32, #tpu.memory_space<vmem>>
        %dma_start3A_109 = arith.constant 0 : i32
        %dma_start3A_110 = arith.constant 0 : i32
        %dma_start3A_111 = tpu.memref_slice %arg11[%dma_start3A_109, %dma_start3A_110] : memref<10240x128xf32, #tpu.memory_space<vmem_shared>> -> memref<10240x128xf32, #tpu.memory_space<vmem_shared>>
        tpu.enqueue_indirect_dma source(%arg10 : memref<125x128xf32, #tpu.memory_space<vmem>>) target(%dma_start3A_111 : memref<10240x128xf32, #tpu.memory_space<vmem_shared>>) offsets(%dma_start3A_108 : memref<125xi32, #tpu.memory_space<vmem>>) semaphore(%run_scoped3A : memref<!tpu.dma_semaphore, #tpu.memory_space<semaphore_mem>>) {add = true}
        %dma_wait3A_112 = arith.constant 0 : i32
        %dma_wait3A_113 = tpu.memref_slice %arg8[%add3A_104, %dma_wait3A_112] : memref<40x125xi32, #tpu.memory_space<vmem>> -> memref<1x125xi32, #tpu.memory_space<vmem>>
        %dma_wait3A_114 = tpu.memref_squeeze %dma_wait3A_113 : memref<1x125xi32, #tpu.memory_space<vmem>> -> memref<125xi32, #tpu.memory_space<vmem>>
        %dma_wait3A_115 = arith.constant 0 : i32
        %dma_wait3A_116 = arith.constant 0 : i32
        %dma_wait3A_117 = tpu.memref_slice %arg11[%dma_wait3A_115, %dma_wait3A_116] : memref<10240x128xf32, #tpu.memory_space<vmem_shared>> -> memref<10240x128xf32, #tpu.memory_space<vmem_shared>>
        tpu.wait_indirect_dma semaphore(%run_scoped3A : memref<!tpu.dma_semaphore, #tpu.memory_space<semaphore_mem>>) src(%arg10 : memref<125x128xf32, #tpu.memory_space<vmem>>) dst(%dma_wait3A_117 : memref<10240x128xf32, #tpu.memory_space<vmem_shared>>)
        tpu.yield
      }) : () -> ()
      %scan3A_105 = arith.constant 0 : i32
      scf.yield %scan3A_105 : i32
    }
    %scan3A_68 = arith.constant 20 : i32
    %barrier3A_69 = arith.constant 0 : index
    tpu.barrier barrier_id(%barrier3A_69)
    %mul3A_70 = arith.constant 640 : i32
    %mul3A_71 = arith.muli %arg1, %mul3A_70 : i32
    %mul3A_72 = arith.constant 640 : i32
    %mul3A_73 = arith.muli %arg1, %mul3A_72 : i32
    "tpu.region"() ({
      %run_scoped3A = tpu.sem_alloc : memref<!tpu.dma_semaphore, #tpu.memory_space<semaphore_mem>>
      %dma_start3A_74 = arith.constant 0 : i32
      %dma_start3A_75 = tpu.memref_slice %arg6[%arg0, %mul3A_73, %dma_start3A_74] : memref<2x10240x128xf32, #tpu.memory_space<hbm>> -> memref<1x640x128xf32, #tpu.memory_space<hbm>>
      %dma_start3A_76 = tpu.memref_squeeze %dma_start3A_75 : memref<1x640x128xf32, #tpu.memory_space<hbm>> -> memref<640x128xf32, #tpu.memory_space<hbm>>
      %dma_start3A_77 = arith.constant 0 : i32
      %dma_start3A_78 = tpu.memref_slice %arg11[%mul3A_71, %dma_start3A_77] : memref<10240x128xf32, #tpu.memory_space<vmem_shared>> -> memref<640x128xf32, #tpu.memory_space<vmem_shared>>
      tpu.enqueue_dma source(%dma_start3A_78 : memref<640x128xf32, #tpu.memory_space<vmem_shared>>) target(%dma_start3A_76 : memref<640x128xf32, #tpu.memory_space<hbm>>) target_semaphore(%run_scoped3A : memref<!tpu.dma_semaphore, #tpu.memory_space<semaphore_mem>>)
      %dma_wait3A = arith.constant 0 : i32
      %dma_wait3A_79 = tpu.memref_slice %arg6[%arg0, %mul3A_73, %dma_wait3A] : memref<2x10240x128xf32, #tpu.memory_space<hbm>> -> memref<1x640x128xf32, #tpu.memory_space<hbm>>
      %dma_wait3A_80 = tpu.memref_squeeze %dma_wait3A_79 : memref<1x640x128xf32, #tpu.memory_space<hbm>> -> memref<640x128xf32, #tpu.memory_space<hbm>>
      %dma_wait3A_81 = arith.constant 0 : i32
      %dma_wait3A_82 = tpu.memref_slice %arg11[%mul3A_71, %dma_wait3A_81] : memref<10240x128xf32, #tpu.memory_space<vmem_shared>> -> memref<640x128xf32, #tpu.memory_space<vmem_shared>>
      tpu.wait_dma2 semaphore(%run_scoped3A : memref<!tpu.dma_semaphore, #tpu.memory_space<semaphore_mem>>) src(%dma_wait3A_82 : memref<640x128xf32, #tpu.memory_space<vmem_shared>>) dst(%dma_wait3A_80 : memref<640x128xf32, #tpu.memory_space<hbm>>)
      tpu.yield
    }) : () -> ()
    return
  }
}

#map = affine_map<(d0, d1) -> (0, 0)>
#map1 = affine_map<(d0, d1) -> (0, 0, 0)>
module attributes {stable_mosaic.version = 14 : i64} {
  func.func @_deg_body(%arg0: i32, %arg1: i32, %arg2: memref<2560x125xi32, #tpu.memory_space<hbm>>, %arg3: memref<2x10240x16xf32, #tpu.memory_space<hbm>>, %arg4: memref<80x125xi32, #tpu.memory_space<vmem>>, %arg5: memref<125x16xf32, #tpu.memory_space<vmem>>, %arg6: memref<640x16xf32, #tpu.memory_space<vmem>>, %arg7: memref<10240x16xf32, #tpu.memory_space<vmem_shared>>, %arg8: memref<!tpu.dma_semaphore, #tpu.memory_space<semaphore_mem>>) attributes {dimension_semantics = [#tpu.dimension_semantics<core_parallel>, #tpu.dimension_semantics<subcore_parallel>], iteration_bounds = array<i64: 2, 16>, scalar_prefetch = 0 : i64, scratch_operands = 5 : i64, tpu.core_type = #tpu.core_type<sc_vector_subcore>, window_params = [{transform_indices = #map}, {transform_indices = #map1}]} {
    %mul3A = arith.constant 16 : i32
    %mul3A_0 = arith.muli %arg0, %mul3A : i32
    %add3A = arith.addi %mul3A_0, %arg1 : i32
    %broadcast_in_dim3A = arith.constant 0.000000e+00 : f32
    %broadcast_in_dim3A_1 = vector.broadcast %broadcast_in_dim3A : f32 to vector<16xf32>
    %scan3A = arith.constant 0 : i32
    %scan3A_2 = arith.constant 0 : i32
    %scan3A_3 = arith.constant 640 : i32
    %scan3A_4 = arith.addi %scan3A_2, %scan3A_3 : i32
    %scan3A_5 = arith.constant 1 : i32
    %scan3A_6 = scf.for %scan3A_98 = %scan3A_2 to %scan3A_4 step %scan3A_5 iter_args(%scan3A_99 = %scan3A) -> (i32)  : i32 {
      %swap3A = arith.index_cast %scan3A_98 : i32 to index
      %swap3A_100 = arith.constant 0 : index
      %swap3A_101 = tpu.vector_load %arg6[%swap3A, %swap3A_100] {strides = array<i32>} : memref<640x16xf32, #tpu.memory_space<vmem>>, vector<1x16xf32>,
      %swap3A_102 = vector.shape_cast %swap3A_101 : vector<1x16xf32> to vector<16xf32>
      %swap3A_103 = vector.shape_cast %broadcast_in_dim3A_1 : vector<16xf32> to vector<1x16xf32>
      tpu.vector_store %arg6[%swap3A, %swap3A_100], %swap3A_103 {strides = array<i32>} : memref<640x16xf32, #tpu.memory_space<vmem>>, vector<1x16xf32>,
      %scan3A_104 = arith.constant 0 : i32
      scf.yield %scan3A_104 : i32
    }
    %scan3A_7 = arith.constant 640 : i32
    %mul3A_8 = arith.constant 640 : i32
    %mul3A_9 = arith.muli %arg1, %mul3A_8 : i32
    "tpu.region"() ({
      %run_scoped3A = tpu.sem_alloc : memref<!tpu.dma_semaphore, #tpu.memory_space<semaphore_mem>>
      %dma_start3A_98 = arith.constant 0 : i32
      %dma_start3A_99 = tpu.memref_slice %arg7[%mul3A_9, %dma_start3A_98] : memref<10240x16xf32, #tpu.memory_space<vmem_shared>> -> memref<640x16xf32, #tpu.memory_space<vmem_shared>>
      %dma_start3A_100 = arith.constant 0 : i32
      %dma_start3A_101 = tpu.memref_slice %arg7[%mul3A_9, %dma_start3A_100] : memref<10240x16xf32, #tpu.memory_space<vmem_shared>> -> memref<640x16xf32, #tpu.memory_space<vmem_shared>>
      tpu.enqueue_dma source(%arg6 : memref<640x16xf32, #tpu.memory_space<vmem>>) target(%dma_start3A_101 : memref<640x16xf32, #tpu.memory_space<vmem_shared>>) target_semaphore(%run_scoped3A : memref<!tpu.dma_semaphore, #tpu.memory_space<semaphore_mem>>)
      %dma_wait3A = arith.constant 0 : i32
      %dma_wait3A_102 = tpu.memref_slice %arg7[%mul3A_9, %dma_wait3A] : memref<10240x16xf32, #tpu.memory_space<vmem_shared>> -> memref<640x16xf32, #tpu.memory_space<vmem_shared>>
      %dma_wait3A_103 = arith.constant 0 : i32
      %dma_wait3A_104 = tpu.memref_slice %arg7[%mul3A_9, %dma_wait3A_103] : memref<10240x16xf32, #tpu.memory_space<vmem_shared>> -> memref<640x16xf32, #tpu.memory_space<vmem_shared>>
      tpu.wait_dma2 semaphore(%run_scoped3A : memref<!tpu.dma_semaphore, #tpu.memory_space<semaphore_mem>>) src(%arg6 : memref<640x16xf32, #tpu.memory_space<vmem>>) dst(%dma_wait3A_104 : memref<640x16xf32, #tpu.memory_space<vmem_shared>>)
      tpu.yield
    }) : () -> ()
    %iota3A = tpu.iota {dimensions = array<i32: 0>} : vector<16xi32>
    %eq3A = arith.constant 0 : i32
    %eq3A_10 = vector.broadcast %eq3A : i32 to vector<16xi32>
    %eq3A_11 = arith.cmpi eq, %iota3A, %eq3A_10 : vector<16xi32>
    %jit3A = arith.constant 1.000000e+00 : f32
    %jit3A_12 = arith.constant 0.000000e+00 : f32
    %broadcast_in_dim3A_13 = vector.broadcast %jit3A : f32 to vector<16xf32>
    %broadcast_in_dim3A_14 = vector.broadcast %jit3A_12 : f32 to vector<16xf32>
    %select_n3A = arith.select %eq3A_11, %broadcast_in_dim3A_13, %broadcast_in_dim3A_14 : vector<16xi1>, vector<16xf32>
    %scan3A_15 = arith.constant 0 : i32
    %scan3A_16 = arith.constant 0 : i32
    %scan3A_17 = arith.constant 125 : i32
    %scan3A_18 = arith.addi %scan3A_16, %scan3A_17 : i32
    %scan3A_19 = arith.constant 1 : i32
    %scan3A_20 = scf.for %scan3A_98 = %scan3A_16 to %scan3A_18 step %scan3A_19 iter_args(%scan3A_99 = %scan3A_15) -> (i32)  : i32 {
      %swap3A = arith.index_cast %scan3A_98 : i32 to index
      %swap3A_100 = arith.constant 0 : index
      %swap3A_101 = tpu.vector_load %arg5[%swap3A, %swap3A_100] {strides = array<i32>} : memref<125x16xf32, #tpu.memory_space<vmem>>, vector<1x16xf32>,
      %swap3A_102 = vector.shape_cast %swap3A_101 : vector<1x16xf32> to vector<16xf32>
      %swap3A_103 = vector.shape_cast %select_n3A : vector<16xf32> to vector<1x16xf32>
      tpu.vector_store %arg5[%swap3A, %swap3A_100], %swap3A_103 {strides = array<i32>} : memref<125x16xf32, #tpu.memory_space<vmem>>, vector<1x16xf32>,
      %scan3A_104 = arith.constant 0 : i32
      scf.yield %scan3A_104 : i32
    }
    %scan3A_21 = arith.constant 125 : i32
    %mul3A_22 = arith.constant 80 : i32
    %mul3A_23 = arith.muli %add3A, %mul3A_22 : i32
    "tpu.region"() ({
      %run_scoped3A = tpu.sem_alloc : memref<!tpu.dma_semaphore, #tpu.memory_space<semaphore_mem>>
      %dma_start3A_98 = arith.constant 0 : i32
      %dma_start3A_99 = tpu.memref_slice %arg2[%mul3A_23, %dma_start3A_98] : memref<2560x125xi32, #tpu.memory_space<hbm>> -> memref<80x125xi32, #tpu.memory_space<hbm>>
      %dma_start3A_100 = arith.constant 0 : i32
      %dma_start3A_101 = tpu.memref_slice %arg2[%mul3A_23, %dma_start3A_100] : memref<2560x125xi32, #tpu.memory_space<hbm>> -> memref<80x125xi32, #tpu.memory_space<hbm>>
      tpu.enqueue_dma source(%dma_start3A_101 : memref<80x125xi32, #tpu.memory_space<hbm>>) target(%arg4 : memref<80x125xi32, #tpu.memory_space<vmem>>) target_semaphore(%run_scoped3A : memref<!tpu.dma_semaphore, #tpu.memory_space<semaphore_mem>>)
      %dma_wait3A = arith.constant 0 : i32
      %dma_wait3A_102 = tpu.memref_slice %arg2[%mul3A_23, %dma_wait3A] : memref<2560x125xi32, #tpu.memory_space<hbm>> -> memref<80x125xi32, #tpu.memory_space<hbm>>
      %dma_wait3A_103 = arith.constant 0 : i32
      %dma_wait3A_104 = tpu.memref_slice %arg2[%mul3A_23, %dma_wait3A_103] : memref<2560x125xi32, #tpu.memory_space<hbm>> -> memref<80x125xi32, #tpu.memory_space<hbm>>
      tpu.wait_dma2 semaphore(%run_scoped3A : memref<!tpu.dma_semaphore, #tpu.memory_space<semaphore_mem>>) src(%dma_wait3A_104 : memref<80x125xi32, #tpu.memory_space<hbm>>) dst(%arg4 : memref<80x125xi32, #tpu.memory_space<vmem>>)
      tpu.yield
    }) : () -> ()
    %barrier3A = arith.constant 0 : index
    tpu.barrier barrier_id(%barrier3A)
    %dma_start3A = arith.constant 0 : i32
    %dma_start3A_24 = arith.constant 0 : i32
    %dma_start3A_25 = tpu.memref_slice %arg4[%dma_start3A, %dma_start3A_24] : memref<80x125xi32, #tpu.memory_space<vmem>> -> memref<1x125xi32, #tpu.memory_space<vmem>>
    %dma_start3A_26 = tpu.memref_squeeze %dma_start3A_25 : memref<1x125xi32, #tpu.memory_space<vmem>> -> memref<125xi32, #tpu.memory_space<vmem>>
    %dma_start3A_27 = arith.constant 0 : i32
    %dma_start3A_28 = arith.constant 0 : i32
    %dma_start3A_29 = tpu.memref_slice %arg7[%dma_start3A_27, %dma_start3A_28] : memref<10240x16xf32, #tpu.memory_space<vmem_shared>> -> memref<10240x16xf32, #tpu.memory_space<vmem_shared>>
    tpu.enqueue_indirect_dma source(%arg5 : memref<125x16xf32, #tpu.memory_space<vmem>>) target(%dma_start3A_29 : memref<10240x16xf32, #tpu.memory_space<vmem_shared>>) offsets(%dma_start3A_26 : memref<125xi32, #tpu.memory_space<vmem>>) semaphore(%arg8 : memref<!tpu.dma_semaphore, #tpu.memory_space<semaphore_mem>>) {add = true}
    %dma_start3A_30 = arith.constant 1 : i32
    %dma_start3A_31 = arith.constant 0 : i32
    %dma_start3A_32 = tpu.memref_slice %arg4[%dma_start3A_30, %dma_start3A_31] : memref<80x125xi32, #tpu.memory_space<vmem>> -> memref<1x125xi32, #tpu.memory_space<vmem>>
    %dma_start3A_33 = tpu.memref_squeeze %dma_start3A_32 : memref<1x125xi32, #tpu.memory_space<vmem>> -> memref<125xi32, #tpu.memory_space<vmem>>
    %dma_start3A_34 = arith.constant 0 : i32
    %dma_start3A_35 = arith.constant 0 : i32
    %dma_start3A_36 = tpu.memref_slice %arg7[%dma_start3A_34, %dma_start3A_35] : memref<10240x16xf32, #tpu.memory_space<vmem_shared>> -> memref<10240x16xf32, #tpu.memory_space<vmem_shared>>
    tpu.enqueue_indirect_dma source(%arg5 : memref<125x16xf32, #tpu.memory_space<vmem>>) target(%dma_start3A_36 : memref<10240x16xf32, #tpu.memory_space<vmem_shared>>) offsets(%dma_start3A_33 : memref<125xi32, #tpu.memory_space<vmem>>) semaphore(%arg8 : memref<!tpu.dma_semaphore, #tpu.memory_space<semaphore_mem>>) {add = true}
    %dma_start3A_37 = arith.constant 2 : i32
    %dma_start3A_38 = arith.constant 0 : i32
    %dma_start3A_39 = tpu.memref_slice %arg4[%dma_start3A_37, %dma_start3A_38] : memref<80x125xi32, #tpu.memory_space<vmem>> -> memref<1x125xi32, #tpu.memory_space<vmem>>
    %dma_start3A_40 = tpu.memref_squeeze %dma_start3A_39 : memref<1x125xi32, #tpu.memory_space<vmem>> -> memref<125xi32, #tpu.memory_space<vmem>>
    %dma_start3A_41 = arith.constant 0 : i32
    %dma_start3A_42 = arith.constant 0 : i32
    %dma_start3A_43 = tpu.memref_slice %arg7[%dma_start3A_41, %dma_start3A_42] : memref<10240x16xf32, #tpu.memory_space<vmem_shared>> -> memref<10240x16xf32, #tpu.memory_space<vmem_shared>>
    tpu.enqueue_indirect_dma source(%arg5 : memref<125x16xf32, #tpu.memory_space<vmem>>) target(%dma_start3A_43 : memref<10240x16xf32, #tpu.memory_space<vmem_shared>>) offsets(%dma_start3A_40 : memref<125xi32, #tpu.memory_space<vmem>>) semaphore(%arg8 : memref<!tpu.dma_semaphore, #tpu.memory_space<semaphore_mem>>) {add = true}
    %dma_start3A_44 = arith.constant 3 : i32
    %dma_start3A_45 = arith.constant 0 : i32
    %dma_start3A_46 = tpu.memref_slice %arg4[%dma_start3A_44, %dma_start3A_45] : memref<80x125xi32, #tpu.memory_space<vmem>> -> memref<1x125xi32, #tpu.memory_space<vmem>>
    %dma_start3A_47 = tpu.memref_squeeze %dma_start3A_46 : memref<1x125xi32, #tpu.memory_space<vmem>> -> memref<125xi32, #tpu.memory_space<vmem>>
    %dma_start3A_48 = arith.constant 0 : i32
    %dma_start3A_49 = arith.constant 0 : i32
    %dma_start3A_50 = tpu.memref_slice %arg7[%dma_start3A_48, %dma_start3A_49] : memref<10240x16xf32, #tpu.memory_space<vmem_shared>> -> memref<10240x16xf32, #tpu.memory_space<vmem_shared>>
    tpu.enqueue_indirect_dma source(%arg5 : memref<125x16xf32, #tpu.memory_space<vmem>>) target(%dma_start3A_50 : memref<10240x16xf32, #tpu.memory_space<vmem_shared>>) offsets(%dma_start3A_47 : memref<125xi32, #tpu.memory_space<vmem>>) semaphore(%arg8 : memref<!tpu.dma_semaphore, #tpu.memory_space<semaphore_mem>>) {add = true}
    %dma_start3A_51 = arith.constant 4 : i32
    %dma_start3A_52 = arith.constant 0 : i32
    %dma_start3A_53 = tpu.memref_slice %arg4[%dma_start3A_51, %dma_start3A_52] : memref<80x125xi32, #tpu.memory_space<vmem>> -> memref<1x125xi32, #tpu.memory_space<vmem>>
    %dma_start3A_54 = tpu.memref_squeeze %dma_start3A_53 : memref<1x125xi32, #tpu.memory_space<vmem>> -> memref<125xi32, #tpu.memory_space<vmem>>
    %dma_start3A_55 = arith.constant 0 : i32
    %dma_start3A_56 = arith.constant 0 : i32
    %dma_start3A_57 = tpu.memref_slice %arg7[%dma_start3A_55, %dma_start3A_56] : memref<10240x16xf32, #tpu.memory_space<vmem_shared>> -> memref<10240x16xf32, #tpu.memory_space<vmem_shared>>
    tpu.enqueue_indirect_dma source(%arg5 : memref<125x16xf32, #tpu.memory_space<vmem>>) target(%dma_start3A_57 : memref<10240x16xf32, #tpu.memory_space<vmem_shared>>) offsets(%dma_start3A_54 : memref<125xi32, #tpu.memory_space<vmem>>) semaphore(%arg8 : memref<!tpu.dma_semaphore, #tpu.memory_space<semaphore_mem>>) {add = true}
    %dma_start3A_58 = arith.constant 5 : i32
    %dma_start3A_59 = arith.constant 0 : i32
    %dma_start3A_60 = tpu.memref_slice %arg4[%dma_start3A_58, %dma_start3A_59] : memref<80x125xi32, #tpu.memory_space<vmem>> -> memref<1x125xi32, #tpu.memory_space<vmem>>
    %dma_start3A_61 = tpu.memref_squeeze %dma_start3A_60 : memref<1x125xi32, #tpu.memory_space<vmem>> -> memref<125xi32, #tpu.memory_space<vmem>>
    %dma_start3A_62 = arith.constant 0 : i32
    %dma_start3A_63 = arith.constant 0 : i32
    %dma_start3A_64 = tpu.memref_slice %arg7[%dma_start3A_62, %dma_start3A_63] : memref<10240x16xf32, #tpu.memory_space<vmem_shared>> -> memref<10240x16xf32, #tpu.memory_space<vmem_shared>>
    tpu.enqueue_indirect_dma source(%arg5 : memref<125x16xf32, #tpu.memory_space<vmem>>) target(%dma_start3A_64 : memref<10240x16xf32, #tpu.memory_space<vmem_shared>>) offsets(%dma_start3A_61 : memref<125xi32, #tpu.memory_space<vmem>>) semaphore(%arg8 : memref<!tpu.dma_semaphore, #tpu.memory_space<semaphore_mem>>) {add = true}
    %dma_start3A_65 = arith.constant 6 : i32
    %dma_start3A_66 = arith.constant 0 : i32
    %dma_start3A_67 = tpu.memref_slice %arg4[%dma_start3A_65, %dma_start3A_66] : memref<80x125xi32, #tpu.memory_space<vmem>> -> memref<1x125xi32, #tpu.memory_space<vmem>>
    %dma_start3A_68 = tpu.memref_squeeze %dma_start3A_67 : memref<1x125xi32, #tpu.memory_space<vmem>> -> memref<125xi32, #tpu.memory_space<vmem>>
    %dma_start3A_69 = arith.constant 0 : i32
    %dma_start3A_70 = arith.constant 0 : i32
    %dma_start3A_71 = tpu.memref_slice %arg7[%dma_start3A_69, %dma_start3A_70] : memref<10240x16xf32, #tpu.memory_space<vmem_shared>> -> memref<10240x16xf32, #tpu.memory_space<vmem_shared>>
    tpu.enqueue_indirect_dma source(%arg5 : memref<125x16xf32, #tpu.memory_space<vmem>>) target(%dma_start3A_71 : memref<10240x16xf32, #tpu.memory_space<vmem_shared>>) offsets(%dma_start3A_68 : memref<125xi32, #tpu.memory_space<vmem>>) semaphore(%arg8 : memref<!tpu.dma_semaphore, #tpu.memory_space<semaphore_mem>>) {add = true}
    %dma_start3A_72 = arith.constant 7 : i32
    %dma_start3A_73 = arith.constant 0 : i32
    %dma_start3A_74 = tpu.memref_slice %arg4[%dma_start3A_72, %dma_start3A_73] : memref<80x125xi32, #tpu.memory_space<vmem>> -> memref<1x125xi32, #tpu.memory_space<vmem>>
    %dma_start3A_75 = tpu.memref_squeeze %dma_start3A_74 : memref<1x125xi32, #tpu.memory_space<vmem>> -> memref<125xi32, #tpu.memory_space<vmem>>
    %dma_start3A_76 = arith.constant 0 : i32
    %dma_start3A_77 = arith.constant 0 : i32
    %dma_start3A_78 = tpu.memref_slice %arg7[%dma_start3A_76, %dma_start3A_77] : memref<10240x16xf32, #tpu.memory_space<vmem_shared>> -> memref<10240x16xf32, #tpu.memory_space<vmem_shared>>
    tpu.enqueue_indirect_dma source(%arg5 : memref<125x16xf32, #tpu.memory_space<vmem>>) target(%dma_start3A_78 : memref<10240x16xf32, #tpu.memory_space<vmem_shared>>) offsets(%dma_start3A_75 : memref<125xi32, #tpu.memory_space<vmem>>) semaphore(%arg8 : memref<!tpu.dma_semaphore, #tpu.memory_space<semaphore_mem>>) {add = true}
    %scan3A_79 = arith.constant 0 : i32
    %scan3A_80 = arith.constant 8 : i32
    %scan3A_81 = arith.constant 72 : i32
    %scan3A_82 = arith.addi %scan3A_80, %scan3A_81 : i32
    %scan3A_83 = arith.constant 1 : i32
    %scan3A_84 = scf.for %scan3A_98 = %scan3A_80 to %scan3A_82 step %scan3A_83 iter_args(%scan3A_99 = %scan3A_79) -> (i32)  : i32 {
      %sub3A = arith.constant 8 : i32
      %sub3A_100 = arith.subi %scan3A_98, %sub3A : i32
      %dma_wait3A = arith.constant 0 : i32
      %dma_wait3A_101 = tpu.memref_slice %arg4[%sub3A_100, %dma_wait3A] : memref<80x125xi32, #tpu.memory_space<vmem>> -> memref<1x125xi32, #tpu.memory_space<vmem>>
      %dma_wait3A_102 = tpu.memref_squeeze %dma_wait3A_101 : memref<1x125xi32, #tpu.memory_space<vmem>> -> memref<125xi32, #tpu.memory_space<vmem>>
      %dma_wait3A_103 = arith.constant 0 : i32
      %dma_wait3A_104 = arith.constant 0 : i32
      %dma_wait3A_105 = tpu.memref_slice %arg7[%dma_wait3A_103, %dma_wait3A_104] : memref<10240x16xf32, #tpu.memory_space<vmem_shared>> -> memref<10240x16xf32, #tpu.memory_space<vmem_shared>>
      tpu.wait_indirect_dma semaphore(%arg8 : memref<!tpu.dma_semaphore, #tpu.memory_space<semaphore_mem>>) src(%arg5 : memref<125x16xf32, #tpu.memory_space<vmem>>) dst(%dma_wait3A_105 : memref<10240x16xf32, #tpu.memory_space<vmem_shared>>)
      %dma_start3A_106 = arith.constant 0 : i32
      %dma_start3A_107 = tpu.memref_slice %arg4[%scan3A_98, %dma_start3A_106] : memref<80x125xi32, #tpu.memory_space<vmem>> -> memref<1x125xi32, #tpu.memory_space<vmem>>
      %dma_start3A_108 = tpu.memref_squeeze %dma_start3A_107 : memref<1x125xi32, #tpu.memory_space<vmem>> -> memref<125xi32, #tpu.memory_space<vmem>>
      %dma_start3A_109 = arith.constant 0 : i32
      %dma_start3A_110 = arith.constant 0 : i32
      %dma_start3A_111 = tpu.memref_slice %arg7[%dma_start3A_109, %dma_start3A_110] : memref<10240x16xf32, #tpu.memory_space<vmem_shared>> -> memref<10240x16xf32, #tpu.memory_space<vmem_shared>>
      tpu.enqueue_indirect_dma source(%arg5 : memref<125x16xf32, #tpu.memory_space<vmem>>) target(%dma_start3A_111 : memref<10240x16xf32, #tpu.memory_space<vmem_shared>>) offsets(%dma_start3A_108 : memref<125xi32, #tpu.memory_space<vmem>>) semaphore(%arg8 : memref<!tpu.dma_semaphore, #tpu.memory_space<semaphore_mem>>) {add = true}
      %scan3A_112 = arith.constant 0 : i32
      scf.yield %scan3A_112 : i32
    }
    %scan3A_85 = arith.constant 72 : i32
    %scan3A_86 = arith.constant 0 : i32
    %scan3A_87 = arith.constant 72 : i32
    %scan3A_88 = arith.constant 8 : i32
    %scan3A_89 = arith.addi %scan3A_87, %scan3A_88 : i32
    %scan3A_90 = arith.constant 1 : i32
    %scan3A_91 = scf.for %scan3A_98 = %scan3A_87 to %scan3A_89 step %scan3A_90 iter_args(%scan3A_99 = %scan3A_86) -> (i32)  : i32 {
      %dma_wait3A = arith.constant 0 : i32
      %dma_wait3A_100 = tpu.memref_slice %arg4[%scan3A_98, %dma_wait3A] : memref<80x125xi32, #tpu.memory_space<vmem>> -> memref<1x125xi32, #tpu.memory_space<vmem>>
      %dma_wait3A_101 = tpu.memref_squeeze %dma_wait3A_100 : memref<1x125xi32, #tpu.memory_space<vmem>> -> memref<125xi32, #tpu.memory_space<vmem>>
      %dma_wait3A_102 = arith.constant 0 : i32
      %dma_wait3A_103 = arith.constant 0 : i32
      %dma_wait3A_104 = tpu.memref_slice %arg7[%dma_wait3A_102, %dma_wait3A_103] : memref<10240x16xf32, #tpu.memory_space<vmem_shared>> -> memref<10240x16xf32, #tpu.memory_space<vmem_shared>>
      tpu.wait_indirect_dma semaphore(%arg8 : memref<!tpu.dma_semaphore, #tpu.memory_space<semaphore_mem>>) src(%arg5 : memref<125x16xf32, #tpu.memory_space<vmem>>) dst(%dma_wait3A_104 : memref<10240x16xf32, #tpu.memory_space<vmem_shared>>)
      %scan3A_105 = arith.constant 0 : i32
      scf.yield %scan3A_105 : i32
    }
    %scan3A_92 = arith.constant 8 : i32
    %barrier3A_93 = arith.constant 0 : index
    tpu.barrier barrier_id(%barrier3A_93)
    %mul3A_94 = arith.constant 640 : i32
    %mul3A_95 = arith.muli %arg1, %mul3A_94 : i32
    %mul3A_96 = arith.constant 640 : i32
    %mul3A_97 = arith.muli %arg1, %mul3A_96 : i32
    "tpu.region"() ({
      %run_scoped3A = tpu.sem_alloc : memref<!tpu.dma_semaphore, #tpu.memory_space<semaphore_mem>>
      %dma_start3A_98 = arith.constant 0 : i32
      %dma_start3A_99 = tpu.memref_slice %arg3[%arg0, %mul3A_97, %dma_start3A_98] : memref<2x10240x16xf32, #tpu.memory_space<hbm>> -> memref<1x640x16xf32, #tpu.memory_space<hbm>>
      %dma_start3A_100 = tpu.memref_squeeze %dma_start3A_99 : memref<1x640x16xf32, #tpu.memory_space<hbm>> -> memref<640x16xf32, #tpu.memory_space<hbm>>
      %dma_start3A_101 = arith.constant 0 : i32
      %dma_start3A_102 = tpu.memref_slice %arg7[%mul3A_95, %dma_start3A_101] : memref<10240x16xf32, #tpu.memory_space<vmem_shared>> -> memref<640x16xf32, #tpu.memory_space<vmem_shared>>
      tpu.enqueue_dma source(%dma_start3A_102 : memref<640x16xf32, #tpu.memory_space<vmem_shared>>) target(%dma_start3A_100 : memref<640x16xf32, #tpu.memory_space<hbm>>) target_semaphore(%run_scoped3A : memref<!tpu.dma_semaphore, #tpu.memory_space<semaphore_mem>>)
      %dma_wait3A = arith.constant 0 : i32
      %dma_wait3A_103 = tpu.memref_slice %arg3[%arg0, %mul3A_97, %dma_wait3A] : memref<2x10240x16xf32, #tpu.memory_space<hbm>> -> memref<1x640x16xf32, #tpu.memory_space<hbm>>
      %dma_wait3A_104 = tpu.memref_squeeze %dma_wait3A_103 : memref<1x640x16xf32, #tpu.memory_space<hbm>> -> memref<640x16xf32, #tpu.memory_space<hbm>>
      %dma_wait3A_105 = arith.constant 0 : i32
      %dma_wait3A_106 = tpu.memref_slice %arg7[%mul3A_95, %dma_wait3A_105] : memref<10240x16xf32, #tpu.memory_space<vmem_shared>> -> memref<640x16xf32, #tpu.memory_space<vmem_shared>>
      tpu.wait_dma2 semaphore(%run_scoped3A : memref<!tpu.dma_semaphore, #tpu.memory_space<semaphore_mem>>) src(%dma_wait3A_106 : memref<640x16xf32, #tpu.memory_space<vmem_shared>>) dst(%dma_wait3A_104 : memref<640x16xf32, #tpu.memory_space<hbm>>)
      tpu.yield
    }) : () -> ()
    return
  }
}

#map = affine_map<(d0, d1) -> (0, 0)>
#map1 = affine_map<(d0, d1) -> (0, 0, 0)>
module attributes {stable_mosaic.version = 14 : i64} {
  func.func @_spmm3_body(%arg0: i32, %arg1: i32, %arg2: memref<10000x64xf32, #tpu.memory_space<hbm>>, %arg3: memref<2560x125xi32, #tpu.memory_space<hbm>>, %arg4: memref<2560x125xi32, #tpu.memory_space<hbm>>, %arg5: memref<2x10240x64xf32, #tpu.memory_space<hbm>>, %arg6: memref<80x125xi32, #tpu.memory_space<vmem>>, %arg7: memref<80x125xi32, #tpu.memory_space<vmem>>, %arg8: memref<125x64xf32, #tpu.memory_space<vmem>>, %arg9: memref<125x64xf32, #tpu.memory_space<vmem>>, %arg10: memref<125x64xf32, #tpu.memory_space<vmem>>, %arg11: memref<125x64xf32, #tpu.memory_space<vmem>>, %arg12: memref<125x64xf32, #tpu.memory_space<vmem>>, %arg13: memref<10240x64xf32, #tpu.memory_space<vmem_shared>>, %arg14: memref<!tpu.dma_semaphore, #tpu.memory_space<semaphore_mem>>, %arg15: memref<!tpu.dma_semaphore, #tpu.memory_space<semaphore_mem>>, %arg16: memref<!tpu.dma_semaphore, #tpu.memory_space<semaphore_mem>>, %arg17: memref<!tpu.dma_semaphore, #tpu.memory_space<semaphore_mem>>, %arg18: memref<!tpu.dma_semaphore, #tpu.memory_space<semaphore_mem>>) attributes {dimension_semantics = [#tpu.dimension_semantics<core_parallel>, #tpu.dimension_semantics<subcore_parallel>], iteration_bounds = array<i64: 2, 16>, scalar_prefetch = 0 : i64, scratch_operands = 13 : i64, tpu.core_type = #tpu.core_type<sc_vector_subcore>, window_params = [{transform_indices = #map}, {transform_indices = #map}, {transform_indices = #map}, {transform_indices = #map1}]} {
    %mul3A = arith.constant 16 : i32
    %mul3A_0 = arith.muli %arg0, %mul3A : i32
    %add3A = arith.addi %mul3A_0, %arg1 : i32
    %mul3A_1 = arith.constant 80 : i32
    %mul3A_2 = arith.muli %add3A, %mul3A_1 : i32
    "tpu.region"() ({
      %run_scoped3A = tpu.sem_alloc : memref<!tpu.dma_semaphore, #tpu.memory_space<semaphore_mem>>
      %dma_start3A_198 = arith.constant 0 : i32
      %dma_start3A_199 = tpu.memref_slice %arg3[%mul3A_2, %dma_start3A_198] : memref<2560x125xi32, #tpu.memory_space<hbm>> -> memref<80x125xi32, #tpu.memory_space<hbm>>
      %dma_start3A_200 = arith.constant 0 : i32
      %dma_start3A_201 = tpu.memref_slice %arg3[%mul3A_2, %dma_start3A_200] : memref<2560x125xi32, #tpu.memory_space<hbm>> -> memref<80x125xi32, #tpu.memory_space<hbm>>
      tpu.enqueue_dma source(%dma_start3A_201 : memref<80x125xi32, #tpu.memory_space<hbm>>) target(%arg6 : memref<80x125xi32, #tpu.memory_space<vmem>>) target_semaphore(%run_scoped3A : memref<!tpu.dma_semaphore, #tpu.memory_space<semaphore_mem>>)
      %dma_wait3A_202 = arith.constant 0 : i32
      %dma_wait3A_203 = tpu.memref_slice %arg3[%mul3A_2, %dma_wait3A_202] : memref<2560x125xi32, #tpu.memory_space<hbm>> -> memref<80x125xi32, #tpu.memory_space<hbm>>
      %dma_wait3A_204 = arith.constant 0 : i32
      %dma_wait3A_205 = tpu.memref_slice %arg3[%mul3A_2, %dma_wait3A_204] : memref<2560x125xi32, #tpu.memory_space<hbm>> -> memref<80x125xi32, #tpu.memory_space<hbm>>
      tpu.wait_dma2 semaphore(%run_scoped3A : memref<!tpu.dma_semaphore, #tpu.memory_space<semaphore_mem>>) src(%dma_wait3A_205 : memref<80x125xi32, #tpu.memory_space<hbm>>) dst(%arg6 : memref<80x125xi32, #tpu.memory_space<vmem>>)
      tpu.yield
    }) : () -> ()
    "tpu.region"() ({
      %run_scoped3A = tpu.sem_alloc : memref<!tpu.dma_semaphore, #tpu.memory_space<semaphore_mem>>
      %dma_start3A_198 = arith.constant 0 : i32
      %dma_start3A_199 = tpu.memref_slice %arg4[%mul3A_2, %dma_start3A_198] : memref<2560x125xi32, #tpu.memory_space<hbm>> -> memref<80x125xi32, #tpu.memory_space<hbm>>
      %dma_start3A_200 = arith.constant 0 : i32
      %dma_start3A_201 = tpu.memref_slice %arg4[%mul3A_2, %dma_start3A_200] : memref<2560x125xi32, #tpu.memory_space<hbm>> -> memref<80x125xi32, #tpu.memory_space<hbm>>
      tpu.enqueue_dma source(%dma_start3A_201 : memref<80x125xi32, #tpu.memory_space<hbm>>) target(%arg7 : memref<80x125xi32, #tpu.memory_space<vmem>>) target_semaphore(%run_scoped3A : memref<!tpu.dma_semaphore, #tpu.memory_space<semaphore_mem>>)
      %dma_wait3A_202 = arith.constant 0 : i32
      %dma_wait3A_203 = tpu.memref_slice %arg4[%mul3A_2, %dma_wait3A_202] : memref<2560x125xi32, #tpu.memory_space<hbm>> -> memref<80x125xi32, #tpu.memory_space<hbm>>
      %dma_wait3A_204 = arith.constant 0 : i32
      %dma_wait3A_205 = tpu.memref_slice %arg4[%mul3A_2, %dma_wait3A_204] : memref<2560x125xi32, #tpu.memory_space<hbm>> -> memref<80x125xi32, #tpu.memory_space<hbm>>
      tpu.wait_dma2 semaphore(%run_scoped3A : memref<!tpu.dma_semaphore, #tpu.memory_space<semaphore_mem>>) src(%dma_wait3A_205 : memref<80x125xi32, #tpu.memory_space<hbm>>) dst(%arg7 : memref<80x125xi32, #tpu.memory_space<vmem>>)
      tpu.yield
    }) : () -> ()
    %broadcast_in_dim3A = arith.constant 0.000000e+00 : f32
    %broadcast_in_dim3A_3 = vector.broadcast %broadcast_in_dim3A : f32 to vector<16xf32>
    %scan3A = arith.constant 0 : i32
    %scan3A_4 = arith.constant 0 : i32
    %scan3A_5 = arith.constant 125 : i32
    %scan3A_6 = arith.addi %scan3A_4, %scan3A_5 : i32
    %scan3A_7 = arith.constant 1 : i32
    %scan3A_8 = scf.for %scan3A_198 = %scan3A_4 to %scan3A_6 step %scan3A_7 iter_args(%scan3A_199 = %scan3A) -> (i32)  : i32 {
      %swap3A = arith.index_cast %scan3A_198 : i32 to index
      %swap3A_200 = arith.constant 0 : index
      %swap3A_201 = tpu.vector_load %arg8[%swap3A, %swap3A_200] {strides = array<i32>} : memref<125x64xf32, #tpu.memory_space<vmem>>, vector<1x16xf32>,
      %swap3A_202 = vector.shape_cast %swap3A_201 : vector<1x16xf32> to vector<16xf32>
      %swap3A_203 = vector.shape_cast %broadcast_in_dim3A_3 : vector<16xf32> to vector<1x16xf32>
      tpu.vector_store %arg8[%swap3A, %swap3A_200], %swap3A_203 {strides = array<i32>} : memref<125x64xf32, #tpu.memory_space<vmem>>, vector<1x16xf32>,
      %swap3A_204 = arith.index_cast %scan3A_198 : i32 to index
      %swap3A_205 = arith.constant 16 : index
      %swap3A_206 = tpu.vector_load %arg8[%swap3A_204, %swap3A_205] {strides = array<i32>} : memref<125x64xf32, #tpu.memory_space<vmem>>, vector<1x16xf32>,
      %swap3A_207 = vector.shape_cast %swap3A_206 : vector<1x16xf32> to vector<16xf32>
      %swap3A_208 = vector.shape_cast %broadcast_in_dim3A_3 : vector<16xf32> to vector<1x16xf32>
      tpu.vector_store %arg8[%swap3A_204, %swap3A_205], %swap3A_208 {strides = array<i32>} : memref<125x64xf32, #tpu.memory_space<vmem>>, vector<1x16xf32>,
      %swap3A_209 = arith.index_cast %scan3A_198 : i32 to index
      %swap3A_210 = arith.constant 32 : index
      %swap3A_211 = tpu.vector_load %arg8[%swap3A_209, %swap3A_210] {strides = array<i32>} : memref<125x64xf32, #tpu.memory_space<vmem>>, vector<1x16xf32>,
      %swap3A_212 = vector.shape_cast %swap3A_211 : vector<1x16xf32> to vector<16xf32>
      %swap3A_213 = vector.shape_cast %broadcast_in_dim3A_3 : vector<16xf32> to vector<1x16xf32>
      tpu.vector_store %arg8[%swap3A_209, %swap3A_210], %swap3A_213 {strides = array<i32>} : memref<125x64xf32, #tpu.memory_space<vmem>>, vector<1x16xf32>,
      %swap3A_214 = arith.index_cast %scan3A_198 : i32 to index
      %swap3A_215 = arith.constant 48 : index
      %swap3A_216 = tpu.vector_load %arg8[%swap3A_214, %swap3A_215] {strides = array<i32>} : memref<125x64xf32, #tpu.memory_space<vmem>>, vector<1x16xf32>,
      %swap3A_217 = vector.shape_cast %swap3A_216 : vector<1x16xf32> to vector<16xf32>
      %swap3A_218 = vector.shape_cast %broadcast_in_dim3A_3 : vector<16xf32> to vector<1x16xf32>
      tpu.vector_store %arg8[%swap3A_214, %swap3A_215], %swap3A_218 {strides = array<i32>} : memref<125x64xf32, #tpu.memory_space<vmem>>, vector<1x16xf32>,
      %scan3A_219 = arith.constant 0 : i32
      scf.yield %scan3A_219 : i32
    }
    %scan3A_9 = arith.constant 125 : i32
    %mul3A_10 = arith.constant 640 : i32
    %mul3A_11 = arith.muli %arg1, %mul3A_10 : i32
    %add3A_12 = arith.constant 0 : i32
    %add3A_13 = arith.addi %mul3A_11, %add3A_12 : i32
    "tpu.region"() ({
      %run_scoped3A = tpu.sem_alloc : memref<!tpu.dma_semaphore, #tpu.memory_space<semaphore_mem>>
      %dma_start3A_198 = arith.constant 0 : i32
      %dma_start3A_199 = tpu.memref_slice %arg13[%add3A_13, %dma_start3A_198] : memref<10240x64xf32, #tpu.memory_space<vmem_shared>> -> memref<125x64xf32, #tpu.memory_space<vmem_shared>>
      %dma_start3A_200 = arith.constant 0 : i32
      %dma_start3A_201 = tpu.memref_slice %arg13[%add3A_13, %dma_start3A_200] : memref<10240x64xf32, #tpu.memory_space<vmem_shared>> -> memref<125x64xf32, #tpu.memory_space<vmem_shared>>
      tpu.enqueue_dma source(%arg8 : memref<125x64xf32, #tpu.memory_space<vmem>>) target(%dma_start3A_201 : memref<125x64xf32, #tpu.memory_space<vmem_shared>>) target_semaphore(%run_scoped3A : memref<!tpu.dma_semaphore, #tpu.memory_space<semaphore_mem>>)
      %dma_wait3A_202 = arith.constant 0 : i32
      %dma_wait3A_203 = tpu.memref_slice %arg13[%add3A_13, %dma_wait3A_202] : memref<10240x64xf32, #tpu.memory_space<vmem_shared>> -> memref<125x64xf32, #tpu.memory_space<vmem_shared>>
      %dma_wait3A_204 = arith.constant 0 : i32
      %dma_wait3A_205 = tpu.memref_slice %arg13[%add3A_13, %dma_wait3A_204] : memref<10240x64xf32, #tpu.memory_space<vmem_shared>> -> memref<125x64xf32, #tpu.memory_space<vmem_shared>>
      tpu.wait_dma2 semaphore(%run_scoped3A : memref<!tpu.dma_semaphore, #tpu.memory_space<semaphore_mem>>) src(%arg8 : memref<125x64xf32, #tpu.memory_space<vmem>>) dst(%dma_wait3A_205 : memref<125x64xf32, #tpu.memory_space<vmem_shared>>)
      tpu.yield
    }) : () -> ()
    %mul3A_14 = arith.constant 640 : i32
    %mul3A_15 = arith.muli %arg1, %mul3A_14 : i32
    %add3A_16 = arith.constant 125 : i32
    %add3A_17 = arith.addi %mul3A_15, %add3A_16 : i32
    "tpu.region"() ({
      %run_scoped3A = tpu.sem_alloc : memref<!tpu.dma_semaphore, #tpu.memory_space<semaphore_mem>>
      %dma_start3A_198 = arith.constant 0 : i32
      %dma_start3A_199 = tpu.memref_slice %arg13[%add3A_17, %dma_start3A_198] : memref<10240x64xf32, #tpu.memory_space<vmem_shared>> -> memref<125x64xf32, #tpu.memory_space<vmem_shared>>
      %dma_start3A_200 = arith.constant 0 : i32
      %dma_start3A_201 = tpu.memref_slice %arg13[%add3A_17, %dma_start3A_200] : memref<10240x64xf32, #tpu.memory_space<vmem_shared>> -> memref<125x64xf32, #tpu.memory_space<vmem_shared>>
      tpu.enqueue_dma source(%arg8 : memref<125x64xf32, #tpu.memory_space<vmem>>) target(%dma_start3A_201 : memref<125x64xf32, #tpu.memory_space<vmem_shared>>) target_semaphore(%run_scoped3A : memref<!tpu.dma_semaphore, #tpu.memory_space<semaphore_mem>>)
      %dma_wait3A_202 = arith.constant 0 : i32
      %dma_wait3A_203 = tpu.memref_slice %arg13[%add3A_17, %dma_wait3A_202] : memref<10240x64xf32, #tpu.memory_space<vmem_shared>> -> memref<125x64xf32, #tpu.memory_space<vmem_shared>>
      %dma_wait3A_204 = arith.constant 0 : i32
      %dma_wait3A_205 = tpu.memref_slice %arg13[%add3A_17, %dma_wait3A_204] : memref<10240x64xf32, #tpu.memory_space<vmem_shared>> -> memref<125x64xf32, #tpu.memory_space<vmem_shared>>
      tpu.wait_dma2 semaphore(%run_scoped3A : memref<!tpu.dma_semaphore, #tpu.memory_space<semaphore_mem>>) src(%arg8 : memref<125x64xf32, #tpu.memory_space<vmem>>) dst(%dma_wait3A_205 : memref<125x64xf32, #tpu.memory_space<vmem_shared>>)
      tpu.yield
    }) : () -> ()
    %mul3A_18 = arith.constant 640 : i32
    %mul3A_19 = arith.muli %arg1, %mul3A_18 : i32
    %add3A_20 = arith.constant 250 : i32
    %add3A_21 = arith.addi %mul3A_19, %add3A_20 : i32
    "tpu.region"() ({
      %run_scoped3A = tpu.sem_alloc : memref<!tpu.dma_semaphore, #tpu.memory_space<semaphore_mem>>
      %dma_start3A_198 = arith.constant 0 : i32
      %dma_start3A_199 = tpu.memref_slice %arg13[%add3A_21, %dma_start3A_198] : memref<10240x64xf32, #tpu.memory_space<vmem_shared>> -> memref<125x64xf32, #tpu.memory_space<vmem_shared>>
      %dma_start3A_200 = arith.constant 0 : i32
      %dma_start3A_201 = tpu.memref_slice %arg13[%add3A_21, %dma_start3A_200] : memref<10240x64xf32, #tpu.memory_space<vmem_shared>> -> memref<125x64xf32, #tpu.memory_space<vmem_shared>>
      tpu.enqueue_dma source(%arg8 : memref<125x64xf32, #tpu.memory_space<vmem>>) target(%dma_start3A_201 : memref<125x64xf32, #tpu.memory_space<vmem_shared>>) target_semaphore(%run_scoped3A : memref<!tpu.dma_semaphore, #tpu.memory_space<semaphore_mem>>)
      %dma_wait3A_202 = arith.constant 0 : i32
      %dma_wait3A_203 = tpu.memref_slice %arg13[%add3A_21, %dma_wait3A_202] : memref<10240x64xf32, #tpu.memory_space<vmem_shared>> -> memref<125x64xf32, #tpu.memory_space<vmem_shared>>
      %dma_wait3A_204 = arith.constant 0 : i32
      %dma_wait3A_205 = tpu.memref_slice %arg13[%add3A_21, %dma_wait3A_204] : memref<10240x64xf32, #tpu.memory_space<vmem_shared>> -> memref<125x64xf32, #tpu.memory_space<vmem_shared>>
      tpu.wait_dma2 semaphore(%run_scoped3A : memref<!tpu.dma_semaphore, #tpu.memory_space<semaphore_mem>>) src(%arg8 : memref<125x64xf32, #tpu.memory_space<vmem>>) dst(%dma_wait3A_205 : memref<125x64xf32, #tpu.memory_space<vmem_shared>>)
      tpu.yield
    }) : () -> ()
    %mul3A_22 = arith.constant 640 : i32
    %mul3A_23 = arith.muli %arg1, %mul3A_22 : i32
    %add3A_24 = arith.constant 375 : i32
    %add3A_25 = arith.addi %mul3A_23, %add3A_24 : i32
    "tpu.region"() ({
      %run_scoped3A = tpu.sem_alloc : memref<!tpu.dma_semaphore, #tpu.memory_space<semaphore_mem>>
      %dma_start3A_198 = arith.constant 0 : i32
      %dma_start3A_199 = tpu.memref_slice %arg13[%add3A_25, %dma_start3A_198] : memref<10240x64xf32, #tpu.memory_space<vmem_shared>> -> memref<125x64xf32, #tpu.memory_space<vmem_shared>>
      %dma_start3A_200 = arith.constant 0 : i32
      %dma_start3A_201 = tpu.memref_slice %arg13[%add3A_25, %dma_start3A_200] : memref<10240x64xf32, #tpu.memory_space<vmem_shared>> -> memref<125x64xf32, #tpu.memory_space<vmem_shared>>
      tpu.enqueue_dma source(%arg8 : memref<125x64xf32, #tpu.memory_space<vmem>>) target(%dma_start3A_201 : memref<125x64xf32, #tpu.memory_space<vmem_shared>>) target_semaphore(%run_scoped3A : memref<!tpu.dma_semaphore, #tpu.memory_space<semaphore_mem>>)
      %dma_wait3A_202 = arith.constant 0 : i32
      %dma_wait3A_203 = tpu.memref_slice %arg13[%add3A_25, %dma_wait3A_202] : memref<10240x64xf32, #tpu.memory_space<vmem_shared>> -> memref<125x64xf32, #tpu.memory_space<vmem_shared>>
      %dma_wait3A_204 = arith.constant 0 : i32
      %dma_wait3A_205 = tpu.memref_slice %arg13[%add3A_25, %dma_wait3A_204] : memref<10240x64xf32, #tpu.memory_space<vmem_shared>> -> memref<125x64xf32, #tpu.memory_space<vmem_shared>>
      tpu.wait_dma2 semaphore(%run_scoped3A : memref<!tpu.dma_semaphore, #tpu.memory_space<semaphore_mem>>) src(%arg8 : memref<125x64xf32, #tpu.memory_space<vmem>>) dst(%dma_wait3A_205 : memref<125x64xf32, #tpu.memory_space<vmem_shared>>)
      tpu.yield
    }) : () -> ()
    %mul3A_26 = arith.constant 640 : i32
    %mul3A_27 = arith.muli %arg1, %mul3A_26 : i32
    %add3A_28 = arith.constant 500 : i32
    %add3A_29 = arith.addi %mul3A_27, %add3A_28 : i32
    "tpu.region"() ({
      %run_scoped3A = tpu.sem_alloc : memref<!tpu.dma_semaphore, #tpu.memory_space<semaphore_mem>>
      %dma_start3A_198 = arith.constant 0 : i32
      %dma_start3A_199 = tpu.memref_slice %arg13[%add3A_29, %dma_start3A_198] : memref<10240x64xf32, #tpu.memory_space<vmem_shared>> -> memref<125x64xf32, #tpu.memory_space<vmem_shared>>
      %dma_start3A_200 = arith.constant 0 : i32
      %dma_start3A_201 = tpu.memref_slice %arg13[%add3A_29, %dma_start3A_200] : memref<10240x64xf32, #tpu.memory_space<vmem_shared>> -> memref<125x64xf32, #tpu.memory_space<vmem_shared>>
      tpu.enqueue_dma source(%arg8 : memref<125x64xf32, #tpu.memory_space<vmem>>) target(%dma_start3A_201 : memref<125x64xf32, #tpu.memory_space<vmem_shared>>) target_semaphore(%run_scoped3A : memref<!tpu.dma_semaphore, #tpu.memory_space<semaphore_mem>>)
      %dma_wait3A_202 = arith.constant 0 : i32
      %dma_wait3A_203 = tpu.memref_slice %arg13[%add3A_29, %dma_wait3A_202] : memref<10240x64xf32, #tpu.memory_space<vmem_shared>> -> memref<125x64xf32, #tpu.memory_space<vmem_shared>>
      %dma_wait3A_204 = arith.constant 0 : i32
      %dma_wait3A_205 = tpu.memref_slice %arg13[%add3A_29, %dma_wait3A_204] : memref<10240x64xf32, #tpu.memory_space<vmem_shared>> -> memref<125x64xf32, #tpu.memory_space<vmem_shared>>
      tpu.wait_dma2 semaphore(%run_scoped3A : memref<!tpu.dma_semaphore, #tpu.memory_space<semaphore_mem>>) src(%arg8 : memref<125x64xf32, #tpu.memory_space<vmem>>) dst(%dma_wait3A_205 : memref<125x64xf32, #tpu.memory_space<vmem_shared>>)
      tpu.yield
    }) : () -> ()
    %mul3A_30 = arith.constant 640 : i32
    %mul3A_31 = arith.muli %arg1, %mul3A_30 : i32
    %add3A_32 = arith.constant 625 : i32
    %add3A_33 = arith.addi %mul3A_31, %add3A_32 : i32
    "tpu.region"() ({
      %run_scoped3A = tpu.sem_alloc : memref<!tpu.dma_semaphore, #tpu.memory_space<semaphore_mem>>
      %dma_start3A_198 = arith.constant 0 : i32
      %dma_start3A_199 = arith.constant 0 : i32
      %dma_start3A_200 = tpu.memref_slice %arg8[%dma_start3A_198, %dma_start3A_199] : memref<125x64xf32, #tpu.memory_space<vmem>> -> memref<15x64xf32, #tpu.memory_space<vmem>>
      %dma_start3A_201 = arith.constant 0 : i32
      %dma_start3A_202 = tpu.memref_slice %arg13[%add3A_33, %dma_start3A_201] : memref<10240x64xf32, #tpu.memory_space<vmem_shared>> -> memref<15x64xf32, #tpu.memory_space<vmem_shared>>
      %dma_start3A_203 = arith.constant 0 : i32
      %dma_start3A_204 = tpu.memref_slice %arg13[%add3A_33, %dma_start3A_203] : memref<10240x64xf32, #tpu.memory_space<vmem_shared>> -> memref<15x64xf32, #tpu.memory_space<vmem_shared>>
      %dma_start3A_205 = arith.constant 0 : i32
      %dma_start3A_206 = arith.constant 0 : i32
      %dma_start3A_207 = tpu.memref_slice %arg8[%dma_start3A_205, %dma_start3A_206] : memref<125x64xf32, #tpu.memory_space<vmem>> -> memref<15x64xf32, #tpu.memory_space<vmem>>
      tpu.enqueue_dma source(%dma_start3A_207 : memref<15x64xf32, #tpu.memory_space<vmem>>) target(%dma_start3A_204 : memref<15x64xf32, #tpu.memory_space<vmem_shared>>) target_semaphore(%run_scoped3A : memref<!tpu.dma_semaphore, #tpu.memory_space<semaphore_mem>>)
      %dma_wait3A_208 = arith.constant 0 : i32
      %dma_wait3A_209 = arith.constant 0 : i32
      %dma_wait3A_210 = tpu.memref_slice %arg8[%dma_wait3A_208, %dma_wait3A_209] : memref<125x64xf32, #tpu.memory_space<vmem>> -> memref<15x64xf32, #tpu.memory_space<vmem>>
      %dma_wait3A_211 = arith.constant 0 : i32
      %dma_wait3A_212 = tpu.memref_slice %arg13[%add3A_33, %dma_wait3A_211] : memref<10240x64xf32, #tpu.memory_space<vmem_shared>> -> memref<15x64xf32, #tpu.memory_space<vmem_shared>>
      %dma_wait3A_213 = arith.constant 0 : i32
      %dma_wait3A_214 = tpu.memref_slice %arg13[%add3A_33, %dma_wait3A_213] : memref<10240x64xf32, #tpu.memory_space<vmem_shared>> -> memref<15x64xf32, #tpu.memory_space<vmem_shared>>
      %dma_wait3A_215 = arith.constant 0 : i32
      %dma_wait3A_216 = arith.constant 0 : i32
      %dma_wait3A_217 = tpu.memref_slice %arg8[%dma_wait3A_215, %dma_wait3A_216] : memref<125x64xf32, #tpu.memory_space<vmem>> -> memref<15x64xf32, #tpu.memory_space<vmem>>
      tpu.wait_dma2 semaphore(%run_scoped3A : memref<!tpu.dma_semaphore, #tpu.memory_space<semaphore_mem>>) src(%dma_wait3A_217 : memref<15x64xf32, #tpu.memory_space<vmem>>) dst(%dma_wait3A_214 : memref<15x64xf32, #tpu.memory_space<vmem_shared>>)
      tpu.yield
    }) : () -> ()
    %barrier3A = arith.constant 0 : index
    tpu.barrier barrier_id(%barrier3A)
    %dma_start3A = arith.constant 0 : i32
    %dma_start3A_34 = arith.constant 0 : i32
    %dma_start3A_35 = tpu.memref_slice %arg6[%dma_start3A, %dma_start3A_34] : memref<80x125xi32, #tpu.memory_space<vmem>> -> memref<1x125xi32, #tpu.memory_space<vmem>>
    %dma_start3A_36 = tpu.memref_squeeze %dma_start3A_35 : memref<1x125xi32, #tpu.memory_space<vmem>> -> memref<125xi32, #tpu.memory_space<vmem>>
    %dma_start3A_37 = arith.constant 0 : i32
    %dma_start3A_38 = arith.constant 0 : i32
    %dma_start3A_39 = tpu.memref_slice %arg2[%dma_start3A_37, %dma_start3A_38] : memref<10000x64xf32, #tpu.memory_space<hbm>> -> memref<10000x64xf32, #tpu.memory_space<hbm>>
    tpu.enqueue_indirect_dma source(%dma_start3A_39 : memref<10000x64xf32, #tpu.memory_space<hbm>>) target(%arg8 : memref<125x64xf32, #tpu.memory_space<vmem>>) offsets(%dma_start3A_36 : memref<125xi32, #tpu.memory_space<vmem>>) semaphore(%arg14 : memref<!tpu.dma_semaphore, #tpu.memory_space<semaphore_mem>>)
    %dma_start3A_40 = arith.constant 1 : i32
    %dma_start3A_41 = arith.constant 0 : i32
    %dma_start3A_42 = tpu.memref_slice %arg6[%dma_start3A_40, %dma_start3A_41] : memref<80x125xi32, #tpu.memory_space<vmem>> -> memref<1x125xi32, #tpu.memory_space<vmem>>
    %dma_start3A_43 = tpu.memref_squeeze %dma_start3A_42 : memref<1x125xi32, #tpu.memory_space<vmem>> -> memref<125xi32, #tpu.memory_space<vmem>>
    %dma_start3A_44 = arith.constant 0 : i32
    %dma_start3A_45 = arith.constant 0 : i32
    %dma_start3A_46 = tpu.memref_slice %arg2[%dma_start3A_44, %dma_start3A_45] : memref<10000x64xf32, #tpu.memory_space<hbm>> -> memref<10000x64xf32, #tpu.memory_space<hbm>>
    tpu.enqueue_indirect_dma source(%dma_start3A_46 : memref<10000x64xf32, #tpu.memory_space<hbm>>) target(%arg9 : memref<125x64xf32, #tpu.memory_space<vmem>>) offsets(%dma_start3A_43 : memref<125xi32, #tpu.memory_space<vmem>>) semaphore(%arg15 : memref<!tpu.dma_semaphore, #tpu.memory_space<semaphore_mem>>)
    %dma_start3A_47 = arith.constant 2 : i32
    %dma_start3A_48 = arith.constant 0 : i32
    %dma_start3A_49 = tpu.memref_slice %arg6[%dma_start3A_47, %dma_start3A_48] : memref<80x125xi32, #tpu.memory_space<vmem>> -> memref<1x125xi32, #tpu.memory_space<vmem>>
    %dma_start3A_50 = tpu.memref_squeeze %dma_start3A_49 : memref<1x125xi32, #tpu.memory_space<vmem>> -> memref<125xi32, #tpu.memory_space<vmem>>
    %dma_start3A_51 = arith.constant 0 : i32
    %dma_start3A_52 = arith.constant 0 : i32
    %dma_start3A_53 = tpu.memref_slice %arg2[%dma_start3A_51, %dma_start3A_52] : memref<10000x64xf32, #tpu.memory_space<hbm>> -> memref<10000x64xf32, #tpu.memory_space<hbm>>
    tpu.enqueue_indirect_dma source(%dma_start3A_53 : memref<10000x64xf32, #tpu.memory_space<hbm>>) target(%arg10 : memref<125x64xf32, #tpu.memory_space<vmem>>) offsets(%dma_start3A_50 : memref<125xi32, #tpu.memory_space<vmem>>) semaphore(%arg16 : memref<!tpu.dma_semaphore, #tpu.memory_space<semaphore_mem>>)
    %dma_wait3A = arith.constant 0 : i32
    %dma_wait3A_54 = arith.constant 0 : i32
    %dma_wait3A_55 = tpu.memref_slice %arg6[%dma_wait3A, %dma_wait3A_54] : memref<80x125xi32, #tpu.memory_space<vmem>> -> memref<1x125xi32, #tpu.memory_space<vmem>>
    %dma_wait3A_56 = tpu.memref_squeeze %dma_wait3A_55 : memref<1x125xi32, #tpu.memory_space<vmem>> -> memref<125xi32, #tpu.memory_space<vmem>>
    %dma_wait3A_57 = arith.constant 0 : i32
    %dma_wait3A_58 = arith.constant 0 : i32
    %dma_wait3A_59 = tpu.memref_slice %arg2[%dma_wait3A_57, %dma_wait3A_58] : memref<10000x64xf32, #tpu.memory_space<hbm>> -> memref<10000x64xf32, #tpu.memory_space<hbm>>
    tpu.wait_indirect_dma semaphore(%arg14 : memref<!tpu.dma_semaphore, #tpu.memory_space<semaphore_mem>>) src(%dma_wait3A_59 : memref<10000x64xf32, #tpu.memory_space<hbm>>) dst(%arg8 : memref<125x64xf32, #tpu.memory_space<vmem>>)
    %dma_start3A_60 = arith.constant 0 : i32
    %dma_start3A_61 = arith.constant 0 : i32
    %dma_start3A_62 = tpu.memref_slice %arg7[%dma_start3A_60, %dma_start3A_61] : memref<80x125xi32, #tpu.memory_space<vmem>> -> memref<1x125xi32, #tpu.memory_space<vmem>>
    %dma_start3A_63 = tpu.memref_squeeze %dma_start3A_62 : memref<1x125xi32, #tpu.memory_space<vmem>> -> memref<125xi32, #tpu.memory_space<vmem>>
    %dma_start3A_64 = arith.constant 0 : i32
    %dma_start3A_65 = arith.constant 0 : i32
    %dma_start3A_66 = tpu.memref_slice %arg13[%dma_start3A_64, %dma_start3A_65] : memref<10240x64xf32, #tpu.memory_space<vmem_shared>> -> memref<10240x64xf32, #tpu.memory_space<vmem_shared>>
    tpu.enqueue_indirect_dma source(%arg8 : memref<125x64xf32, #tpu.memory_space<vmem>>) target(%dma_start3A_66 : memref<10240x64xf32, #tpu.memory_space<vmem_shared>>) offsets(%dma_start3A_63 : memref<125xi32, #tpu.memory_space<vmem>>) semaphore(%arg14 : memref<!tpu.dma_semaphore, #tpu.memory_space<semaphore_mem>>) {add = true}
    %dma_start3A_67 = arith.constant 3 : i32
    %dma_start3A_68 = arith.constant 0 : i32
    %dma_start3A_69 = tpu.memref_slice %arg6[%dma_start3A_67, %dma_start3A_68] : memref<80x125xi32, #tpu.memory_space<vmem>> -> memref<1x125xi32, #tpu.memory_space<vmem>>
    %dma_start3A_70 = tpu.memref_squeeze %dma_start3A_69 : memref<1x125xi32, #tpu.memory_space<vmem>> -> memref<125xi32, #tpu.memory_space<vmem>>
    %dma_start3A_71 = arith.constant 0 : i32
    %dma_start3A_72 = arith.constant 0 : i32
    %dma_start3A_73 = tpu.memref_slice %arg2[%dma_start3A_71, %dma_start3A_72] : memref<10000x64xf32, #tpu.memory_space<hbm>> -> memref<10000x64xf32, #tpu.memory_space<hbm>>
    tpu.enqueue_indirect_dma source(%dma_start3A_73 : memref<10000x64xf32, #tpu.memory_space<hbm>>) target(%arg11 : memref<125x64xf32, #tpu.memory_space<vmem>>) offsets(%dma_start3A_70 : memref<125xi32, #tpu.memory_space<vmem>>) semaphore(%arg17 : memref<!tpu.dma_semaphore, #tpu.memory_space<semaphore_mem>>)
    %dma_wait3A_74 = arith.constant 1 : i32
    %dma_wait3A_75 = arith.constant 0 : i32
    %dma_wait3A_76 = tpu.memref_slice %arg6[%dma_wait3A_74, %dma_wait3A_75] : memref<80x125xi32, #tpu.memory_space<vmem>> -> memref<1x125xi32, #tpu.memory_space<vmem>>
    %dma_wait3A_77 = tpu.memref_squeeze %dma_wait3A_76 : memref<1x125xi32, #tpu.memory_space<vmem>> -> memref<125xi32, #tpu.memory_space<vmem>>
    %dma_wait3A_78 = arith.constant 0 : i32
    %dma_wait3A_79 = arith.constant 0 : i32
    %dma_wait3A_80 = tpu.memref_slice %arg2[%dma_wait3A_78, %dma_wait3A_79] : memref<10000x64xf32, #tpu.memory_space<hbm>> -> memref<10000x64xf32, #tpu.memory_space<hbm>>
    tpu.wait_indirect_dma semaphore(%arg15 : memref<!tpu.dma_semaphore, #tpu.memory_space<semaphore_mem>>) src(%dma_wait3A_80 : memref<10000x64xf32, #tpu.memory_space<hbm>>) dst(%arg9 : memref<125x64xf32, #tpu.memory_space<vmem>>)
    %dma_start3A_81 = arith.constant 1 : i32
    %dma_start3A_82 = arith.constant 0 : i32
    %dma_start3A_83 = tpu.memref_slice %arg7[%dma_start3A_81, %dma_start3A_82] : memref<80x125xi32, #tpu.memory_space<vmem>> -> memref<1x125xi32, #tpu.memory_space<vmem>>
    %dma_start3A_84 = tpu.memref_squeeze %dma_start3A_83 : memref<1x125xi32, #tpu.memory_space<vmem>> -> memref<125xi32, #tpu.memory_space<vmem>>
    %dma_start3A_85 = arith.constant 0 : i32
    %dma_start3A_86 = arith.constant 0 : i32
    %dma_start3A_87 = tpu.memref_slice %arg13[%dma_start3A_85, %dma_start3A_86] : memref<10240x64xf32, #tpu.memory_space<vmem_shared>> -> memref<10240x64xf32, #tpu.memory_space<vmem_shared>>
    tpu.enqueue_indirect_dma source(%arg9 : memref<125x64xf32, #tpu.memory_space<vmem>>) target(%dma_start3A_87 : memref<10240x64xf32, #tpu.memory_space<vmem_shared>>) offsets(%dma_start3A_84 : memref<125xi32, #tpu.memory_space<vmem>>) semaphore(%arg15 : memref<!tpu.dma_semaphore, #tpu.memory_space<semaphore_mem>>) {add = true}
    %dma_start3A_88 = arith.constant 4 : i32
    %dma_start3A_89 = arith.constant 0 : i32
    %dma_start3A_90 = tpu.memref_slice %arg6[%dma_start3A_88, %dma_start3A_89] : memref<80x125xi32, #tpu.memory_space<vmem>> -> memref<1x125xi32, #tpu.memory_space<vmem>>
    %dma_start3A_91 = tpu.memref_squeeze %dma_start3A_90 : memref<1x125xi32, #tpu.memory_space<vmem>> -> memref<125xi32, #tpu.memory_space<vmem>>
    %dma_start3A_92 = arith.constant 0 : i32
    %dma_start3A_93 = arith.constant 0 : i32
    %dma_start3A_94 = tpu.memref_slice %arg2[%dma_start3A_92, %dma_start3A_93] : memref<10000x64xf32, #tpu.memory_space<hbm>> -> memref<10000x64xf32, #tpu.memory_space<hbm>>
    tpu.enqueue_indirect_dma source(%dma_start3A_94 : memref<10000x64xf32, #tpu.memory_space<hbm>>) target(%arg12 : memref<125x64xf32, #tpu.memory_space<vmem>>) offsets(%dma_start3A_91 : memref<125xi32, #tpu.memory_space<vmem>>) semaphore(%arg18 : memref<!tpu.dma_semaphore, #tpu.memory_space<semaphore_mem>>)
    %dma_wait3A_95 = arith.constant 2 : i32
    %dma_wait3A_96 = arith.constant 0 : i32
    %dma_wait3A_97 = tpu.memref_slice %arg6[%dma_wait3A_95, %dma_wait3A_96] : memref<80x125xi32, #tpu.memory_space<vmem>> -> memref<1x125xi32, #tpu.memory_space<vmem>>
    %dma_wait3A_98 = tpu.memref_squeeze %dma_wait3A_97 : memref<1x125xi32, #tpu.memory_space<vmem>> -> memref<125xi32, #tpu.memory_space<vmem>>
    %dma_wait3A_99 = arith.constant 0 : i32
    %dma_wait3A_100 = arith.constant 0 : i32
    %dma_wait3A_101 = tpu.memref_slice %arg2[%dma_wait3A_99, %dma_wait3A_100] : memref<10000x64xf32, #tpu.memory_space<hbm>> -> memref<10000x64xf32, #tpu.memory_space<hbm>>
    tpu.wait_indirect_dma semaphore(%arg16 : memref<!tpu.dma_semaphore, #tpu.memory_space<semaphore_mem>>) src(%dma_wait3A_101 : memref<10000x64xf32, #tpu.memory_space<hbm>>) dst(%arg10 : memref<125x64xf32, #tpu.memory_space<vmem>>)
    %dma_start3A_102 = arith.constant 2 : i32
    %dma_start3A_103 = arith.constant 0 : i32
    %dma_start3A_104 = tpu.memref_slice %arg7[%dma_start3A_102, %dma_start3A_103] : memref<80x125xi32, #tpu.memory_space<vmem>> -> memref<1x125xi32, #tpu.memory_space<vmem>>
    %dma_start3A_105 = tpu.memref_squeeze %dma_start3A_104 : memref<1x125xi32, #tpu.memory_space<vmem>> -> memref<125xi32, #tpu.memory_space<vmem>>
    %dma_start3A_106 = arith.constant 0 : i32
    %dma_start3A_107 = arith.constant 0 : i32
    %dma_start3A_108 = tpu.memref_slice %arg13[%dma_start3A_106, %dma_start3A_107] : memref<10240x64xf32, #tpu.memory_space<vmem_shared>> -> memref<10240x64xf32, #tpu.memory_space<vmem_shared>>
    tpu.enqueue_indirect_dma source(%arg10 : memref<125x64xf32, #tpu.memory_space<vmem>>) target(%dma_start3A_108 : memref<10240x64xf32, #tpu.memory_space<vmem_shared>>) offsets(%dma_start3A_105 : memref<125xi32, #tpu.memory_space<vmem>>) semaphore(%arg16 : memref<!tpu.dma_semaphore, #tpu.memory_space<semaphore_mem>>) {add = true}
    %dma_wait3A_109 = arith.constant 0 : i32
    %dma_wait3A_110 = arith.constant 0 : i32
    %dma_wait3A_111 = tpu.memref_slice %arg7[%dma_wait3A_109, %dma_wait3A_110] : memref<80x125xi32, #tpu.memory_space<vmem>> -> memref<1x125xi32, #tpu.memory_space<vmem>>
    %dma_wait3A_112 = tpu.memref_squeeze %dma_wait3A_111 : memref<1x125xi32, #tpu.memory_space<vmem>> -> memref<125xi32, #tpu.memory_space<vmem>>
    %dma_wait3A_113 = arith.constant 0 : i32
    %dma_wait3A_114 = arith.constant 0 : i32
    %dma_wait3A_115 = tpu.memref_slice %arg13[%dma_wait3A_113, %dma_wait3A_114] : memref<10240x64xf32, #tpu.memory_space<vmem_shared>> -> memref<10240x64xf32, #tpu.memory_space<vmem_shared>>
    tpu.wait_indirect_dma semaphore(%arg14 : memref<!tpu.dma_semaphore, #tpu.memory_space<semaphore_mem>>) src(%arg8 : memref<125x64xf32, #tpu.memory_space<vmem>>) dst(%dma_wait3A_115 : memref<10240x64xf32, #tpu.memory_space<vmem_shared>>)
    %dma_start3A_116 = arith.constant 5 : i32
    %dma_start3A_117 = arith.constant 0 : i32
    %dma_start3A_118 = tpu.memref_slice %arg6[%dma_start3A_116, %dma_start3A_117] : memref<80x125xi32, #tpu.memory_space<vmem>> -> memref<1x125xi32, #tpu.memory_space<vmem>>
    %dma_start3A_119 = tpu.memref_squeeze %dma_start3A_118 : memref<1x125xi32, #tpu.memory_space<vmem>> -> memref<125xi32, #tpu.memory_space<vmem>>
    %dma_start3A_120 = arith.constant 0 : i32
    %dma_start3A_121 = arith.constant 0 : i32
    %dma_start3A_122 = tpu.memref_slice %arg2[%dma_start3A_120, %dma_start3A_121] : memref<10000x64xf32, #tpu.memory_space<hbm>> -> memref<10000x64xf32, #tpu.memory_space<hbm>>
    tpu.enqueue_indirect_dma source(%dma_start3A_122 : memref<10000x64xf32, #tpu.memory_space<hbm>>) target(%arg8 : memref<125x64xf32, #tpu.memory_space<vmem>>) offsets(%dma_start3A_119 : memref<125xi32, #tpu.memory_space<vmem>>) semaphore(%arg14 : memref<!tpu.dma_semaphore, #tpu.memory_space<semaphore_mem>>)
    %dma_wait3A_123 = arith.constant 3 : i32
    %dma_wait3A_124 = arith.constant 0 : i32
    %dma_wait3A_125 = tpu.memref_slice %arg6[%dma_wait3A_123, %dma_wait3A_124] : memref<80x125xi32, #tpu.memory_space<vmem>> -> memref<1x125xi32, #tpu.memory_space<vmem>>
    %dma_wait3A_126 = tpu.memref_squeeze %dma_wait3A_125 : memref<1x125xi32, #tpu.memory_space<vmem>> -> memref<125xi32, #tpu.memory_space<vmem>>
    %dma_wait3A_127 = arith.constant 0 : i32
    %dma_wait3A_128 = arith.constant 0 : i32
    %dma_wait3A_129 = tpu.memref_slice %arg2[%dma_wait3A_127, %dma_wait3A_128] : memref<10000x64xf32, #tpu.memory_space<hbm>> -> memref<10000x64xf32, #tpu.memory_space<hbm>>
    tpu.wait_indirect_dma semaphore(%arg17 : memref<!tpu.dma_semaphore, #tpu.memory_space<semaphore_mem>>) src(%dma_wait3A_129 : memref<10000x64xf32, #tpu.memory_space<hbm>>) dst(%arg11 : memref<125x64xf32, #tpu.memory_space<vmem>>)
    %dma_start3A_130 = arith.constant 3 : i32
    %dma_start3A_131 = arith.constant 0 : i32
    %dma_start3A_132 = tpu.memref_slice %arg7[%dma_start3A_130, %dma_start3A_131] : memref<80x125xi32, #tpu.memory_space<vmem>> -> memref<1x125xi32, #tpu.memory_space<vmem>>
    %dma_start3A_133 = tpu.memref_squeeze %dma_start3A_132 : memref<1x125xi32, #tpu.memory_space<vmem>> -> memref<125xi32, #tpu.memory_space<vmem>>
    %dma_start3A_134 = arith.constant 0 : i32
    %dma_start3A_135 = arith.constant 0 : i32
    %dma_start3A_136 = tpu.memref_slice %arg13[%dma_start3A_134, %dma_start3A_135] : memref<10240x64xf32, #tpu.memory_space<vmem_shared>> -> memref<10240x64xf32, #tpu.memory_space<vmem_shared>>
    tpu.enqueue_indirect_dma source(%arg11 : memref<125x64xf32, #tpu.memory_space<vmem>>) target(%dma_start3A_136 : memref<10240x64xf32, #tpu.memory_space<vmem_shared>>) offsets(%dma_start3A_133 : memref<125xi32, #tpu.memory_space<vmem>>) semaphore(%arg17 : memref<!tpu.dma_semaphore, #tpu.memory_space<semaphore_mem>>) {add = true}
    %dma_wait3A_137 = arith.constant 1 : i32
    %dma_wait3A_138 = arith.constant 0 : i32
    %dma_wait3A_139 = tpu.memref_slice %arg7[%dma_wait3A_137, %dma_wait3A_138] : memref<80x125xi32, #tpu.memory_space<vmem>> -> memref<1x125xi32, #tpu.memory_space<vmem>>
    %dma_wait3A_140 = tpu.memref_squeeze %dma_wait3A_139 : memref<1x125xi32, #tpu.memory_space<vmem>> -> memref<125xi32, #tpu.memory_space<vmem>>
    %dma_wait3A_141 = arith.constant 0 : i32
    %dma_wait3A_142 = arith.constant 0 : i32
    %dma_wait3A_143 = tpu.memref_slice %arg13[%dma_wait3A_141, %dma_wait3A_142] : memref<10240x64xf32, #tpu.memory_space<vmem_shared>> -> memref<10240x64xf32, #tpu.memory_space<vmem_shared>>
    tpu.wait_indirect_dma semaphore(%arg15 : memref<!tpu.dma_semaphore, #tpu.memory_space<semaphore_mem>>) src(%arg9 : memref<125x64xf32, #tpu.memory_space<vmem>>) dst(%dma_wait3A_143 : memref<10240x64xf32, #tpu.memory_space<vmem_shared>>)
    %dma_start3A_144 = arith.constant 6 : i32
    %dma_start3A_145 = arith.constant 0 : i32
    %dma_start3A_146 = tpu.memref_slice %arg6[%dma_start3A_144, %dma_start3A_145] : memref<80x125xi32, #tpu.memory_space<vmem>> -> memref<1x125xi32, #tpu.memory_space<vmem>>
    %dma_start3A_147 = tpu.memref_squeeze %dma_start3A_146 : memref<1x125xi32, #tpu.memory_space<vmem>> -> memref<125xi32, #tpu.memory_space<vmem>>
    %dma_start3A_148 = arith.constant 0 : i32
    %dma_start3A_149 = arith.constant 0 : i32
    %dma_start3A_150 = tpu.memref_slice %arg2[%dma_start3A_148, %dma_start3A_149] : memref<10000x64xf32, #tpu.memory_space<hbm>> -> memref<10000x64xf32, #tpu.memory_space<hbm>>
    tpu.enqueue_indirect_dma source(%dma_start3A_150 : memref<10000x64xf32, #tpu.memory_space<hbm>>) target(%arg9 : memref<125x64xf32, #tpu.memory_space<vmem>>) offsets(%dma_start3A_147 : memref<125xi32, #tpu.memory_space<vmem>>) semaphore(%arg15 : memref<!tpu.dma_semaphore, #tpu.memory_space<semaphore_mem>>)
    %dma_wait3A_151 = arith.constant 4 : i32
    %dma_wait3A_152 = arith.constant 0 : i32
    %dma_wait3A_153 = tpu.memref_slice %arg6[%dma_wait3A_151, %dma_wait3A_152] : memref<80x125xi32, #tpu.memory_space<vmem>> -> memref<1x125xi32, #tpu.memory_space<vmem>>
    %dma_wait3A_154 = tpu.memref_squeeze %dma_wait3A_153 : memref<1x125xi32, #tpu.memory_space<vmem>> -> memref<125xi32, #tpu.memory_space<vmem>>
    %dma_wait3A_155 = arith.constant 0 : i32
    %dma_wait3A_156 = arith.constant 0 : i32
    %dma_wait3A_157 = tpu.memref_slice %arg2[%dma_wait3A_155, %dma_wait3A_156] : memref<10000x64xf32, #tpu.memory_space<hbm>> -> memref<10000x64xf32, #tpu.memory_space<hbm>>
    tpu.wait_indirect_dma semaphore(%arg18 : memref<!tpu.dma_semaphore, #tpu.memory_space<semaphore_mem>>) src(%dma_wait3A_157 : memref<10000x64xf32, #tpu.memory_space<hbm>>) dst(%arg12 : memref<125x64xf32, #tpu.memory_space<vmem>>)
    %dma_start3A_158 = arith.constant 4 : i32
    %dma_start3A_159 = arith.constant 0 : i32
    %dma_start3A_160 = tpu.memref_slice %arg7[%dma_start3A_158, %dma_start3A_159] : memref<80x125xi32, #tpu.memory_space<vmem>> -> memref<1x125xi32, #tpu.memory_space<vmem>>
    %dma_start3A_161 = tpu.memref_squeeze %dma_start3A_160 : memref<1x125xi32, #tpu.memory_space<vmem>> -> memref<125xi32, #tpu.memory_space<vmem>>
    %dma_start3A_162 = arith.constant 0 : i32
    %dma_start3A_163 = arith.constant 0 : i32
    %dma_start3A_164 = tpu.memref_slice %arg13[%dma_start3A_162, %dma_start3A_163] : memref<10240x64xf32, #tpu.memory_space<vmem_shared>> -> memref<10240x64xf32, #tpu.memory_space<vmem_shared>>
    tpu.enqueue_indirect_dma source(%arg12 : memref<125x64xf32, #tpu.memory_space<vmem>>) target(%dma_start3A_164 : memref<10240x64xf32, #tpu.memory_space<vmem_shared>>) offsets(%dma_start3A_161 : memref<125xi32, #tpu.memory_space<vmem>>) semaphore(%arg18 : memref<!tpu.dma_semaphore, #tpu.memory_space<semaphore_mem>>) {add = true}
    %scan3A_165 = arith.constant 0 : i32
    %scan3A_166 = arith.constant 1 : i32
    %scan3A_167 = arith.constant 15 : i32
    %scan3A_168 = arith.addi %scan3A_166, %scan3A_167 : i32
    %scan3A_169 = arith.constant 1 : i32
    %scan3A_170 = scf.for %scan3A_198 = %scan3A_166 to %scan3A_168 step %scan3A_169 iter_args(%scan3A_199 = %scan3A_165) -> (i32)  : i32 {
      %mul3A_200 = arith.constant 5 : i32
      %mul3A_201 = arith.muli %scan3A_198, %mul3A_200 : i32
      %add3A_202 = arith.constant 0 : i32
      %add3A_203 = arith.addi %mul3A_201, %add3A_202 : i32
      %sub3A = arith.constant 3 : i32
      %sub3A_204 = arith.subi %add3A_203, %sub3A : i32
      %dma_wait3A_205 = arith.constant 0 : i32
      %dma_wait3A_206 = tpu.memref_slice %arg7[%sub3A_204, %dma_wait3A_205] : memref<80x125xi32, #tpu.memory_space<vmem>> -> memref<1x125xi32, #tpu.memory_space<vmem>>
      %dma_wait3A_207 = tpu.memref_squeeze %dma_wait3A_206 : memref<1x125xi32, #tpu.memory_space<vmem>> -> memref<125xi32, #tpu.memory_space<vmem>>
      %dma_wait3A_208 = arith.constant 0 : i32
      %dma_wait3A_209 = arith.constant 0 : i32
      %dma_wait3A_210 = tpu.memref_slice %arg13[%dma_wait3A_208, %dma_wait3A_209] : memref<10240x64xf32, #tpu.memory_space<vmem_shared>> -> memref<10240x64xf32, #tpu.memory_space<vmem_shared>>
      tpu.wait_indirect_dma semaphore(%arg16 : memref<!tpu.dma_semaphore, #tpu.memory_space<semaphore_mem>>) src(%arg10 : memref<125x64xf32, #tpu.memory_space<vmem>>) dst(%dma_wait3A_210 : memref<10240x64xf32, #tpu.memory_space<vmem_shared>>)
      %add3A_211 = arith.constant 2 : i32
      %add3A_212 = arith.addi %add3A_203, %add3A_211 : i32
      %lt3A = arith.constant 80 : i32
      %lt3A_213 = arith.cmpi slt, %add3A_212, %lt3A : i32
      %convert_element_type3A = arith.extui %lt3A_213 : i1 to i32
      %cond3A = arith.constant 0 : i32
      %cond3A_214 = arith.cmpi ne, %convert_element_type3A, %cond3A : i32
      scf.if %cond3A_214 {
        %add3A_344 = arith.constant 2 : i32
        %add3A_345 = arith.addi %add3A_203, %add3A_344 : i32
        %dma_start3A_346 = arith.constant 0 : i32
        %dma_start3A_347 = tpu.memref_slice %arg6[%add3A_345, %dma_start3A_346] : memref<80x125xi32, #tpu.memory_space<vmem>> -> memref<1x125xi32, #tpu.memory_space<vmem>>
        %dma_start3A_348 = tpu.memref_squeeze %dma_start3A_347 : memref<1x125xi32, #tpu.memory_space<vmem>> -> memref<125xi32, #tpu.memory_space<vmem>>
        %dma_start3A_349 = arith.constant 0 : i32
        %dma_start3A_350 = arith.constant 0 : i32
        %dma_start3A_351 = tpu.memref_slice %arg2[%dma_start3A_349, %dma_start3A_350] : memref<10000x64xf32, #tpu.memory_space<hbm>> -> memref<10000x64xf32, #tpu.memory_space<hbm>>
        tpu.enqueue_indirect_dma source(%dma_start3A_351 : memref<10000x64xf32, #tpu.memory_space<hbm>>) target(%arg10 : memref<125x64xf32, #tpu.memory_space<vmem>>) offsets(%dma_start3A_348 : memref<125xi32, #tpu.memory_space<vmem>>) semaphore(%arg16 : memref<!tpu.dma_semaphore, #tpu.memory_space<semaphore_mem>>)
      } else {
      }
      %dma_wait3A_215 = arith.constant 0 : i32
      %dma_wait3A_216 = tpu.memref_slice %arg6[%add3A_203, %dma_wait3A_215] : memref<80x125xi32, #tpu.memory_space<vmem>> -> memref<1x125xi32, #tpu.memory_space<vmem>>
      %dma_wait3A_217 = tpu.memref_squeeze %dma_wait3A_216 : memref<1x125xi32, #tpu.memory_space<vmem>> -> memref<125xi32, #tpu.memory_space<vmem>>
      %dma_wait3A_218 = arith.constant 0 : i32
      %dma_wait3A_219 = arith.constant 0 : i32
      %dma_wait3A_220 = tpu.memref_slice %arg2[%dma_wait3A_218, %dma_wait3A_219] : memref<10000x64xf32, #tpu.memory_space<hbm>> -> memref<10000x64xf32, #tpu.memory_space<hbm>>
      tpu.wait_indirect_dma semaphore(%arg14 : memref<!tpu.dma_semaphore, #tpu.memory_space<semaphore_mem>>) src(%dma_wait3A_220 : memref<10000x64xf32, #tpu.memory_space<hbm>>) dst(%arg8 : memref<125x64xf32, #tpu.memory_space<vmem>>)
      %dma_start3A_221 = arith.constant 0 : i32
      %dma_start3A_222 = tpu.memref_slice %arg7[%add3A_203, %dma_start3A_221] : memref<80x125xi32, #tpu.memory_space<vmem>> -> memref<1x125xi32, #tpu.memory_space<vmem>>
      %dma_start3A_223 = tpu.memref_squeeze %dma_start3A_222 : memref<1x125xi32, #tpu.memory_space<vmem>> -> memref<125xi32, #tpu.memory_space<vmem>>
      %dma_start3A_224 = arith.constant 0 : i32
      %dma_start3A_225 = arith.constant 0 : i32
      %dma_start3A_226 = tpu.memref_slice %arg13[%dma_start3A_224, %dma_start3A_225] : memref<10240x64xf32, #tpu.memory_space<vmem_shared>> -> memref<10240x64xf32, #tpu.memory_space<vmem_shared>>
      tpu.enqueue_indirect_dma source(%arg8 : memref<125x64xf32, #tpu.memory_space<vmem>>) target(%dma_start3A_226 : memref<10240x64xf32, #tpu.memory_space<vmem_shared>>) offsets(%dma_start3A_223 : memref<125xi32, #tpu.memory_space<vmem>>) semaphore(%arg14 : memref<!tpu.dma_semaphore, #tpu.memory_space<semaphore_mem>>) {add = true}
      %add3A_227 = arith.constant 1 : i32
      %add3A_228 = arith.addi %mul3A_201, %add3A_227 : i32
      %sub3A_229 = arith.constant 3 : i32
      %sub3A_230 = arith.subi %add3A_228, %sub3A_229 : i32
      %dma_wait3A_231 = arith.constant 0 : i32
      %dma_wait3A_232 = tpu.memref_slice %arg7[%sub3A_230, %dma_wait3A_231] : memref<80x125xi32, #tpu.memory_space<vmem>> -> memref<1x125xi32, #tpu.memory_space<vmem>>
      %dma_wait3A_233 = tpu.memref_squeeze %dma_wait3A_232 : memref<1x125xi32, #tpu.memory_space<vmem>> -> memref<125xi32, #tpu.memory_space<vmem>>
      %dma_wait3A_234 = arith.constant 0 : i32
      %dma_wait3A_235 = arith.constant 0 : i32
      %dma_wait3A_236 = tpu.memref_slice %arg13[%dma_wait3A_234, %dma_wait3A_235] : memref<10240x64xf32, #tpu.memory_space<vmem_shared>> -> memref<10240x64xf32, #tpu.memory_space<vmem_shared>>
      tpu.wait_indirect_dma semaphore(%arg17 : memref<!tpu.dma_semaphore, #tpu.memory_space<semaphore_mem>>) src(%arg11 : memref<125x64xf32, #tpu.memory_space<vmem>>) dst(%dma_wait3A_236 : memref<10240x64xf32, #tpu.memory_space<vmem_shared>>)
      %add3A_237 = arith.constant 2 : i32
      %add3A_238 = arith.addi %add3A_228, %add3A_237 : i32
      %lt3A_239 = arith.constant 80 : i32
      %lt3A_240 = arith.cmpi slt, %add3A_238, %lt3A_239 : i32
      %convert_element_type3A_241 = arith.extui %lt3A_240 : i1 to i32
      %cond3A_242 = arith.constant 0 : i32
      %cond3A_243 = arith.cmpi ne, %convert_element_type3A_241, %cond3A_242 : i32
      scf.if %cond3A_243 {
        %add3A_344 = arith.constant 2 : i32
        %add3A_345 = arith.addi %add3A_228, %add3A_344 : i32
        %dma_start3A_346 = arith.constant 0 : i32
        %dma_start3A_347 = tpu.memref_slice %arg6[%add3A_345, %dma_start3A_346] : memref<80x125xi32, #tpu.memory_space<vmem>> -> memref<1x125xi32, #tpu.memory_space<vmem>>
        %dma_start3A_348 = tpu.memref_squeeze %dma_start3A_347 : memref<1x125xi32, #tpu.memory_space<vmem>> -> memref<125xi32, #tpu.memory_space<vmem>>
        %dma_start3A_349 = arith.constant 0 : i32
        %dma_start3A_350 = arith.constant 0 : i32
        %dma_start3A_351 = tpu.memref_slice %arg2[%dma_start3A_349, %dma_start3A_350] : memref<10000x64xf32, #tpu.memory_space<hbm>> -> memref<10000x64xf32, #tpu.memory_space<hbm>>
        tpu.enqueue_indirect_dma source(%dma_start3A_351 : memref<10000x64xf32, #tpu.memory_space<hbm>>) target(%arg11 : memref<125x64xf32, #tpu.memory_space<vmem>>) offsets(%dma_start3A_348 : memref<125xi32, #tpu.memory_space<vmem>>) semaphore(%arg17 : memref<!tpu.dma_semaphore, #tpu.memory_space<semaphore_mem>>)
      } else {
      }
      %dma_wait3A_244 = arith.constant 0 : i32
      %dma_wait3A_245 = tpu.memref_slice %arg6[%add3A_228, %dma_wait3A_244] : memref<80x125xi32, #tpu.memory_space<vmem>> -> memref<1x125xi32, #tpu.memory_space<vmem>>
      %dma_wait3A_246 = tpu.memref_squeeze %dma_wait3A_245 : memref<1x125xi32, #tpu.memory_space<vmem>> -> memref<125xi32, #tpu.memory_space<vmem>>
      %dma_wait3A_247 = arith.constant 0 : i32
      %dma_wait3A_248 = arith.constant 0 : i32
      %dma_wait3A_249 = tpu.memref_slice %arg2[%dma_wait3A_247, %dma_wait3A_248] : memref<10000x64xf32, #tpu.memory_space<hbm>> -> memref<10000x64xf32, #tpu.memory_space<hbm>>
      tpu.wait_indirect_dma semaphore(%arg15 : memref<!tpu.dma_semaphore, #tpu.memory_space<semaphore_mem>>) src(%dma_wait3A_249 : memref<10000x64xf32, #tpu.memory_space<hbm>>) dst(%arg9 : memref<125x64xf32, #tpu.memory_space<vmem>>)
      %dma_start3A_250 = arith.constant 0 : i32
      %dma_start3A_251 = tpu.memref_slice %arg7[%add3A_228, %dma_start3A_250] : memref<80x125xi32, #tpu.memory_space<vmem>> -> memref<1x125xi32, #tpu.memory_space<vmem>>
      %dma_start3A_252 = tpu.memref_squeeze %dma_start3A_251 : memref<1x125xi32, #tpu.memory_space<vmem>> -> memref<125xi32, #tpu.memory_space<vmem>>
      %dma_start3A_253 = arith.constant 0 : i32
      %dma_start3A_254 = arith.constant 0 : i32
      %dma_start3A_255 = tpu.memref_slice %arg13[%dma_start3A_253, %dma_start3A_254] : memref<10240x64xf32, #tpu.memory_space<vmem_shared>> -> memref<10240x64xf32, #tpu.memory_space<vmem_shared>>
      tpu.enqueue_indirect_dma source(%arg9 : memref<125x64xf32, #tpu.memory_space<vmem>>) target(%dma_start3A_255 : memref<10240x64xf32, #tpu.memory_space<vmem_shared>>) offsets(%dma_start3A_252 : memref<125xi32, #tpu.memory_space<vmem>>) semaphore(%arg15 : memref<!tpu.dma_semaphore, #tpu.memory_space<semaphore_mem>>) {add = true}
      %add3A_256 = arith.constant 2 : i32
      %add3A_257 = arith.addi %mul3A_201, %add3A_256 : i32
      %sub3A_258 = arith.constant 3 : i32
      %sub3A_259 = arith.subi %add3A_257, %sub3A_258 : i32
      %dma_wait3A_260 = arith.constant 0 : i32
      %dma_wait3A_261 = tpu.memref_slice %arg7[%sub3A_259, %dma_wait3A_260] : memref<80x125xi32, #tpu.memory_space<vmem>> -> memref<1x125xi32, #tpu.memory_space<vmem>>
      %dma_wait3A_262 = tpu.memref_squeeze %dma_wait3A_261 : memref<1x125xi32, #tpu.memory_space<vmem>> -> memref<125xi32, #tpu.memory_space<vmem>>
      %dma_wait3A_263 = arith.constant 0 : i32
      %dma_wait3A_264 = arith.constant 0 : i32
      %dma_wait3A_265 = tpu.memref_slice %arg13[%dma_wait3A_263, %dma_wait3A_264] : memref<10240x64xf32, #tpu.memory_space<vmem_shared>> -> memref<10240x64xf32, #tpu.memory_space<vmem_shared>>
      tpu.wait_indirect_dma semaphore(%arg18 : memref<!tpu.dma_semaphore, #tpu.memory_space<semaphore_mem>>) src(%arg12 : memref<125x64xf32, #tpu.memory_space<vmem>>) dst(%dma_wait3A_265 : memref<10240x64xf32, #tpu.memory_space<vmem_shared>>)
      %add3A_266 = arith.constant 2 : i32
      %add3A_267 = arith.addi %add3A_257, %add3A_266 : i32
      %lt3A_268 = arith.constant 80 : i32
      %lt3A_269 = arith.cmpi slt, %add3A_267, %lt3A_268 : i32
      %convert_element_type3A_270 = arith.extui %lt3A_269 : i1 to i32
      %cond3A_271 = arith.constant 0 : i32
      %cond3A_272 = arith.cmpi ne, %convert_element_type3A_270, %cond3A_271 : i32
      scf.if %cond3A_272 {
        %add3A_344 = arith.constant 2 : i32
        %add3A_345 = arith.addi %add3A_257, %add3A_344 : i32
        %dma_start3A_346 = arith.constant 0 : i32
        %dma_start3A_347 = tpu.memref_slice %arg6[%add3A_345, %dma_start3A_346] : memref<80x125xi32, #tpu.memory_space<vmem>> -> memref<1x125xi32, #tpu.memory_space<vmem>>
        %dma_start3A_348 = tpu.memref_squeeze %dma_start3A_347 : memref<1x125xi32, #tpu.memory_space<vmem>> -> memref<125xi32, #tpu.memory_space<vmem>>
        %dma_start3A_349 = arith.constant 0 : i32
        %dma_start3A_350 = arith.constant 0 : i32
        %dma_start3A_351 = tpu.memref_slice %arg2[%dma_start3A_349, %dma_start3A_350] : memref<10000x64xf32, #tpu.memory_space<hbm>> -> memref<10000x64xf32, #tpu.memory_space<hbm>>
        tpu.enqueue_indirect_dma source(%dma_start3A_351 : memref<10000x64xf32, #tpu.memory_space<hbm>>) target(%arg12 : memref<125x64xf32, #tpu.memory_space<vmem>>) offsets(%dma_start3A_348 : memref<125xi32, #tpu.memory_space<vmem>>) semaphore(%arg18 : memref<!tpu.dma_semaphore, #tpu.memory_space<semaphore_mem>>)
      } else {
      }
      %dma_wait3A_273 = arith.constant 0 : i32
      %dma_wait3A_274 = tpu.memref_slice %arg6[%add3A_257, %dma_wait3A_273] : memref<80x125xi32, #tpu.memory_space<vmem>> -> memref<1x125xi32, #tpu.memory_space<vmem>>
      %dma_wait3A_275 = tpu.memref_squeeze %dma_wait3A_274 : memref<1x125xi32, #tpu.memory_space<vmem>> -> memref<125xi32, #tpu.memory_space<vmem>>
      %dma_wait3A_276 = arith.constant 0 : i32
      %dma_wait3A_277 = arith.constant 0 : i32
      %dma_wait3A_278 = tpu.memref_slice %arg2[%dma_wait3A_276, %dma_wait3A_277] : memref<10000x64xf32, #tpu.memory_space<hbm>> -> memref<10000x64xf32, #tpu.memory_space<hbm>>
      tpu.wait_indirect_dma semaphore(%arg16 : memref<!tpu.dma_semaphore, #tpu.memory_space<semaphore_mem>>) src(%dma_wait3A_278 : memref<10000x64xf32, #tpu.memory_space<hbm>>) dst(%arg10 : memref<125x64xf32, #tpu.memory_space<vmem>>)
      %dma_start3A_279 = arith.constant 0 : i32
      %dma_start3A_280 = tpu.memref_slice %arg7[%add3A_257, %dma_start3A_279] : memref<80x125xi32, #tpu.memory_space<vmem>> -> memref<1x125xi32, #tpu.memory_space<vmem>>
      %dma_start3A_281 = tpu.memref_squeeze %dma_start3A_280 : memref<1x125xi32, #tpu.memory_space<vmem>> -> memref<125xi32, #tpu.memory_space<vmem>>
      %dma_start3A_282 = arith.constant 0 : i32
      %dma_start3A_283 = arith.constant 0 : i32
      %dma_start3A_284 = tpu.memref_slice %arg13[%dma_start3A_282, %dma_start3A_283] : memref<10240x64xf32, #tpu.memory_space<vmem_shared>> -> memref<10240x64xf32, #tpu.memory_space<vmem_shared>>
      tpu.enqueue_indirect_dma source(%arg10 : memref<125x64xf32, #tpu.memory_space<vmem>>) target(%dma_start3A_284 : memref<10240x64xf32, #tpu.memory_space<vmem_shared>>) offsets(%dma_start3A_281 : memref<125xi32, #tpu.memory_space<vmem>>) semaphore(%arg16 : memref<!tpu.dma_semaphore, #tpu.memory_space<semaphore_mem>>) {add = true}
      %add3A_285 = arith.constant 3 : i32
      %add3A_286 = arith.addi %mul3A_201, %add3A_285 : i32
      %sub3A_287 = arith.constant 3 : i32
      %sub3A_288 = arith.subi %add3A_286, %sub3A_287 : i32
      %dma_wait3A_289 = arith.constant 0 : i32
      %dma_wait3A_290 = tpu.memref_slice %arg7[%sub3A_288, %dma_wait3A_289] : memref<80x125xi32, #tpu.memory_space<vmem>> -> memref<1x125xi32, #tpu.memory_space<vmem>>
      %dma_wait3A_291 = tpu.memref_squeeze %dma_wait3A_290 : memref<1x125xi32, #tpu.memory_space<vmem>> -> memref<125xi32, #tpu.memory_space<vmem>>
      %dma_wait3A_292 = arith.constant 0 : i32
      %dma_wait3A_293 = arith.constant 0 : i32
      %dma_wait3A_294 = tpu.memref_slice %arg13[%dma_wait3A_292, %dma_wait3A_293] : memref<10240x64xf32, #tpu.memory_space<vmem_shared>> -> memref<10240x64xf32, #tpu.memory_space<vmem_shared>>
      tpu.wait_indirect_dma semaphore(%arg14 : memref<!tpu.dma_semaphore, #tpu.memory_space<semaphore_mem>>) src(%arg8 : memref<125x64xf32, #tpu.memory_space<vmem>>) dst(%dma_wait3A_294 : memref<10240x64xf32, #tpu.memory_space<vmem_shared>>)
      %add3A_295 = arith.constant 2 : i32
      %add3A_296 = arith.addi %add3A_286, %add3A_295 : i32
      %lt3A_297 = arith.constant 80 : i32
      %lt3A_298 = arith.cmpi slt, %add3A_296, %lt3A_297 : i32
      %convert_element_type3A_299 = arith.extui %lt3A_298 : i1 to i32
      %cond3A_300 = arith.constant 0 : i32
      %cond3A_301 = arith.cmpi ne, %convert_element_type3A_299, %cond3A_300 : i32
      scf.if %cond3A_301 {
        %add3A_344 = arith.constant 2 : i32
        %add3A_345 = arith.addi %add3A_286, %add3A_344 : i32
        %dma_start3A_346 = arith.constant 0 : i32
        %dma_start3A_347 = tpu.memref_slice %arg6[%add3A_345, %dma_start3A_346] : memref<80x125xi32, #tpu.memory_space<vmem>> -> memref<1x125xi32, #tpu.memory_space<vmem>>
        %dma_start3A_348 = tpu.memref_squeeze %dma_start3A_347 : memref<1x125xi32, #tpu.memory_space<vmem>> -> memref<125xi32, #tpu.memory_space<vmem>>
        %dma_start3A_349 = arith.constant 0 : i32
        %dma_start3A_350 = arith.constant 0 : i32
        %dma_start3A_351 = tpu.memref_slice %arg2[%dma_start3A_349, %dma_start3A_350] : memref<10000x64xf32, #tpu.memory_space<hbm>> -> memref<10000x64xf32, #tpu.memory_space<hbm>>
        tpu.enqueue_indirect_dma source(%dma_start3A_351 : memref<10000x64xf32, #tpu.memory_space<hbm>>) target(%arg8 : memref<125x64xf32, #tpu.memory_space<vmem>>) offsets(%dma_start3A_348 : memref<125xi32, #tpu.memory_space<vmem>>) semaphore(%arg14 : memref<!tpu.dma_semaphore, #tpu.memory_space<semaphore_mem>>)
      } else {
      }
      %dma_wait3A_302 = arith.constant 0 : i32
      %dma_wait3A_303 = tpu.memref_slice %arg6[%add3A_286, %dma_wait3A_302] : memref<80x125xi32, #tpu.memory_space<vmem>> -> memref<1x125xi32, #tpu.memory_space<vmem>>
      %dma_wait3A_304 = tpu.memref_squeeze %dma_wait3A_303 : memref<1x125xi32, #tpu.memory_space<vmem>> -> memref<125xi32, #tpu.memory_space<vmem>>
      %dma_wait3A_305 = arith.constant 0 : i32
      %dma_wait3A_306 = arith.constant 0 : i32
      %dma_wait3A_307 = tpu.memref_slice %arg2[%dma_wait3A_305, %dma_wait3A_306] : memref<10000x64xf32, #tpu.memory_space<hbm>> -> memref<10000x64xf32, #tpu.memory_space<hbm>>
      tpu.wait_indirect_dma semaphore(%arg17 : memref<!tpu.dma_semaphore, #tpu.memory_space<semaphore_mem>>) src(%dma_wait3A_307 : memref<10000x64xf32, #tpu.memory_space<hbm>>) dst(%arg11 : memref<125x64xf32, #tpu.memory_space<vmem>>)
      %dma_start3A_308 = arith.constant 0 : i32
      %dma_start3A_309 = tpu.memref_slice %arg7[%add3A_286, %dma_start3A_308] : memref<80x125xi32, #tpu.memory_space<vmem>> -> memref<1x125xi32, #tpu.memory_space<vmem>>
      %dma_start3A_310 = tpu.memref_squeeze %dma_start3A_309 : memref<1x125xi32, #tpu.memory_space<vmem>> -> memref<125xi32, #tpu.memory_space<vmem>>
      %dma_start3A_311 = arith.constant 0 : i32
      %dma_start3A_312 = arith.constant 0 : i32
      %dma_start3A_313 = tpu.memref_slice %arg13[%dma_start3A_311, %dma_start3A_312] : memref<10240x64xf32, #tpu.memory_space<vmem_shared>> -> memref<10240x64xf32, #tpu.memory_space<vmem_shared>>
      tpu.enqueue_indirect_dma source(%arg11 : memref<125x64xf32, #tpu.memory_space<vmem>>) target(%dma_start3A_313 : memref<10240x64xf32, #tpu.memory_space<vmem_shared>>) offsets(%dma_start3A_310 : memref<125xi32, #tpu.memory_space<vmem>>) semaphore(%arg17 : memref<!tpu.dma_semaphore, #tpu.memory_space<semaphore_mem>>) {add = true}
      %add3A_314 = arith.constant 4 : i32
      %add3A_315 = arith.addi %mul3A_201, %add3A_314 : i32
      %sub3A_316 = arith.constant 3 : i32
      %sub3A_317 = arith.subi %add3A_315, %sub3A_316 : i32
      %dma_wait3A_318 = arith.constant 0 : i32
      %dma_wait3A_319 = tpu.memref_slice %arg7[%sub3A_317, %dma_wait3A_318] : memref<80x125xi32, #tpu.memory_space<vmem>> -> memref<1x125xi32, #tpu.memory_space<vmem>>
      %dma_wait3A_320 = tpu.memref_squeeze %dma_wait3A_319 : memref<1x125xi32, #tpu.memory_space<vmem>> -> memref<125xi32, #tpu.memory_space<vmem>>
      %dma_wait3A_321 = arith.constant 0 : i32
      %dma_wait3A_322 = arith.constant 0 : i32
      %dma_wait3A_323 = tpu.memref_slice %arg13[%dma_wait3A_321, %dma_wait3A_322] : memref<10240x64xf32, #tpu.memory_space<vmem_shared>> -> memref<10240x64xf32, #tpu.memory_space<vmem_shared>>
      tpu.wait_indirect_dma semaphore(%arg15 : memref<!tpu.dma_semaphore, #tpu.memory_space<semaphore_mem>>) src(%arg9 : memref<125x64xf32, #tpu.memory_space<vmem>>) dst(%dma_wait3A_323 : memref<10240x64xf32, #tpu.memory_space<vmem_shared>>)
      %add3A_324 = arith.constant 2 : i32
      %add3A_325 = arith.addi %add3A_315, %add3A_324 : i32
      %lt3A_326 = arith.constant 80 : i32
      %lt3A_327 = arith.cmpi slt, %add3A_325, %lt3A_326 : i32
      %convert_element_type3A_328 = arith.extui %lt3A_327 : i1 to i32
      %cond3A_329 = arith.constant 0 : i32
      %cond3A_330 = arith.cmpi ne, %convert_element_type3A_328, %cond3A_329 : i32
      scf.if %cond3A_330 {
        %add3A_344 = arith.constant 2 : i32
        %add3A_345 = arith.addi %add3A_315, %add3A_344 : i32
        %dma_start3A_346 = arith.constant 0 : i32
        %dma_start3A_347 = tpu.memref_slice %arg6[%add3A_345, %dma_start3A_346] : memref<80x125xi32, #tpu.memory_space<vmem>> -> memref<1x125xi32, #tpu.memory_space<vmem>>
        %dma_start3A_348 = tpu.memref_squeeze %dma_start3A_347 : memref<1x125xi32, #tpu.memory_space<vmem>> -> memref<125xi32, #tpu.memory_space<vmem>>
        %dma_start3A_349 = arith.constant 0 : i32
        %dma_start3A_350 = arith.constant 0 : i32
        %dma_start3A_351 = tpu.memref_slice %arg2[%dma_start3A_349, %dma_start3A_350] : memref<10000x64xf32, #tpu.memory_space<hbm>> -> memref<10000x64xf32, #tpu.memory_space<hbm>>
        tpu.enqueue_indirect_dma source(%dma_start3A_351 : memref<10000x64xf32, #tpu.memory_space<hbm>>) target(%arg9 : memref<125x64xf32, #tpu.memory_space<vmem>>) offsets(%dma_start3A_348 : memref<125xi32, #tpu.memory_space<vmem>>) semaphore(%arg15 : memref<!tpu.dma_semaphore, #tpu.memory_space<semaphore_mem>>)
      } else {
      }
      %dma_wait3A_331 = arith.constant 0 : i32
      %dma_wait3A_332 = tpu.memref_slice %arg6[%add3A_315, %dma_wait3A_331] : memref<80x125xi32, #tpu.memory_space<vmem>> -> memref<1x125xi32, #tpu.memory_space<vmem>>
      %dma_wait3A_333 = tpu.memref_squeeze %dma_wait3A_332 : memref<1x125xi32, #tpu.memory_space<vmem>> -> memref<125xi32, #tpu.memory_space<vmem>>
      %dma_wait3A_334 = arith.constant 0 : i32
      %dma_wait3A_335 = arith.constant 0 : i32
      %dma_wait3A_336 = tpu.memref_slice %arg2[%dma_wait3A_334, %dma_wait3A_335] : memref<10000x64xf32, #tpu.memory_space<hbm>> -> memref<10000x64xf32, #tpu.memory_space<hbm>>
      tpu.wait_indirect_dma semaphore(%arg18 : memref<!tpu.dma_semaphore, #tpu.memory_space<semaphore_mem>>) src(%dma_wait3A_336 : memref<10000x64xf32, #tpu.memory_space<hbm>>) dst(%arg12 : memref<125x64xf32, #tpu.memory_space<vmem>>)
      %dma_start3A_337 = arith.constant 0 : i32
      %dma_start3A_338 = tpu.memref_slice %arg7[%add3A_315, %dma_start3A_337] : memref<80x125xi32, #tpu.memory_space<vmem>> -> memref<1x125xi32, #tpu.memory_space<vmem>>
      %dma_start3A_339 = tpu.memref_squeeze %dma_start3A_338 : memref<1x125xi32, #tpu.memory_space<vmem>> -> memref<125xi32, #tpu.memory_space<vmem>>
      %dma_start3A_340 = arith.constant 0 : i32
      %dma_start3A_341 = arith.constant 0 : i32
      %dma_start3A_342 = tpu.memref_slice %arg13[%dma_start3A_340, %dma_start3A_341] : memref<10240x64xf32, #tpu.memory_space<vmem_shared>> -> memref<10240x64xf32, #tpu.memory_space<vmem_shared>>
      tpu.enqueue_indirect_dma source(%arg12 : memref<125x64xf32, #tpu.memory_space<vmem>>) target(%dma_start3A_342 : memref<10240x64xf32, #tpu.memory_space<vmem_shared>>) offsets(%dma_start3A_339 : memref<125xi32, #tpu.memory_space<vmem>>) semaphore(%arg18 : memref<!tpu.dma_semaphore, #tpu.memory_space<semaphore_mem>>) {add = true}
      %scan3A_343 = arith.constant 0 : i32
      scf.yield %scan3A_343 : i32
    }
    %scan3A_171 = arith.constant 15 : i32
    %dma_wait3A_172 = arith.constant 77 : i32
    %dma_wait3A_173 = arith.constant 0 : i32
    %dma_wait3A_174 = tpu.memref_slice %arg7[%dma_wait3A_172, %dma_wait3A_173] : memref<80x125xi32, #tpu.memory_space<vmem>> -> memref<1x125xi32, #tpu.memory_space<vmem>>
    %dma_wait3A_175 = tpu.memref_squeeze %dma_wait3A_174 : memref<1x125xi32, #tpu.memory_space<vmem>> -> memref<125xi32, #tpu.memory_space<vmem>>
    %dma_wait3A_176 = arith.constant 0 : i32
    %dma_wait3A_177 = arith.constant 0 : i32
    %dma_wait3A_178 = tpu.memref_slice %arg13[%dma_wait3A_176, %dma_wait3A_177] : memref<10240x64xf32, #tpu.memory_space<vmem_shared>> -> memref<10240x64xf32, #tpu.memory_space<vmem_shared>>
    tpu.wait_indirect_dma semaphore(%arg16 : memref<!tpu.dma_semaphore, #tpu.memory_space<semaphore_mem>>) src(%arg10 : memref<125x64xf32, #tpu.memory_space<vmem>>) dst(%dma_wait3A_178 : memref<10240x64xf32, #tpu.memory_space<vmem_shared>>)
    %dma_wait3A_179 = arith.constant 78 : i32
    %dma_wait3A_180 = arith.constant 0 : i32
    %dma_wait3A_181 = tpu.memref_slice %arg7[%dma_wait3A_179, %dma_wait3A_180] : memref<80x125xi32, #tpu.memory_space<vmem>> -> memref<1x125xi32, #tpu.memory_space<vmem>>
    %dma_wait3A_182 = tpu.memref_squeeze %dma_wait3A_181 : memref<1x125xi32, #tpu.memory_space<vmem>> -> memref<125xi32, #tpu.memory_space<vmem>>
    %dma_wait3A_183 = arith.constant 0 : i32
    %dma_wait3A_184 = arith.constant 0 : i32
    %dma_wait3A_185 = tpu.memref_slice %arg13[%dma_wait3A_183, %dma_wait3A_184] : memref<10240x64xf32, #tpu.memory_space<vmem_shared>> -> memref<10240x64xf32, #tpu.memory_space<vmem_shared>>
    tpu.wait_indirect_dma semaphore(%arg17 : memref<!tpu.dma_semaphore, #tpu.memory_space<semaphore_mem>>) src(%arg11 : memref<125x64xf32, #tpu.memory_space<vmem>>) dst(%dma_wait3A_185 : memref<10240x64xf32, #tpu.memory_space<vmem_shared>>)
    %dma_wait3A_186 = arith.constant 79 : i32
    %dma_wait3A_187 = arith.constant 0 : i32
    %dma_wait3A_188 = tpu.memref_slice %arg7[%dma_wait3A_186, %dma_wait3A_187] : memref<80x125xi32, #tpu.memory_space<vmem>> -> memref<1x125xi32, #tpu.memory_space<vmem>>
    %dma_wait3A_189 = tpu.memref_squeeze %dma_wait3A_188 : memref<1x125xi32, #tpu.memory_space<vmem>> -> memref<125xi32, #tpu.memory_space<vmem>>
    %dma_wait3A_190 = arith.constant 0 : i32
    %dma_wait3A_191 = arith.constant 0 : i32
    %dma_wait3A_192 = tpu.memref_slice %arg13[%dma_wait3A_190, %dma_wait3A_191] : memref<10240x64xf32, #tpu.memory_space<vmem_shared>> -> memref<10240x64xf32, #tpu.memory_space<vmem_shared>>
    tpu.wait_indirect_dma semaphore(%arg18 : memref<!tpu.dma_semaphore, #tpu.memory_space<semaphore_mem>>) src(%arg12 : memref<125x64xf32, #tpu.memory_space<vmem>>) dst(%dma_wait3A_192 : memref<10240x64xf32, #tpu.memory_space<vmem_shared>>)
    %barrier3A_193 = arith.constant 0 : index
    tpu.barrier barrier_id(%barrier3A_193)
    %mul3A_194 = arith.constant 640 : i32
    %mul3A_195 = arith.muli %arg1, %mul3A_194 : i32
    %mul3A_196 = arith.constant 640 : i32
    %mul3A_197 = arith.muli %arg1, %mul3A_196 : i32
    "tpu.region"() ({
      %run_scoped3A = tpu.sem_alloc : memref<!tpu.dma_semaphore, #tpu.memory_space<semaphore_mem>>
      %dma_start3A_198 = arith.constant 0 : i32
      %dma_start3A_199 = tpu.memref_slice %arg5[%arg0, %mul3A_197, %dma_start3A_198] : memref<2x10240x64xf32, #tpu.memory_space<hbm>> -> memref<1x640x64xf32, #tpu.memory_space<hbm>>
      %dma_start3A_200 = tpu.memref_squeeze %dma_start3A_199 : memref<1x640x64xf32, #tpu.memory_space<hbm>> -> memref<640x64xf32, #tpu.memory_space<hbm>>
      %dma_start3A_201 = arith.constant 0 : i32
      %dma_start3A_202 = tpu.memref_slice %arg13[%mul3A_195, %dma_start3A_201] : memref<10240x64xf32, #tpu.memory_space<vmem_shared>> -> memref<640x64xf32, #tpu.memory_space<vmem_shared>>
      tpu.enqueue_dma source(%dma_start3A_202 : memref<640x64xf32, #tpu.memory_space<vmem_shared>>) target(%dma_start3A_200 : memref<640x64xf32, #tpu.memory_space<hbm>>) target_semaphore(%run_scoped3A : memref<!tpu.dma_semaphore, #tpu.memory_space<semaphore_mem>>)
      %dma_wait3A_203 = arith.constant 0 : i32
      %dma_wait3A_204 = tpu.memref_slice %arg5[%arg0, %mul3A_197, %dma_wait3A_203] : memref<2x10240x64xf32, #tpu.memory_space<hbm>> -> memref<1x640x64xf32, #tpu.memory_space<hbm>>
      %dma_wait3A_205 = tpu.memref_squeeze %dma_wait3A_204 : memref<1x640x64xf32, #tpu.memory_space<hbm>> -> memref<640x64xf32, #tpu.memory_space<hbm>>
      %dma_wait3A_206 = arith.constant 0 : i32
      %dma_wait3A_207 = tpu.memref_slice %arg13[%mul3A_195, %dma_wait3A_206] : memref<10240x64xf32, #tpu.memory_space<vmem_shared>> -> memref<640x64xf32, #tpu.memory_space<vmem_shared>>
      tpu.wait_dma2 semaphore(%run_scoped3A : memref<!tpu.dma_semaphore, #tpu.memory_space<semaphore_mem>>) src(%dma_wait3A_207 : memref<640x64xf32, #tpu.memory_space<vmem_shared>>) dst(%dma_wait3A_205 : memref<640x64xf32, #tpu.memory_space<hbm>>)
      tpu.yield
    }) : () -> ()
    return
  }
}

#map = affine_map<(d0, d1) -> (0, 0)>
#map1 = affine_map<(d0, d1) -> (0, 0, 0)>
module attributes {stable_mosaic.version = 14 : i64} {
  func.func @_spmm_body(%arg0: i32, %arg1: i32, %arg2: memref<10000x128xf32, #tpu.memory_space<hbm>>, %arg3: memref<10000x128xf32, #tpu.memory_space<hbm>>, %arg4: memref<2560x125xi32, #tpu.memory_space<hbm>>, %arg5: memref<2560x125xi32, #tpu.memory_space<hbm>>, %arg6: memref<2x10240x128xf32, #tpu.memory_space<hbm>>, %arg7: memref<40x125xi32, #tpu.memory_space<vmem>>, %arg8: memref<40x125xi32, #tpu.memory_space<vmem>>, %arg9: memref<125x128xf32, #tpu.memory_space<vmem>>, %arg10: memref<125x128xf32, #tpu.memory_space<vmem>>, %arg11: memref<10240x128xf32, #tpu.memory_space<vmem_shared>>, %arg12: memref<!tpu.dma_semaphore, #tpu.memory_space<semaphore_mem>>, %arg13: memref<!tpu.dma_semaphore, #tpu.memory_space<semaphore_mem>>) attributes {dimension_semantics = [#tpu.dimension_semantics<core_parallel>, #tpu.dimension_semantics<subcore_parallel>], iteration_bounds = array<i64: 2, 16>, scalar_prefetch = 0 : i64, scratch_operands = 7 : i64, tpu.core_type = #tpu.core_type<sc_vector_subcore>, window_params = [{transform_indices = #map}, {transform_indices = #map}, {transform_indices = #map}, {transform_indices = #map}, {transform_indices = #map1}]} {
    %mul3A = arith.constant 160 : i32
    %mul3A_0 = arith.muli %arg1, %mul3A : i32
    %broadcast_in_dim3A = arith.constant 0.000000e+00 : f32
    %broadcast_in_dim3A_1 = vector.broadcast %broadcast_in_dim3A : f32 to vector<16xf32>
    %scan3A = arith.constant 0 : i32
    %scan3A_2 = arith.constant 0 : i32
    %scan3A_3 = arith.constant 125 : i32
    %scan3A_4 = arith.addi %scan3A_2, %scan3A_3 : i32
    %scan3A_5 = arith.constant 1 : i32
    %scan3A_6 = scf.for %scan3A_43 = %scan3A_2 to %scan3A_4 step %scan3A_5 iter_args(%scan3A_44 = %scan3A) -> (i32)  : i32 {
      %swap3A = arith.index_cast %scan3A_43 : i32 to index
      %swap3A_45 = arith.constant 0 : index
      %swap3A_46 = tpu.vector_load %arg9[%swap3A, %swap3A_45] {strides = array<i32>} : memref<125x128xf32, #tpu.memory_space<vmem>>, vector<1x16xf32>,
      %swap3A_47 = vector.shape_cast %swap3A_46 : vector<1x16xf32> to vector<16xf32>
      %swap3A_48 = vector.shape_cast %broadcast_in_dim3A_1 : vector<16xf32> to vector<1x16xf32>
      tpu.vector_store %arg9[%swap3A, %swap3A_45], %swap3A_48 {strides = array<i32>} : memref<125x128xf32, #tpu.memory_space<vmem>>, vector<1x16xf32>,
      %swap3A_49 = arith.index_cast %scan3A_43 : i32 to index
      %swap3A_50 = arith.constant 16 : index
      %swap3A_51 = tpu.vector_load %arg9[%swap3A_49, %swap3A_50] {strides = array<i32>} : memref<125x128xf32, #tpu.memory_space<vmem>>, vector<1x16xf32>,
      %swap3A_52 = vector.shape_cast %swap3A_51 : vector<1x16xf32> to vector<16xf32>
      %swap3A_53 = vector.shape_cast %broadcast_in_dim3A_1 : vector<16xf32> to vector<1x16xf32>
      tpu.vector_store %arg9[%swap3A_49, %swap3A_50], %swap3A_53 {strides = array<i32>} : memref<125x128xf32, #tpu.memory_space<vmem>>, vector<1x16xf32>,
      %swap3A_54 = arith.index_cast %scan3A_43 : i32 to index
      %swap3A_55 = arith.constant 32 : index
      %swap3A_56 = tpu.vector_load %arg9[%swap3A_54, %swap3A_55] {strides = array<i32>} : memref<125x128xf32, #tpu.memory_space<vmem>>, vector<1x16xf32>,
      %swap3A_57 = vector.shape_cast %swap3A_56 : vector<1x16xf32> to vector<16xf32>
      %swap3A_58 = vector.shape_cast %broadcast_in_dim3A_1 : vector<16xf32> to vector<1x16xf32>
      tpu.vector_store %arg9[%swap3A_54, %swap3A_55], %swap3A_58 {strides = array<i32>} : memref<125x128xf32, #tpu.memory_space<vmem>>, vector<1x16xf32>,
      %swap3A_59 = arith.index_cast %scan3A_43 : i32 to index
      %swap3A_60 = arith.constant 48 : index
      %swap3A_61 = tpu.vector_load %arg9[%swap3A_59, %swap3A_60] {strides = array<i32>} : memref<125x128xf32, #tpu.memory_space<vmem>>, vector<1x16xf32>,
      %swap3A_62 = vector.shape_cast %swap3A_61 : vector<1x16xf32> to vector<16xf32>
      %swap3A_63 = vector.shape_cast %broadcast_in_dim3A_1 : vector<16xf32> to vector<1x16xf32>
      tpu.vector_store %arg9[%swap3A_59, %swap3A_60], %swap3A_63 {strides = array<i32>} : memref<125x128xf32, #tpu.memory_space<vmem>>, vector<1x16xf32>,
      %swap3A_64 = arith.index_cast %scan3A_43 : i32 to index
      %swap3A_65 = arith.constant 64 : index
      %swap3A_66 = tpu.vector_load %arg9[%swap3A_64, %swap3A_65] {strides = array<i32>} : memref<125x128xf32, #tpu.memory_space<vmem>>, vector<1x16xf32>,
      %swap3A_67 = vector.shape_cast %swap3A_66 : vector<1x16xf32> to vector<16xf32>
      %swap3A_68 = vector.shape_cast %broadcast_in_dim3A_1 : vector<16xf32> to vector<1x16xf32>
      tpu.vector_store %arg9[%swap3A_64, %swap3A_65], %swap3A_68 {strides = array<i32>} : memref<125x128xf32, #tpu.memory_space<vmem>>, vector<1x16xf32>,
      %swap3A_69 = arith.index_cast %scan3A_43 : i32 to index
      %swap3A_70 = arith.constant 80 : index
      %swap3A_71 = tpu.vector_load %arg9[%swap3A_69, %swap3A_70] {strides = array<i32>} : memref<125x128xf32, #tpu.memory_space<vmem>>, vector<1x16xf32>,
      %swap3A_72 = vector.shape_cast %swap3A_71 : vector<1x16xf32> to vector<16xf32>
      %swap3A_73 = vector.shape_cast %broadcast_in_dim3A_1 : vector<16xf32> to vector<1x16xf32>
      tpu.vector_store %arg9[%swap3A_69, %swap3A_70], %swap3A_73 {strides = array<i32>} : memref<125x128xf32, #tpu.memory_space<vmem>>, vector<1x16xf32>,
      %swap3A_74 = arith.index_cast %scan3A_43 : i32 to index
      %swap3A_75 = arith.constant 96 : index
      %swap3A_76 = tpu.vector_load %arg9[%swap3A_74, %swap3A_75] {strides = array<i32>} : memref<125x128xf32, #tpu.memory_space<vmem>>, vector<1x16xf32>,
      %swap3A_77 = vector.shape_cast %swap3A_76 : vector<1x16xf32> to vector<16xf32>
      %swap3A_78 = vector.shape_cast %broadcast_in_dim3A_1 : vector<16xf32> to vector<1x16xf32>
      tpu.vector_store %arg9[%swap3A_74, %swap3A_75], %swap3A_78 {strides = array<i32>} : memref<125x128xf32, #tpu.memory_space<vmem>>, vector<1x16xf32>,
      %swap3A_79 = arith.index_cast %scan3A_43 : i32 to index
      %swap3A_80 = arith.constant 112 : index
      %swap3A_81 = tpu.vector_load %arg9[%swap3A_79, %swap3A_80] {strides = array<i32>} : memref<125x128xf32, #tpu.memory_space<vmem>>, vector<1x16xf32>,
      %swap3A_82 = vector.shape_cast %swap3A_81 : vector<1x16xf32> to vector<16xf32>
      %swap3A_83 = vector.shape_cast %broadcast_in_dim3A_1 : vector<16xf32> to vector<1x16xf32>
      tpu.vector_store %arg9[%swap3A_79, %swap3A_80], %swap3A_83 {strides = array<i32>} : memref<125x128xf32, #tpu.memory_space<vmem>>, vector<1x16xf32>,
      %scan3A_84 = arith.constant 0 : i32
      scf.yield %scan3A_84 : i32
    }
    %scan3A_7 = arith.constant 125 : i32
    %mul3A_8 = arith.constant 640 : i32
    %mul3A_9 = arith.muli %arg1, %mul3A_8 : i32
    %add3A = arith.constant 0 : i32
    %add3A_10 = arith.addi %mul3A_9, %add3A : i32
    "tpu.region"() ({
      %run_scoped3A = tpu.sem_alloc : memref<!tpu.dma_semaphore, #tpu.memory_space<semaphore_mem>>
      %dma_start3A = arith.constant 0 : i32
      %dma_start3A_43 = tpu.memref_slice %arg11[%add3A_10, %dma_start3A] : memref<10240x128xf32, #tpu.memory_space<vmem_shared>> -> memref<125x128xf32, #tpu.memory_space<vmem_shared>>
      %dma_start3A_44 = arith.constant 0 : i32
      %dma_start3A_45 = tpu.memref_slice %arg11[%add3A_10, %dma_start3A_44] : memref<10240x128xf32, #tpu.memory_space<vmem_shared>> -> memref<125x128xf32, #tpu.memory_space<vmem_shared>>
      tpu.enqueue_dma source(%arg9 : memref<125x128xf32, #tpu.memory_space<vmem>>) target(%dma_start3A_45 : memref<125x128xf32, #tpu.memory_space<vmem_shared>>) target_semaphore(%run_scoped3A : memref<!tpu.dma_semaphore, #tpu.memory_space<semaphore_mem>>)
      %dma_wait3A = arith.constant 0 : i32
      %dma_wait3A_46 = tpu.memref_slice %arg11[%add3A_10, %dma_wait3A] : memref<10240x128xf32, #tpu.memory_space<vmem_shared>> -> memref<125x128xf32, #tpu.memory_space<vmem_shared>>
      %dma_wait3A_47 = arith.constant 0 : i32
      %dma_wait3A_48 = tpu.memref_slice %arg11[%add3A_10, %dma_wait3A_47] : memref<10240x128xf32, #tpu.memory_space<vmem_shared>> -> memref<125x128xf32, #tpu.memory_space<vmem_shared>>
      tpu.wait_dma2 semaphore(%run_scoped3A : memref<!tpu.dma_semaphore, #tpu.memory_space<semaphore_mem>>) src(%arg9 : memref<125x128xf32, #tpu.memory_space<vmem>>) dst(%dma_wait3A_48 : memref<125x128xf32, #tpu.memory_space<vmem_shared>>)
      tpu.yield
    }) : () -> ()
    %mul3A_11 = arith.constant 640 : i32
    %mul3A_12 = arith.muli %arg1, %mul3A_11 : i32
    %add3A_13 = arith.constant 125 : i32
    %add3A_14 = arith.addi %mul3A_12, %add3A_13 : i32
    "tpu.region"() ({
      %run_scoped3A = tpu.sem_alloc : memref<!tpu.dma_semaphore, #tpu.memory_space<semaphore_mem>>
      %dma_start3A = arith.constant 0 : i32
      %dma_start3A_43 = tpu.memref_slice %arg11[%add3A_14, %dma_start3A] : memref<10240x128xf32, #tpu.memory_space<vmem_shared>> -> memref<125x128xf32, #tpu.memory_space<vmem_shared>>
      %dma_start3A_44 = arith.constant 0 : i32
      %dma_start3A_45 = tpu.memref_slice %arg11[%add3A_14, %dma_start3A_44] : memref<10240x128xf32, #tpu.memory_space<vmem_shared>> -> memref<125x128xf32, #tpu.memory_space<vmem_shared>>
      tpu.enqueue_dma source(%arg9 : memref<125x128xf32, #tpu.memory_space<vmem>>) target(%dma_start3A_45 : memref<125x128xf32, #tpu.memory_space<vmem_shared>>) target_semaphore(%run_scoped3A : memref<!tpu.dma_semaphore, #tpu.memory_space<semaphore_mem>>)
      %dma_wait3A = arith.constant 0 : i32
      %dma_wait3A_46 = tpu.memref_slice %arg11[%add3A_14, %dma_wait3A] : memref<10240x128xf32, #tpu.memory_space<vmem_shared>> -> memref<125x128xf32, #tpu.memory_space<vmem_shared>>
      %dma_wait3A_47 = arith.constant 0 : i32
      %dma_wait3A_48 = tpu.memref_slice %arg11[%add3A_14, %dma_wait3A_47] : memref<10240x128xf32, #tpu.memory_space<vmem_shared>> -> memref<125x128xf32, #tpu.memory_space<vmem_shared>>
      tpu.wait_dma2 semaphore(%run_scoped3A : memref<!tpu.dma_semaphore, #tpu.memory_space<semaphore_mem>>) src(%arg9 : memref<125x128xf32, #tpu.memory_space<vmem>>) dst(%dma_wait3A_48 : memref<125x128xf32, #tpu.memory_space<vmem_shared>>)
      tpu.yield
    }) : () -> ()
    %mul3A_15 = arith.constant 640 : i32
    %mul3A_16 = arith.muli %arg1, %mul3A_15 : i32
    %add3A_17 = arith.constant 250 : i32
    %add3A_18 = arith.addi %mul3A_16, %add3A_17 : i32
    "tpu.region"() ({
      %run_scoped3A = tpu.sem_alloc : memref<!tpu.dma_semaphore, #tpu.memory_space<semaphore_mem>>
      %dma_start3A = arith.constant 0 : i32
      %dma_start3A_43 = tpu.memref_slice %arg11[%add3A_18, %dma_start3A] : memref<10240x128xf32, #tpu.memory_space<vmem_shared>> -> memref<125x128xf32, #tpu.memory_space<vmem_shared>>
      %dma_start3A_44 = arith.constant 0 : i32
      %dma_start3A_45 = tpu.memref_slice %arg11[%add3A_18, %dma_start3A_44] : memref<10240x128xf32, #tpu.memory_space<vmem_shared>> -> memref<125x128xf32, #tpu.memory_space<vmem_shared>>
      tpu.enqueue_dma source(%arg9 : memref<125x128xf32, #tpu.memory_space<vmem>>) target(%dma_start3A_45 : memref<125x128xf32, #tpu.memory_space<vmem_shared>>) target_semaphore(%run_scoped3A : memref<!tpu.dma_semaphore, #tpu.memory_space<semaphore_mem>>)
      %dma_wait3A = arith.constant 0 : i32
      %dma_wait3A_46 = tpu.memref_slice %arg11[%add3A_18, %dma_wait3A] : memref<10240x128xf32, #tpu.memory_space<vmem_shared>> -> memref<125x128xf32, #tpu.memory_space<vmem_shared>>
      %dma_wait3A_47 = arith.constant 0 : i32
      %dma_wait3A_48 = tpu.memref_slice %arg11[%add3A_18, %dma_wait3A_47] : memref<10240x128xf32, #tpu.memory_space<vmem_shared>> -> memref<125x128xf32, #tpu.memory_space<vmem_shared>>
      tpu.wait_dma2 semaphore(%run_scoped3A : memref<!tpu.dma_semaphore, #tpu.memory_space<semaphore_mem>>) src(%arg9 : memref<125x128xf32, #tpu.memory_space<vmem>>) dst(%dma_wait3A_48 : memref<125x128xf32, #tpu.memory_space<vmem_shared>>)
      tpu.yield
    }) : () -> ()
    %mul3A_19 = arith.constant 640 : i32
    %mul3A_20 = arith.muli %arg1, %mul3A_19 : i32
    %add3A_21 = arith.constant 375 : i32
    %add3A_22 = arith.addi %mul3A_20, %add3A_21 : i32
    "tpu.region"() ({
      %run_scoped3A = tpu.sem_alloc : memref<!tpu.dma_semaphore, #tpu.memory_space<semaphore_mem>>
      %dma_start3A = arith.constant 0 : i32
      %dma_start3A_43 = tpu.memref_slice %arg11[%add3A_22, %dma_start3A] : memref<10240x128xf32, #tpu.memory_space<vmem_shared>> -> memref<125x128xf32, #tpu.memory_space<vmem_shared>>
      %dma_start3A_44 = arith.constant 0 : i32
      %dma_start3A_45 = tpu.memref_slice %arg11[%add3A_22, %dma_start3A_44] : memref<10240x128xf32, #tpu.memory_space<vmem_shared>> -> memref<125x128xf32, #tpu.memory_space<vmem_shared>>
      tpu.enqueue_dma source(%arg9 : memref<125x128xf32, #tpu.memory_space<vmem>>) target(%dma_start3A_45 : memref<125x128xf32, #tpu.memory_space<vmem_shared>>) target_semaphore(%run_scoped3A : memref<!tpu.dma_semaphore, #tpu.memory_space<semaphore_mem>>)
      %dma_wait3A = arith.constant 0 : i32
      %dma_wait3A_46 = tpu.memref_slice %arg11[%add3A_22, %dma_wait3A] : memref<10240x128xf32, #tpu.memory_space<vmem_shared>> -> memref<125x128xf32, #tpu.memory_space<vmem_shared>>
      %dma_wait3A_47 = arith.constant 0 : i32
      %dma_wait3A_48 = tpu.memref_slice %arg11[%add3A_22, %dma_wait3A_47] : memref<10240x128xf32, #tpu.memory_space<vmem_shared>> -> memref<125x128xf32, #tpu.memory_space<vmem_shared>>
      tpu.wait_dma2 semaphore(%run_scoped3A : memref<!tpu.dma_semaphore, #tpu.memory_space<semaphore_mem>>) src(%arg9 : memref<125x128xf32, #tpu.memory_space<vmem>>) dst(%dma_wait3A_48 : memref<125x128xf32, #tpu.memory_space<vmem_shared>>)
      tpu.yield
    }) : () -> ()
    %mul3A_23 = arith.constant 640 : i32
    %mul3A_24 = arith.muli %arg1, %mul3A_23 : i32
    %add3A_25 = arith.constant 500 : i32
    %add3A_26 = arith.addi %mul3A_24, %add3A_25 : i32
    "tpu.region"() ({
      %run_scoped3A = tpu.sem_alloc : memref<!tpu.dma_semaphore, #tpu.memory_space<semaphore_mem>>
      %dma_start3A = arith.constant 0 : i32
      %dma_start3A_43 = tpu.memref_slice %arg11[%add3A_26, %dma_start3A] : memref<10240x128xf32, #tpu.memory_space<vmem_shared>> -> memref<125x128xf32, #tpu.memory_space<vmem_shared>>
      %dma_start3A_44 = arith.constant 0 : i32
      %dma_start3A_45 = tpu.memref_slice %arg11[%add3A_26, %dma_start3A_44] : memref<10240x128xf32, #tpu.memory_space<vmem_shared>> -> memref<125x128xf32, #tpu.memory_space<vmem_shared>>
      tpu.enqueue_dma source(%arg9 : memref<125x128xf32, #tpu.memory_space<vmem>>) target(%dma_start3A_45 : memref<125x128xf32, #tpu.memory_space<vmem_shared>>) target_semaphore(%run_scoped3A : memref<!tpu.dma_semaphore, #tpu.memory_space<semaphore_mem>>)
      %dma_wait3A = arith.constant 0 : i32
      %dma_wait3A_46 = tpu.memref_slice %arg11[%add3A_26, %dma_wait3A] : memref<10240x128xf32, #tpu.memory_space<vmem_shared>> -> memref<125x128xf32, #tpu.memory_space<vmem_shared>>
      %dma_wait3A_47 = arith.constant 0 : i32
      %dma_wait3A_48 = tpu.memref_slice %arg11[%add3A_26, %dma_wait3A_47] : memref<10240x128xf32, #tpu.memory_space<vmem_shared>> -> memref<125x128xf32, #tpu.memory_space<vmem_shared>>
      tpu.wait_dma2 semaphore(%run_scoped3A : memref<!tpu.dma_semaphore, #tpu.memory_space<semaphore_mem>>) src(%arg9 : memref<125x128xf32, #tpu.memory_space<vmem>>) dst(%dma_wait3A_48 : memref<125x128xf32, #tpu.memory_space<vmem_shared>>)
      tpu.yield
    }) : () -> ()
    %mul3A_27 = arith.constant 640 : i32
    %mul3A_28 = arith.muli %arg1, %mul3A_27 : i32
    %add3A_29 = arith.constant 625 : i32
    %add3A_30 = arith.addi %mul3A_28, %add3A_29 : i32
    "tpu.region"() ({
      %run_scoped3A = tpu.sem_alloc : memref<!tpu.dma_semaphore, #tpu.memory_space<semaphore_mem>>
      %dma_start3A = arith.constant 0 : i32
      %dma_start3A_43 = arith.constant 0 : i32
      %dma_start3A_44 = tpu.memref_slice %arg9[%dma_start3A, %dma_start3A_43] : memref<125x128xf32, #tpu.memory_space<vmem>> -> memref<15x128xf32, #tpu.memory_space<vmem>>
      %dma_start3A_45 = arith.constant 0 : i32
      %dma_start3A_46 = tpu.memref_slice %arg11[%add3A_30, %dma_start3A_45] : memref<10240x128xf32, #tpu.memory_space<vmem_shared>> -> memref<15x128xf32, #tpu.memory_space<vmem_shared>>
      %dma_start3A_47 = arith.constant 0 : i32
      %dma_start3A_48 = tpu.memref_slice %arg11[%add3A_30, %dma_start3A_47] : memref<10240x128xf32, #tpu.memory_space<vmem_shared>> -> memref<15x128xf32, #tpu.memory_space<vmem_shared>>
      %dma_start3A_49 = arith.constant 0 : i32
      %dma_start3A_50 = arith.constant 0 : i32
      %dma_start3A_51 = tpu.memref_slice %arg9[%dma_start3A_49, %dma_start3A_50] : memref<125x128xf32, #tpu.memory_space<vmem>> -> memref<15x128xf32, #tpu.memory_space<vmem>>
      tpu.enqueue_dma source(%dma_start3A_51 : memref<15x128xf32, #tpu.memory_space<vmem>>) target(%dma_start3A_48 : memref<15x128xf32, #tpu.memory_space<vmem_shared>>) target_semaphore(%run_scoped3A : memref<!tpu.dma_semaphore, #tpu.memory_space<semaphore_mem>>)
      %dma_wait3A = arith.constant 0 : i32
      %dma_wait3A_52 = arith.constant 0 : i32
      %dma_wait3A_53 = tpu.memref_slice %arg9[%dma_wait3A, %dma_wait3A_52] : memref<125x128xf32, #tpu.memory_space<vmem>> -> memref<15x128xf32, #tpu.memory_space<vmem>>
      %dma_wait3A_54 = arith.constant 0 : i32
      %dma_wait3A_55 = tpu.memref_slice %arg11[%add3A_30, %dma_wait3A_54] : memref<10240x128xf32, #tpu.memory_space<vmem_shared>> -> memref<15x128xf32, #tpu.memory_space<vmem_shared>>
      %dma_wait3A_56 = arith.constant 0 : i32
      %dma_wait3A_57 = tpu.memref_slice %arg11[%add3A_30, %dma_wait3A_56] : memref<10240x128xf32, #tpu.memory_space<vmem_shared>> -> memref<15x128xf32, #tpu.memory_space<vmem_shared>>
      %dma_wait3A_58 = arith.constant 0 : i32
      %dma_wait3A_59 = arith.constant 0 : i32
      %dma_wait3A_60 = tpu.memref_slice %arg9[%dma_wait3A_58, %dma_wait3A_59] : memref<125x128xf32, #tpu.memory_space<vmem>> -> memref<15x128xf32, #tpu.memory_space<vmem>>
      tpu.wait_dma2 semaphore(%run_scoped3A : memref<!tpu.dma_semaphore, #tpu.memory_space<semaphore_mem>>) src(%dma_wait3A_60 : memref<15x128xf32, #tpu.memory_space<vmem>>) dst(%dma_wait3A_57 : memref<15x128xf32, #tpu.memory_space<vmem_shared>>)
      tpu.yield
    }) : () -> ()
    %barrier3A = arith.constant 0 : index
    tpu.barrier barrier_id(%barrier3A)
    %eq3A = arith.constant 0 : i32
    %eq3A_31 = arith.cmpi eq, %arg0, %eq3A : i32
    %convert_element_type3A = arith.extui %eq3A_31 : i1 to i32
    %cond3A = arith.constant 0 : i32
    %cond3A_32 = arith.cmpi ne, %convert_element_type3A, %cond3A : i32
    scf.if %cond3A_32 {
      %add3A_43 = arith.constant 0 : i32
      %add3A_44 = arith.addi %mul3A_0, %add3A_43 : i32
      "tpu.region"() ({
        %run_scoped3A = tpu.sem_alloc : memref<!tpu.dma_semaphore, #tpu.memory_space<semaphore_mem>>
        %dma_start3A_114 = arith.constant 0 : i32
        %dma_start3A_115 = tpu.memref_slice %arg4[%add3A_44, %dma_start3A_114] : memref<2560x125xi32, #tpu.memory_space<hbm>> -> memref<40x125xi32, #tpu.memory_space<hbm>>
        %dma_start3A_116 = arith.constant 0 : i32
        %dma_start3A_117 = tpu.memref_slice %arg4[%add3A_44, %dma_start3A_116] : memref<2560x125xi32, #tpu.memory_space<hbm>> -> memref<40x125xi32, #tpu.memory_space<hbm>>
        tpu.enqueue_dma source(%dma_start3A_117 : memref<40x125xi32, #tpu.memory_space<hbm>>) target(%arg7 : memref<40x125xi32, #tpu.memory_space<vmem>>) target_semaphore(%run_scoped3A : memref<!tpu.dma_semaphore, #tpu.memory_space<semaphore_mem>>)
        %dma_wait3A = arith.constant 0 : i32
        %dma_wait3A_118 = tpu.memref_slice %arg4[%add3A_44, %dma_wait3A] : memref<2560x125xi32, #tpu.memory_space<hbm>> -> memref<40x125xi32, #tpu.memory_space<hbm>>
        %dma_wait3A_119 = arith.constant 0 : i32
        %dma_wait3A_120 = tpu.memref_slice %arg4[%add3A_44, %dma_wait3A_119] : memref<2560x125xi32, #tpu.memory_space<hbm>> -> memref<40x125xi32, #tpu.memory_space<hbm>>
        tpu.wait_dma2 semaphore(%run_scoped3A : memref<!tpu.dma_semaphore, #tpu.memory_space<semaphore_mem>>) src(%dma_wait3A_120 : memref<40x125xi32, #tpu.memory_space<hbm>>) dst(%arg7 : memref<40x125xi32, #tpu.memory_space<vmem>>)
        tpu.yield
      }) : () -> ()
      %add3A_45 = arith.constant 0 : i32
      %add3A_46 = arith.addi %mul3A_0, %add3A_45 : i32
      "tpu.region"() ({
        %run_scoped3A = tpu.sem_alloc : memref<!tpu.dma_semaphore, #tpu.memory_space<semaphore_mem>>
        %dma_start3A_114 = arith.constant 0 : i32
        %dma_start3A_115 = tpu.memref_slice %arg5[%add3A_46, %dma_start3A_114] : memref<2560x125xi32, #tpu.memory_space<hbm>> -> memref<40x125xi32, #tpu.memory_space<hbm>>
        %dma_start3A_116 = arith.constant 0 : i32
        %dma_start3A_117 = tpu.memref_slice %arg5[%add3A_46, %dma_start3A_116] : memref<2560x125xi32, #tpu.memory_space<hbm>> -> memref<40x125xi32, #tpu.memory_space<hbm>>
        tpu.enqueue_dma source(%dma_start3A_117 : memref<40x125xi32, #tpu.memory_space<hbm>>) target(%arg8 : memref<40x125xi32, #tpu.memory_space<vmem>>) target_semaphore(%run_scoped3A : memref<!tpu.dma_semaphore, #tpu.memory_space<semaphore_mem>>)
        %dma_wait3A = arith.constant 0 : i32
        %dma_wait3A_118 = tpu.memref_slice %arg5[%add3A_46, %dma_wait3A] : memref<2560x125xi32, #tpu.memory_space<hbm>> -> memref<40x125xi32, #tpu.memory_space<hbm>>
        %dma_wait3A_119 = arith.constant 0 : i32
        %dma_wait3A_120 = tpu.memref_slice %arg5[%add3A_46, %dma_wait3A_119] : memref<2560x125xi32, #tpu.memory_space<hbm>> -> memref<40x125xi32, #tpu.memory_space<hbm>>
        tpu.wait_dma2 semaphore(%run_scoped3A : memref<!tpu.dma_semaphore, #tpu.memory_space<semaphore_mem>>) src(%dma_wait3A_120 : memref<40x125xi32, #tpu.memory_space<hbm>>) dst(%arg8 : memref<40x125xi32, #tpu.memory_space<vmem>>)
        tpu.yield
      }) : () -> ()
      %dma_start3A = arith.constant 0 : i32
      %dma_start3A_47 = arith.constant 0 : i32
      %dma_start3A_48 = tpu.memref_slice %arg7[%dma_start3A, %dma_start3A_47] : memref<40x125xi32, #tpu.memory_space<vmem>> -> memref<1x125xi32, #tpu.memory_space<vmem>>
      %dma_start3A_49 = tpu.memref_squeeze %dma_start3A_48 : memref<1x125xi32, #tpu.memory_space<vmem>> -> memref<125xi32, #tpu.memory_space<vmem>>
      %dma_start3A_50 = arith.constant 0 : i32
      %dma_start3A_51 = arith.constant 0 : i32
      %dma_start3A_52 = tpu.memref_slice %arg2[%dma_start3A_50, %dma_start3A_51] : memref<10000x128xf32, #tpu.memory_space<hbm>> -> memref<10000x128xf32, #tpu.memory_space<hbm>>
      tpu.enqueue_indirect_dma source(%dma_start3A_52 : memref<10000x128xf32, #tpu.memory_space<hbm>>) target(%arg9 : memref<125x128xf32, #tpu.memory_space<vmem>>) offsets(%dma_start3A_49 : memref<125xi32, #tpu.memory_space<vmem>>) semaphore(%arg12 : memref<!tpu.dma_semaphore, #tpu.memory_space<semaphore_mem>>)
      %scan3A_53 = arith.constant 0 : i32
      %scan3A_54 = arith.constant 0 : i32
      %scan3A_55 = arith.constant 20 : i32
      %scan3A_56 = arith.addi %scan3A_54, %scan3A_55 : i32
      %scan3A_57 = arith.constant 1 : i32
      %scan3A_58 = scf.for %scan3A_114 = %scan3A_54 to %scan3A_56 step %scan3A_57 iter_args(%scan3A_115 = %scan3A_53) -> (i32)  : i32 {
        %mul3A_116 = arith.constant 2 : i32
        %mul3A_117 = arith.muli %mul3A_116, %scan3A_114 : i32
        %add3A_118 = arith.constant 1 : i32
        %add3A_119 = arith.addi %mul3A_117, %add3A_118 : i32
        %dma_start3A_120 = arith.constant 0 : i32
        %dma_start3A_121 = tpu.memref_slice %arg7[%add3A_119, %dma_start3A_120] : memref<40x125xi32, #tpu.memory_space<vmem>> -> memref<1x125xi32, #tpu.memory_space<vmem>>
        %dma_start3A_122 = tpu.memref_squeeze %dma_start3A_121 : memref<1x125xi32, #tpu.memory_space<vmem>> -> memref<125xi32, #tpu.memory_space<vmem>>
        %dma_start3A_123 = arith.constant 0 : i32
        %dma_start3A_124 = arith.constant 0 : i32
        %dma_start3A_125 = tpu.memref_slice %arg2[%dma_start3A_123, %dma_start3A_124] : memref<10000x128xf32, #tpu.memory_space<hbm>> -> memref<10000x128xf32, #tpu.memory_space<hbm>>
        tpu.enqueue_indirect_dma source(%dma_start3A_125 : memref<10000x128xf32, #tpu.memory_space<hbm>>) target(%arg10 : memref<125x128xf32, #tpu.memory_space<vmem>>) offsets(%dma_start3A_122 : memref<125xi32, #tpu.memory_space<vmem>>) semaphore(%arg13 : memref<!tpu.dma_semaphore, #tpu.memory_space<semaphore_mem>>)
        %dma_wait3A = arith.constant 0 : i32
        %dma_wait3A_126 = tpu.memref_slice %arg7[%mul3A_117, %dma_wait3A] : memref<40x125xi32, #tpu.memory_space<vmem>> -> memref<1x125xi32, #tpu.memory_space<vmem>>
        %dma_wait3A_127 = tpu.memref_squeeze %dma_wait3A_126 : memref<1x125xi32, #tpu.memory_space<vmem>> -> memref<125xi32, #tpu.memory_space<vmem>>
        %dma_wait3A_128 = arith.constant 0 : i32
        %dma_wait3A_129 = arith.constant 0 : i32
        %dma_wait3A_130 = tpu.memref_slice %arg2[%dma_wait3A_128, %dma_wait3A_129] : memref<10000x128xf32, #tpu.memory_space<hbm>> -> memref<10000x128xf32, #tpu.memory_space<hbm>>
        tpu.wait_indirect_dma semaphore(%arg12 : memref<!tpu.dma_semaphore, #tpu.memory_space<semaphore_mem>>) src(%dma_wait3A_130 : memref<10000x128xf32, #tpu.memory_space<hbm>>) dst(%arg9 : memref<125x128xf32, #tpu.memory_space<vmem>>)
        "tpu.region"() ({
          %run_scoped3A = tpu.sem_alloc : memref<!tpu.dma_semaphore, #tpu.memory_space<semaphore_mem>>
          %dma_start3A_148 = arith.constant 0 : i32
          %dma_start3A_149 = tpu.memref_slice %arg8[%mul3A_117, %dma_start3A_148] : memref<40x125xi32, #tpu.memory_space<vmem>> -> memref<1x125xi32, #tpu.memory_space<vmem>>
          %dma_start3A_150 = tpu.memref_squeeze %dma_start3A_149 : memref<1x125xi32, #tpu.memory_space<vmem>> -> memref<125xi32, #tpu.memory_space<vmem>>
          %dma_start3A_151 = arith.constant 0 : i32
          %dma_start3A_152 = arith.constant 0 : i32
          %dma_start3A_153 = tpu.memref_slice %arg11[%dma_start3A_151, %dma_start3A_152] : memref<10240x128xf32, #tpu.memory_space<vmem_shared>> -> memref<10240x128xf32, #tpu.memory_space<vmem_shared>>
          tpu.enqueue_indirect_dma source(%arg9 : memref<125x128xf32, #tpu.memory_space<vmem>>) target(%dma_start3A_153 : memref<10240x128xf32, #tpu.memory_space<vmem_shared>>) offsets(%dma_start3A_150 : memref<125xi32, #tpu.memory_space<vmem>>) semaphore(%run_scoped3A : memref<!tpu.dma_semaphore, #tpu.memory_space<semaphore_mem>>) {add = true}
          %dma_wait3A_154 = arith.constant 0 : i32
          %dma_wait3A_155 = tpu.memref_slice %arg8[%mul3A_117, %dma_wait3A_154] : memref<40x125xi32, #tpu.memory_space<vmem>> -> memref<1x125xi32, #tpu.memory_space<vmem>>
          %dma_wait3A_156 = tpu.memref_squeeze %dma_wait3A_155 : memref<1x125xi32, #tpu.memory_space<vmem>> -> memref<125xi32, #tpu.memory_space<vmem>>
          %dma_wait3A_157 = arith.constant 0 : i32
          %dma_wait3A_158 = arith.constant 0 : i32
          %dma_wait3A_159 = tpu.memref_slice %arg11[%dma_wait3A_157, %dma_wait3A_158] : memref<10240x128xf32, #tpu.memory_space<vmem_shared>> -> memref<10240x128xf32, #tpu.memory_space<vmem_shared>>
          tpu.wait_indirect_dma semaphore(%run_scoped3A : memref<!tpu.dma_semaphore, #tpu.memory_space<semaphore_mem>>) src(%arg9 : memref<125x128xf32, #tpu.memory_space<vmem>>) dst(%dma_wait3A_159 : memref<10240x128xf32, #tpu.memory_space<vmem_shared>>)
          tpu.yield
        }) : () -> ()
        %add3A_131 = arith.constant 1 : i32
        %add3A_132 = arith.addi %scan3A_114, %add3A_131 : i32
        %lt3A = arith.constant 20 : i32
        %lt3A_133 = arith.cmpi slt, %add3A_132, %lt3A : i32
        %convert_element_type3A_134 = arith.extui %lt3A_133 : i1 to i32
        %cond3A_135 = arith.constant 0 : i32
        %cond3A_136 = arith.cmpi ne, %convert_element_type3A_134, %cond3A_135 : i32
        scf.if %cond3A_136 {
          %add3A_148 = arith.constant 2 : i32
          %add3A_149 = arith.addi %mul3A_117, %add3A_148 : i32
          %dma_start3A_150 = arith.constant 0 : i32
          %dma_start3A_151 = tpu.memref_slice %arg7[%add3A_149, %dma_start3A_150] : memref<40x125xi32, #tpu.memory_space<vmem>> -> memref<1x125xi32, #tpu.memory_space<vmem>>
          %dma_start3A_152 = tpu.memref_squeeze %dma_start3A_151 : memref<1x125xi32, #tpu.memory_space<vmem>> -> memref<125xi32, #tpu.memory_space<vmem>>
          %dma_start3A_153 = arith.constant 0 : i32
          %dma_start3A_154 = arith.constant 0 : i32
          %dma_start3A_155 = tpu.memref_slice %arg2[%dma_start3A_153, %dma_start3A_154] : memref<10000x128xf32, #tpu.memory_space<hbm>> -> memref<10000x128xf32, #tpu.memory_space<hbm>>
          tpu.enqueue_indirect_dma source(%dma_start3A_155 : memref<10000x128xf32, #tpu.memory_space<hbm>>) target(%arg9 : memref<125x128xf32, #tpu.memory_space<vmem>>) offsets(%dma_start3A_152 : memref<125xi32, #tpu.memory_space<vmem>>) semaphore(%arg12 : memref<!tpu.dma_semaphore, #tpu.memory_space<semaphore_mem>>)
        } else {
        }
        %add3A_137 = arith.constant 1 : i32
        %add3A_138 = arith.addi %mul3A_117, %add3A_137 : i32
        %dma_wait3A_139 = arith.constant 0 : i32
        %dma_wait3A_140 = tpu.memref_slice %arg7[%add3A_138, %dma_wait3A_139] : memref<40x125xi32, #tpu.memory_space<vmem>> -> memref<1x125xi32, #tpu.memory_space<vmem>>
        %dma_wait3A_141 = tpu.memref_squeeze %dma_wait3A_140 : memref<1x125xi32, #tpu.memory_space<vmem>> -> memref<125xi32, #tpu.memory_space<vmem>>
        %dma_wait3A_142 = arith.constant 0 : i32
        %dma_wait3A_143 = arith.constant 0 : i32
        %dma_wait3A_144 = tpu.memref_slice %arg2[%dma_wait3A_142, %dma_wait3A_143] : memref<10000x128xf32, #tpu.memory_space<hbm>> -> memref<10000x128xf32, #tpu.memory_space<hbm>>
        tpu.wait_indirect_dma semaphore(%arg13 : memref<!tpu.dma_semaphore, #tpu.memory_space<semaphore_mem>>) src(%dma_wait3A_144 : memref<10000x128xf32, #tpu.memory_space<hbm>>) dst(%arg10 : memref<125x128xf32, #tpu.memory_space<vmem>>)
        %add3A_145 = arith.constant 1 : i32
        %add3A_146 = arith.addi %mul3A_117, %add3A_145 : i32
        "tpu.region"() ({
          %run_scoped3A = tpu.sem_alloc : memref<!tpu.dma_semaphore, #tpu.memory_space<semaphore_mem>>
          %dma_start3A_148 = arith.constant 0 : i32
          %dma_start3A_149 = tpu.memref_slice %arg8[%add3A_146, %dma_start3A_148] : memref<40x125xi32, #tpu.memory_space<vmem>> -> memref<1x125xi32, #tpu.memory_space<vmem>>
          %dma_start3A_150 = tpu.memref_squeeze %dma_start3A_149 : memref<1x125xi32, #tpu.memory_space<vmem>> -> memref<125xi32, #tpu.memory_space<vmem>>
          %dma_start3A_151 = arith.constant 0 : i32
          %dma_start3A_152 = arith.constant 0 : i32
          %dma_start3A_153 = tpu.memref_slice %arg11[%dma_start3A_151, %dma_start3A_152] : memref<10240x128xf32, #tpu.memory_space<vmem_shared>> -> memref<10240x128xf32, #tpu.memory_space<vmem_shared>>
          tpu.enqueue_indirect_dma source(%arg10 : memref<125x128xf32, #tpu.memory_space<vmem>>) target(%dma_start3A_153 : memref<10240x128xf32, #tpu.memory_space<vmem_shared>>) offsets(%dma_start3A_150 : memref<125xi32, #tpu.memory_space<vmem>>) semaphore(%run_scoped3A : memref<!tpu.dma_semaphore, #tpu.memory_space<semaphore_mem>>) {add = true}
          %dma_wait3A_154 = arith.constant 0 : i32
          %dma_wait3A_155 = tpu.memref_slice %arg8[%add3A_146, %dma_wait3A_154] : memref<40x125xi32, #tpu.memory_space<vmem>> -> memref<1x125xi32, #tpu.memory_space<vmem>>
          %dma_wait3A_156 = tpu.memref_squeeze %dma_wait3A_155 : memref<1x125xi32, #tpu.memory_space<vmem>> -> memref<125xi32, #tpu.memory_space<vmem>>
          %dma_wait3A_157 = arith.constant 0 : i32
          %dma_wait3A_158 = arith.constant 0 : i32
          %dma_wait3A_159 = tpu.memref_slice %arg11[%dma_wait3A_157, %dma_wait3A_158] : memref<10240x128xf32, #tpu.memory_space<vmem_shared>> -> memref<10240x128xf32, #tpu.memory_space<vmem_shared>>
          tpu.wait_indirect_dma semaphore(%run_scoped3A : memref<!tpu.dma_semaphore, #tpu.memory_space<semaphore_mem>>) src(%arg10 : memref<125x128xf32, #tpu.memory_space<vmem>>) dst(%dma_wait3A_159 : memref<10240x128xf32, #tpu.memory_space<vmem_shared>>)
          tpu.yield
        }) : () -> ()
        %scan3A_147 = arith.constant 0 : i32
        scf.yield %scan3A_147 : i32
      }
      %scan3A_59 = arith.constant 20 : i32
      %add3A_60 = arith.constant 40 : i32
      %add3A_61 = arith.addi %mul3A_0, %add3A_60 : i32
      "tpu.region"() ({
        %run_scoped3A = tpu.sem_alloc : memref<!tpu.dma_semaphore, #tpu.memory_space<semaphore_mem>>
        %dma_start3A_114 = arith.constant 0 : i32
        %dma_start3A_115 = tpu.memref_slice %arg4[%add3A_61, %dma_start3A_114] : memref<2560x125xi32, #tpu.memory_space<hbm>> -> memref<40x125xi32, #tpu.memory_space<hbm>>
        %dma_start3A_116 = arith.constant 0 : i32
        %dma_start3A_117 = tpu.memref_slice %arg4[%add3A_61, %dma_start3A_116] : memref<2560x125xi32, #tpu.memory_space<hbm>> -> memref<40x125xi32, #tpu.memory_space<hbm>>
        tpu.enqueue_dma source(%dma_start3A_117 : memref<40x125xi32, #tpu.memory_space<hbm>>) target(%arg7 : memref<40x125xi32, #tpu.memory_space<vmem>>) target_semaphore(%run_scoped3A : memref<!tpu.dma_semaphore, #tpu.memory_space<semaphore_mem>>)
        %dma_wait3A = arith.constant 0 : i32
        %dma_wait3A_118 = tpu.memref_slice %arg4[%add3A_61, %dma_wait3A] : memref<2560x125xi32, #tpu.memory_space<hbm>> -> memref<40x125xi32, #tpu.memory_space<hbm>>
        %dma_wait3A_119 = arith.constant 0 : i32
        %dma_wait3A_120 = tpu.memref_slice %arg4[%add3A_61, %dma_wait3A_119] : memref<2560x125xi32, #tpu.memory_space<hbm>> -> memref<40x125xi32, #tpu.memory_space<hbm>>
        tpu.wait_dma2 semaphore(%run_scoped3A : memref<!tpu.dma_semaphore, #tpu.memory_space<semaphore_mem>>) src(%dma_wait3A_120 : memref<40x125xi32, #tpu.memory_space<hbm>>) dst(%arg7 : memref<40x125xi32, #tpu.memory_space<vmem>>)
        tpu.yield
      }) : () -> ()
      %add3A_62 = arith.constant 40 : i32
      %add3A_63 = arith.addi %mul3A_0, %add3A_62 : i32
      "tpu.region"() ({
        %run_scoped3A = tpu.sem_alloc : memref<!tpu.dma_semaphore, #tpu.memory_space<semaphore_mem>>
        %dma_start3A_114 = arith.constant 0 : i32
        %dma_start3A_115 = tpu.memref_slice %arg5[%add3A_63, %dma_start3A_114] : memref<2560x125xi32, #tpu.memory_space<hbm>> -> memref<40x125xi32, #tpu.memory_space<hbm>>
        %dma_start3A_116 = arith.constant 0 : i32
        %dma_start3A_117 = tpu.memref_slice %arg5[%add3A_63, %dma_start3A_116] : memref<2560x125xi32, #tpu.memory_space<hbm>> -> memref<40x125xi32, #tpu.memory_space<hbm>>
        tpu.enqueue_dma source(%dma_start3A_117 : memref<40x125xi32, #tpu.memory_space<hbm>>) target(%arg8 : memref<40x125xi32, #tpu.memory_space<vmem>>) target_semaphore(%run_scoped3A : memref<!tpu.dma_semaphore, #tpu.memory_space<semaphore_mem>>)
        %dma_wait3A = arith.constant 0 : i32
        %dma_wait3A_118 = tpu.memref_slice %arg5[%add3A_63, %dma_wait3A] : memref<2560x125xi32, #tpu.memory_space<hbm>> -> memref<40x125xi32, #tpu.memory_space<hbm>>
        %dma_wait3A_119 = arith.constant 0 : i32
        %dma_wait3A_120 = tpu.memref_slice %arg5[%add3A_63, %dma_wait3A_119] : memref<2560x125xi32, #tpu.memory_space<hbm>> -> memref<40x125xi32, #tpu.memory_space<hbm>>
        tpu.wait_dma2 semaphore(%run_scoped3A : memref<!tpu.dma_semaphore, #tpu.memory_space<semaphore_mem>>) src(%dma_wait3A_120 : memref<40x125xi32, #tpu.memory_space<hbm>>) dst(%arg8 : memref<40x125xi32, #tpu.memory_space<vmem>>)
        tpu.yield
      }) : () -> ()
      %dma_start3A_64 = arith.constant 0 : i32
      %dma_start3A_65 = arith.constant 0 : i32
      %dma_start3A_66 = tpu.memref_slice %arg7[%dma_start3A_64, %dma_start3A_65] : memref<40x125xi32, #tpu.memory_space<vmem>> -> memref<1x125xi32, #tpu.memory_space<vmem>>
      %dma_start3A_67 = tpu.memref_squeeze %dma_start3A_66 : memref<1x125xi32, #tpu.memory_space<vmem>> -> memref<125xi32, #tpu.memory_space<vmem>>
      %dma_start3A_68 = arith.constant 0 : i32
      %dma_start3A_69 = arith.constant 0 : i32
      %dma_start3A_70 = tpu.memref_slice %arg2[%dma_start3A_68, %dma_start3A_69] : memref<10000x128xf32, #tpu.memory_space<hbm>> -> memref<10000x128xf32, #tpu.memory_space<hbm>>
      tpu.enqueue_indirect_dma source(%dma_start3A_70 : memref<10000x128xf32, #tpu.memory_space<hbm>>) target(%arg9 : memref<125x128xf32, #tpu.memory_space<vmem>>) offsets(%dma_start3A_67 : memref<125xi32, #tpu.memory_space<vmem>>) semaphore(%arg12 : memref<!tpu.dma_semaphore, #tpu.memory_space<semaphore_mem>>)
      %scan3A_71 = arith.constant 0 : i32
      %scan3A_72 = arith.constant 0 : i32
      %scan3A_73 = arith.constant 20 : i32
      %scan3A_74 = arith.addi %scan3A_72, %scan3A_73 : i32
      %scan3A_75 = arith.constant 1 : i32
      %scan3A_76 = scf.for %scan3A_114 = %scan3A_72 to %scan3A_74 step %scan3A_75 iter_args(%scan3A_115 = %scan3A_71) -> (i32)  : i32 {
        %mul3A_116 = arith.constant 2 : i32
        %mul3A_117 = arith.muli %mul3A_116, %scan3A_114 : i32
        %add3A_118 = arith.constant 1 : i32
        %add3A_119 = arith.addi %mul3A_117, %add3A_118 : i32
        %dma_start3A_120 = arith.constant 0 : i32
        %dma_start3A_121 = tpu.memref_slice %arg7[%add3A_119, %dma_start3A_120] : memref<40x125xi32, #tpu.memory_space<vmem>> -> memref<1x125xi32, #tpu.memory_space<vmem>>
        %dma_start3A_122 = tpu.memref_squeeze %dma_start3A_121 : memref<1x125xi32, #tpu.memory_space<vmem>> -> memref<125xi32, #tpu.memory_space<vmem>>
        %dma_start3A_123 = arith.constant 0 : i32
        %dma_start3A_124 = arith.constant 0 : i32
        %dma_start3A_125 = tpu.memref_slice %arg2[%dma_start3A_123, %dma_start3A_124] : memref<10000x128xf32, #tpu.memory_space<hbm>> -> memref<10000x128xf32, #tpu.memory_space<hbm>>
        tpu.enqueue_indirect_dma source(%dma_start3A_125 : memref<10000x128xf32, #tpu.memory_space<hbm>>) target(%arg10 : memref<125x128xf32, #tpu.memory_space<vmem>>) offsets(%dma_start3A_122 : memref<125xi32, #tpu.memory_space<vmem>>) semaphore(%arg13 : memref<!tpu.dma_semaphore, #tpu.memory_space<semaphore_mem>>)
        %dma_wait3A = arith.constant 0 : i32
        %dma_wait3A_126 = tpu.memref_slice %arg7[%mul3A_117, %dma_wait3A] : memref<40x125xi32, #tpu.memory_space<vmem>> -> memref<1x125xi32, #tpu.memory_space<vmem>>
        %dma_wait3A_127 = tpu.memref_squeeze %dma_wait3A_126 : memref<1x125xi32, #tpu.memory_space<vmem>> -> memref<125xi32, #tpu.memory_space<vmem>>
        %dma_wait3A_128 = arith.constant 0 : i32
        %dma_wait3A_129 = arith.constant 0 : i32
        %dma_wait3A_130 = tpu.memref_slice %arg2[%dma_wait3A_128, %dma_wait3A_129] : memref<10000x128xf32, #tpu.memory_space<hbm>> -> memref<10000x128xf32, #tpu.memory_space<hbm>>
        tpu.wait_indirect_dma semaphore(%arg12 : memref<!tpu.dma_semaphore, #tpu.memory_space<semaphore_mem>>) src(%dma_wait3A_130 : memref<10000x128xf32, #tpu.memory_space<hbm>>) dst(%arg9 : memref<125x128xf32, #tpu.memory_space<vmem>>)
        "tpu.region"() ({
          %run_scoped3A = tpu.sem_alloc : memref<!tpu.dma_semaphore, #tpu.memory_space<semaphore_mem>>
          %dma_start3A_148 = arith.constant 0 : i32
          %dma_start3A_149 = tpu.memref_slice %arg8[%mul3A_117, %dma_start3A_148] : memref<40x125xi32, #tpu.memory_space<vmem>> -> memref<1x125xi32, #tpu.memory_space<vmem>>
          %dma_start3A_150 = tpu.memref_squeeze %dma_start3A_149 : memref<1x125xi32, #tpu.memory_space<vmem>> -> memref<125xi32, #tpu.memory_space<vmem>>
          %dma_start3A_151 = arith.constant 0 : i32
          %dma_start3A_152 = arith.constant 0 : i32
          %dma_start3A_153 = tpu.memref_slice %arg11[%dma_start3A_151, %dma_start3A_152] : memref<10240x128xf32, #tpu.memory_space<vmem_shared>> -> memref<10240x128xf32, #tpu.memory_space<vmem_shared>>
          tpu.enqueue_indirect_dma source(%arg9 : memref<125x128xf32, #tpu.memory_space<vmem>>) target(%dma_start3A_153 : memref<10240x128xf32, #tpu.memory_space<vmem_shared>>) offsets(%dma_start3A_150 : memref<125xi32, #tpu.memory_space<vmem>>) semaphore(%run_scoped3A : memref<!tpu.dma_semaphore, #tpu.memory_space<semaphore_mem>>) {add = true}
          %dma_wait3A_154 = arith.constant 0 : i32
          %dma_wait3A_155 = tpu.memref_slice %arg8[%mul3A_117, %dma_wait3A_154] : memref<40x125xi32, #tpu.memory_space<vmem>> -> memref<1x125xi32, #tpu.memory_space<vmem>>
          %dma_wait3A_156 = tpu.memref_squeeze %dma_wait3A_155 : memref<1x125xi32, #tpu.memory_space<vmem>> -> memref<125xi32, #tpu.memory_space<vmem>>
          %dma_wait3A_157 = arith.constant 0 : i32
          %dma_wait3A_158 = arith.constant 0 : i32
          %dma_wait3A_159 = tpu.memref_slice %arg11[%dma_wait3A_157, %dma_wait3A_158] : memref<10240x128xf32, #tpu.memory_space<vmem_shared>> -> memref<10240x128xf32, #tpu.memory_space<vmem_shared>>
          tpu.wait_indirect_dma semaphore(%run_scoped3A : memref<!tpu.dma_semaphore, #tpu.memory_space<semaphore_mem>>) src(%arg9 : memref<125x128xf32, #tpu.memory_space<vmem>>) dst(%dma_wait3A_159 : memref<10240x128xf32, #tpu.memory_space<vmem_shared>>)
          tpu.yield
        }) : () -> ()
        %add3A_131 = arith.constant 1 : i32
        %add3A_132 = arith.addi %scan3A_114, %add3A_131 : i32
        %lt3A = arith.constant 20 : i32
        %lt3A_133 = arith.cmpi slt, %add3A_132, %lt3A : i32
        %convert_element_type3A_134 = arith.extui %lt3A_133 : i1 to i32
        %cond3A_135 = arith.constant 0 : i32
        %cond3A_136 = arith.cmpi ne, %convert_element_type3A_134, %cond3A_135 : i32
        scf.if %cond3A_136 {
          %add3A_148 = arith.constant 2 : i32
          %add3A_149 = arith.addi %mul3A_117, %add3A_148 : i32
          %dma_start3A_150 = arith.constant 0 : i32
          %dma_start3A_151 = tpu.memref_slice %arg7[%add3A_149, %dma_start3A_150] : memref<40x125xi32, #tpu.memory_space<vmem>> -> memref<1x125xi32, #tpu.memory_space<vmem>>
          %dma_start3A_152 = tpu.memref_squeeze %dma_start3A_151 : memref<1x125xi32, #tpu.memory_space<vmem>> -> memref<125xi32, #tpu.memory_space<vmem>>
          %dma_start3A_153 = arith.constant 0 : i32
          %dma_start3A_154 = arith.constant 0 : i32
          %dma_start3A_155 = tpu.memref_slice %arg2[%dma_start3A_153, %dma_start3A_154] : memref<10000x128xf32, #tpu.memory_space<hbm>> -> memref<10000x128xf32, #tpu.memory_space<hbm>>
          tpu.enqueue_indirect_dma source(%dma_start3A_155 : memref<10000x128xf32, #tpu.memory_space<hbm>>) target(%arg9 : memref<125x128xf32, #tpu.memory_space<vmem>>) offsets(%dma_start3A_152 : memref<125xi32, #tpu.memory_space<vmem>>) semaphore(%arg12 : memref<!tpu.dma_semaphore, #tpu.memory_space<semaphore_mem>>)
        } else {
        }
        %add3A_137 = arith.constant 1 : i32
        %add3A_138 = arith.addi %mul3A_117, %add3A_137 : i32
        %dma_wait3A_139 = arith.constant 0 : i32
        %dma_wait3A_140 = tpu.memref_slice %arg7[%add3A_138, %dma_wait3A_139] : memref<40x125xi32, #tpu.memory_space<vmem>> -> memref<1x125xi32, #tpu.memory_space<vmem>>
        %dma_wait3A_141 = tpu.memref_squeeze %dma_wait3A_140 : memref<1x125xi32, #tpu.memory_space<vmem>> -> memref<125xi32, #tpu.memory_space<vmem>>
        %dma_wait3A_142 = arith.constant 0 : i32
        %dma_wait3A_143 = arith.constant 0 : i32
        %dma_wait3A_144 = tpu.memref_slice %arg2[%dma_wait3A_142, %dma_wait3A_143] : memref<10000x128xf32, #tpu.memory_space<hbm>> -> memref<10000x128xf32, #tpu.memory_space<hbm>>
        tpu.wait_indirect_dma semaphore(%arg13 : memref<!tpu.dma_semaphore, #tpu.memory_space<semaphore_mem>>) src(%dma_wait3A_144 : memref<10000x128xf32, #tpu.memory_space<hbm>>) dst(%arg10 : memref<125x128xf32, #tpu.memory_space<vmem>>)
        %add3A_145 = arith.constant 1 : i32
        %add3A_146 = arith.addi %mul3A_117, %add3A_145 : i32
        "tpu.region"() ({
          %run_scoped3A = tpu.sem_alloc : memref<!tpu.dma_semaphore, #tpu.memory_space<semaphore_mem>>
          %dma_start3A_148 = arith.constant 0 : i32
          %dma_start3A_149 = tpu.memref_slice %arg8[%add3A_146, %dma_start3A_148] : memref<40x125xi32, #tpu.memory_space<vmem>> -> memref<1x125xi32, #tpu.memory_space<vmem>>
          %dma_start3A_150 = tpu.memref_squeeze %dma_start3A_149 : memref<1x125xi32, #tpu.memory_space<vmem>> -> memref<125xi32, #tpu.memory_space<vmem>>
          %dma_start3A_151 = arith.constant 0 : i32
          %dma_start3A_152 = arith.constant 0 : i32
          %dma_start3A_153 = tpu.memref_slice %arg11[%dma_start3A_151, %dma_start3A_152] : memref<10240x128xf32, #tpu.memory_space<vmem_shared>> -> memref<10240x128xf32, #tpu.memory_space<vmem_shared>>
          tpu.enqueue_indirect_dma source(%arg10 : memref<125x128xf32, #tpu.memory_space<vmem>>) target(%dma_start3A_153 : memref<10240x128xf32, #tpu.memory_space<vmem_shared>>) offsets(%dma_start3A_150 : memref<125xi32, #tpu.memory_space<vmem>>) semaphore(%run_scoped3A : memref<!tpu.dma_semaphore, #tpu.memory_space<semaphore_mem>>) {add = true}
          %dma_wait3A_154 = arith.constant 0 : i32
          %dma_wait3A_155 = tpu.memref_slice %arg8[%add3A_146, %dma_wait3A_154] : memref<40x125xi32, #tpu.memory_space<vmem>> -> memref<1x125xi32, #tpu.memory_space<vmem>>
          %dma_wait3A_156 = tpu.memref_squeeze %dma_wait3A_155 : memref<1x125xi32, #tpu.memory_space<vmem>> -> memref<125xi32, #tpu.memory_space<vmem>>
          %dma_wait3A_157 = arith.constant 0 : i32
          %dma_wait3A_158 = arith.constant 0 : i32
          %dma_wait3A_159 = tpu.memref_slice %arg11[%dma_wait3A_157, %dma_wait3A_158] : memref<10240x128xf32, #tpu.memory_space<vmem_shared>> -> memref<10240x128xf32, #tpu.memory_space<vmem_shared>>
          tpu.wait_indirect_dma semaphore(%run_scoped3A : memref<!tpu.dma_semaphore, #tpu.memory_space<semaphore_mem>>) src(%arg10 : memref<125x128xf32, #tpu.memory_space<vmem>>) dst(%dma_wait3A_159 : memref<10240x128xf32, #tpu.memory_space<vmem_shared>>)
          tpu.yield
        }) : () -> ()
        %scan3A_147 = arith.constant 0 : i32
        scf.yield %scan3A_147 : i32
      }
      %scan3A_77 = arith.constant 20 : i32
      %add3A_78 = arith.constant 80 : i32
      %add3A_79 = arith.addi %mul3A_0, %add3A_78 : i32
      "tpu.region"() ({
        %run_scoped3A = tpu.sem_alloc : memref<!tpu.dma_semaphore, #tpu.memory_space<semaphore_mem>>
        %dma_start3A_114 = arith.constant 0 : i32
        %dma_start3A_115 = tpu.memref_slice %arg4[%add3A_79, %dma_start3A_114] : memref<2560x125xi32, #tpu.memory_space<hbm>> -> memref<40x125xi32, #tpu.memory_space<hbm>>
        %dma_start3A_116 = arith.constant 0 : i32
        %dma_start3A_117 = tpu.memref_slice %arg4[%add3A_79, %dma_start3A_116] : memref<2560x125xi32, #tpu.memory_space<hbm>> -> memref<40x125xi32, #tpu.memory_space<hbm>>
        tpu.enqueue_dma source(%dma_start3A_117 : memref<40x125xi32, #tpu.memory_space<hbm>>) target(%arg7 : memref<40x125xi32, #tpu.memory_space<vmem>>) target_semaphore(%run_scoped3A : memref<!tpu.dma_semaphore, #tpu.memory_space<semaphore_mem>>)
        %dma_wait3A = arith.constant 0 : i32
        %dma_wait3A_118 = tpu.memref_slice %arg4[%add3A_79, %dma_wait3A] : memref<2560x125xi32, #tpu.memory_space<hbm>> -> memref<40x125xi32, #tpu.memory_space<hbm>>
        %dma_wait3A_119 = arith.constant 0 : i32
        %dma_wait3A_120 = tpu.memref_slice %arg4[%add3A_79, %dma_wait3A_119] : memref<2560x125xi32, #tpu.memory_space<hbm>> -> memref<40x125xi32, #tpu.memory_space<hbm>>
        tpu.wait_dma2 semaphore(%run_scoped3A : memref<!tpu.dma_semaphore, #tpu.memory_space<semaphore_mem>>) src(%dma_wait3A_120 : memref<40x125xi32, #tpu.memory_space<hbm>>) dst(%arg7 : memref<40x125xi32, #tpu.memory_space<vmem>>)
        tpu.yield
      }) : () -> ()
      %add3A_80 = arith.constant 80 : i32
      %add3A_81 = arith.addi %mul3A_0, %add3A_80 : i32
      "tpu.region"() ({
        %run_scoped3A = tpu.sem_alloc : memref<!tpu.dma_semaphore, #tpu.memory_space<semaphore_mem>>
        %dma_start3A_114 = arith.constant 0 : i32
        %dma_start3A_115 = tpu.memref_slice %arg5[%add3A_81, %dma_start3A_114] : memref<2560x125xi32, #tpu.memory_space<hbm>> -> memref<40x125xi32, #tpu.memory_space<hbm>>
        %dma_start3A_116 = arith.constant 0 : i32
        %dma_start3A_117 = tpu.memref_slice %arg5[%add3A_81, %dma_start3A_116] : memref<2560x125xi32, #tpu.memory_space<hbm>> -> memref<40x125xi32, #tpu.memory_space<hbm>>
        tpu.enqueue_dma source(%dma_start3A_117 : memref<40x125xi32, #tpu.memory_space<hbm>>) target(%arg8 : memref<40x125xi32, #tpu.memory_space<vmem>>) target_semaphore(%run_scoped3A : memref<!tpu.dma_semaphore, #tpu.memory_space<semaphore_mem>>)
        %dma_wait3A = arith.constant 0 : i32
        %dma_wait3A_118 = tpu.memref_slice %arg5[%add3A_81, %dma_wait3A] : memref<2560x125xi32, #tpu.memory_space<hbm>> -> memref<40x125xi32, #tpu.memory_space<hbm>>
        %dma_wait3A_119 = arith.constant 0 : i32
        %dma_wait3A_120 = tpu.memref_slice %arg5[%add3A_81, %dma_wait3A_119] : memref<2560x125xi32, #tpu.memory_space<hbm>> -> memref<40x125xi32, #tpu.memory_space<hbm>>
        tpu.wait_dma2 semaphore(%run_scoped3A : memref<!tpu.dma_semaphore, #tpu.memory_space<semaphore_mem>>) src(%dma_wait3A_120 : memref<40x125xi32, #tpu.memory_space<hbm>>) dst(%arg8 : memref<40x125xi32, #tpu.memory_space<vmem>>)
        tpu.yield
      }) : () -> ()
      %dma_start3A_82 = arith.constant 0 : i32
      %dma_start3A_83 = arith.constant 0 : i32
      %dma_start3A_84 = tpu.memref_slice %arg7[%dma_start3A_82, %dma_start3A_83] : memref<40x125xi32, #tpu.memory_space<vmem>> -> memref<1x125xi32, #tpu.memory_space<vmem>>
      %dma_start3A_85 = tpu.memref_squeeze %dma_start3A_84 : memref<1x125xi32, #tpu.memory_space<vmem>> -> memref<125xi32, #tpu.memory_space<vmem>>
      %dma_start3A_86 = arith.constant 0 : i32
      %dma_start3A_87 = arith.constant 0 : i32
      %dma_start3A_88 = tpu.memref_slice %arg2[%dma_start3A_86, %dma_start3A_87] : memref<10000x128xf32, #tpu.memory_space<hbm>> -> memref<10000x128xf32, #tpu.memory_space<hbm>>
      tpu.enqueue_indirect_dma source(%dma_start3A_88 : memref<10000x128xf32, #tpu.memory_space<hbm>>) target(%arg9 : memref<125x128xf32, #tpu.memory_space<vmem>>) offsets(%dma_start3A_85 : memref<125xi32, #tpu.memory_space<vmem>>) semaphore(%arg12 : memref<!tpu.dma_semaphore, #tpu.memory_space<semaphore_mem>>)
      %scan3A_89 = arith.constant 0 : i32
      %scan3A_90 = arith.constant 0 : i32
      %scan3A_91 = arith.constant 20 : i32
      %scan3A_92 = arith.addi %scan3A_90, %scan3A_91 : i32
      %scan3A_93 = arith.constant 1 : i32
      %scan3A_94 = scf.for %scan3A_114 = %scan3A_90 to %scan3A_92 step %scan3A_93 iter_args(%scan3A_115 = %scan3A_89) -> (i32)  : i32 {
        %mul3A_116 = arith.constant 2 : i32
        %mul3A_117 = arith.muli %mul3A_116, %scan3A_114 : i32
        %add3A_118 = arith.constant 1 : i32
        %add3A_119 = arith.addi %mul3A_117, %add3A_118 : i32
        %dma_start3A_120 = arith.constant 0 : i32
        %dma_start3A_121 = tpu.memref_slice %arg7[%add3A_119, %dma_start3A_120] : memref<40x125xi32, #tpu.memory_space<vmem>> -> memref<1x125xi32, #tpu.memory_space<vmem>>
        %dma_start3A_122 = tpu.memref_squeeze %dma_start3A_121 : memref<1x125xi32, #tpu.memory_space<vmem>> -> memref<125xi32, #tpu.memory_space<vmem>>
        %dma_start3A_123 = arith.constant 0 : i32
        %dma_start3A_124 = arith.constant 0 : i32
        %dma_start3A_125 = tpu.memref_slice %arg2[%dma_start3A_123, %dma_start3A_124] : memref<10000x128xf32, #tpu.memory_space<hbm>> -> memref<10000x128xf32, #tpu.memory_space<hbm>>
        tpu.enqueue_indirect_dma source(%dma_start3A_125 : memref<10000x128xf32, #tpu.memory_space<hbm>>) target(%arg10 : memref<125x128xf32, #tpu.memory_space<vmem>>) offsets(%dma_start3A_122 : memref<125xi32, #tpu.memory_space<vmem>>) semaphore(%arg13 : memref<!tpu.dma_semaphore, #tpu.memory_space<semaphore_mem>>)
        %dma_wait3A = arith.constant 0 : i32
        %dma_wait3A_126 = tpu.memref_slice %arg7[%mul3A_117, %dma_wait3A] : memref<40x125xi32, #tpu.memory_space<vmem>> -> memref<1x125xi32, #tpu.memory_space<vmem>>
        %dma_wait3A_127 = tpu.memref_squeeze %dma_wait3A_126 : memref<1x125xi32, #tpu.memory_space<vmem>> -> memref<125xi32, #tpu.memory_space<vmem>>
        %dma_wait3A_128 = arith.constant 0 : i32
        %dma_wait3A_129 = arith.constant 0 : i32
        %dma_wait3A_130 = tpu.memref_slice %arg2[%dma_wait3A_128, %dma_wait3A_129] : memref<10000x128xf32, #tpu.memory_space<hbm>> -> memref<10000x128xf32, #tpu.memory_space<hbm>>
        tpu.wait_indirect_dma semaphore(%arg12 : memref<!tpu.dma_semaphore, #tpu.memory_space<semaphore_mem>>) src(%dma_wait3A_130 : memref<10000x128xf32, #tpu.memory_space<hbm>>) dst(%arg9 : memref<125x128xf32, #tpu.memory_space<vmem>>)
        "tpu.region"() ({
          %run_scoped3A = tpu.sem_alloc : memref<!tpu.dma_semaphore, #tpu.memory_space<semaphore_mem>>
          %dma_start3A_148 = arith.constant 0 : i32
          %dma_start3A_149 = tpu.memref_slice %arg8[%mul3A_117, %dma_start3A_148] : memref<40x125xi32, #tpu.memory_space<vmem>> -> memref<1x125xi32, #tpu.memory_space<vmem>>
          %dma_start3A_150 = tpu.memref_squeeze %dma_start3A_149 : memref<1x125xi32, #tpu.memory_space<vmem>> -> memref<125xi32, #tpu.memory_space<vmem>>
          %dma_start3A_151 = arith.constant 0 : i32
          %dma_start3A_152 = arith.constant 0 : i32
          %dma_start3A_153 = tpu.memref_slice %arg11[%dma_start3A_151, %dma_start3A_152] : memref<10240x128xf32, #tpu.memory_space<vmem_shared>> -> memref<10240x128xf32, #tpu.memory_space<vmem_shared>>
          tpu.enqueue_indirect_dma source(%arg9 : memref<125x128xf32, #tpu.memory_space<vmem>>) target(%dma_start3A_153 : memref<10240x128xf32, #tpu.memory_space<vmem_shared>>) offsets(%dma_start3A_150 : memref<125xi32, #tpu.memory_space<vmem>>) semaphore(%run_scoped3A : memref<!tpu.dma_semaphore, #tpu.memory_space<semaphore_mem>>) {add = true}
          %dma_wait3A_154 = arith.constant 0 : i32
          %dma_wait3A_155 = tpu.memref_slice %arg8[%mul3A_117, %dma_wait3A_154] : memref<40x125xi32, #tpu.memory_space<vmem>> -> memref<1x125xi32, #tpu.memory_space<vmem>>
          %dma_wait3A_156 = tpu.memref_squeeze %dma_wait3A_155 : memref<1x125xi32, #tpu.memory_space<vmem>> -> memref<125xi32, #tpu.memory_space<vmem>>
          %dma_wait3A_157 = arith.constant 0 : i32
          %dma_wait3A_158 = arith.constant 0 : i32
          %dma_wait3A_159 = tpu.memref_slice %arg11[%dma_wait3A_157, %dma_wait3A_158] : memref<10240x128xf32, #tpu.memory_space<vmem_shared>> -> memref<10240x128xf32, #tpu.memory_space<vmem_shared>>
          tpu.wait_indirect_dma semaphore(%run_scoped3A : memref<!tpu.dma_semaphore, #tpu.memory_space<semaphore_mem>>) src(%arg9 : memref<125x128xf32, #tpu.memory_space<vmem>>) dst(%dma_wait3A_159 : memref<10240x128xf32, #tpu.memory_space<vmem_shared>>)
          tpu.yield
        }) : () -> ()
        %add3A_131 = arith.constant 1 : i32
        %add3A_132 = arith.addi %scan3A_114, %add3A_131 : i32
        %lt3A = arith.constant 20 : i32
        %lt3A_133 = arith.cmpi slt, %add3A_132, %lt3A : i32
        %convert_element_type3A_134 = arith.extui %lt3A_133 : i1 to i32
        %cond3A_135 = arith.constant 0 : i32
        %cond3A_136 = arith.cmpi ne, %convert_element_type3A_134, %cond3A_135 : i32
        scf.if %cond3A_136 {
          %add3A_148 = arith.constant 2 : i32
          %add3A_149 = arith.addi %mul3A_117, %add3A_148 : i32
          %dma_start3A_150 = arith.constant 0 : i32
          %dma_start3A_151 = tpu.memref_slice %arg7[%add3A_149, %dma_start3A_150] : memref<40x125xi32, #tpu.memory_space<vmem>> -> memref<1x125xi32, #tpu.memory_space<vmem>>
          %dma_start3A_152 = tpu.memref_squeeze %dma_start3A_151 : memref<1x125xi32, #tpu.memory_space<vmem>> -> memref<125xi32, #tpu.memory_space<vmem>>
          %dma_start3A_153 = arith.constant 0 : i32
          %dma_start3A_154 = arith.constant 0 : i32
          %dma_start3A_155 = tpu.memref_slice %arg2[%dma_start3A_153, %dma_start3A_154] : memref<10000x128xf32, #tpu.memory_space<hbm>> -> memref<10000x128xf32, #tpu.memory_space<hbm>>
          tpu.enqueue_indirect_dma source(%dma_start3A_155 : memref<10000x128xf32, #tpu.memory_space<hbm>>) target(%arg9 : memref<125x128xf32, #tpu.memory_space<vmem>>) offsets(%dma_start3A_152 : memref<125xi32, #tpu.memory_space<vmem>>) semaphore(%arg12 : memref<!tpu.dma_semaphore, #tpu.memory_space<semaphore_mem>>)
        } else {
        }
        %add3A_137 = arith.constant 1 : i32
        %add3A_138 = arith.addi %mul3A_117, %add3A_137 : i32
        %dma_wait3A_139 = arith.constant 0 : i32
        %dma_wait3A_140 = tpu.memref_slice %arg7[%add3A_138, %dma_wait3A_139] : memref<40x125xi32, #tpu.memory_space<vmem>> -> memref<1x125xi32, #tpu.memory_space<vmem>>
        %dma_wait3A_141 = tpu.memref_squeeze %dma_wait3A_140 : memref<1x125xi32, #tpu.memory_space<vmem>> -> memref<125xi32, #tpu.memory_space<vmem>>
        %dma_wait3A_142 = arith.constant 0 : i32
        %dma_wait3A_143 = arith.constant 0 : i32
        %dma_wait3A_144 = tpu.memref_slice %arg2[%dma_wait3A_142, %dma_wait3A_143] : memref<10000x128xf32, #tpu.memory_space<hbm>> -> memref<10000x128xf32, #tpu.memory_space<hbm>>
        tpu.wait_indirect_dma semaphore(%arg13 : memref<!tpu.dma_semaphore, #tpu.memory_space<semaphore_mem>>) src(%dma_wait3A_144 : memref<10000x128xf32, #tpu.memory_space<hbm>>) dst(%arg10 : memref<125x128xf32, #tpu.memory_space<vmem>>)
        %add3A_145 = arith.constant 1 : i32
        %add3A_146 = arith.addi %mul3A_117, %add3A_145 : i32
        "tpu.region"() ({
          %run_scoped3A = tpu.sem_alloc : memref<!tpu.dma_semaphore, #tpu.memory_space<semaphore_mem>>
          %dma_start3A_148 = arith.constant 0 : i32
          %dma_start3A_149 = tpu.memref_slice %arg8[%add3A_146, %dma_start3A_148] : memref<40x125xi32, #tpu.memory_space<vmem>> -> memref<1x125xi32, #tpu.memory_space<vmem>>
          %dma_start3A_150 = tpu.memref_squeeze %dma_start3A_149 : memref<1x125xi32, #tpu.memory_space<vmem>> -> memref<125xi32, #tpu.memory_space<vmem>>
          %dma_start3A_151 = arith.constant 0 : i32
          %dma_start3A_152 = arith.constant 0 : i32
          %dma_start3A_153 = tpu.memref_slice %arg11[%dma_start3A_151, %dma_start3A_152] : memref<10240x128xf32, #tpu.memory_space<vmem_shared>> -> memref<10240x128xf32, #tpu.memory_space<vmem_shared>>
          tpu.enqueue_indirect_dma source(%arg10 : memref<125x128xf32, #tpu.memory_space<vmem>>) target(%dma_start3A_153 : memref<10240x128xf32, #tpu.memory_space<vmem_shared>>) offsets(%dma_start3A_150 : memref<125xi32, #tpu.memory_space<vmem>>) semaphore(%run_scoped3A : memref<!tpu.dma_semaphore, #tpu.memory_space<semaphore_mem>>) {add = true}
          %dma_wait3A_154 = arith.constant 0 : i32
          %dma_wait3A_155 = tpu.memref_slice %arg8[%add3A_146, %dma_wait3A_154] : memref<40x125xi32, #tpu.memory_space<vmem>> -> memref<1x125xi32, #tpu.memory_space<vmem>>
          %dma_wait3A_156 = tpu.memref_squeeze %dma_wait3A_155 : memref<1x125xi32, #tpu.memory_space<vmem>> -> memref<125xi32, #tpu.memory_space<vmem>>
          %dma_wait3A_157 = arith.constant 0 : i32
          %dma_wait3A_158 = arith.constant 0 : i32
          %dma_wait3A_159 = tpu.memref_slice %arg11[%dma_wait3A_157, %dma_wait3A_158] : memref<10240x128xf32, #tpu.memory_space<vmem_shared>> -> memref<10240x128xf32, #tpu.memory_space<vmem_shared>>
          tpu.wait_indirect_dma semaphore(%run_scoped3A : memref<!tpu.dma_semaphore, #tpu.memory_space<semaphore_mem>>) src(%arg10 : memref<125x128xf32, #tpu.memory_space<vmem>>) dst(%dma_wait3A_159 : memref<10240x128xf32, #tpu.memory_space<vmem_shared>>)
          tpu.yield
        }) : () -> ()
        %scan3A_147 = arith.constant 0 : i32
        scf.yield %scan3A_147 : i32
      }
      %scan3A_95 = arith.constant 20 : i32
      %add3A_96 = arith.constant 120 : i32
      %add3A_97 = arith.addi %mul3A_0, %add3A_96 : i32
      "tpu.region"() ({
        %run_scoped3A = tpu.sem_alloc : memref<!tpu.dma_semaphore, #tpu.memory_space<semaphore_mem>>
        %dma_start3A_114 = arith.constant 0 : i32
        %dma_start3A_115 = tpu.memref_slice %arg4[%add3A_97, %dma_start3A_114] : memref<2560x125xi32, #tpu.memory_space<hbm>> -> memref<40x125xi32, #tpu.memory_space<hbm>>
        %dma_start3A_116 = arith.constant 0 : i32
        %dma_start3A_117 = tpu.memref_slice %arg4[%add3A_97, %dma_start3A_116] : memref<2560x125xi32, #tpu.memory_space<hbm>> -> memref<40x125xi32, #tpu.memory_space<hbm>>
        tpu.enqueue_dma source(%dma_start3A_117 : memref<40x125xi32, #tpu.memory_space<hbm>>) target(%arg7 : memref<40x125xi32, #tpu.memory_space<vmem>>) target_semaphore(%run_scoped3A : memref<!tpu.dma_semaphore, #tpu.memory_space<semaphore_mem>>)
        %dma_wait3A = arith.constant 0 : i32
        %dma_wait3A_118 = tpu.memref_slice %arg4[%add3A_97, %dma_wait3A] : memref<2560x125xi32, #tpu.memory_space<hbm>> -> memref<40x125xi32, #tpu.memory_space<hbm>>
        %dma_wait3A_119 = arith.constant 0 : i32
        %dma_wait3A_120 = tpu.memref_slice %arg4[%add3A_97, %dma_wait3A_119] : memref<2560x125xi32, #tpu.memory_space<hbm>> -> memref<40x125xi32, #tpu.memory_space<hbm>>
        tpu.wait_dma2 semaphore(%run_scoped3A : memref<!tpu.dma_semaphore, #tpu.memory_space<semaphore_mem>>) src(%dma_wait3A_120 : memref<40x125xi32, #tpu.memory_space<hbm>>) dst(%arg7 : memref<40x125xi32, #tpu.memory_space<vmem>>)
        tpu.yield
      }) : () -> ()
      %add3A_98 = arith.constant 120 : i32
      %add3A_99 = arith.addi %mul3A_0, %add3A_98 : i32
      "tpu.region"() ({
        %run_scoped3A = tpu.sem_alloc : memref<!tpu.dma_semaphore, #tpu.memory_space<semaphore_mem>>
        %dma_start3A_114 = arith.constant 0 : i32
        %dma_start3A_115 = tpu.memref_slice %arg5[%add3A_99, %dma_start3A_114] : memref<2560x125xi32, #tpu.memory_space<hbm>> -> memref<40x125xi32, #tpu.memory_space<hbm>>
        %dma_start3A_116 = arith.constant 0 : i32
        %dma_start3A_117 = tpu.memref_slice %arg5[%add3A_99, %dma_start3A_116] : memref<2560x125xi32, #tpu.memory_space<hbm>> -> memref<40x125xi32, #tpu.memory_space<hbm>>
        tpu.enqueue_dma source(%dma_start3A_117 : memref<40x125xi32, #tpu.memory_space<hbm>>) target(%arg8 : memref<40x125xi32, #tpu.memory_space<vmem>>) target_semaphore(%run_scoped3A : memref<!tpu.dma_semaphore, #tpu.memory_space<semaphore_mem>>)
        %dma_wait3A = arith.constant 0 : i32
        %dma_wait3A_118 = tpu.memref_slice %arg5[%add3A_99, %dma_wait3A] : memref<2560x125xi32, #tpu.memory_space<hbm>> -> memref<40x125xi32, #tpu.memory_space<hbm>>
        %dma_wait3A_119 = arith.constant 0 : i32
        %dma_wait3A_120 = tpu.memref_slice %arg5[%add3A_99, %dma_wait3A_119] : memref<2560x125xi32, #tpu.memory_space<hbm>> -> memref<40x125xi32, #tpu.memory_space<hbm>>
        tpu.wait_dma2 semaphore(%run_scoped3A : memref<!tpu.dma_semaphore, #tpu.memory_space<semaphore_mem>>) src(%dma_wait3A_120 : memref<40x125xi32, #tpu.memory_space<hbm>>) dst(%arg8 : memref<40x125xi32, #tpu.memory_space<vmem>>)
        tpu.yield
      }) : () -> ()
      %dma_start3A_100 = arith.constant 0 : i32
      %dma_start3A_101 = arith.constant 0 : i32
      %dma_start3A_102 = tpu.memref_slice %arg7[%dma_start3A_100, %dma_start3A_101] : memref<40x125xi32, #tpu.memory_space<vmem>> -> memref<1x125xi32, #tpu.memory_space<vmem>>
      %dma_start3A_103 = tpu.memref_squeeze %dma_start3A_102 : memref<1x125xi32, #tpu.memory_space<vmem>> -> memref<125xi32, #tpu.memory_space<vmem>>
      %dma_start3A_104 = arith.constant 0 : i32
      %dma_start3A_105 = arith.constant 0 : i32
      %dma_start3A_106 = tpu.memref_slice %arg2[%dma_start3A_104, %dma_start3A_105] : memref<10000x128xf32, #tpu.memory_space<hbm>> -> memref<10000x128xf32, #tpu.memory_space<hbm>>
      tpu.enqueue_indirect_dma source(%dma_start3A_106 : memref<10000x128xf32, #tpu.memory_space<hbm>>) target(%arg9 : memref<125x128xf32, #tpu.memory_space<vmem>>) offsets(%dma_start3A_103 : memref<125xi32, #tpu.memory_space<vmem>>) semaphore(%arg12 : memref<!tpu.dma_semaphore, #tpu.memory_space<semaphore_mem>>)
      %scan3A_107 = arith.constant 0 : i32
      %scan3A_108 = arith.constant 0 : i32
      %scan3A_109 = arith.constant 20 : i32
      %scan3A_110 = arith.addi %scan3A_108, %scan3A_109 : i32
      %scan3A_111 = arith.constant 1 : i32
      %scan3A_112 = scf.for %scan3A_114 = %scan3A_108 to %scan3A_110 step %scan3A_111 iter_args(%scan3A_115 = %scan3A_107) -> (i32)  : i32 {
        %mul3A_116 = arith.constant 2 : i32
        %mul3A_117 = arith.muli %mul3A_116, %scan3A_114 : i32
        %add3A_118 = arith.constant 1 : i32
        %add3A_119 = arith.addi %mul3A_117, %add3A_118 : i32
        %dma_start3A_120 = arith.constant 0 : i32
        %dma_start3A_121 = tpu.memref_slice %arg7[%add3A_119, %dma_start3A_120] : memref<40x125xi32, #tpu.memory_space<vmem>> -> memref<1x125xi32, #tpu.memory_space<vmem>>
        %dma_start3A_122 = tpu.memref_squeeze %dma_start3A_121 : memref<1x125xi32, #tpu.memory_space<vmem>> -> memref<125xi32, #tpu.memory_space<vmem>>
        %dma_start3A_123 = arith.constant 0 : i32
        %dma_start3A_124 = arith.constant 0 : i32
        %dma_start3A_125 = tpu.memref_slice %arg2[%dma_start3A_123, %dma_start3A_124] : memref<10000x128xf32, #tpu.memory_space<hbm>> -> memref<10000x128xf32, #tpu.memory_space<hbm>>
        tpu.enqueue_indirect_dma source(%dma_start3A_125 : memref<10000x128xf32, #tpu.memory_space<hbm>>) target(%arg10 : memref<125x128xf32, #tpu.memory_space<vmem>>) offsets(%dma_start3A_122 : memref<125xi32, #tpu.memory_space<vmem>>) semaphore(%arg13 : memref<!tpu.dma_semaphore, #tpu.memory_space<semaphore_mem>>)
        %dma_wait3A = arith.constant 0 : i32
        %dma_wait3A_126 = tpu.memref_slice %arg7[%mul3A_117, %dma_wait3A] : memref<40x125xi32, #tpu.memory_space<vmem>> -> memref<1x125xi32, #tpu.memory_space<vmem>>
        %dma_wait3A_127 = tpu.memref_squeeze %dma_wait3A_126 : memref<1x125xi32, #tpu.memory_space<vmem>> -> memref<125xi32, #tpu.memory_space<vmem>>
        %dma_wait3A_128 = arith.constant 0 : i32
        %dma_wait3A_129 = arith.constant 0 : i32
        %dma_wait3A_130 = tpu.memref_slice %arg2[%dma_wait3A_128, %dma_wait3A_129] : memref<10000x128xf32, #tpu.memory_space<hbm>> -> memref<10000x128xf32, #tpu.memory_space<hbm>>
        tpu.wait_indirect_dma semaphore(%arg12 : memref<!tpu.dma_semaphore, #tpu.memory_space<semaphore_mem>>) src(%dma_wait3A_130 : memref<10000x128xf32, #tpu.memory_space<hbm>>) dst(%arg9 : memref<125x128xf32, #tpu.memory_space<vmem>>)
        "tpu.region"() ({
          %run_scoped3A = tpu.sem_alloc : memref<!tpu.dma_semaphore, #tpu.memory_space<semaphore_mem>>
          %dma_start3A_148 = arith.constant 0 : i32
          %dma_start3A_149 = tpu.memref_slice %arg8[%mul3A_117, %dma_start3A_148] : memref<40x125xi32, #tpu.memory_space<vmem>> -> memref<1x125xi32, #tpu.memory_space<vmem>>
          %dma_start3A_150 = tpu.memref_squeeze %dma_start3A_149 : memref<1x125xi32, #tpu.memory_space<vmem>> -> memref<125xi32, #tpu.memory_space<vmem>>
          %dma_start3A_151 = arith.constant 0 : i32
          %dma_start3A_152 = arith.constant 0 : i32
          %dma_start3A_153 = tpu.memref_slice %arg11[%dma_start3A_151, %dma_start3A_152] : memref<10240x128xf32, #tpu.memory_space<vmem_shared>> -> memref<10240x128xf32, #tpu.memory_space<vmem_shared>>
          tpu.enqueue_indirect_dma source(%arg9 : memref<125x128xf32, #tpu.memory_space<vmem>>) target(%dma_start3A_153 : memref<10240x128xf32, #tpu.memory_space<vmem_shared>>) offsets(%dma_start3A_150 : memref<125xi32, #tpu.memory_space<vmem>>) semaphore(%run_scoped3A : memref<!tpu.dma_semaphore, #tpu.memory_space<semaphore_mem>>) {add = true}
          %dma_wait3A_154 = arith.constant 0 : i32
          %dma_wait3A_155 = tpu.memref_slice %arg8[%mul3A_117, %dma_wait3A_154] : memref<40x125xi32, #tpu.memory_space<vmem>> -> memref<1x125xi32, #tpu.memory_space<vmem>>
          %dma_wait3A_156 = tpu.memref_squeeze %dma_wait3A_155 : memref<1x125xi32, #tpu.memory_space<vmem>> -> memref<125xi32, #tpu.memory_space<vmem>>
          %dma_wait3A_157 = arith.constant 0 : i32
          %dma_wait3A_158 = arith.constant 0 : i32
          %dma_wait3A_159 = tpu.memref_slice %arg11[%dma_wait3A_157, %dma_wait3A_158] : memref<10240x128xf32, #tpu.memory_space<vmem_shared>> -> memref<10240x128xf32, #tpu.memory_space<vmem_shared>>
          tpu.wait_indirect_dma semaphore(%run_scoped3A : memref<!tpu.dma_semaphore, #tpu.memory_space<semaphore_mem>>) src(%arg9 : memref<125x128xf32, #tpu.memory_space<vmem>>) dst(%dma_wait3A_159 : memref<10240x128xf32, #tpu.memory_space<vmem_shared>>)
          tpu.yield
        }) : () -> ()
        %add3A_131 = arith.constant 1 : i32
        %add3A_132 = arith.addi %scan3A_114, %add3A_131 : i32
        %lt3A = arith.constant 20 : i32
        %lt3A_133 = arith.cmpi slt, %add3A_132, %lt3A : i32
        %convert_element_type3A_134 = arith.extui %lt3A_133 : i1 to i32
        %cond3A_135 = arith.constant 0 : i32
        %cond3A_136 = arith.cmpi ne, %convert_element_type3A_134, %cond3A_135 : i32
        scf.if %cond3A_136 {
          %add3A_148 = arith.constant 2 : i32
          %add3A_149 = arith.addi %mul3A_117, %add3A_148 : i32
          %dma_start3A_150 = arith.constant 0 : i32
          %dma_start3A_151 = tpu.memref_slice %arg7[%add3A_149, %dma_start3A_150] : memref<40x125xi32, #tpu.memory_space<vmem>> -> memref<1x125xi32, #tpu.memory_space<vmem>>
          %dma_start3A_152 = tpu.memref_squeeze %dma_start3A_151 : memref<1x125xi32, #tpu.memory_space<vmem>> -> memref<125xi32, #tpu.memory_space<vmem>>
          %dma_start3A_153 = arith.constant 0 : i32
          %dma_start3A_154 = arith.constant 0 : i32
          %dma_start3A_155 = tpu.memref_slice %arg2[%dma_start3A_153, %dma_start3A_154] : memref<10000x128xf32, #tpu.memory_space<hbm>> -> memref<10000x128xf32, #tpu.memory_space<hbm>>
          tpu.enqueue_indirect_dma source(%dma_start3A_155 : memref<10000x128xf32, #tpu.memory_space<hbm>>) target(%arg9 : memref<125x128xf32, #tpu.memory_space<vmem>>) offsets(%dma_start3A_152 : memref<125xi32, #tpu.memory_space<vmem>>) semaphore(%arg12 : memref<!tpu.dma_semaphore, #tpu.memory_space<semaphore_mem>>)
        } else {
        }
        %add3A_137 = arith.constant 1 : i32
        %add3A_138 = arith.addi %mul3A_117, %add3A_137 : i32
        %dma_wait3A_139 = arith.constant 0 : i32
        %dma_wait3A_140 = tpu.memref_slice %arg7[%add3A_138, %dma_wait3A_139] : memref<40x125xi32, #tpu.memory_space<vmem>> -> memref<1x125xi32, #tpu.memory_space<vmem>>
        %dma_wait3A_141 = tpu.memref_squeeze %dma_wait3A_140 : memref<1x125xi32, #tpu.memory_space<vmem>> -> memref<125xi32, #tpu.memory_space<vmem>>
        %dma_wait3A_142 = arith.constant 0 : i32
        %dma_wait3A_143 = arith.constant 0 : i32
        %dma_wait3A_144 = tpu.memref_slice %arg2[%dma_wait3A_142, %dma_wait3A_143] : memref<10000x128xf32, #tpu.memory_space<hbm>> -> memref<10000x128xf32, #tpu.memory_space<hbm>>
        tpu.wait_indirect_dma semaphore(%arg13 : memref<!tpu.dma_semaphore, #tpu.memory_space<semaphore_mem>>) src(%dma_wait3A_144 : memref<10000x128xf32, #tpu.memory_space<hbm>>) dst(%arg10 : memref<125x128xf32, #tpu.memory_space<vmem>>)
        %add3A_145 = arith.constant 1 : i32
        %add3A_146 = arith.addi %mul3A_117, %add3A_145 : i32
        "tpu.region"() ({
          %run_scoped3A = tpu.sem_alloc : memref<!tpu.dma_semaphore, #tpu.memory_space<semaphore_mem>>
          %dma_start3A_148 = arith.constant 0 : i32
          %dma_start3A_149 = tpu.memref_slice %arg8[%add3A_146, %dma_start3A_148] : memref<40x125xi32, #tpu.memory_space<vmem>> -> memref<1x125xi32, #tpu.memory_space<vmem>>
          %dma_start3A_150 = tpu.memref_squeeze %dma_start3A_149 : memref<1x125xi32, #tpu.memory_space<vmem>> -> memref<125xi32, #tpu.memory_space<vmem>>
          %dma_start3A_151 = arith.constant 0 : i32
          %dma_start3A_152 = arith.constant 0 : i32
          %dma_start3A_153 = tpu.memref_slice %arg11[%dma_start3A_151, %dma_start3A_152] : memref<10240x128xf32, #tpu.memory_space<vmem_shared>> -> memref<10240x128xf32, #tpu.memory_space<vmem_shared>>
          tpu.enqueue_indirect_dma source(%arg10 : memref<125x128xf32, #tpu.memory_space<vmem>>) target(%dma_start3A_153 : memref<10240x128xf32, #tpu.memory_space<vmem_shared>>) offsets(%dma_start3A_150 : memref<125xi32, #tpu.memory_space<vmem>>) semaphore(%run_scoped3A : memref<!tpu.dma_semaphore, #tpu.memory_space<semaphore_mem>>) {add = true}
          %dma_wait3A_154 = arith.constant 0 : i32
          %dma_wait3A_155 = tpu.memref_slice %arg8[%add3A_146, %dma_wait3A_154] : memref<40x125xi32, #tpu.memory_space<vmem>> -> memref<1x125xi32, #tpu.memory_space<vmem>>
          %dma_wait3A_156 = tpu.memref_squeeze %dma_wait3A_155 : memref<1x125xi32, #tpu.memory_space<vmem>> -> memref<125xi32, #tpu.memory_space<vmem>>
          %dma_wait3A_157 = arith.constant 0 : i32
          %dma_wait3A_158 = arith.constant 0 : i32
          %dma_wait3A_159 = tpu.memref_slice %arg11[%dma_wait3A_157, %dma_wait3A_158] : memref<10240x128xf32, #tpu.memory_space<vmem_shared>> -> memref<10240x128xf32, #tpu.memory_space<vmem_shared>>
          tpu.wait_indirect_dma semaphore(%run_scoped3A : memref<!tpu.dma_semaphore, #tpu.memory_space<semaphore_mem>>) src(%arg10 : memref<125x128xf32, #tpu.memory_space<vmem>>) dst(%dma_wait3A_159 : memref<10240x128xf32, #tpu.memory_space<vmem_shared>>)
          tpu.yield
        }) : () -> ()
        %scan3A_147 = arith.constant 0 : i32
        scf.yield %scan3A_147 : i32
      }
      %scan3A_113 = arith.constant 20 : i32
    } else {
    }
    %eq3A_33 = arith.constant 1 : i32
    %eq3A_34 = arith.cmpi eq, %arg0, %eq3A_33 : i32
    %convert_element_type3A_35 = arith.extui %eq3A_34 : i1 to i32
    %cond3A_36 = arith.constant 0 : i32
    %cond3A_37 = arith.cmpi ne, %convert_element_type3A_35, %cond3A_36 : i32
    scf.if %cond3A_37 {
      %add3A_43 = arith.constant 0 : i32
      %add3A_44 = arith.addi %mul3A_0, %add3A_43 : i32
      "tpu.region"() ({
        %run_scoped3A = tpu.sem_alloc : memref<!tpu.dma_semaphore, #tpu.memory_space<semaphore_mem>>
        %dma_start3A_114 = arith.constant 0 : i32
        %dma_start3A_115 = tpu.memref_slice %arg4[%add3A_44, %dma_start3A_114] : memref<2560x125xi32, #tpu.memory_space<hbm>> -> memref<40x125xi32, #tpu.memory_space<hbm>>
        %dma_start3A_116 = arith.constant 0 : i32
        %dma_start3A_117 = tpu.memref_slice %arg4[%add3A_44, %dma_start3A_116] : memref<2560x125xi32, #tpu.memory_space<hbm>> -> memref<40x125xi32, #tpu.memory_space<hbm>>
        tpu.enqueue_dma source(%dma_start3A_117 : memref<40x125xi32, #tpu.memory_space<hbm>>) target(%arg7 : memref<40x125xi32, #tpu.memory_space<vmem>>) target_semaphore(%run_scoped3A : memref<!tpu.dma_semaphore, #tpu.memory_space<semaphore_mem>>)
        %dma_wait3A = arith.constant 0 : i32
        %dma_wait3A_118 = tpu.memref_slice %arg4[%add3A_44, %dma_wait3A] : memref<2560x125xi32, #tpu.memory_space<hbm>> -> memref<40x125xi32, #tpu.memory_space<hbm>>
        %dma_wait3A_119 = arith.constant 0 : i32
        %dma_wait3A_120 = tpu.memref_slice %arg4[%add3A_44, %dma_wait3A_119] : memref<2560x125xi32, #tpu.memory_space<hbm>> -> memref<40x125xi32, #tpu.memory_space<hbm>>
        tpu.wait_dma2 semaphore(%run_scoped3A : memref<!tpu.dma_semaphore, #tpu.memory_space<semaphore_mem>>) src(%dma_wait3A_120 : memref<40x125xi32, #tpu.memory_space<hbm>>) dst(%arg7 : memref<40x125xi32, #tpu.memory_space<vmem>>)
        tpu.yield
      }) : () -> ()
      %add3A_45 = arith.constant 0 : i32
      %add3A_46 = arith.addi %mul3A_0, %add3A_45 : i32
      "tpu.region"() ({
        %run_scoped3A = tpu.sem_alloc : memref<!tpu.dma_semaphore, #tpu.memory_space<semaphore_mem>>
        %dma_start3A_114 = arith.constant 0 : i32
        %dma_start3A_115 = tpu.memref_slice %arg5[%add3A_46, %dma_start3A_114] : memref<2560x125xi32, #tpu.memory_space<hbm>> -> memref<40x125xi32, #tpu.memory_space<hbm>>
        %dma_start3A_116 = arith.constant 0 : i32
        %dma_start3A_117 = tpu.memref_slice %arg5[%add3A_46, %dma_start3A_116] : memref<2560x125xi32, #tpu.memory_space<hbm>> -> memref<40x125xi32, #tpu.memory_space<hbm>>
        tpu.enqueue_dma source(%dma_start3A_117 : memref<40x125xi32, #tpu.memory_space<hbm>>) target(%arg8 : memref<40x125xi32, #tpu.memory_space<vmem>>) target_semaphore(%run_scoped3A : memref<!tpu.dma_semaphore, #tpu.memory_space<semaphore_mem>>)
        %dma_wait3A = arith.constant 0 : i32
        %dma_wait3A_118 = tpu.memref_slice %arg5[%add3A_46, %dma_wait3A] : memref<2560x125xi32, #tpu.memory_space<hbm>> -> memref<40x125xi32, #tpu.memory_space<hbm>>
        %dma_wait3A_119 = arith.constant 0 : i32
        %dma_wait3A_120 = tpu.memref_slice %arg5[%add3A_46, %dma_wait3A_119] : memref<2560x125xi32, #tpu.memory_space<hbm>> -> memref<40x125xi32, #tpu.memory_space<hbm>>
        tpu.wait_dma2 semaphore(%run_scoped3A : memref<!tpu.dma_semaphore, #tpu.memory_space<semaphore_mem>>) src(%dma_wait3A_120 : memref<40x125xi32, #tpu.memory_space<hbm>>) dst(%arg8 : memref<40x125xi32, #tpu.memory_space<vmem>>)
        tpu.yield
      }) : () -> ()
      %dma_start3A = arith.constant 0 : i32
      %dma_start3A_47 = arith.constant 0 : i32
      %dma_start3A_48 = tpu.memref_slice %arg7[%dma_start3A, %dma_start3A_47] : memref<40x125xi32, #tpu.memory_space<vmem>> -> memref<1x125xi32, #tpu.memory_space<vmem>>
      %dma_start3A_49 = tpu.memref_squeeze %dma_start3A_48 : memref<1x125xi32, #tpu.memory_space<vmem>> -> memref<125xi32, #tpu.memory_space<vmem>>
      %dma_start3A_50 = arith.constant 0 : i32
      %dma_start3A_51 = arith.constant 0 : i32
      %dma_start3A_52 = tpu.memref_slice %arg3[%dma_start3A_50, %dma_start3A_51] : memref<10000x128xf32, #tpu.memory_space<hbm>> -> memref<10000x128xf32, #tpu.memory_space<hbm>>
      tpu.enqueue_indirect_dma source(%dma_start3A_52 : memref<10000x128xf32, #tpu.memory_space<hbm>>) target(%arg9 : memref<125x128xf32, #tpu.memory_space<vmem>>) offsets(%dma_start3A_49 : memref<125xi32, #tpu.memory_space<vmem>>) semaphore(%arg12 : memref<!tpu.dma_semaphore, #tpu.memory_space<semaphore_mem>>)
      %scan3A_53 = arith.constant 0 : i32
      %scan3A_54 = arith.constant 0 : i32
      %scan3A_55 = arith.constant 20 : i32
      %scan3A_56 = arith.addi %scan3A_54, %scan3A_55 : i32
      %scan3A_57 = arith.constant 1 : i32
      %scan3A_58 = scf.for %scan3A_114 = %scan3A_54 to %scan3A_56 step %scan3A_57 iter_args(%scan3A_115 = %scan3A_53) -> (i32)  : i32 {
        %mul3A_116 = arith.constant 2 : i32
        %mul3A_117 = arith.muli %mul3A_116, %scan3A_114 : i32
        %add3A_118 = arith.constant 1 : i32
        %add3A_119 = arith.addi %mul3A_117, %add3A_118 : i32
        %dma_start3A_120 = arith.constant 0 : i32
        %dma_start3A_121 = tpu.memref_slice %arg7[%add3A_119, %dma_start3A_120] : memref<40x125xi32, #tpu.memory_space<vmem>> -> memref<1x125xi32, #tpu.memory_space<vmem>>
        %dma_start3A_122 = tpu.memref_squeeze %dma_start3A_121 : memref<1x125xi32, #tpu.memory_space<vmem>> -> memref<125xi32, #tpu.memory_space<vmem>>
        %dma_start3A_123 = arith.constant 0 : i32
        %dma_start3A_124 = arith.constant 0 : i32
        %dma_start3A_125 = tpu.memref_slice %arg3[%dma_start3A_123, %dma_start3A_124] : memref<10000x128xf32, #tpu.memory_space<hbm>> -> memref<10000x128xf32, #tpu.memory_space<hbm>>
        tpu.enqueue_indirect_dma source(%dma_start3A_125 : memref<10000x128xf32, #tpu.memory_space<hbm>>) target(%arg10 : memref<125x128xf32, #tpu.memory_space<vmem>>) offsets(%dma_start3A_122 : memref<125xi32, #tpu.memory_space<vmem>>) semaphore(%arg13 : memref<!tpu.dma_semaphore, #tpu.memory_space<semaphore_mem>>)
        %dma_wait3A = arith.constant 0 : i32
        %dma_wait3A_126 = tpu.memref_slice %arg7[%mul3A_117, %dma_wait3A] : memref<40x125xi32, #tpu.memory_space<vmem>> -> memref<1x125xi32, #tpu.memory_space<vmem>>
        %dma_wait3A_127 = tpu.memref_squeeze %dma_wait3A_126 : memref<1x125xi32, #tpu.memory_space<vmem>> -> memref<125xi32, #tpu.memory_space<vmem>>
        %dma_wait3A_128 = arith.constant 0 : i32
        %dma_wait3A_129 = arith.constant 0 : i32
        %dma_wait3A_130 = tpu.memref_slice %arg3[%dma_wait3A_128, %dma_wait3A_129] : memref<10000x128xf32, #tpu.memory_space<hbm>> -> memref<10000x128xf32, #tpu.memory_space<hbm>>
        tpu.wait_indirect_dma semaphore(%arg12 : memref<!tpu.dma_semaphore, #tpu.memory_space<semaphore_mem>>) src(%dma_wait3A_130 : memref<10000x128xf32, #tpu.memory_space<hbm>>) dst(%arg9 : memref<125x128xf32, #tpu.memory_space<vmem>>)
        "tpu.region"() ({
          %run_scoped3A = tpu.sem_alloc : memref<!tpu.dma_semaphore, #tpu.memory_space<semaphore_mem>>
          %dma_start3A_148 = arith.constant 0 : i32
          %dma_start3A_149 = tpu.memref_slice %arg8[%mul3A_117, %dma_start3A_148] : memref<40x125xi32, #tpu.memory_space<vmem>> -> memref<1x125xi32, #tpu.memory_space<vmem>>
          %dma_start3A_150 = tpu.memref_squeeze %dma_start3A_149 : memref<1x125xi32, #tpu.memory_space<vmem>> -> memref<125xi32, #tpu.memory_space<vmem>>
          %dma_start3A_151 = arith.constant 0 : i32
          %dma_start3A_152 = arith.constant 0 : i32
          %dma_start3A_153 = tpu.memref_slice %arg11[%dma_start3A_151, %dma_start3A_152] : memref<10240x128xf32, #tpu.memory_space<vmem_shared>> -> memref<10240x128xf32, #tpu.memory_space<vmem_shared>>
          tpu.enqueue_indirect_dma source(%arg9 : memref<125x128xf32, #tpu.memory_space<vmem>>) target(%dma_start3A_153 : memref<10240x128xf32, #tpu.memory_space<vmem_shared>>) offsets(%dma_start3A_150 : memref<125xi32, #tpu.memory_space<vmem>>) semaphore(%run_scoped3A : memref<!tpu.dma_semaphore, #tpu.memory_space<semaphore_mem>>) {add = true}
          %dma_wait3A_154 = arith.constant 0 : i32
          %dma_wait3A_155 = tpu.memref_slice %arg8[%mul3A_117, %dma_wait3A_154] : memref<40x125xi32, #tpu.memory_space<vmem>> -> memref<1x125xi32, #tpu.memory_space<vmem>>
          %dma_wait3A_156 = tpu.memref_squeeze %dma_wait3A_155 : memref<1x125xi32, #tpu.memory_space<vmem>> -> memref<125xi32, #tpu.memory_space<vmem>>
          %dma_wait3A_157 = arith.constant 0 : i32
          %dma_wait3A_158 = arith.constant 0 : i32
          %dma_wait3A_159 = tpu.memref_slice %arg11[%dma_wait3A_157, %dma_wait3A_158] : memref<10240x128xf32, #tpu.memory_space<vmem_shared>> -> memref<10240x128xf32, #tpu.memory_space<vmem_shared>>
          tpu.wait_indirect_dma semaphore(%run_scoped3A : memref<!tpu.dma_semaphore, #tpu.memory_space<semaphore_mem>>) src(%arg9 : memref<125x128xf32, #tpu.memory_space<vmem>>) dst(%dma_wait3A_159 : memref<10240x128xf32, #tpu.memory_space<vmem_shared>>)
          tpu.yield
        }) : () -> ()
        %add3A_131 = arith.constant 1 : i32
        %add3A_132 = arith.addi %scan3A_114, %add3A_131 : i32
        %lt3A = arith.constant 20 : i32
        %lt3A_133 = arith.cmpi slt, %add3A_132, %lt3A : i32
        %convert_element_type3A_134 = arith.extui %lt3A_133 : i1 to i32
        %cond3A_135 = arith.constant 0 : i32
        %cond3A_136 = arith.cmpi ne, %convert_element_type3A_134, %cond3A_135 : i32
        scf.if %cond3A_136 {
          %add3A_148 = arith.constant 2 : i32
          %add3A_149 = arith.addi %mul3A_117, %add3A_148 : i32
          %dma_start3A_150 = arith.constant 0 : i32
          %dma_start3A_151 = tpu.memref_slice %arg7[%add3A_149, %dma_start3A_150] : memref<40x125xi32, #tpu.memory_space<vmem>> -> memref<1x125xi32, #tpu.memory_space<vmem>>
          %dma_start3A_152 = tpu.memref_squeeze %dma_start3A_151 : memref<1x125xi32, #tpu.memory_space<vmem>> -> memref<125xi32, #tpu.memory_space<vmem>>
          %dma_start3A_153 = arith.constant 0 : i32
          %dma_start3A_154 = arith.constant 0 : i32
          %dma_start3A_155 = tpu.memref_slice %arg3[%dma_start3A_153, %dma_start3A_154] : memref<10000x128xf32, #tpu.memory_space<hbm>> -> memref<10000x128xf32, #tpu.memory_space<hbm>>
          tpu.enqueue_indirect_dma source(%dma_start3A_155 : memref<10000x128xf32, #tpu.memory_space<hbm>>) target(%arg9 : memref<125x128xf32, #tpu.memory_space<vmem>>) offsets(%dma_start3A_152 : memref<125xi32, #tpu.memory_space<vmem>>) semaphore(%arg12 : memref<!tpu.dma_semaphore, #tpu.memory_space<semaphore_mem>>)
        } else {
        }
        %add3A_137 = arith.constant 1 : i32
        %add3A_138 = arith.addi %mul3A_117, %add3A_137 : i32
        %dma_wait3A_139 = arith.constant 0 : i32
        %dma_wait3A_140 = tpu.memref_slice %arg7[%add3A_138, %dma_wait3A_139] : memref<40x125xi32, #tpu.memory_space<vmem>> -> memref<1x125xi32, #tpu.memory_space<vmem>>
        %dma_wait3A_141 = tpu.memref_squeeze %dma_wait3A_140 : memref<1x125xi32, #tpu.memory_space<vmem>> -> memref<125xi32, #tpu.memory_space<vmem>>
        %dma_wait3A_142 = arith.constant 0 : i32
        %dma_wait3A_143 = arith.constant 0 : i32
        %dma_wait3A_144 = tpu.memref_slice %arg3[%dma_wait3A_142, %dma_wait3A_143] : memref<10000x128xf32, #tpu.memory_space<hbm>> -> memref<10000x128xf32, #tpu.memory_space<hbm>>
        tpu.wait_indirect_dma semaphore(%arg13 : memref<!tpu.dma_semaphore, #tpu.memory_space<semaphore_mem>>) src(%dma_wait3A_144 : memref<10000x128xf32, #tpu.memory_space<hbm>>) dst(%arg10 : memref<125x128xf32, #tpu.memory_space<vmem>>)
        %add3A_145 = arith.constant 1 : i32
        %add3A_146 = arith.addi %mul3A_117, %add3A_145 : i32
        "tpu.region"() ({
          %run_scoped3A = tpu.sem_alloc : memref<!tpu.dma_semaphore, #tpu.memory_space<semaphore_mem>>
          %dma_start3A_148 = arith.constant 0 : i32
          %dma_start3A_149 = tpu.memref_slice %arg8[%add3A_146, %dma_start3A_148] : memref<40x125xi32, #tpu.memory_space<vmem>> -> memref<1x125xi32, #tpu.memory_space<vmem>>
          %dma_start3A_150 = tpu.memref_squeeze %dma_start3A_149 : memref<1x125xi32, #tpu.memory_space<vmem>> -> memref<125xi32, #tpu.memory_space<vmem>>
          %dma_start3A_151 = arith.constant 0 : i32
          %dma_start3A_152 = arith.constant 0 : i32
          %dma_start3A_153 = tpu.memref_slice %arg11[%dma_start3A_151, %dma_start3A_152] : memref<10240x128xf32, #tpu.memory_space<vmem_shared>> -> memref<10240x128xf32, #tpu.memory_space<vmem_shared>>
          tpu.enqueue_indirect_dma source(%arg10 : memref<125x128xf32, #tpu.memory_space<vmem>>) target(%dma_start3A_153 : memref<10240x128xf32, #tpu.memory_space<vmem_shared>>) offsets(%dma_start3A_150 : memref<125xi32, #tpu.memory_space<vmem>>) semaphore(%run_scoped3A : memref<!tpu.dma_semaphore, #tpu.memory_space<semaphore_mem>>) {add = true}
          %dma_wait3A_154 = arith.constant 0 : i32
          %dma_wait3A_155 = tpu.memref_slice %arg8[%add3A_146, %dma_wait3A_154] : memref<40x125xi32, #tpu.memory_space<vmem>> -> memref<1x125xi32, #tpu.memory_space<vmem>>
          %dma_wait3A_156 = tpu.memref_squeeze %dma_wait3A_155 : memref<1x125xi32, #tpu.memory_space<vmem>> -> memref<125xi32, #tpu.memory_space<vmem>>
          %dma_wait3A_157 = arith.constant 0 : i32
          %dma_wait3A_158 = arith.constant 0 : i32
          %dma_wait3A_159 = tpu.memref_slice %arg11[%dma_wait3A_157, %dma_wait3A_158] : memref<10240x128xf32, #tpu.memory_space<vmem_shared>> -> memref<10240x128xf32, #tpu.memory_space<vmem_shared>>
          tpu.wait_indirect_dma semaphore(%run_scoped3A : memref<!tpu.dma_semaphore, #tpu.memory_space<semaphore_mem>>) src(%arg10 : memref<125x128xf32, #tpu.memory_space<vmem>>) dst(%dma_wait3A_159 : memref<10240x128xf32, #tpu.memory_space<vmem_shared>>)
          tpu.yield
        }) : () -> ()
        %scan3A_147 = arith.constant 0 : i32
        scf.yield %scan3A_147 : i32
      }
      %scan3A_59 = arith.constant 20 : i32
      %add3A_60 = arith.constant 40 : i32
      %add3A_61 = arith.addi %mul3A_0, %add3A_60 : i32
      "tpu.region"() ({
        %run_scoped3A = tpu.sem_alloc : memref<!tpu.dma_semaphore, #tpu.memory_space<semaphore_mem>>
        %dma_start3A_114 = arith.constant 0 : i32
        %dma_start3A_115 = tpu.memref_slice %arg4[%add3A_61, %dma_start3A_114] : memref<2560x125xi32, #tpu.memory_space<hbm>> -> memref<40x125xi32, #tpu.memory_space<hbm>>
        %dma_start3A_116 = arith.constant 0 : i32
        %dma_start3A_117 = tpu.memref_slice %arg4[%add3A_61, %dma_start3A_116] : memref<2560x125xi32, #tpu.memory_space<hbm>> -> memref<40x125xi32, #tpu.memory_space<hbm>>
        tpu.enqueue_dma source(%dma_start3A_117 : memref<40x125xi32, #tpu.memory_space<hbm>>) target(%arg7 : memref<40x125xi32, #tpu.memory_space<vmem>>) target_semaphore(%run_scoped3A : memref<!tpu.dma_semaphore, #tpu.memory_space<semaphore_mem>>)
        %dma_wait3A = arith.constant 0 : i32
        %dma_wait3A_118 = tpu.memref_slice %arg4[%add3A_61, %dma_wait3A] : memref<2560x125xi32, #tpu.memory_space<hbm>> -> memref<40x125xi32, #tpu.memory_space<hbm>>
        %dma_wait3A_119 = arith.constant 0 : i32
        %dma_wait3A_120 = tpu.memref_slice %arg4[%add3A_61, %dma_wait3A_119] : memref<2560x125xi32, #tpu.memory_space<hbm>> -> memref<40x125xi32, #tpu.memory_space<hbm>>
        tpu.wait_dma2 semaphore(%run_scoped3A : memref<!tpu.dma_semaphore, #tpu.memory_space<semaphore_mem>>) src(%dma_wait3A_120 : memref<40x125xi32, #tpu.memory_space<hbm>>) dst(%arg7 : memref<40x125xi32, #tpu.memory_space<vmem>>)
        tpu.yield
      }) : () -> ()
      %add3A_62 = arith.constant 40 : i32
      %add3A_63 = arith.addi %mul3A_0, %add3A_62 : i32
      "tpu.region"() ({
        %run_scoped3A = tpu.sem_alloc : memref<!tpu.dma_semaphore, #tpu.memory_space<semaphore_mem>>
        %dma_start3A_114 = arith.constant 0 : i32
        %dma_start3A_115 = tpu.memref_slice %arg5[%add3A_63, %dma_start3A_114] : memref<2560x125xi32, #tpu.memory_space<hbm>> -> memref<40x125xi32, #tpu.memory_space<hbm>>
        %dma_start3A_116 = arith.constant 0 : i32
        %dma_start3A_117 = tpu.memref_slice %arg5[%add3A_63, %dma_start3A_116] : memref<2560x125xi32, #tpu.memory_space<hbm>> -> memref<40x125xi32, #tpu.memory_space<hbm>>
        tpu.enqueue_dma source(%dma_start3A_117 : memref<40x125xi32, #tpu.memory_space<hbm>>) target(%arg8 : memref<40x125xi32, #tpu.memory_space<vmem>>) target_semaphore(%run_scoped3A : memref<!tpu.dma_semaphore, #tpu.memory_space<semaphore_mem>>)
        %dma_wait3A = arith.constant 0 : i32
        %dma_wait3A_118 = tpu.memref_slice %arg5[%add3A_63, %dma_wait3A] : memref<2560x125xi32, #tpu.memory_space<hbm>> -> memref<40x125xi32, #tpu.memory_space<hbm>>
        %dma_wait3A_119 = arith.constant 0 : i32
        %dma_wait3A_120 = tpu.memref_slice %arg5[%add3A_63, %dma_wait3A_119] : memref<2560x125xi32, #tpu.memory_space<hbm>> -> memref<40x125xi32, #tpu.memory_space<hbm>>
        tpu.wait_dma2 semaphore(%run_scoped3A : memref<!tpu.dma_semaphore, #tpu.memory_space<semaphore_mem>>) src(%dma_wait3A_120 : memref<40x125xi32, #tpu.memory_space<hbm>>) dst(%arg8 : memref<40x125xi32, #tpu.memory_space<vmem>>)
        tpu.yield
      }) : () -> ()
      %dma_start3A_64 = arith.constant 0 : i32
      %dma_start3A_65 = arith.constant 0 : i32
      %dma_start3A_66 = tpu.memref_slice %arg7[%dma_start3A_64, %dma_start3A_65] : memref<40x125xi32, #tpu.memory_space<vmem>> -> memref<1x125xi32, #tpu.memory_space<vmem>>
      %dma_start3A_67 = tpu.memref_squeeze %dma_start3A_66 : memref<1x125xi32, #tpu.memory_space<vmem>> -> memref<125xi32, #tpu.memory_space<vmem>>
      %dma_start3A_68 = arith.constant 0 : i32
      %dma_start3A_69 = arith.constant 0 : i32
      %dma_start3A_70 = tpu.memref_slice %arg3[%dma_start3A_68, %dma_start3A_69] : memref<10000x128xf32, #tpu.memory_space<hbm>> -> memref<10000x128xf32, #tpu.memory_space<hbm>>
      tpu.enqueue_indirect_dma source(%dma_start3A_70 : memref<10000x128xf32, #tpu.memory_space<hbm>>) target(%arg9 : memref<125x128xf32, #tpu.memory_space<vmem>>) offsets(%dma_start3A_67 : memref<125xi32, #tpu.memory_space<vmem>>) semaphore(%arg12 : memref<!tpu.dma_semaphore, #tpu.memory_space<semaphore_mem>>)
      %scan3A_71 = arith.constant 0 : i32
      %scan3A_72 = arith.constant 0 : i32
      %scan3A_73 = arith.constant 20 : i32
      %scan3A_74 = arith.addi %scan3A_72, %scan3A_73 : i32
      %scan3A_75 = arith.constant 1 : i32
      %scan3A_76 = scf.for %scan3A_114 = %scan3A_72 to %scan3A_74 step %scan3A_75 iter_args(%scan3A_115 = %scan3A_71) -> (i32)  : i32 {
        %mul3A_116 = arith.constant 2 : i32
        %mul3A_117 = arith.muli %mul3A_116, %scan3A_114 : i32
        %add3A_118 = arith.constant 1 : i32
        %add3A_119 = arith.addi %mul3A_117, %add3A_118 : i32
        %dma_start3A_120 = arith.constant 0 : i32
        %dma_start3A_121 = tpu.memref_slice %arg7[%add3A_119, %dma_start3A_120] : memref<40x125xi32, #tpu.memory_space<vmem>> -> memref<1x125xi32, #tpu.memory_space<vmem>>
        %dma_start3A_122 = tpu.memref_squeeze %dma_start3A_121 : memref<1x125xi32, #tpu.memory_space<vmem>> -> memref<125xi32, #tpu.memory_space<vmem>>
        %dma_start3A_123 = arith.constant 0 : i32
        %dma_start3A_124 = arith.constant 0 : i32
        %dma_start3A_125 = tpu.memref_slice %arg3[%dma_start3A_123, %dma_start3A_124] : memref<10000x128xf32, #tpu.memory_space<hbm>> -> memref<10000x128xf32, #tpu.memory_space<hbm>>
        tpu.enqueue_indirect_dma source(%dma_start3A_125 : memref<10000x128xf32, #tpu.memory_space<hbm>>) target(%arg10 : memref<125x128xf32, #tpu.memory_space<vmem>>) offsets(%dma_start3A_122 : memref<125xi32, #tpu.memory_space<vmem>>) semaphore(%arg13 : memref<!tpu.dma_semaphore, #tpu.memory_space<semaphore_mem>>)
        %dma_wait3A = arith.constant 0 : i32
        %dma_wait3A_126 = tpu.memref_slice %arg7[%mul3A_117, %dma_wait3A] : memref<40x125xi32, #tpu.memory_space<vmem>> -> memref<1x125xi32, #tpu.memory_space<vmem>>
        %dma_wait3A_127 = tpu.memref_squeeze %dma_wait3A_126 : memref<1x125xi32, #tpu.memory_space<vmem>> -> memref<125xi32, #tpu.memory_space<vmem>>
        %dma_wait3A_128 = arith.constant 0 : i32
        %dma_wait3A_129 = arith.constant 0 : i32
        %dma_wait3A_130 = tpu.memref_slice %arg3[%dma_wait3A_128, %dma_wait3A_129] : memref<10000x128xf32, #tpu.memory_space<hbm>> -> memref<10000x128xf32, #tpu.memory_space<hbm>>
        tpu.wait_indirect_dma semaphore(%arg12 : memref<!tpu.dma_semaphore, #tpu.memory_space<semaphore_mem>>) src(%dma_wait3A_130 : memref<10000x128xf32, #tpu.memory_space<hbm>>) dst(%arg9 : memref<125x128xf32, #tpu.memory_space<vmem>>)
        "tpu.region"() ({
          %run_scoped3A = tpu.sem_alloc : memref<!tpu.dma_semaphore, #tpu.memory_space<semaphore_mem>>
          %dma_start3A_148 = arith.constant 0 : i32
          %dma_start3A_149 = tpu.memref_slice %arg8[%mul3A_117, %dma_start3A_148] : memref<40x125xi32, #tpu.memory_space<vmem>> -> memref<1x125xi32, #tpu.memory_space<vmem>>
          %dma_start3A_150 = tpu.memref_squeeze %dma_start3A_149 : memref<1x125xi32, #tpu.memory_space<vmem>> -> memref<125xi32, #tpu.memory_space<vmem>>
          %dma_start3A_151 = arith.constant 0 : i32
          %dma_start3A_152 = arith.constant 0 : i32
          %dma_start3A_153 = tpu.memref_slice %arg11[%dma_start3A_151, %dma_start3A_152] : memref<10240x128xf32, #tpu.memory_space<vmem_shared>> -> memref<10240x128xf32, #tpu.memory_space<vmem_shared>>
          tpu.enqueue_indirect_dma source(%arg9 : memref<125x128xf32, #tpu.memory_space<vmem>>) target(%dma_start3A_153 : memref<10240x128xf32, #tpu.memory_space<vmem_shared>>) offsets(%dma_start3A_150 : memref<125xi32, #tpu.memory_space<vmem>>) semaphore(%run_scoped3A : memref<!tpu.dma_semaphore, #tpu.memory_space<semaphore_mem>>) {add = true}
          %dma_wait3A_154 = arith.constant 0 : i32
          %dma_wait3A_155 = tpu.memref_slice %arg8[%mul3A_117, %dma_wait3A_154] : memref<40x125xi32, #tpu.memory_space<vmem>> -> memref<1x125xi32, #tpu.memory_space<vmem>>
          %dma_wait3A_156 = tpu.memref_squeeze %dma_wait3A_155 : memref<1x125xi32, #tpu.memory_space<vmem>> -> memref<125xi32, #tpu.memory_space<vmem>>
          %dma_wait3A_157 = arith.constant 0 : i32
          %dma_wait3A_158 = arith.constant 0 : i32
          %dma_wait3A_159 = tpu.memref_slice %arg11[%dma_wait3A_157, %dma_wait3A_158] : memref<10240x128xf32, #tpu.memory_space<vmem_shared>> -> memref<10240x128xf32, #tpu.memory_space<vmem_shared>>
          tpu.wait_indirect_dma semaphore(%run_scoped3A : memref<!tpu.dma_semaphore, #tpu.memory_space<semaphore_mem>>) src(%arg9 : memref<125x128xf32, #tpu.memory_space<vmem>>) dst(%dma_wait3A_159 : memref<10240x128xf32, #tpu.memory_space<vmem_shared>>)
          tpu.yield
        }) : () -> ()
        %add3A_131 = arith.constant 1 : i32
        %add3A_132 = arith.addi %scan3A_114, %add3A_131 : i32
        %lt3A = arith.constant 20 : i32
        %lt3A_133 = arith.cmpi slt, %add3A_132, %lt3A : i32
        %convert_element_type3A_134 = arith.extui %lt3A_133 : i1 to i32
        %cond3A_135 = arith.constant 0 : i32
        %cond3A_136 = arith.cmpi ne, %convert_element_type3A_134, %cond3A_135 : i32
        scf.if %cond3A_136 {
          %add3A_148 = arith.constant 2 : i32
          %add3A_149 = arith.addi %mul3A_117, %add3A_148 : i32
          %dma_start3A_150 = arith.constant 0 : i32
          %dma_start3A_151 = tpu.memref_slice %arg7[%add3A_149, %dma_start3A_150] : memref<40x125xi32, #tpu.memory_space<vmem>> -> memref<1x125xi32, #tpu.memory_space<vmem>>
          %dma_start3A_152 = tpu.memref_squeeze %dma_start3A_151 : memref<1x125xi32, #tpu.memory_space<vmem>> -> memref<125xi32, #tpu.memory_space<vmem>>
          %dma_start3A_153 = arith.constant 0 : i32
          %dma_start3A_154 = arith.constant 0 : i32
          %dma_start3A_155 = tpu.memref_slice %arg3[%dma_start3A_153, %dma_start3A_154] : memref<10000x128xf32, #tpu.memory_space<hbm>> -> memref<10000x128xf32, #tpu.memory_space<hbm>>
          tpu.enqueue_indirect_dma source(%dma_start3A_155 : memref<10000x128xf32, #tpu.memory_space<hbm>>) target(%arg9 : memref<125x128xf32, #tpu.memory_space<vmem>>) offsets(%dma_start3A_152 : memref<125xi32, #tpu.memory_space<vmem>>) semaphore(%arg12 : memref<!tpu.dma_semaphore, #tpu.memory_space<semaphore_mem>>)
        } else {
        }
        %add3A_137 = arith.constant 1 : i32
        %add3A_138 = arith.addi %mul3A_117, %add3A_137 : i32
        %dma_wait3A_139 = arith.constant 0 : i32
        %dma_wait3A_140 = tpu.memref_slice %arg7[%add3A_138, %dma_wait3A_139] : memref<40x125xi32, #tpu.memory_space<vmem>> -> memref<1x125xi32, #tpu.memory_space<vmem>>
        %dma_wait3A_141 = tpu.memref_squeeze %dma_wait3A_140 : memref<1x125xi32, #tpu.memory_space<vmem>> -> memref<125xi32, #tpu.memory_space<vmem>>
        %dma_wait3A_142 = arith.constant 0 : i32
        %dma_wait3A_143 = arith.constant 0 : i32
        %dma_wait3A_144 = tpu.memref_slice %arg3[%dma_wait3A_142, %dma_wait3A_143] : memref<10000x128xf32, #tpu.memory_space<hbm>> -> memref<10000x128xf32, #tpu.memory_space<hbm>>
        tpu.wait_indirect_dma semaphore(%arg13 : memref<!tpu.dma_semaphore, #tpu.memory_space<semaphore_mem>>) src(%dma_wait3A_144 : memref<10000x128xf32, #tpu.memory_space<hbm>>) dst(%arg10 : memref<125x128xf32, #tpu.memory_space<vmem>>)
        %add3A_145 = arith.constant 1 : i32
        %add3A_146 = arith.addi %mul3A_117, %add3A_145 : i32
        "tpu.region"() ({
          %run_scoped3A = tpu.sem_alloc : memref<!tpu.dma_semaphore, #tpu.memory_space<semaphore_mem>>
          %dma_start3A_148 = arith.constant 0 : i32
          %dma_start3A_149 = tpu.memref_slice %arg8[%add3A_146, %dma_start3A_148] : memref<40x125xi32, #tpu.memory_space<vmem>> -> memref<1x125xi32, #tpu.memory_space<vmem>>
          %dma_start3A_150 = tpu.memref_squeeze %dma_start3A_149 : memref<1x125xi32, #tpu.memory_space<vmem>> -> memref<125xi32, #tpu.memory_space<vmem>>
          %dma_start3A_151 = arith.constant 0 : i32
          %dma_start3A_152 = arith.constant 0 : i32
          %dma_start3A_153 = tpu.memref_slice %arg11[%dma_start3A_151, %dma_start3A_152] : memref<10240x128xf32, #tpu.memory_space<vmem_shared>> -> memref<10240x128xf32, #tpu.memory_space<vmem_shared>>
          tpu.enqueue_indirect_dma source(%arg10 : memref<125x128xf32, #tpu.memory_space<vmem>>) target(%dma_start3A_153 : memref<10240x128xf32, #tpu.memory_space<vmem_shared>>) offsets(%dma_start3A_150 : memref<125xi32, #tpu.memory_space<vmem>>) semaphore(%run_scoped3A : memref<!tpu.dma_semaphore, #tpu.memory_space<semaphore_mem>>) {add = true}
          %dma_wait3A_154 = arith.constant 0 : i32
          %dma_wait3A_155 = tpu.memref_slice %arg8[%add3A_146, %dma_wait3A_154] : memref<40x125xi32, #tpu.memory_space<vmem>> -> memref<1x125xi32, #tpu.memory_space<vmem>>
          %dma_wait3A_156 = tpu.memref_squeeze %dma_wait3A_155 : memref<1x125xi32, #tpu.memory_space<vmem>> -> memref<125xi32, #tpu.memory_space<vmem>>
          %dma_wait3A_157 = arith.constant 0 : i32
          %dma_wait3A_158 = arith.constant 0 : i32
          %dma_wait3A_159 = tpu.memref_slice %arg11[%dma_wait3A_157, %dma_wait3A_158] : memref<10240x128xf32, #tpu.memory_space<vmem_shared>> -> memref<10240x128xf32, #tpu.memory_space<vmem_shared>>
          tpu.wait_indirect_dma semaphore(%run_scoped3A : memref<!tpu.dma_semaphore, #tpu.memory_space<semaphore_mem>>) src(%arg10 : memref<125x128xf32, #tpu.memory_space<vmem>>) dst(%dma_wait3A_159 : memref<10240x128xf32, #tpu.memory_space<vmem_shared>>)
          tpu.yield
        }) : () -> ()
        %scan3A_147 = arith.constant 0 : i32
        scf.yield %scan3A_147 : i32
      }
      %scan3A_77 = arith.constant 20 : i32
      %add3A_78 = arith.constant 80 : i32
      %add3A_79 = arith.addi %mul3A_0, %add3A_78 : i32
      "tpu.region"() ({
        %run_scoped3A = tpu.sem_alloc : memref<!tpu.dma_semaphore, #tpu.memory_space<semaphore_mem>>
        %dma_start3A_114 = arith.constant 0 : i32
        %dma_start3A_115 = tpu.memref_slice %arg4[%add3A_79, %dma_start3A_114] : memref<2560x125xi32, #tpu.memory_space<hbm>> -> memref<40x125xi32, #tpu.memory_space<hbm>>
        %dma_start3A_116 = arith.constant 0 : i32
        %dma_start3A_117 = tpu.memref_slice %arg4[%add3A_79, %dma_start3A_116] : memref<2560x125xi32, #tpu.memory_space<hbm>> -> memref<40x125xi32, #tpu.memory_space<hbm>>
        tpu.enqueue_dma source(%dma_start3A_117 : memref<40x125xi32, #tpu.memory_space<hbm>>) target(%arg7 : memref<40x125xi32, #tpu.memory_space<vmem>>) target_semaphore(%run_scoped3A : memref<!tpu.dma_semaphore, #tpu.memory_space<semaphore_mem>>)
        %dma_wait3A = arith.constant 0 : i32
        %dma_wait3A_118 = tpu.memref_slice %arg4[%add3A_79, %dma_wait3A] : memref<2560x125xi32, #tpu.memory_space<hbm>> -> memref<40x125xi32, #tpu.memory_space<hbm>>
        %dma_wait3A_119 = arith.constant 0 : i32
        %dma_wait3A_120 = tpu.memref_slice %arg4[%add3A_79, %dma_wait3A_119] : memref<2560x125xi32, #tpu.memory_space<hbm>> -> memref<40x125xi32, #tpu.memory_space<hbm>>
        tpu.wait_dma2 semaphore(%run_scoped3A : memref<!tpu.dma_semaphore, #tpu.memory_space<semaphore_mem>>) src(%dma_wait3A_120 : memref<40x125xi32, #tpu.memory_space<hbm>>) dst(%arg7 : memref<40x125xi32, #tpu.memory_space<vmem>>)
        tpu.yield
      }) : () -> ()
      %add3A_80 = arith.constant 80 : i32
      %add3A_81 = arith.addi %mul3A_0, %add3A_80 : i32
      "tpu.region"() ({
        %run_scoped3A = tpu.sem_alloc : memref<!tpu.dma_semaphore, #tpu.memory_space<semaphore_mem>>
        %dma_start3A_114 = arith.constant 0 : i32
        %dma_start3A_115 = tpu.memref_slice %arg5[%add3A_81, %dma_start3A_114] : memref<2560x125xi32, #tpu.memory_space<hbm>> -> memref<40x125xi32, #tpu.memory_space<hbm>>
        %dma_start3A_116 = arith.constant 0 : i32
        %dma_start3A_117 = tpu.memref_slice %arg5[%add3A_81, %dma_start3A_116] : memref<2560x125xi32, #tpu.memory_space<hbm>> -> memref<40x125xi32, #tpu.memory_space<hbm>>
        tpu.enqueue_dma source(%dma_start3A_117 : memref<40x125xi32, #tpu.memory_space<hbm>>) target(%arg8 : memref<40x125xi32, #tpu.memory_space<vmem>>) target_semaphore(%run_scoped3A : memref<!tpu.dma_semaphore, #tpu.memory_space<semaphore_mem>>)
        %dma_wait3A = arith.constant 0 : i32
        %dma_wait3A_118 = tpu.memref_slice %arg5[%add3A_81, %dma_wait3A] : memref<2560x125xi32, #tpu.memory_space<hbm>> -> memref<40x125xi32, #tpu.memory_space<hbm>>
        %dma_wait3A_119 = arith.constant 0 : i32
        %dma_wait3A_120 = tpu.memref_slice %arg5[%add3A_81, %dma_wait3A_119] : memref<2560x125xi32, #tpu.memory_space<hbm>> -> memref<40x125xi32, #tpu.memory_space<hbm>>
        tpu.wait_dma2 semaphore(%run_scoped3A : memref<!tpu.dma_semaphore, #tpu.memory_space<semaphore_mem>>) src(%dma_wait3A_120 : memref<40x125xi32, #tpu.memory_space<hbm>>) dst(%arg8 : memref<40x125xi32, #tpu.memory_space<vmem>>)
        tpu.yield
      }) : () -> ()
      %dma_start3A_82 = arith.constant 0 : i32
      %dma_start3A_83 = arith.constant 0 : i32
      %dma_start3A_84 = tpu.memref_slice %arg7[%dma_start3A_82, %dma_start3A_83] : memref<40x125xi32, #tpu.memory_space<vmem>> -> memref<1x125xi32, #tpu.memory_space<vmem>>
      %dma_start3A_85 = tpu.memref_squeeze %dma_start3A_84 : memref<1x125xi32, #tpu.memory_space<vmem>> -> memref<125xi32, #tpu.memory_space<vmem>>
      %dma_start3A_86 = arith.constant 0 : i32
      %dma_start3A_87 = arith.constant 0 : i32
      %dma_start3A_88 = tpu.memref_slice %arg3[%dma_start3A_86, %dma_start3A_87] : memref<10000x128xf32, #tpu.memory_space<hbm>> -> memref<10000x128xf32, #tpu.memory_space<hbm>>
      tpu.enqueue_indirect_dma source(%dma_start3A_88 : memref<10000x128xf32, #tpu.memory_space<hbm>>) target(%arg9 : memref<125x128xf32, #tpu.memory_space<vmem>>) offsets(%dma_start3A_85 : memref<125xi32, #tpu.memory_space<vmem>>) semaphore(%arg12 : memref<!tpu.dma_semaphore, #tpu.memory_space<semaphore_mem>>)
      %scan3A_89 = arith.constant 0 : i32
      %scan3A_90 = arith.constant 0 : i32
      %scan3A_91 = arith.constant 20 : i32
      %scan3A_92 = arith.addi %scan3A_90, %scan3A_91 : i32
      %scan3A_93 = arith.constant 1 : i32
      %scan3A_94 = scf.for %scan3A_114 = %scan3A_90 to %scan3A_92 step %scan3A_93 iter_args(%scan3A_115 = %scan3A_89) -> (i32)  : i32 {
        %mul3A_116 = arith.constant 2 : i32
        %mul3A_117 = arith.muli %mul3A_116, %scan3A_114 : i32
        %add3A_118 = arith.constant 1 : i32
        %add3A_119 = arith.addi %mul3A_117, %add3A_118 : i32
        %dma_start3A_120 = arith.constant 0 : i32
        %dma_start3A_121 = tpu.memref_slice %arg7[%add3A_119, %dma_start3A_120] : memref<40x125xi32, #tpu.memory_space<vmem>> -> memref<1x125xi32, #tpu.memory_space<vmem>>
        %dma_start3A_122 = tpu.memref_squeeze %dma_start3A_121 : memref<1x125xi32, #tpu.memory_space<vmem>> -> memref<125xi32, #tpu.memory_space<vmem>>
        %dma_start3A_123 = arith.constant 0 : i32
        %dma_start3A_124 = arith.constant 0 : i32
        %dma_start3A_125 = tpu.memref_slice %arg3[%dma_start3A_123, %dma_start3A_124] : memref<10000x128xf32, #tpu.memory_space<hbm>> -> memref<10000x128xf32, #tpu.memory_space<hbm>>
        tpu.enqueue_indirect_dma source(%dma_start3A_125 : memref<10000x128xf32, #tpu.memory_space<hbm>>) target(%arg10 : memref<125x128xf32, #tpu.memory_space<vmem>>) offsets(%dma_start3A_122 : memref<125xi32, #tpu.memory_space<vmem>>) semaphore(%arg13 : memref<!tpu.dma_semaphore, #tpu.memory_space<semaphore_mem>>)
        %dma_wait3A = arith.constant 0 : i32
        %dma_wait3A_126 = tpu.memref_slice %arg7[%mul3A_117, %dma_wait3A] : memref<40x125xi32, #tpu.memory_space<vmem>> -> memref<1x125xi32, #tpu.memory_space<vmem>>
        %dma_wait3A_127 = tpu.memref_squeeze %dma_wait3A_126 : memref<1x125xi32, #tpu.memory_space<vmem>> -> memref<125xi32, #tpu.memory_space<vmem>>
        %dma_wait3A_128 = arith.constant 0 : i32
        %dma_wait3A_129 = arith.constant 0 : i32
        %dma_wait3A_130 = tpu.memref_slice %arg3[%dma_wait3A_128, %dma_wait3A_129] : memref<10000x128xf32, #tpu.memory_space<hbm>> -> memref<10000x128xf32, #tpu.memory_space<hbm>>
        tpu.wait_indirect_dma semaphore(%arg12 : memref<!tpu.dma_semaphore, #tpu.memory_space<semaphore_mem>>) src(%dma_wait3A_130 : memref<10000x128xf32, #tpu.memory_space<hbm>>) dst(%arg9 : memref<125x128xf32, #tpu.memory_space<vmem>>)
        "tpu.region"() ({
          %run_scoped3A = tpu.sem_alloc : memref<!tpu.dma_semaphore, #tpu.memory_space<semaphore_mem>>
          %dma_start3A_148 = arith.constant 0 : i32
          %dma_start3A_149 = tpu.memref_slice %arg8[%mul3A_117, %dma_start3A_148] : memref<40x125xi32, #tpu.memory_space<vmem>> -> memref<1x125xi32, #tpu.memory_space<vmem>>
          %dma_start3A_150 = tpu.memref_squeeze %dma_start3A_149 : memref<1x125xi32, #tpu.memory_space<vmem>> -> memref<125xi32, #tpu.memory_space<vmem>>
          %dma_start3A_151 = arith.constant 0 : i32
          %dma_start3A_152 = arith.constant 0 : i32
          %dma_start3A_153 = tpu.memref_slice %arg11[%dma_start3A_151, %dma_start3A_152] : memref<10240x128xf32, #tpu.memory_space<vmem_shared>> -> memref<10240x128xf32, #tpu.memory_space<vmem_shared>>
          tpu.enqueue_indirect_dma source(%arg9 : memref<125x128xf32, #tpu.memory_space<vmem>>) target(%dma_start3A_153 : memref<10240x128xf32, #tpu.memory_space<vmem_shared>>) offsets(%dma_start3A_150 : memref<125xi32, #tpu.memory_space<vmem>>) semaphore(%run_scoped3A : memref<!tpu.dma_semaphore, #tpu.memory_space<semaphore_mem>>) {add = true}
          %dma_wait3A_154 = arith.constant 0 : i32
          %dma_wait3A_155 = tpu.memref_slice %arg8[%mul3A_117, %dma_wait3A_154] : memref<40x125xi32, #tpu.memory_space<vmem>> -> memref<1x125xi32, #tpu.memory_space<vmem>>
          %dma_wait3A_156 = tpu.memref_squeeze %dma_wait3A_155 : memref<1x125xi32, #tpu.memory_space<vmem>> -> memref<125xi32, #tpu.memory_space<vmem>>
          %dma_wait3A_157 = arith.constant 0 : i32
          %dma_wait3A_158 = arith.constant 0 : i32
          %dma_wait3A_159 = tpu.memref_slice %arg11[%dma_wait3A_157, %dma_wait3A_158] : memref<10240x128xf32, #tpu.memory_space<vmem_shared>> -> memref<10240x128xf32, #tpu.memory_space<vmem_shared>>
          tpu.wait_indirect_dma semaphore(%run_scoped3A : memref<!tpu.dma_semaphore, #tpu.memory_space<semaphore_mem>>) src(%arg9 : memref<125x128xf32, #tpu.memory_space<vmem>>) dst(%dma_wait3A_159 : memref<10240x128xf32, #tpu.memory_space<vmem_shared>>)
          tpu.yield
        }) : () -> ()
        %add3A_131 = arith.constant 1 : i32
        %add3A_132 = arith.addi %scan3A_114, %add3A_131 : i32
        %lt3A = arith.constant 20 : i32
        %lt3A_133 = arith.cmpi slt, %add3A_132, %lt3A : i32
        %convert_element_type3A_134 = arith.extui %lt3A_133 : i1 to i32
        %cond3A_135 = arith.constant 0 : i32
        %cond3A_136 = arith.cmpi ne, %convert_element_type3A_134, %cond3A_135 : i32
        scf.if %cond3A_136 {
          %add3A_148 = arith.constant 2 : i32
          %add3A_149 = arith.addi %mul3A_117, %add3A_148 : i32
          %dma_start3A_150 = arith.constant 0 : i32
          %dma_start3A_151 = tpu.memref_slice %arg7[%add3A_149, %dma_start3A_150] : memref<40x125xi32, #tpu.memory_space<vmem>> -> memref<1x125xi32, #tpu.memory_space<vmem>>
          %dma_start3A_152 = tpu.memref_squeeze %dma_start3A_151 : memref<1x125xi32, #tpu.memory_space<vmem>> -> memref<125xi32, #tpu.memory_space<vmem>>
          %dma_start3A_153 = arith.constant 0 : i32
          %dma_start3A_154 = arith.constant 0 : i32
          %dma_start3A_155 = tpu.memref_slice %arg3[%dma_start3A_153, %dma_start3A_154] : memref<10000x128xf32, #tpu.memory_space<hbm>> -> memref<10000x128xf32, #tpu.memory_space<hbm>>
          tpu.enqueue_indirect_dma source(%dma_start3A_155 : memref<10000x128xf32, #tpu.memory_space<hbm>>) target(%arg9 : memref<125x128xf32, #tpu.memory_space<vmem>>) offsets(%dma_start3A_152 : memref<125xi32, #tpu.memory_space<vmem>>) semaphore(%arg12 : memref<!tpu.dma_semaphore, #tpu.memory_space<semaphore_mem>>)
        } else {
        }
        %add3A_137 = arith.constant 1 : i32
        %add3A_138 = arith.addi %mul3A_117, %add3A_137 : i32
        %dma_wait3A_139 = arith.constant 0 : i32
        %dma_wait3A_140 = tpu.memref_slice %arg7[%add3A_138, %dma_wait3A_139] : memref<40x125xi32, #tpu.memory_space<vmem>> -> memref<1x125xi32, #tpu.memory_space<vmem>>
        %dma_wait3A_141 = tpu.memref_squeeze %dma_wait3A_140 : memref<1x125xi32, #tpu.memory_space<vmem>> -> memref<125xi32, #tpu.memory_space<vmem>>
        %dma_wait3A_142 = arith.constant 0 : i32
        %dma_wait3A_143 = arith.constant 0 : i32
        %dma_wait3A_144 = tpu.memref_slice %arg3[%dma_wait3A_142, %dma_wait3A_143] : memref<10000x128xf32, #tpu.memory_space<hbm>> -> memref<10000x128xf32, #tpu.memory_space<hbm>>
        tpu.wait_indirect_dma semaphore(%arg13 : memref<!tpu.dma_semaphore, #tpu.memory_space<semaphore_mem>>) src(%dma_wait3A_144 : memref<10000x128xf32, #tpu.memory_space<hbm>>) dst(%arg10 : memref<125x128xf32, #tpu.memory_space<vmem>>)
        %add3A_145 = arith.constant 1 : i32
        %add3A_146 = arith.addi %mul3A_117, %add3A_145 : i32
        "tpu.region"() ({
          %run_scoped3A = tpu.sem_alloc : memref<!tpu.dma_semaphore, #tpu.memory_space<semaphore_mem>>
          %dma_start3A_148 = arith.constant 0 : i32
          %dma_start3A_149 = tpu.memref_slice %arg8[%add3A_146, %dma_start3A_148] : memref<40x125xi32, #tpu.memory_space<vmem>> -> memref<1x125xi32, #tpu.memory_space<vmem>>
          %dma_start3A_150 = tpu.memref_squeeze %dma_start3A_149 : memref<1x125xi32, #tpu.memory_space<vmem>> -> memref<125xi32, #tpu.memory_space<vmem>>
          %dma_start3A_151 = arith.constant 0 : i32
          %dma_start3A_152 = arith.constant 0 : i32
          %dma_start3A_153 = tpu.memref_slice %arg11[%dma_start3A_151, %dma_start3A_152] : memref<10240x128xf32, #tpu.memory_space<vmem_shared>> -> memref<10240x128xf32, #tpu.memory_space<vmem_shared>>
          tpu.enqueue_indirect_dma source(%arg10 : memref<125x128xf32, #tpu.memory_space<vmem>>) target(%dma_start3A_153 : memref<10240x128xf32, #tpu.memory_space<vmem_shared>>) offsets(%dma_start3A_150 : memref<125xi32, #tpu.memory_space<vmem>>) semaphore(%run_scoped3A : memref<!tpu.dma_semaphore, #tpu.memory_space<semaphore_mem>>) {add = true}
          %dma_wait3A_154 = arith.constant 0 : i32
          %dma_wait3A_155 = tpu.memref_slice %arg8[%add3A_146, %dma_wait3A_154] : memref<40x125xi32, #tpu.memory_space<vmem>> -> memref<1x125xi32, #tpu.memory_space<vmem>>
          %dma_wait3A_156 = tpu.memref_squeeze %dma_wait3A_155 : memref<1x125xi32, #tpu.memory_space<vmem>> -> memref<125xi32, #tpu.memory_space<vmem>>
          %dma_wait3A_157 = arith.constant 0 : i32
          %dma_wait3A_158 = arith.constant 0 : i32
          %dma_wait3A_159 = tpu.memref_slice %arg11[%dma_wait3A_157, %dma_wait3A_158] : memref<10240x128xf32, #tpu.memory_space<vmem_shared>> -> memref<10240x128xf32, #tpu.memory_space<vmem_shared>>
          tpu.wait_indirect_dma semaphore(%run_scoped3A : memref<!tpu.dma_semaphore, #tpu.memory_space<semaphore_mem>>) src(%arg10 : memref<125x128xf32, #tpu.memory_space<vmem>>) dst(%dma_wait3A_159 : memref<10240x128xf32, #tpu.memory_space<vmem_shared>>)
          tpu.yield
        }) : () -> ()
        %scan3A_147 = arith.constant 0 : i32
        scf.yield %scan3A_147 : i32
      }
      %scan3A_95 = arith.constant 20 : i32
      %add3A_96 = arith.constant 120 : i32
      %add3A_97 = arith.addi %mul3A_0, %add3A_96 : i32
      "tpu.region"() ({
        %run_scoped3A = tpu.sem_alloc : memref<!tpu.dma_semaphore, #tpu.memory_space<semaphore_mem>>
        %dma_start3A_114 = arith.constant 0 : i32
        %dma_start3A_115 = tpu.memref_slice %arg4[%add3A_97, %dma_start3A_114] : memref<2560x125xi32, #tpu.memory_space<hbm>> -> memref<40x125xi32, #tpu.memory_space<hbm>>
        %dma_start3A_116 = arith.constant 0 : i32
        %dma_start3A_117 = tpu.memref_slice %arg4[%add3A_97, %dma_start3A_116] : memref<2560x125xi32, #tpu.memory_space<hbm>> -> memref<40x125xi32, #tpu.memory_space<hbm>>
        tpu.enqueue_dma source(%dma_start3A_117 : memref<40x125xi32, #tpu.memory_space<hbm>>) target(%arg7 : memref<40x125xi32, #tpu.memory_space<vmem>>) target_semaphore(%run_scoped3A : memref<!tpu.dma_semaphore, #tpu.memory_space<semaphore_mem>>)
        %dma_wait3A = arith.constant 0 : i32
        %dma_wait3A_118 = tpu.memref_slice %arg4[%add3A_97, %dma_wait3A] : memref<2560x125xi32, #tpu.memory_space<hbm>> -> memref<40x125xi32, #tpu.memory_space<hbm>>
        %dma_wait3A_119 = arith.constant 0 : i32
        %dma_wait3A_120 = tpu.memref_slice %arg4[%add3A_97, %dma_wait3A_119] : memref<2560x125xi32, #tpu.memory_space<hbm>> -> memref<40x125xi32, #tpu.memory_space<hbm>>
        tpu.wait_dma2 semaphore(%run_scoped3A : memref<!tpu.dma_semaphore, #tpu.memory_space<semaphore_mem>>) src(%dma_wait3A_120 : memref<40x125xi32, #tpu.memory_space<hbm>>) dst(%arg7 : memref<40x125xi32, #tpu.memory_space<vmem>>)
        tpu.yield
      }) : () -> ()
      %add3A_98 = arith.constant 120 : i32
      %add3A_99 = arith.addi %mul3A_0, %add3A_98 : i32
      "tpu.region"() ({
        %run_scoped3A = tpu.sem_alloc : memref<!tpu.dma_semaphore, #tpu.memory_space<semaphore_mem>>
        %dma_start3A_114 = arith.constant 0 : i32
        %dma_start3A_115 = tpu.memref_slice %arg5[%add3A_99, %dma_start3A_114] : memref<2560x125xi32, #tpu.memory_space<hbm>> -> memref<40x125xi32, #tpu.memory_space<hbm>>
        %dma_start3A_116 = arith.constant 0 : i32
        %dma_start3A_117 = tpu.memref_slice %arg5[%add3A_99, %dma_start3A_116] : memref<2560x125xi32, #tpu.memory_space<hbm>> -> memref<40x125xi32, #tpu.memory_space<hbm>>
        tpu.enqueue_dma source(%dma_start3A_117 : memref<40x125xi32, #tpu.memory_space<hbm>>) target(%arg8 : memref<40x125xi32, #tpu.memory_space<vmem>>) target_semaphore(%run_scoped3A : memref<!tpu.dma_semaphore, #tpu.memory_space<semaphore_mem>>)
        %dma_wait3A = arith.constant 0 : i32
        %dma_wait3A_118 = tpu.memref_slice %arg5[%add3A_99, %dma_wait3A] : memref<2560x125xi32, #tpu.memory_space<hbm>> -> memref<40x125xi32, #tpu.memory_space<hbm>>
        %dma_wait3A_119 = arith.constant 0 : i32
        %dma_wait3A_120 = tpu.memref_slice %arg5[%add3A_99, %dma_wait3A_119] : memref<2560x125xi32, #tpu.memory_space<hbm>> -> memref<40x125xi32, #tpu.memory_space<hbm>>
        tpu.wait_dma2 semaphore(%run_scoped3A : memref<!tpu.dma_semaphore, #tpu.memory_space<semaphore_mem>>) src(%dma_wait3A_120 : memref<40x125xi32, #tpu.memory_space<hbm>>) dst(%arg8 : memref<40x125xi32, #tpu.memory_space<vmem>>)
        tpu.yield
      }) : () -> ()
      %dma_start3A_100 = arith.constant 0 : i32
      %dma_start3A_101 = arith.constant 0 : i32
      %dma_start3A_102 = tpu.memref_slice %arg7[%dma_start3A_100, %dma_start3A_101] : memref<40x125xi32, #tpu.memory_space<vmem>> -> memref<1x125xi32, #tpu.memory_space<vmem>>
      %dma_start3A_103 = tpu.memref_squeeze %dma_start3A_102 : memref<1x125xi32, #tpu.memory_space<vmem>> -> memref<125xi32, #tpu.memory_space<vmem>>
      %dma_start3A_104 = arith.constant 0 : i32
      %dma_start3A_105 = arith.constant 0 : i32
      %dma_start3A_106 = tpu.memref_slice %arg3[%dma_start3A_104, %dma_start3A_105] : memref<10000x128xf32, #tpu.memory_space<hbm>> -> memref<10000x128xf32, #tpu.memory_space<hbm>>
      tpu.enqueue_indirect_dma source(%dma_start3A_106 : memref<10000x128xf32, #tpu.memory_space<hbm>>) target(%arg9 : memref<125x128xf32, #tpu.memory_space<vmem>>) offsets(%dma_start3A_103 : memref<125xi32, #tpu.memory_space<vmem>>) semaphore(%arg12 : memref<!tpu.dma_semaphore, #tpu.memory_space<semaphore_mem>>)
      %scan3A_107 = arith.constant 0 : i32
      %scan3A_108 = arith.constant 0 : i32
      %scan3A_109 = arith.constant 20 : i32
      %scan3A_110 = arith.addi %scan3A_108, %scan3A_109 : i32
      %scan3A_111 = arith.constant 1 : i32
      %scan3A_112 = scf.for %scan3A_114 = %scan3A_108 to %scan3A_110 step %scan3A_111 iter_args(%scan3A_115 = %scan3A_107) -> (i32)  : i32 {
        %mul3A_116 = arith.constant 2 : i32
        %mul3A_117 = arith.muli %mul3A_116, %scan3A_114 : i32
        %add3A_118 = arith.constant 1 : i32
        %add3A_119 = arith.addi %mul3A_117, %add3A_118 : i32
        %dma_start3A_120 = arith.constant 0 : i32
        %dma_start3A_121 = tpu.memref_slice %arg7[%add3A_119, %dma_start3A_120] : memref<40x125xi32, #tpu.memory_space<vmem>> -> memref<1x125xi32, #tpu.memory_space<vmem>>
        %dma_start3A_122 = tpu.memref_squeeze %dma_start3A_121 : memref<1x125xi32, #tpu.memory_space<vmem>> -> memref<125xi32, #tpu.memory_space<vmem>>
        %dma_start3A_123 = arith.constant 0 : i32
        %dma_start3A_124 = arith.constant 0 : i32
        %dma_start3A_125 = tpu.memref_slice %arg3[%dma_start3A_123, %dma_start3A_124] : memref<10000x128xf32, #tpu.memory_space<hbm>> -> memref<10000x128xf32, #tpu.memory_space<hbm>>
        tpu.enqueue_indirect_dma source(%dma_start3A_125 : memref<10000x128xf32, #tpu.memory_space<hbm>>) target(%arg10 : memref<125x128xf32, #tpu.memory_space<vmem>>) offsets(%dma_start3A_122 : memref<125xi32, #tpu.memory_space<vmem>>) semaphore(%arg13 : memref<!tpu.dma_semaphore, #tpu.memory_space<semaphore_mem>>)
        %dma_wait3A = arith.constant 0 : i32
        %dma_wait3A_126 = tpu.memref_slice %arg7[%mul3A_117, %dma_wait3A] : memref<40x125xi32, #tpu.memory_space<vmem>> -> memref<1x125xi32, #tpu.memory_space<vmem>>
        %dma_wait3A_127 = tpu.memref_squeeze %dma_wait3A_126 : memref<1x125xi32, #tpu.memory_space<vmem>> -> memref<125xi32, #tpu.memory_space<vmem>>
        %dma_wait3A_128 = arith.constant 0 : i32
        %dma_wait3A_129 = arith.constant 0 : i32
        %dma_wait3A_130 = tpu.memref_slice %arg3[%dma_wait3A_128, %dma_wait3A_129] : memref<10000x128xf32, #tpu.memory_space<hbm>> -> memref<10000x128xf32, #tpu.memory_space<hbm>>
        tpu.wait_indirect_dma semaphore(%arg12 : memref<!tpu.dma_semaphore, #tpu.memory_space<semaphore_mem>>) src(%dma_wait3A_130 : memref<10000x128xf32, #tpu.memory_space<hbm>>) dst(%arg9 : memref<125x128xf32, #tpu.memory_space<vmem>>)
        "tpu.region"() ({
          %run_scoped3A = tpu.sem_alloc : memref<!tpu.dma_semaphore, #tpu.memory_space<semaphore_mem>>
          %dma_start3A_148 = arith.constant 0 : i32
          %dma_start3A_149 = tpu.memref_slice %arg8[%mul3A_117, %dma_start3A_148] : memref<40x125xi32, #tpu.memory_space<vmem>> -> memref<1x125xi32, #tpu.memory_space<vmem>>
          %dma_start3A_150 = tpu.memref_squeeze %dma_start3A_149 : memref<1x125xi32, #tpu.memory_space<vmem>> -> memref<125xi32, #tpu.memory_space<vmem>>
          %dma_start3A_151 = arith.constant 0 : i32
          %dma_start3A_152 = arith.constant 0 : i32
          %dma_start3A_153 = tpu.memref_slice %arg11[%dma_start3A_151, %dma_start3A_152] : memref<10240x128xf32, #tpu.memory_space<vmem_shared>> -> memref<10240x128xf32, #tpu.memory_space<vmem_shared>>
          tpu.enqueue_indirect_dma source(%arg9 : memref<125x128xf32, #tpu.memory_space<vmem>>) target(%dma_start3A_153 : memref<10240x128xf32, #tpu.memory_space<vmem_shared>>) offsets(%dma_start3A_150 : memref<125xi32, #tpu.memory_space<vmem>>) semaphore(%run_scoped3A : memref<!tpu.dma_semaphore, #tpu.memory_space<semaphore_mem>>) {add = true}
          %dma_wait3A_154 = arith.constant 0 : i32
          %dma_wait3A_155 = tpu.memref_slice %arg8[%mul3A_117, %dma_wait3A_154] : memref<40x125xi32, #tpu.memory_space<vmem>> -> memref<1x125xi32, #tpu.memory_space<vmem>>
          %dma_wait3A_156 = tpu.memref_squeeze %dma_wait3A_155 : memref<1x125xi32, #tpu.memory_space<vmem>> -> memref<125xi32, #tpu.memory_space<vmem>>
          %dma_wait3A_157 = arith.constant 0 : i32
          %dma_wait3A_158 = arith.constant 0 : i32
          %dma_wait3A_159 = tpu.memref_slice %arg11[%dma_wait3A_157, %dma_wait3A_158] : memref<10240x128xf32, #tpu.memory_space<vmem_shared>> -> memref<10240x128xf32, #tpu.memory_space<vmem_shared>>
          tpu.wait_indirect_dma semaphore(%run_scoped3A : memref<!tpu.dma_semaphore, #tpu.memory_space<semaphore_mem>>) src(%arg9 : memref<125x128xf32, #tpu.memory_space<vmem>>) dst(%dma_wait3A_159 : memref<10240x128xf32, #tpu.memory_space<vmem_shared>>)
          tpu.yield
        }) : () -> ()
        %add3A_131 = arith.constant 1 : i32
        %add3A_132 = arith.addi %scan3A_114, %add3A_131 : i32
        %lt3A = arith.constant 20 : i32
        %lt3A_133 = arith.cmpi slt, %add3A_132, %lt3A : i32
        %convert_element_type3A_134 = arith.extui %lt3A_133 : i1 to i32
        %cond3A_135 = arith.constant 0 : i32
        %cond3A_136 = arith.cmpi ne, %convert_element_type3A_134, %cond3A_135 : i32
        scf.if %cond3A_136 {
          %add3A_148 = arith.constant 2 : i32
          %add3A_149 = arith.addi %mul3A_117, %add3A_148 : i32
          %dma_start3A_150 = arith.constant 0 : i32
          %dma_start3A_151 = tpu.memref_slice %arg7[%add3A_149, %dma_start3A_150] : memref<40x125xi32, #tpu.memory_space<vmem>> -> memref<1x125xi32, #tpu.memory_space<vmem>>
          %dma_start3A_152 = tpu.memref_squeeze %dma_start3A_151 : memref<1x125xi32, #tpu.memory_space<vmem>> -> memref<125xi32, #tpu.memory_space<vmem>>
          %dma_start3A_153 = arith.constant 0 : i32
          %dma_start3A_154 = arith.constant 0 : i32
          %dma_start3A_155 = tpu.memref_slice %arg3[%dma_start3A_153, %dma_start3A_154] : memref<10000x128xf32, #tpu.memory_space<hbm>> -> memref<10000x128xf32, #tpu.memory_space<hbm>>
          tpu.enqueue_indirect_dma source(%dma_start3A_155 : memref<10000x128xf32, #tpu.memory_space<hbm>>) target(%arg9 : memref<125x128xf32, #tpu.memory_space<vmem>>) offsets(%dma_start3A_152 : memref<125xi32, #tpu.memory_space<vmem>>) semaphore(%arg12 : memref<!tpu.dma_semaphore, #tpu.memory_space<semaphore_mem>>)
        } else {
        }
        %add3A_137 = arith.constant 1 : i32
        %add3A_138 = arith.addi %mul3A_117, %add3A_137 : i32
        %dma_wait3A_139 = arith.constant 0 : i32
        %dma_wait3A_140 = tpu.memref_slice %arg7[%add3A_138, %dma_wait3A_139] : memref<40x125xi32, #tpu.memory_space<vmem>> -> memref<1x125xi32, #tpu.memory_space<vmem>>
        %dma_wait3A_141 = tpu.memref_squeeze %dma_wait3A_140 : memref<1x125xi32, #tpu.memory_space<vmem>> -> memref<125xi32, #tpu.memory_space<vmem>>
        %dma_wait3A_142 = arith.constant 0 : i32
        %dma_wait3A_143 = arith.constant 0 : i32
        %dma_wait3A_144 = tpu.memref_slice %arg3[%dma_wait3A_142, %dma_wait3A_143] : memref<10000x128xf32, #tpu.memory_space<hbm>> -> memref<10000x128xf32, #tpu.memory_space<hbm>>
        tpu.wait_indirect_dma semaphore(%arg13 : memref<!tpu.dma_semaphore, #tpu.memory_space<semaphore_mem>>) src(%dma_wait3A_144 : memref<10000x128xf32, #tpu.memory_space<hbm>>) dst(%arg10 : memref<125x128xf32, #tpu.memory_space<vmem>>)
        %add3A_145 = arith.constant 1 : i32
        %add3A_146 = arith.addi %mul3A_117, %add3A_145 : i32
        "tpu.region"() ({
          %run_scoped3A = tpu.sem_alloc : memref<!tpu.dma_semaphore, #tpu.memory_space<semaphore_mem>>
          %dma_start3A_148 = arith.constant 0 : i32
          %dma_start3A_149 = tpu.memref_slice %arg8[%add3A_146, %dma_start3A_148] : memref<40x125xi32, #tpu.memory_space<vmem>> -> memref<1x125xi32, #tpu.memory_space<vmem>>
          %dma_start3A_150 = tpu.memref_squeeze %dma_start3A_149 : memref<1x125xi32, #tpu.memory_space<vmem>> -> memref<125xi32, #tpu.memory_space<vmem>>
          %dma_start3A_151 = arith.constant 0 : i32
          %dma_start3A_152 = arith.constant 0 : i32
          %dma_start3A_153 = tpu.memref_slice %arg11[%dma_start3A_151, %dma_start3A_152] : memref<10240x128xf32, #tpu.memory_space<vmem_shared>> -> memref<10240x128xf32, #tpu.memory_space<vmem_shared>>
          tpu.enqueue_indirect_dma source(%arg10 : memref<125x128xf32, #tpu.memory_space<vmem>>) target(%dma_start3A_153 : memref<10240x128xf32, #tpu.memory_space<vmem_shared>>) offsets(%dma_start3A_150 : memref<125xi32, #tpu.memory_space<vmem>>) semaphore(%run_scoped3A : memref<!tpu.dma_semaphore, #tpu.memory_space<semaphore_mem>>) {add = true}
          %dma_wait3A_154 = arith.constant 0 : i32
          %dma_wait3A_155 = tpu.memref_slice %arg8[%add3A_146, %dma_wait3A_154] : memref<40x125xi32, #tpu.memory_space<vmem>> -> memref<1x125xi32, #tpu.memory_space<vmem>>
          %dma_wait3A_156 = tpu.memref_squeeze %dma_wait3A_155 : memref<1x125xi32, #tpu.memory_space<vmem>> -> memref<125xi32, #tpu.memory_space<vmem>>
          %dma_wait3A_157 = arith.constant 0 : i32
          %dma_wait3A_158 = arith.constant 0 : i32
          %dma_wait3A_159 = tpu.memref_slice %arg11[%dma_wait3A_157, %dma_wait3A_158] : memref<10240x128xf32, #tpu.memory_space<vmem_shared>> -> memref<10240x128xf32, #tpu.memory_space<vmem_shared>>
          tpu.wait_indirect_dma semaphore(%run_scoped3A : memref<!tpu.dma_semaphore, #tpu.memory_space<semaphore_mem>>) src(%arg10 : memref<125x128xf32, #tpu.memory_space<vmem>>) dst(%dma_wait3A_159 : memref<10240x128xf32, #tpu.memory_space<vmem_shared>>)
          tpu.yield
        }) : () -> ()
        %scan3A_147 = arith.constant 0 : i32
        scf.yield %scan3A_147 : i32
      }
      %scan3A_113 = arith.constant 20 : i32
    } else {
    }
    %barrier3A_38 = arith.constant 0 : index
    tpu.barrier barrier_id(%barrier3A_38)
    %mul3A_39 = arith.constant 640 : i32
    %mul3A_40 = arith.muli %arg1, %mul3A_39 : i32
    %mul3A_41 = arith.constant 640 : i32
    %mul3A_42 = arith.muli %arg1, %mul3A_41 : i32
    "tpu.region"() ({
      %run_scoped3A = tpu.sem_alloc : memref<!tpu.dma_semaphore, #tpu.memory_space<semaphore_mem>>
      %dma_start3A = arith.constant 0 : i32
      %dma_start3A_43 = tpu.memref_slice %arg6[%arg0, %mul3A_42, %dma_start3A] : memref<2x10240x128xf32, #tpu.memory_space<hbm>> -> memref<1x640x128xf32, #tpu.memory_space<hbm>>
      %dma_start3A_44 = tpu.memref_squeeze %dma_start3A_43 : memref<1x640x128xf32, #tpu.memory_space<hbm>> -> memref<640x128xf32, #tpu.memory_space<hbm>>
      %dma_start3A_45 = arith.constant 0 : i32
      %dma_start3A_46 = tpu.memref_slice %arg11[%mul3A_40, %dma_start3A_45] : memref<10240x128xf32, #tpu.memory_space<vmem_shared>> -> memref<640x128xf32, #tpu.memory_space<vmem_shared>>
      tpu.enqueue_dma source(%dma_start3A_46 : memref<640x128xf32, #tpu.memory_space<vmem_shared>>) target(%dma_start3A_44 : memref<640x128xf32, #tpu.memory_space<hbm>>) target_semaphore(%run_scoped3A : memref<!tpu.dma_semaphore, #tpu.memory_space<semaphore_mem>>)
      %dma_wait3A = arith.constant 0 : i32
      %dma_wait3A_47 = tpu.memref_slice %arg6[%arg0, %mul3A_42, %dma_wait3A] : memref<2x10240x128xf32, #tpu.memory_space<hbm>> -> memref<1x640x128xf32, #tpu.memory_space<hbm>>
      %dma_wait3A_48 = tpu.memref_squeeze %dma_wait3A_47 : memref<1x640x128xf32, #tpu.memory_space<hbm>> -> memref<640x128xf32, #tpu.memory_space<hbm>>
      %dma_wait3A_49 = arith.constant 0 : i32
      %dma_wait3A_50 = tpu.memref_slice %arg11[%mul3A_40, %dma_wait3A_49] : memref<10240x128xf32, #tpu.memory_space<vmem_shared>> -> memref<640x128xf32, #tpu.memory_space<vmem_shared>>
      tpu.wait_dma2 semaphore(%run_scoped3A : memref<!tpu.dma_semaphore, #tpu.memory_space<semaphore_mem>>) src(%dma_wait3A_50 : memref<640x128xf32, #tpu.memory_space<vmem_shared>>) dst(%dma_wait3A_48 : memref<640x128xf32, #tpu.memory_space<hbm>>)
      tpu.yield
    }) : () -> ()
    return
  }
}

#map = affine_map<(d0, d1) -> (0, 0)>
#map1 = affine_map<(d0, d1) -> (0)>
module attributes {stable_mosaic.version = 14 : i64} {
  func.func @_gather_body(%arg0: i32, %arg1: i32, %arg2: memref<10000x64xf32, #tpu.memory_space<hbm>>, %arg3: memref<10000xi32, #tpu.memory_space<hbm>>, %arg4: memref<10000x64xf32, #tpu.memory_space<hbm>>, %arg5: memref<320xi32, #tpu.memory_space<vmem>>, %arg6: memref<320x64xf32, #tpu.memory_space<vmem>>, %arg7: memref<!tpu.dma_semaphore, #tpu.memory_space<semaphore_mem>>) attributes {dimension_semantics = [#tpu.dimension_semantics<core_parallel>, #tpu.dimension_semantics<subcore_parallel>], iteration_bounds = array<i64: 2, 16>, scalar_prefetch = 0 : i64, scratch_operands = 3 : i64, tpu.core_type = #tpu.core_type<sc_vector_subcore>, window_params = [{transform_indices = #map}, {transform_indices = #map1}, {transform_indices = #map}]} {
    %mul3A = arith.constant 2 : i32
    %mul3A_0 = arith.muli %arg1, %mul3A : i32
    %add3A = arith.addi %mul3A_0, %arg0 : i32
    %mul3A_1 = arith.constant 320 : i32
    %mul3A_2 = arith.muli %add3A, %mul3A_1 : i32
    %min3A = arith.constant 9680 : i32
    %min3A_3 = arith.minsi %mul3A_2, %min3A : i32
    "tpu.region"() ({
      %run_scoped3A = tpu.sem_alloc : memref<!tpu.dma_semaphore, #tpu.memory_space<semaphore_mem>>
      %dma_start3A_50 = tpu.memref_slice %arg3[%min3A_3] : memref<10000xi32, #tpu.memory_space<hbm>> -> memref<320xi32, #tpu.memory_space<hbm>>
      %dma_start3A_51 = tpu.memref_slice %arg3[%min3A_3] : memref<10000xi32, #tpu.memory_space<hbm>> -> memref<320xi32, #tpu.memory_space<hbm>>
      tpu.enqueue_dma source(%dma_start3A_51 : memref<320xi32, #tpu.memory_space<hbm>>) target(%arg5 : memref<320xi32, #tpu.memory_space<vmem>>) target_semaphore(%run_scoped3A : memref<!tpu.dma_semaphore, #tpu.memory_space<semaphore_mem>>)
      %dma_wait3A_52 = tpu.memref_slice %arg3[%min3A_3] : memref<10000xi32, #tpu.memory_space<hbm>> -> memref<320xi32, #tpu.memory_space<hbm>>
      %dma_wait3A_53 = tpu.memref_slice %arg3[%min3A_3] : memref<10000xi32, #tpu.memory_space<hbm>> -> memref<320xi32, #tpu.memory_space<hbm>>
      tpu.wait_dma2 semaphore(%run_scoped3A : memref<!tpu.dma_semaphore, #tpu.memory_space<semaphore_mem>>) src(%dma_wait3A_53 : memref<320xi32, #tpu.memory_space<hbm>>) dst(%arg5 : memref<320xi32, #tpu.memory_space<vmem>>)
      tpu.yield
    }) : () -> ()
    %dma_start3A = arith.constant 0 : i32
    %dma_start3A_4 = arith.constant 0 : i32
    %dma_start3A_5 = tpu.memref_slice %arg6[%dma_start3A, %dma_start3A_4] : memref<320x64xf32, #tpu.memory_space<vmem>> -> memref<128x64xf32, #tpu.memory_space<vmem>>
    %dma_start3A_6 = arith.constant 0 : i32
    %dma_start3A_7 = tpu.memref_slice %arg5[%dma_start3A_6] : memref<320xi32, #tpu.memory_space<vmem>> -> memref<128xi32, #tpu.memory_space<vmem>>
    %dma_start3A_8 = arith.constant 0 : i32
    %dma_start3A_9 = arith.constant 0 : i32
    %dma_start3A_10 = tpu.memref_slice %arg2[%dma_start3A_8, %dma_start3A_9] : memref<10000x64xf32, #tpu.memory_space<hbm>> -> memref<10000x64xf32, #tpu.memory_space<hbm>>
    tpu.enqueue_indirect_dma source(%dma_start3A_10 : memref<10000x64xf32, #tpu.memory_space<hbm>>) target(%dma_start3A_5 : memref<128x64xf32, #tpu.memory_space<vmem>>) offsets(%dma_start3A_7 : memref<128xi32, #tpu.memory_space<vmem>>) semaphore(%arg7 : memref<!tpu.dma_semaphore, #tpu.memory_space<semaphore_mem>>)
    %dma_start3A_11 = arith.constant 128 : i32
    %dma_start3A_12 = arith.constant 0 : i32
    %dma_start3A_13 = tpu.memref_slice %arg6[%dma_start3A_11, %dma_start3A_12] : memref<320x64xf32, #tpu.memory_space<vmem>> -> memref<128x64xf32, #tpu.memory_space<vmem>>
    %dma_start3A_14 = arith.constant 128 : i32
    %dma_start3A_15 = tpu.memref_slice %arg5[%dma_start3A_14] : memref<320xi32, #tpu.memory_space<vmem>> -> memref<128xi32, #tpu.memory_space<vmem>>
    %dma_start3A_16 = arith.constant 0 : i32
    %dma_start3A_17 = arith.constant 0 : i32
    %dma_start3A_18 = tpu.memref_slice %arg2[%dma_start3A_16, %dma_start3A_17] : memref<10000x64xf32, #tpu.memory_space<hbm>> -> memref<10000x64xf32, #tpu.memory_space<hbm>>
    tpu.enqueue_indirect_dma source(%dma_start3A_18 : memref<10000x64xf32, #tpu.memory_space<hbm>>) target(%dma_start3A_13 : memref<128x64xf32, #tpu.memory_space<vmem>>) offsets(%dma_start3A_15 : memref<128xi32, #tpu.memory_space<vmem>>) semaphore(%arg7 : memref<!tpu.dma_semaphore, #tpu.memory_space<semaphore_mem>>)
    %dma_start3A_19 = arith.constant 256 : i32
    %dma_start3A_20 = arith.constant 0 : i32
    %dma_start3A_21 = tpu.memref_slice %arg6[%dma_start3A_19, %dma_start3A_20] : memref<320x64xf32, #tpu.memory_space<vmem>> -> memref<64x64xf32, #tpu.memory_space<vmem>>
    %dma_start3A_22 = arith.constant 256 : i32
    %dma_start3A_23 = tpu.memref_slice %arg5[%dma_start3A_22] : memref<320xi32, #tpu.memory_space<vmem>> -> memref<64xi32, #tpu.memory_space<vmem>>
    %dma_start3A_24 = arith.constant 0 : i32
    %dma_start3A_25 = arith.constant 0 : i32
    %dma_start3A_26 = tpu.memref_slice %arg2[%dma_start3A_24, %dma_start3A_25] : memref<10000x64xf32, #tpu.memory_space<hbm>> -> memref<10000x64xf32, #tpu.memory_space<hbm>>
    tpu.enqueue_indirect_dma source(%dma_start3A_26 : memref<10000x64xf32, #tpu.memory_space<hbm>>) target(%dma_start3A_21 : memref<64x64xf32, #tpu.memory_space<vmem>>) offsets(%dma_start3A_23 : memref<64xi32, #tpu.memory_space<vmem>>) semaphore(%arg7 : memref<!tpu.dma_semaphore, #tpu.memory_space<semaphore_mem>>)
    %dma_wait3A = arith.constant 0 : i32
    %dma_wait3A_27 = arith.constant 0 : i32
    %dma_wait3A_28 = tpu.memref_slice %arg6[%dma_wait3A, %dma_wait3A_27] : memref<320x64xf32, #tpu.memory_space<vmem>> -> memref<128x64xf32, #tpu.memory_space<vmem>>
    %dma_wait3A_29 = arith.constant 0 : i32
    %dma_wait3A_30 = tpu.memref_slice %arg5[%dma_wait3A_29] : memref<320xi32, #tpu.memory_space<vmem>> -> memref<128xi32, #tpu.memory_space<vmem>>
    %dma_wait3A_31 = arith.constant 0 : i32
    %dma_wait3A_32 = arith.constant 0 : i32
    %dma_wait3A_33 = tpu.memref_slice %arg2[%dma_wait3A_31, %dma_wait3A_32] : memref<10000x64xf32, #tpu.memory_space<hbm>> -> memref<10000x64xf32, #tpu.memory_space<hbm>>
    tpu.wait_indirect_dma semaphore(%arg7 : memref<!tpu.dma_semaphore, #tpu.memory_space<semaphore_mem>>) src(%dma_wait3A_33 : memref<10000x64xf32, #tpu.memory_space<hbm>>) dst(%dma_wait3A_28 : memref<128x64xf32, #tpu.memory_space<vmem>>)
    %dma_wait3A_34 = arith.constant 128 : i32
    %dma_wait3A_35 = arith.constant 0 : i32
    %dma_wait3A_36 = tpu.memref_slice %arg6[%dma_wait3A_34, %dma_wait3A_35] : memref<320x64xf32, #tpu.memory_space<vmem>> -> memref<128x64xf32, #tpu.memory_space<vmem>>
    %dma_wait3A_37 = arith.constant 128 : i32
    %dma_wait3A_38 = tpu.memref_slice %arg5[%dma_wait3A_37] : memref<320xi32, #tpu.memory_space<vmem>> -> memref<128xi32, #tpu.memory_space<vmem>>
    %dma_wait3A_39 = arith.constant 0 : i32
    %dma_wait3A_40 = arith.constant 0 : i32
    %dma_wait3A_41 = tpu.memref_slice %arg2[%dma_wait3A_39, %dma_wait3A_40] : memref<10000x64xf32, #tpu.memory_space<hbm>> -> memref<10000x64xf32, #tpu.memory_space<hbm>>
    tpu.wait_indirect_dma semaphore(%arg7 : memref<!tpu.dma_semaphore, #tpu.memory_space<semaphore_mem>>) src(%dma_wait3A_41 : memref<10000x64xf32, #tpu.memory_space<hbm>>) dst(%dma_wait3A_36 : memref<128x64xf32, #tpu.memory_space<vmem>>)
    %dma_wait3A_42 = arith.constant 256 : i32
    %dma_wait3A_43 = arith.constant 0 : i32
    %dma_wait3A_44 = tpu.memref_slice %arg6[%dma_wait3A_42, %dma_wait3A_43] : memref<320x64xf32, #tpu.memory_space<vmem>> -> memref<64x64xf32, #tpu.memory_space<vmem>>
    %dma_wait3A_45 = arith.constant 256 : i32
    %dma_wait3A_46 = tpu.memref_slice %arg5[%dma_wait3A_45] : memref<320xi32, #tpu.memory_space<vmem>> -> memref<64xi32, #tpu.memory_space<vmem>>
    %dma_wait3A_47 = arith.constant 0 : i32
    %dma_wait3A_48 = arith.constant 0 : i32
    %dma_wait3A_49 = tpu.memref_slice %arg2[%dma_wait3A_47, %dma_wait3A_48] : memref<10000x64xf32, #tpu.memory_space<hbm>> -> memref<10000x64xf32, #tpu.memory_space<hbm>>
    tpu.wait_indirect_dma semaphore(%arg7 : memref<!tpu.dma_semaphore, #tpu.memory_space<semaphore_mem>>) src(%dma_wait3A_49 : memref<10000x64xf32, #tpu.memory_space<hbm>>) dst(%dma_wait3A_44 : memref<64x64xf32, #tpu.memory_space<vmem>>)
    "tpu.region"() ({
      %run_scoped3A = tpu.sem_alloc : memref<!tpu.dma_semaphore, #tpu.memory_space<semaphore_mem>>
      %dma_start3A_50 = arith.constant 0 : i32
      %dma_start3A_51 = tpu.memref_slice %arg4[%min3A_3, %dma_start3A_50] : memref<10000x64xf32, #tpu.memory_space<hbm>> -> memref<320x64xf32, #tpu.memory_space<hbm>>
      %dma_start3A_52 = arith.constant 0 : i32
      %dma_start3A_53 = tpu.memref_slice %arg4[%min3A_3, %dma_start3A_52] : memref<10000x64xf32, #tpu.memory_space<hbm>> -> memref<320x64xf32, #tpu.memory_space<hbm>>
      tpu.enqueue_dma source(%arg6 : memref<320x64xf32, #tpu.memory_space<vmem>>) target(%dma_start3A_53 : memref<320x64xf32, #tpu.memory_space<hbm>>) target_semaphore(%run_scoped3A : memref<!tpu.dma_semaphore, #tpu.memory_space<semaphore_mem>>)
      %dma_wait3A_54 = arith.constant 0 : i32
      %dma_wait3A_55 = tpu.memref_slice %arg4[%min3A_3, %dma_wait3A_54] : memref<10000x64xf32, #tpu.memory_space<hbm>> -> memref<320x64xf32, #tpu.memory_space<hbm>>
      %dma_wait3A_56 = arith.constant 0 : i32
      %dma_wait3A_57 = tpu.memref_slice %arg4[%min3A_3, %dma_wait3A_56] : memref<10000x64xf32, #tpu.memory_space<hbm>> -> memref<320x64xf32, #tpu.memory_space<hbm>>
      tpu.wait_dma2 semaphore(%run_scoped3A : memref<!tpu.dma_semaphore, #tpu.memory_space<semaphore_mem>>) src(%arg6 : memref<320x64xf32, #tpu.memory_space<vmem>>) dst(%dma_wait3A_57 : memref<320x64xf32, #tpu.memory_space<hbm>>)
      tpu.yield
    }) : () -> ()
    return
  }
}

module attributes {stable_mosaic.version = 14 : i64} {
  func.func @_tca_body(%arg0: i32, %arg1: memref<2x1000x16xf32, #tpu.memory_space<vmem>>, %arg2: memref<1000x128xf32, #tpu.memory_space<vmem>>, %arg3: memref<1000x1xf32, #tpu.memory_space<vmem>>, %arg4: memref<1000x128xf32, #tpu.memory_space<vmem>>) attributes {dimension_semantics = [#tpu.dimension_semantics<arbitrary>], iteration_bounds = array<i64: 10>, scalar_prefetch = 0 : i64, scratch_operands = 0 : i64, tpu.core_type = #tpu.core_type<tc>, window_params = [{transform_indices = @transform_0, window_bounds = array<i64: 2, 1000, 16>}, {transform_indices = @transform_1, window_bounds = array<i64: 1000, 128>}, {transform_indices = @transform_2, window_bounds = array<i64: 1000, 1>}, {transform_indices = @transform_3, window_bounds = array<i64: 1000, 128>}]} {
    %get3A = arith.constant 0 : index
    %get3A_0 = arith.constant 0 : index
    %get3A_1 = arith.constant 0 : index
    %get3A_2 = vector.load %arg1[%get3A, %get3A_0, %get3A_1] : memref<2x1000x16xf32, #tpu.memory_space<vmem>>, vector<1x1000x1xf32>
    %get3A_3 = vector.shape_cast %get3A_2 : vector<1x1000x1xf32> to vector<1000x1xf32>
    %get3A_4 = arith.constant 1 : index
    %get3A_5 = arith.constant 0 : index
    %get3A_6 = arith.constant 0 : index
    %get3A_7 = vector.load %arg1[%get3A_4, %get3A_5, %get3A_6] : memref<2x1000x16xf32, #tpu.memory_space<vmem>>, vector<1x1000x1xf32>
    %get3A_8 = vector.shape_cast %get3A_7 : vector<1x1000x1xf32> to vector<1000x1xf32>
    %add3A = arith.addf %get3A_3, %get3A_8 : vector<1000x1xf32>
    %add3A_9 = arith.constant 1.000000e+00 : f32
    %add3A_10 = vector.broadcast %add3A_9 : f32 to vector<1000x1xf32>
    %add3A_11 = arith.addf %add3A, %add3A_10 : vector<1000x1xf32>
    %rsqrt3A = math.rsqrt %add3A_11 : vector<1000x1xf32>
    %swap3A = arith.constant 0 : index
    %swap3A_12 = arith.constant 0 : index
    %swap3A_13 = vector.load %arg3[%swap3A, %swap3A_12] : memref<1000x1xf32, #tpu.memory_space<vmem>>, vector<1000x1xf32>
    tpu.vector_store %arg3[%swap3A, %swap3A_12], %rsqrt3A {strides = array<i32>} : memref<1000x1xf32, #tpu.memory_space<vmem>>, vector<1000x1xf32>,
    %get3A_14 = arith.constant 0 : index
    %get3A_15 = arith.constant 0 : index
    %get3A_16 = vector.load %arg2[%get3A_14, %get3A_15] : memref<1000x128xf32, #tpu.memory_space<vmem>>, vector<1000x128xf32>
    %mul3A = vector.broadcast %rsqrt3A : vector<1000x1xf32> to vector<1000x128xf32>
    %mul3A_17 = arith.mulf %get3A_16, %mul3A : vector<1000x128xf32>
    %swap3A_18 = arith.constant 0 : index
    %swap3A_19 = arith.constant 0 : index
    %swap3A_20 = vector.load %arg4[%swap3A_18, %swap3A_19] : memref<1000x128xf32, #tpu.memory_space<vmem>>, vector<1000x128xf32>
    tpu.vector_store %arg4[%swap3A_18, %swap3A_19], %mul3A_17 {strides = array<i32>} : memref<1000x128xf32, #tpu.memory_space<vmem>>, vector<1000x128xf32>,
    return
  }
  func.func @transform_0(%arg0: i32) -> (i32, i32, i32) {
    %c0_i32 = arith.constant 0 : i32
    %c0_i32_0 = arith.constant 0 : i32
    %c0_i32_1 = arith.constant 0 : i32
    return %c0_i32, %arg0, %c0_i32_0 : i32, i32, i32
  }
  func.func @transform_1(%arg0: i32) -> (i32, i32) {
    %c0_i32 = arith.constant 0 : i32
    %c0_i32_0 = arith.constant 0 : i32
    return %arg0, %c0_i32 : i32, i32
  }
  func.func @transform_2(%arg0: i32) -> (i32, i32) {
    %c0_i32 = arith.constant 0 : i32
    %c0_i32_0 = arith.constant 0 : i32
    return %arg0, %c0_i32 : i32, i32
  }
  func.func @transform_3(%arg0: i32) -> (i32, i32) {
    %c0_i32 = arith.constant 0 : i32
    %c0_i32_0 = arith.constant 0 : i32
    return %arg0, %c0_i32 : i32, i32
  }
}

module attributes {stable_mosaic.version = 14 : i64} {
  func.func @_layer1_body(%arg0: i32, %arg1: memref<2x1000x128xf32, #tpu.memory_space<vmem>>, %arg2: memref<1000x128xf32, #tpu.memory_space<vmem>>, %arg3: memref<1000x1xf32, #tpu.memory_space<vmem>>, %arg4: memref<128x256xf32, #tpu.memory_space<vmem>>, %arg5: memref<1x256xf32, #tpu.memory_space<vmem>>, %arg6: memref<1000x128xf32, #tpu.memory_space<vmem>>, %arg7: memref<1000x128xf32, #tpu.memory_space<vmem>>) attributes {dimension_semantics = [#tpu.dimension_semantics<arbitrary>], iteration_bounds = array<i64: 10>, scalar_prefetch = 0 : i64, scratch_operands = 0 : i64, tpu.core_type = #tpu.core_type<tc>, window_params = [{transform_indices = @transform_0, window_bounds = array<i64: 2, 1000, 128>}, {transform_indices = @transform_1, window_bounds = array<i64: 1000, 128>}, {transform_indices = @transform_2, window_bounds = array<i64: 1000, 1>}, {pipeline_mode = #tpu.pipeline_mode<synchronous>, transform_indices = @transform_3, window_bounds = array<i64: 128, 256>}, {pipeline_mode = #tpu.pipeline_mode<synchronous>, transform_indices = @transform_4, window_bounds = array<i64: 1, 256>}, {transform_indices = @transform_5, window_bounds = array<i64: 1000, 128>}, {transform_indices = @transform_6, window_bounds = array<i64: 1000, 128>}]} {
    %get3A = arith.constant 0 : index
    %get3A_0 = arith.constant 0 : index
    %get3A_1 = vector.load %arg3[%get3A, %get3A_0] : memref<1000x1xf32, #tpu.memory_space<vmem>>, vector<1000x1xf32>
    %get3A_2 = arith.constant 0 : index
    %get3A_3 = arith.constant 0 : index
    %get3A_4 = arith.constant 0 : index
    %get3A_5 = vector.load %arg1[%get3A_2, %get3A_3, %get3A_4] : memref<2x1000x128xf32, #tpu.memory_space<vmem>>, vector<1x1000x128xf32>
    %get3A_6 = vector.shape_cast %get3A_5 : vector<1x1000x128xf32> to vector<1000x128xf32>
    %get3A_7 = arith.constant 1 : index
    %get3A_8 = arith.constant 0 : index
    %get3A_9 = arith.constant 0 : index
    %get3A_10 = vector.load %arg1[%get3A_7, %get3A_8, %get3A_9] : memref<2x1000x128xf32, #tpu.memory_space<vmem>>, vector<1x1000x128xf32>
    %get3A_11 = vector.shape_cast %get3A_10 : vector<1x1000x128xf32> to vector<1000x128xf32>
    %add3A = arith.addf %get3A_6, %get3A_11 : vector<1000x128xf32>
    %get3A_12 = arith.constant 0 : index
    %get3A_13 = arith.constant 0 : index
    %get3A_14 = vector.load %arg2[%get3A_12, %get3A_13] : memref<1000x128xf32, #tpu.memory_space<vmem>>, vector<1000x128xf32>
    %add3A_15 = arith.addf %add3A, %get3A_14 : vector<1000x128xf32>
    %mul3A = vector.broadcast %get3A_1 : vector<1000x1xf32> to vector<1000x128xf32>
    %mul3A_16 = arith.mulf %add3A_15, %mul3A : vector<1000x128xf32>
    %get3A_17 = arith.constant 0 : index
    %get3A_18 = arith.constant 0 : index
    %get3A_19 = vector.load %arg4[%get3A_17, %get3A_18] : memref<128x256xf32, #tpu.memory_space<vmem>>, vector<128x256xf32>
    %dot_general3A = arith.constant dense<0.000000e+00> : vector<1000x256xf32>
    %dot_general3A_20 = tpu.matmul %mul3A_16, %get3A_19, %dot_general3A {dimension_numbers = #tpu.dot_dimension_numbers<[1], [0], [0], [1], [0, 0, 1, 1], [], []>, transpose_lhs_hint = false} : vector<1000x128xf32>, vector<128x256xf32>, vector<1000x256xf32> -> vector<1000x256xf32>
    %get3A_21 = arith.constant 0 : index
    %get3A_22 = arith.constant 0 : index
    %get3A_23 = vector.load %arg5[%get3A_21, %get3A_22] : memref<1x256xf32, #tpu.memory_space<vmem>>, vector<1x256xf32>
    %add3A_24 = vector.broadcast %get3A_23 : vector<1x256xf32> to vector<1000x256xf32>
    %add3A_25 = arith.addf %dot_general3A_20, %add3A_24 : vector<1000x256xf32>
    %max3A = arith.constant 0.000000e+00 : f32
    %max3A_26 = vector.broadcast %max3A : f32 to vector<1000x256xf32>
    %max3A_27 = arith.maximumf %add3A_25, %max3A_26 : vector<1000x256xf32>
    %mul3A_28 = vector.broadcast %get3A_1 : vector<1000x1xf32> to vector<1000x256xf32>
    %mul3A_29 = arith.mulf %max3A_27, %mul3A_28 : vector<1000x256xf32>
    %slice3A = vector.extract_strided_slice %mul3A_29 {offsets = [0, 0], sizes = [1000, 128], strides = [1, 1]} : vector<1000x256xf32> to vector<1000x128xf32>
    %swap3A = arith.constant 0 : index
    %swap3A_30 = arith.constant 0 : index
    %swap3A_31 = vector.load %arg6[%swap3A, %swap3A_30] : memref<1000x128xf32, #tpu.memory_space<vmem>>, vector<1000x128xf32>
    tpu.vector_store %arg6[%swap3A, %swap3A_30], %slice3A {strides = array<i32>} : memref<1000x128xf32, #tpu.memory_space<vmem>>, vector<1000x128xf32>,
    %slice3A_32 = vector.extract_strided_slice %mul3A_29 {offsets = [0, 128], sizes = [1000, 128], strides = [1, 1]} : vector<1000x256xf32> to vector<1000x128xf32>
    %swap3A_33 = arith.constant 0 : index
    %swap3A_34 = arith.constant 0 : index
    %swap3A_35 = vector.load %arg7[%swap3A_33, %swap3A_34] : memref<1000x128xf32, #tpu.memory_space<vmem>>, vector<1000x128xf32>
    tpu.vector_store %arg7[%swap3A_33, %swap3A_34], %slice3A_32 {strides = array<i32>} : memref<1000x128xf32, #tpu.memory_space<vmem>>, vector<1000x128xf32>,
    return
  }
  func.func @transform_0(%arg0: i32) -> (i32, i32, i32) {
    %c0_i32 = arith.constant 0 : i32
    %c0_i32_0 = arith.constant 0 : i32
    %c0_i32_1 = arith.constant 0 : i32
    return %c0_i32, %arg0, %c0_i32_0 : i32, i32, i32
  }
  func.func @transform_1(%arg0: i32) -> (i32, i32) {
    %c0_i32 = arith.constant 0 : i32
    %c0_i32_0 = arith.constant 0 : i32
    return %arg0, %c0_i32 : i32, i32
  }
  func.func @transform_2(%arg0: i32) -> (i32, i32) {
    %c0_i32 = arith.constant 0 : i32
    %c0_i32_0 = arith.constant 0 : i32
    return %arg0, %c0_i32 : i32, i32
  }
  func.func @transform_3(%arg0: i32) -> (i32, i32) {
    %c0_i32 = arith.constant 0 : i32
    %c0_i32_0 = arith.constant 0 : i32
    %c0_i32_1 = arith.constant 0 : i32
    return %c0_i32, %c0_i32_0 : i32, i32
  }
  func.func @transform_4(%arg0: i32) -> (i32, i32) {
    %c0_i32 = arith.constant 0 : i32
    %c0_i32_0 = arith.constant 0 : i32
    %c0_i32_1 = arith.constant 0 : i32
    return %c0_i32, %c0_i32_0 : i32, i32
  }
  func.func @transform_5(%arg0: i32) -> (i32, i32) {
    %c0_i32 = arith.constant 0 : i32
    %c0_i32_0 = arith.constant 0 : i32
    return %arg0, %c0_i32 : i32, i32
  }
  func.func @transform_6(%arg0: i32) -> (i32, i32) {
    %c0_i32 = arith.constant 0 : i32
    %c0_i32_0 = arith.constant 0 : i32
    return %arg0, %c0_i32 : i32, i32
  }
}

module attributes {stable_mosaic.version = 14 : i64} {
  func.func @_layer2_body(%arg0: i32, %arg1: memref<2x1000x128xf32, #tpu.memory_space<vmem>>, %arg2: memref<1000x128xf32, #tpu.memory_space<vmem>>, %arg3: memref<1000x128xf32, #tpu.memory_space<vmem>>, %arg4: memref<1000x1xf32, #tpu.memory_space<vmem>>, %arg5: memref<256x256xf32, #tpu.memory_space<vmem>>, %arg6: memref<1x256xf32, #tpu.memory_space<vmem>>, %arg7: memref<256x64xf32, #tpu.memory_space<vmem>>, %arg8: memref<1000x64xf32, #tpu.memory_space<vmem>>) attributes {dimension_semantics = [#tpu.dimension_semantics<arbitrary>], iteration_bounds = array<i64: 10>, scalar_prefetch = 0 : i64, scratch_operands = 0 : i64, tpu.core_type = #tpu.core_type<tc>, window_params = [{transform_indices = @transform_0, window_bounds = array<i64: 2, 1000, 128>}, {transform_indices = @transform_1, window_bounds = array<i64: 1000, 128>}, {transform_indices = @transform_2, window_bounds = array<i64: 1000, 128>}, {transform_indices = @transform_3, window_bounds = array<i64: 1000, 1>}, {pipeline_mode = #tpu.pipeline_mode<synchronous>, transform_indices = @transform_4, window_bounds = array<i64: 256, 256>}, {pipeline_mode = #tpu.pipeline_mode<synchronous>, transform_indices = @transform_5, window_bounds = array<i64: 1, 256>}, {pipeline_mode = #tpu.pipeline_mode<synchronous>, transform_indices = @transform_6, window_bounds = array<i64: 256, 64>}, {transform_indices = @transform_7, window_bounds = array<i64: 1000, 64>}]} {
    %get3A = arith.constant 0 : index
    %get3A_0 = arith.constant 0 : index
    %get3A_1 = vector.load %arg4[%get3A, %get3A_0] : memref<1000x1xf32, #tpu.memory_space<vmem>>, vector<1000x1xf32>
    %get3A_2 = arith.constant 0 : index
    %get3A_3 = arith.constant 0 : index
    %get3A_4 = arith.constant 0 : index
    %get3A_5 = vector.load %arg1[%get3A_2, %get3A_3, %get3A_4] : memref<2x1000x128xf32, #tpu.memory_space<vmem>>, vector<1x1000x128xf32>
    %get3A_6 = vector.shape_cast %get3A_5 : vector<1x1000x128xf32> to vector<1000x128xf32>
    %get3A_7 = arith.constant 1 : index
    %get3A_8 = arith.constant 0 : index
    %get3A_9 = arith.constant 0 : index
    %get3A_10 = vector.load %arg1[%get3A_7, %get3A_8, %get3A_9] : memref<2x1000x128xf32, #tpu.memory_space<vmem>>, vector<1x1000x128xf32>
    %get3A_11 = vector.shape_cast %get3A_10 : vector<1x1000x128xf32> to vector<1000x128xf32>
    %concatenate3A = tpu.concatenate %get3A_6, %get3A_11 in 1 : vector<1000x128xf32>, vector<1000x128xf32> -> vector<1000x256xf32>
    %get3A_12 = arith.constant 0 : index
    %get3A_13 = arith.constant 0 : index
    %get3A_14 = vector.load %arg2[%get3A_12, %get3A_13] : memref<1000x128xf32, #tpu.memory_space<vmem>>, vector<1000x128xf32>
    %get3A_15 = arith.constant 0 : index
    %get3A_16 = arith.constant 0 : index
    %get3A_17 = vector.load %arg3[%get3A_15, %get3A_16] : memref<1000x128xf32, #tpu.memory_space<vmem>>, vector<1000x128xf32>
    %concatenate3A_18 = tpu.concatenate %get3A_14, %get3A_17 in 1 : vector<1000x128xf32>, vector<1000x128xf32> -> vector<1000x256xf32>
    %add3A = arith.addf %concatenate3A, %concatenate3A_18 : vector<1000x256xf32>
    %mul3A = vector.broadcast %get3A_1 : vector<1000x1xf32> to vector<1000x256xf32>
    %mul3A_19 = arith.mulf %add3A, %mul3A : vector<1000x256xf32>
    %get3A_20 = arith.constant 0 : index
    %get3A_21 = arith.constant 0 : index
    %get3A_22 = vector.load %arg5[%get3A_20, %get3A_21] : memref<256x256xf32, #tpu.memory_space<vmem>>, vector<256x256xf32>
    %dot_general3A = arith.constant dense<0.000000e+00> : vector<1000x256xf32>
    %dot_general3A_23 = tpu.matmul %mul3A_19, %get3A_22, %dot_general3A {dimension_numbers = #tpu.dot_dimension_numbers<[1], [0], [0], [1], [0, 0, 1, 1], [], []>, transpose_lhs_hint = false} : vector<1000x256xf32>, vector<256x256xf32>, vector<1000x256xf32> -> vector<1000x256xf32>
    %get3A_24 = arith.constant 0 : index
    %get3A_25 = arith.constant 0 : index
    %get3A_26 = vector.load %arg6[%get3A_24, %get3A_25] : memref<1x256xf32, #tpu.memory_space<vmem>>, vector<1x256xf32>
    %add3A_27 = vector.broadcast %get3A_26 : vector<1x256xf32> to vector<1000x256xf32>
    %add3A_28 = arith.addf %dot_general3A_23, %add3A_27 : vector<1000x256xf32>
    %max3A = arith.constant 0.000000e+00 : f32
    %max3A_29 = vector.broadcast %max3A : f32 to vector<1000x256xf32>
    %max3A_30 = arith.maximumf %add3A_28, %max3A_29 : vector<1000x256xf32>
    %mul3A_31 = vector.broadcast %get3A_1 : vector<1000x1xf32> to vector<1000x256xf32>
    %mul3A_32 = arith.mulf %max3A_30, %mul3A_31 : vector<1000x256xf32>
    %get3A_33 = arith.constant 0 : index
    %get3A_34 = arith.constant 0 : index
    %get3A_35 = vector.load %arg7[%get3A_33, %get3A_34] : memref<256x64xf32, #tpu.memory_space<vmem>>, vector<256x64xf32>
    %dot_general3A_36 = arith.constant dense<0.000000e+00> : vector<1000x64xf32>
    %dot_general3A_37 = tpu.matmul %mul3A_32, %get3A_35, %dot_general3A_36 {dimension_numbers = #tpu.dot_dimension_numbers<[1], [0], [0], [1], [0, 0, 1, 1], [], []>, transpose_lhs_hint = false} : vector<1000x256xf32>, vector<256x64xf32>, vector<1000x64xf32> -> vector<1000x64xf32>
    %swap3A = arith.constant 0 : index
    %swap3A_38 = arith.constant 0 : index
    %swap3A_39 = vector.load %arg8[%swap3A, %swap3A_38] : memref<1000x64xf32, #tpu.memory_space<vmem>>, vector<1000x64xf32>
    tpu.vector_store %arg8[%swap3A, %swap3A_38], %dot_general3A_37 {strides = array<i32>} : memref<1000x64xf32, #tpu.memory_space<vmem>>, vector<1000x64xf32>,
    return
  }
  func.func @transform_0(%arg0: i32) -> (i32, i32, i32) {
    %c0_i32 = arith.constant 0 : i32
    %c0_i32_0 = arith.constant 0 : i32
    %c0_i32_1 = arith.constant 0 : i32
    return %c0_i32, %arg0, %c0_i32_0 : i32, i32, i32
  }
  func.func @transform_1(%arg0: i32) -> (i32, i32) {
    %c0_i32 = arith.constant 0 : i32
    %c0_i32_0 = arith.constant 0 : i32
    return %arg0, %c0_i32 : i32, i32
  }
  func.func @transform_2(%arg0: i32) -> (i32, i32) {
    %c0_i32 = arith.constant 0 : i32
    %c0_i32_0 = arith.constant 0 : i32
    return %arg0, %c0_i32 : i32, i32
  }
  func.func @transform_3(%arg0: i32) -> (i32, i32) {
    %c0_i32 = arith.constant 0 : i32
    %c0_i32_0 = arith.constant 0 : i32
    return %arg0, %c0_i32 : i32, i32
  }
  func.func @transform_4(%arg0: i32) -> (i32, i32) {
    %c0_i32 = arith.constant 0 : i32
    %c0_i32_0 = arith.constant 0 : i32
    %c0_i32_1 = arith.constant 0 : i32
    return %c0_i32, %c0_i32_0 : i32, i32
  }
  func.func @transform_5(%arg0: i32) -> (i32, i32) {
    %c0_i32 = arith.constant 0 : i32
    %c0_i32_0 = arith.constant 0 : i32
    %c0_i32_1 = arith.constant 0 : i32
    return %c0_i32, %c0_i32_0 : i32, i32
  }
  func.func @transform_6(%arg0: i32) -> (i32, i32) {
    %c0_i32 = arith.constant 0 : i32
    %c0_i32_0 = arith.constant 0 : i32
    %c0_i32_1 = arith.constant 0 : i32
    return %c0_i32, %c0_i32_0 : i32, i32
  }
  func.func @transform_7(%arg0: i32) -> (i32, i32) {
    %c0_i32 = arith.constant 0 : i32
    %c0_i32_0 = arith.constant 0 : i32
    return %arg0, %c0_i32 : i32, i32
  }
}

module attributes {stable_mosaic.version = 14 : i64} {
  func.func @_layer3_body(%arg0: i32, %arg1: memref<2x1000x64xf32, #tpu.memory_space<vmem>>, %arg2: memref<1000x64xf32, #tpu.memory_space<vmem>>, %arg3: memref<1000x1xf32, #tpu.memory_space<vmem>>, %arg4: memref<1x64xf32, #tpu.memory_space<vmem>>, %arg5: memref<1000x64xf32, #tpu.memory_space<vmem>>) attributes {dimension_semantics = [#tpu.dimension_semantics<arbitrary>], iteration_bounds = array<i64: 10>, scalar_prefetch = 0 : i64, scratch_operands = 0 : i64, tpu.core_type = #tpu.core_type<tc>, window_params = [{transform_indices = @transform_0, window_bounds = array<i64: 2, 1000, 64>}, {transform_indices = @transform_1, window_bounds = array<i64: 1000, 64>}, {transform_indices = @transform_2, window_bounds = array<i64: 1000, 1>}, {pipeline_mode = #tpu.pipeline_mode<synchronous>, transform_indices = @transform_3, window_bounds = array<i64: 1, 64>}, {transform_indices = @transform_4, window_bounds = array<i64: 1000, 64>}]} {
    %get3A = arith.constant 0 : index
    %get3A_0 = arith.constant 0 : index
    %get3A_1 = arith.constant 0 : index
    %get3A_2 = vector.load %arg1[%get3A, %get3A_0, %get3A_1] : memref<2x1000x64xf32, #tpu.memory_space<vmem>>, vector<1x1000x64xf32>
    %get3A_3 = vector.shape_cast %get3A_2 : vector<1x1000x64xf32> to vector<1000x64xf32>
    %get3A_4 = arith.constant 1 : index
    %get3A_5 = arith.constant 0 : index
    %get3A_6 = arith.constant 0 : index
    %get3A_7 = vector.load %arg1[%get3A_4, %get3A_5, %get3A_6] : memref<2x1000x64xf32, #tpu.memory_space<vmem>>, vector<1x1000x64xf32>
    %get3A_8 = vector.shape_cast %get3A_7 : vector<1x1000x64xf32> to vector<1000x64xf32>
    %add3A = arith.addf %get3A_3, %get3A_8 : vector<1000x64xf32>
    %get3A_9 = arith.constant 0 : index
    %get3A_10 = arith.constant 0 : index
    %get3A_11 = vector.load %arg2[%get3A_9, %get3A_10] : memref<1000x64xf32, #tpu.memory_space<vmem>>, vector<1000x64xf32>
    %add3A_12 = arith.addf %add3A, %get3A_11 : vector<1000x64xf32>
    %get3A_13 = arith.constant 0 : index
    %get3A_14 = arith.constant 0 : index
    %get3A_15 = vector.load %arg3[%get3A_13, %get3A_14] : memref<1000x1xf32, #tpu.memory_space<vmem>>, vector<1000x1xf32>
    %mul3A = vector.broadcast %get3A_15 : vector<1000x1xf32> to vector<1000x64xf32>
    %mul3A_16 = arith.mulf %add3A_12, %mul3A : vector<1000x64xf32>
    %get3A_17 = arith.constant 0 : index
    %get3A_18 = arith.constant 0 : index
    %get3A_19 = vector.load %arg4[%get3A_17, %get3A_18] : memref<1x64xf32, #tpu.memory_space<vmem>>, vector<1x64xf32>
    %add3A_20 = vector.broadcast %get3A_19 : vector<1x64xf32> to vector<1000x64xf32>
    %add3A_21 = arith.addf %mul3A_16, %add3A_20 : vector<1000x64xf32>
    %swap3A = arith.constant 0 : index
    %swap3A_22 = arith.constant 0 : index
    %swap3A_23 = vector.load %arg5[%swap3A, %swap3A_22] : memref<1000x64xf32, #tpu.memory_space<vmem>>, vector<1000x64xf32>
    tpu.vector_store %arg5[%swap3A, %swap3A_22], %add3A_21 {strides = array<i32>} : memref<1000x64xf32, #tpu.memory_space<vmem>>, vector<1000x64xf32>,
    return
  }
  func.func @transform_0(%arg0: i32) -> (i32, i32, i32) {
    %c0_i32 = arith.constant 0 : i32
    %c0_i32_0 = arith.constant 0 : i32
    %c0_i32_1 = arith.constant 0 : i32
    return %c0_i32, %arg0, %c0_i32_0 : i32, i32, i32
  }
  func.func @transform_1(%arg0: i32) -> (i32, i32) {
    %c0_i32 = arith.constant 0 : i32
    %c0_i32_0 = arith.constant 0 : i32
    return %arg0, %c0_i32 : i32, i32
  }
  func.func @transform_2(%arg0: i32) -> (i32, i32) {
    %c0_i32 = arith.constant 0 : i32
    %c0_i32_0 = arith.constant 0 : i32
    return %arg0, %c0_i32 : i32, i32
  }
  func.func @transform_3(%arg0: i32) -> (i32, i32) {
    %c0_i32 = arith.constant 0 : i32
    %c0_i32_0 = arith.constant 0 : i32
    %c0_i32_1 = arith.constant 0 : i32
    return %c0_i32, %c0_i32_0 : i32, i32
  }
  func.func @transform_4(%arg0: i32) -> (i32, i32) {
    %c0_i32 = arith.constant 0 : i32
    %c0_i32_0 = arith.constant 0 : i32
    return %arg0, %c0_i32 : i32, i32
  }
}

</mosaic_0001>

<sc_bundles>
// kernel: kernel.11.cloned.1.call-start
scs
__scs_entry_jumppad:
0x0: {  	(pc) =	sbr.rel $0x88, $3  }
0x1: {  	(tag) =	ssettag $0x0;
	lr =	simm.s32 $0x1  }
0x2: {  	[smem:$0x3F98] =	sst lr;
	_ =	strace $0xD0000000  }
0x3: {  	_ = 	snop  }
0x4: {  	_ = 	snop  }
0x5: {  	_ = 	snop  }
0x6: {  	_ = 	snop  }
0x7: {  	_ = 	snop  }
__scs_overlays_trampoline_lowered:
0x8: {  	[smem:$0x3FA7] =	sst s0  }
0x9: {  	[smem:$0x3FA8] =	sst s1  }
0xa: {  	[smem:$0x3FA9] =	sst s2  }
0xb: {  	[smem:$0x3FAA] =	sst s3  }
0xc: {  	[smem:$0x3FAB] =	sst s4  }
0xd: {  	[smem:$0x3FAC] =	sst s5  }
0xe: {  	[smem:$0x3FAD] =	sst s6  }
0xf: {  	[smem:$0x3FAE] =	sst s7  }
0x10: {  	[smem:$0x3FAF] =	sst s8  }
0x11: {  	[smem:$0x3FB0] =	sst s9;
	s0 =	simm.s32 @!p0 $0x0  }
0x12: {  	s1 =	sld [smem:$0x3F96];
	s0 =	simm.s32 @p0 $0x1  }
0x13: {  	[smem:$0x3FB1] =	sst s0;
	s0 =	simm.s32 @!p1 $0x0  }
0x14: {  	s2 =	sld [smem:$0x3F95];
	s0 =	simm.s32 @p1 $0x1  }
0x15: {  	[smem:$0x3FB2] =	sst s0;
	s0 =	simm.s32 @!p2 $0x0  }
0x16: {  	s3 =	sld [smem:$0x3FDB];
	s0 =	simm.s32 @p2 $0x1  }
0x17: {  	s4 =	simm.s32 $0x1BF5;
	[smem:$0x3FB4] =	sst s0  }
0x18: {  	s0 =	sld [smem:$0x3F97];
	_ =	swait.ge [sflag:s4], $0x0  }
0x19: {  	s7 =	sld [smem:$0x3F98]  }
0x1a: {  	s8 =	sadd.s32 $0xFFFFE003, lr  }
0x1b: {  	s9 =	sadd.s32 $0xFFFFFEF7, lr;
	s5 =	simm.s32 $0xFFFFFFFF;
	p2 =	slt.u32 s8, $0xFFFFF086  }
0x1c: {  	p1 =	slt.u32 s9, $0xF7A;
	s5 =	simm.s32 @!p2 $0x0  }
0x1d: {  	s5 =	simm.s32 @p1 $0x1;
	p0 =	seq.s32 s7, s2  }
0x1e: {  	s7 =	smul.u32 @!p0 $0xF7A, s2;
	p2 =	seq.s32 @!p0 s5, $0x0  }
0x1f: {  	s9 =	smul.u32 $0xF7A, s1;
	s8 =	simm.s32 @!p0 $0x1BF5;
	p2 =	por !p2, p0  }
0x20: {  	[sflag:s8] =	ssyncset.s32 @!p0 $0xFFFFF086;
	s6 =	sadd.s32 @!p0 s3, s7;
	s7 =	simm.s32 @!p0 $0x108  }
0x21: {  	s3 =	sadd.s32 s3, s9;
	s6 =	sadd.s32 @!p0 $0x88, s6;
	s7 =	simm.s32 @p2 $0x1082  }
0x22: {  	[simem:s7], [sflag:s8] =	dma.local @!p0 [hbm:s6], $0xF7A  }
0x23: {  	s9 =	sor.u32 $0xD0000000, s2;
	s6 =	simm.s32 $0x108;
	_ =	swait.ge @!p0 [sflag:s8], $0x0  }
0x24: {  	s3 =	sadd.s32 $0x88, s3;
	s6 =	simm.s32 @!p1 $0x1082;
	[sflag:s4] =	ssyncset.s32 $0xFFFFF086  }
0x25: {  	[simem:s6], [sflag:s4] =	dma.local [hbm:s3], $0xF7A  }
0x26: {  	[smem:$0x3F98] =	sst s1;
	(tag) =	ssettag s2;
	_ =	strace s9  }
0x27: {  	s1 =	sld [smem:$0x3FA8]  }
0x28: {  	s2 =	sld [smem:$0x3FA9]  }
0x29: {  	s4 =	sld [smem:$0x3FAB]  }
0x2a: {  	p0 =	seq.s32 s5, $0x0;
	s5 =	sld [smem:$0x3FAC]  }
0x2b: {  	s6 =	sld [smem:$0x3FAD]  }
0x2c: {  	s7 =	sld [smem:$0x3FAE]  }
0x2d: {  	s3 =	simm.s32 $0x108;
	s8 =	sld [smem:$0x3FAF]  }
0x2e: {  	s3 =	simm.s32 @!p0 $0x1082;
	s9 =	sld [smem:$0x3FB0]  }
0x2f: {  	lr =	sadd.s32 s0, s3;
	s0 =	sld [smem:$0x3FA7]  }
0x30: {  	s3 =	sld [smem:$0x3FAA]  }
0x31: {  	[smem:$0x3FB3] =	sst s10  }
0x32: {  	s10 =	sld [smem:$0x3FB1];
	_ =	sdelay $0x3  }
0x33: {  	p0 =	seq.s32 s10, $0x1;
	s10 =	sld [smem:$0x3FB3];
	_ =	sdelay $0x3  }
0x34: {  	[smem:$0x3FB3] =	sst s10  }
0x35: {  	s10 =	sld [smem:$0x3FB2];
	_ =	sdelay $0x3  }
0x36: {  	p1 =	seq.s32 s10, $0x1;
	s10 =	sld [smem:$0x3FB3];
	_ =	sdelay $0x3  }
0x37: {  	[smem:$0x3FB3] =	sst s10  }
0x38: {  	s10 =	sld [smem:$0x3FB4]  }
0x39: {  	_ = 	snop;
	(pc) =	sbr.ind lr, $3  }
0x3a: {  	_ = 	snop  }
0x3b: {  	_ = 	snop  }
0x3c: {  	p2 =	seq.s32 s10, $0x1;
	s10 =	sld [smem:$0x3FB3]  }
0x3d: {  	_ =	shalt  }
0x3e: {  	_ =	shalt  }
0x3f: {  	_ =	shalt  }
0x40: {  	_ =	shalt  }
0x41: {  	_ =	shalt  }
0x42: {  	_ =	shalt  }
0x43: {  	_ =	shalt  }
0x44: {  	_ =	shalt  }
0x45: {  	_ =	shalt  }
0x46: {  	_ =	shalt  }
0x47: {  	_ =	shalt  }
0x48: {  	_ =	shalt  }
0x49: {  	_ =	shalt  }
0x4a: {  	_ =	shalt  }
0x4b: {  	_ =	shalt  }
0x4c: {  	_ =	shalt  }
0x4d: {  	_ =	shalt  }
0x4e: {  	_ =	shalt  }
0x4f: {  	_ =	shalt  }
0x50: {  	_ =	shalt  }
0x51: {  	_ =	shalt  }
0x52: {  	_ =	shalt  }
0x53: {  	_ =	shalt  }
0x54: {  	_ =	shalt  }
0x55: {  	_ =	shalt  }
0x56: {  	_ =	shalt  }
0x57: {  	_ =	shalt  }
0x58: {  	_ =	shalt  }
0x59: {  	_ =	shalt  }
0x5a: {  	_ =	shalt  }
0x5b: {  	_ =	shalt  }
0x5c: {  	_ =	shalt  }
0x5d: {  	_ =	shalt  }
0x5e: {  	_ =	shalt  }
0x5f: {  	_ =	shalt  }
0x60: {  	_ =	shalt  }
0x61: {  	_ =	shalt  }
0x62: {  	_ =	shalt  }
0x63: {  	_ =	shalt  }
0x64: {  	_ =	shalt  }
0x65: {  	_ =	shalt  }
0x66: {  	_ =	shalt  }
0x67: {  	_ =	shalt  }
0x68: {  	_ =	shalt  }
0x69: {  	_ =	shalt  }
0x6a: {  	_ =	shalt  }
0x6b: {  	_ =	shalt  }
0x6c: {  	_ =	shalt  }
0x6d: {  	_ =	shalt  }
0x6e: {  	_ =	shalt  }
0x6f: {  	_ =	shalt  }
0x70: {  	_ =	shalt  }
0x71: {  	_ =	shalt  }
0x72: {  	_ =	shalt  }
0x73: {  	_ =	shalt  }
0x74: {  	_ =	shalt  }
0x75: {  	_ =	shalt  }
0x76: {  	_ =	shalt  }
0x77: {  	_ =	shalt  }
0x78: {  	_ =	shalt  }
0x79: {  	_ =	shalt  }
0x7a: {  	_ =	shalt  }
0x7b: {  	_ =	shalt  }
0x7c: {  	_ =	shalt  }
0x7d: {  	_ =	shalt  }
0x7e: {  	_ =	shalt  }
0x7f: {  	_ =	shalt  }
0x80: {  	_ =	shalt  }
0x81: {  	_ =	shalt  }
0x82: {  	_ =	shalt  }
0x83: {  	_ =	shalt  }
0x84: {  	_ =	shalt  }
0x85: {  	_ =	shalt  }
0x86: {  	_ =	shalt  }
0x87: {  	_ =	shalt  }
.Lfunc_end0:
.L_simem_size_0:
called_computation_lowered:
.L_overlay_start_0:
0x88: {  	s2 =	sld [smem:$0x3FD9]  }
0x89: {  	s3 =	sld [smem:$0x3FFE];
	_ =	sdelay $0x1  }
0x8a: {  	s1 =	srdreg.scid  }
0x8b: {  	s0 =	sand.u32 $0x1, s1  }
0x8c: {  	s17 =	sshll.u32 s0, $0xA;
	s2 =	sadd.s32 s3, s2  }
0x8d: {  	s2 =	sadd.s32 s2, s17  }
0x8e: {  	[smem:$0x3FBF] =	sst s2  }
0x8f: {  	_ = 	snop  }
0x90: {  	s2 =	sld [smem:$0x3FD0];
	(tm) =	ssettm $0x1  }
0x91: {  	s18 =	sld [smem:$0x3FFB];
	_ =	sdelay $0x3  }
0x92: {  	_ =	strace s18  }
0x93: {  	s3 =	sld [smem:$0x3FFC];
	_ =	sdelay $0x3  }
0x94: {  	_ =	strace s3  }
0x95: {  	s3 =	sld [smem:$0x3FFD];
	_ =	sdelay $0x3  }
0x96: {  	_ =	strace s3  }
0x97: {  	_ =	strace $0x8FFFFFFF  }
0x98: {  	s19 =	sld [smem:$0x3FDB];
	_ =	sdelay $0x1  }
0x99: {  	s4 =	simm.s32 $_scs_section_size  }
0x9a: {  	s5 =	simm.s32 $_size__tile_overlayer_lowered;
	s6 =	simm.s32 $_tile_overlayer_lowered  }
0x9b: {  	s22 =	simm.s32 $0x1BFF;
	s21 =	sshll.u32 s6, $0x1;
	s3 =	sadd.s32 s4, s19  }
0x9c: {  	s7 =	simm.s32 $0x0;
	s20 =	sshll.u32 s5, $0x1;
	s5 =	sadd.s32 s21, s3  }
0x9d: {  	[timem:s7], [sflag:s22] =	dma.local [hbm:s5], s20  }
0x9e: {  	_ =	swait.ge [sflag:s22], s20  }
0x9f: {  	s4 =	ssub.s32 $0x0, s20;
	[sflag:s22] =	ssyncset.done $0x0  }
0xa0: {  	[sflag:s22] =	ssyncadd.s32 s4;
	_ =	sdelay $0x1  }
0xa1: {  	s23 =	simm.s32 $0x1B8B  }
0xa2: {  	_ =	swait.ge [sflag:s23], $0x1  }
0xa3: {  	[sflag:s23] =	ssyncset.done $0x0  }
0xa4: {  	s25 =	simm.s32 $0x1B8E;
	s24 =	sld [smem:$0x3FFE];
	[sflag:s23] =	ssyncadd.s32 $0xFFFFFFFF  }
0xa5: {  	s26 =	simm.s32 $execute0_lowered;
	[smem:$0x3FD2] =	sst s25  }
0xa6: {  	s5 =	sshll.u32 s26, $0x1;
	_ =	strace $0x80000046;
	[dreg:$0x1] =	wrdreg $0xFFFFFFFF  }
0xa7: {  	s28 =	simm.s32 $_size_execute0_lowered;
	s3 =	sadd.s32 s3, s5;
	[dreg:$0x0] =	wrdreg $0x0  }
0xa8: {  	s5 =	sshll.u32 s28, $0x1;
	[dreg:$0x2] =	wrdreg s3  }
0xa9: {  	[dreg:$0x3] =	wrdreg s5  }
0xaa: {  	[dreg:$0x4] =	wrdreg $0xC0  }
0xab: {  	_ =	task [dreg:s7], $0x5FFFF  }
0xac: {  	[dreg:$0x1] =	wrdreg $0xFFFFFFFF  }
0xad: {  	[dreg:$0x0] =	wrdreg $0x60  }
0xae: {  	[dreg:$0x2] =	wrdreg s24  }
0xaf: {  	[dreg:$0x3] =	wrdreg s2  }
0xb0: {  	[dreg:$0x4] =	wrdreg $0x57D00  }
0xb1: {  	[dreg:$0x5] =	wrdreg $0x9  }
0xb2: {  	_ =	task.clear_ibuf [dreg:s7], $0x6FFFF;
	_ =	strace $0x90000046  }
0xb3: {  	s29 =	simm.s32 $0x9;
	_ =	strace $0x80000048  }
0xb4: {  	_ =	swait.ge [sflag:s29], $0x1  }
0xb5: {  	[sflag:s29] =	ssyncadd.s32 $0xFFFFFFFF  }
0xb6: {  	_ =	strace $0x90000048  }
0xb7: {  	_ =	sfence  }
0xb8: {  	s30 =	sld [smem:$0x0];
	_ =	sdelay $0x2  }
0xb9: {  	s31 =	sshll.u32 s1, $0xD;
	s1 =	sshrl.u32 s1, $0x2  }
0xba: {  	s3 =	sand.u32 $0x4000, s31;
	s1 =	sadd.s32 s1, s30  }
0xbb: {  	s0 =	sor.u32 s3, s0;
	s1 =	sshll.u32 s1, $0x11  }
0xbc: {  	s0 =	sor.u32 s1, s0  }
0xbd: {  	s0 =	sadd.s32 $0x8F2B, s0  }
0xbe: {  	[sflag:s0] =	ssyncadd.remote.s32 $0x1  }
0xbf: {  	_ =	sfence.sel $0xFFFF  }
0xc0: {  	[dreg:$0x0] =	wrdreg $0xFFFFFFFF;
	(pc) =	sbr.abs _section_cstart, $3  }
0xc1: {  	[dreg:$0x1] =	wrdreg $0xFFFFFFFF  }
0xc2: {  	_ =	task.clear_ibuf [dreg:s7], $0x2FFFF;
	_ =	strace $0x9FFFFFFF  }
0xc3: {  	(tm) =	ssettm $0x7FFFFFFF  }
tec
execute0_lowered:
.L_overlay_start_1:
0x0: {  	(tag) =	ssettag $0x1  }
0x1: {  	s5 =	rddreg [dreg:$0x0]  }
0x2: {  	s6 =	rddreg [dreg:$0x1]  }
0x3: {  	s0 =	srdreg.scid;
	s2 =	rddreg [dreg:$0x2];
	s3 =	simm.s32 $0x0  }
0x4: {  	s11 =	simm.s32 $0x2800;
	s12 =	simm.s32 $0x80;
	s13 =	simm.s32 $0x100  }
0x5: {  	s14 =	simm.s32 $0x180;
	s15 =	simm.s32 $0x200;
	s16 =	simm.s32 $0x280  }
0x6: {  	s17 =	simm.s32 $0x300;
	s18 =	simm.s32 $0x380;
	s19 =	simm.s32 $0x1  }
0x7: {  	s22 =	simm.s32 $0x0;
	s4 =	sand.u32 $0x1, s0;
	s0 =	stileid.u32  }
0x8: {  	[smem:$0x7FF] =	sst s3;
	s1 =	sshll.u32 s4, $0x4;
	s8 =	smul.u32 $0x2800, s0  }
0x9: {  	s9 =	ssub.s32 $0x2, s4;
	s4 =	smul.u32 $0x28000, s4;
	s20 =	sshll.u32 s0, $0x6  }
0xa: {  	s1 =	sor.u32 s0, s1;
	s10 =	sshrl.u32 s9, $0x1;
	s20 =	sor.u32 $0x1C02, s20  }
0xb: {  	s7 =	smul.u32 $0x500, s1;
	s1 =	rddreg [dreg:$0x3];
	_ =	strace $0x80000047  }
0xc: {  	s29 =	ssub.s32 s9, s10;
	s30 =	sadd.s32 s8, s4;
	s4 =	sadd.s32 s8, s2  }
0xd: {  	s8 =	simm.s32 $0x2FD0;
	s9 =	simm.s32 $0x2;
	s10 =	simm.s32 $0x7D  }
0xe: {  	v0 =	vimm.f32 $0.0e+00;
	vm0 =	vcmask $0x300;
	s31 =	sshrl.u32 s30, $0x3;
	s21 =	sshrl.u32 s4, $0x3;
	s5 =	sadd.s32 s7, s5  }
0xf: {  	v1 =	vsel vm0, $0x3F800000, v0;
	s6 =	sadd.s32 s6, s31;
	s7 =	smax.u32 s29, $0x1;
	s5 =	sadd.s32 $0x4200, s5  }
.LBB2_1:
0x10: {  	s23 =	simm.s32 $0x40;
	s24 =	simm.s32 $0x0  }
.LBB2_2:
0x11: {  	p0 =	sne.s32 s23, $0x9FC0;
	[tilespmem:s24+$0x2FD0] =	vst v0;
	s24 =	smov.u32 s23;
	s23 =	sadd.s32 $0x40, s23  }
.Ltmp0:
0x12: {  	(pc) =	sbr.rel @p0 .LBB2_2-.Ltmp0, $2  }
0x13: {  	_ =	sdelay $0x2  }
0x14: {  	s24 =	sshra.s32 s24, $0x2  }
0x15: {  	[tilespmem:s24+$0x2FD0] =	vst v0  }
0x16: {  	[spmem:s4] =	stream.linear.scatter [tilespmem:s8], [sflag:$0x2], $0x2800, $0x38;
	[tilespmem:$0x7FD0] =	vst v63  }
0x17: {  	_ =	swait.ge [sflag:s9], $0x2800  }
0x18: {  	[sflag:s9] =	ssyncset.done $0x0  }
0x19: {  	s23 =	simm.s32 $0x40;
	s24 =	simm.s32 $0x0;
	[sflag:s9] =	ssyncadd.s32 $0xFFFFD800  }
.LBB2_4:
0x1a: {  	p0 =	sne.s32 s23, $0x1F00;
	[tilespmem:s24+$0x2800] =	vst v1;
	s24 =	smov.u32 s23;
	s23 =	sadd.s32 $0x40, s23  }
.Ltmp1:
0x1b: {  	(pc) =	sbr.rel @p0 .LBB2_4-.Ltmp1, $2  }
0x1c: {  	_ =	sdelay $0x2  }
0x1d: {  	s24 =	sshra.s32 s24, $0x2  }
0x1e: {  	[tilespmem:s24+$0x2800] =	vst v1  }
0x1f: {  	[tilespmem:s3], [sflag:$0x2] =	stream.linear.gather [hbm4b:s5+s3], $0x2800, $0x38;
	[tilespmem:$0x7FD0] =	vst v63  }
0x20: {  	_ =	swait.ge [sflag:s9], $0x2800  }
0x21: {  	[sflag:s9] =	ssyncset.done $0x0  }
0x22: {  	[sflag:s9] =	ssyncadd.s32 $0xFFFFD800  }
0x23: {  	[bflag:$0x0] =	sbarrier.arrive $0xFFFF  }
0x24: {  	[spmem:s2] =	stream.indirect.scatter.add.f32 [tilespmem:s11], [sflag:$0x1], $0x10, s3, s10, $0xb8;
	[tilespmem:$0x7FD0] =	vst v63  }
0x25: {  	_ = 	snop  }
0x26: {  	[spmem:s2] =	stream.indirect.scatter.add.f32 [tilespmem:s11], [sflag:$0x1], $0x10, s12, s10, $0xb8;
	[tilespmem:$0x7FD0] =	vst v63  }
0x27: {  	_ = 	snop  }
0x28: {  	[spmem:s2] =	stream.indirect.scatter.add.f32 [tilespmem:s11], [sflag:$0x1], $0x10, s13, s10, $0xb8;
	[tilespmem:$0x7FD0] =	vst v63  }
0x29: {  	_ = 	snop  }
0x2a: {  	[spmem:s2] =	stream.indirect.scatter.add.f32 [tilespmem:s11], [sflag:$0x1], $0x10, s14, s10, $0xb8;
	[tilespmem:$0x7FD0] =	vst v63  }
0x2b: {  	_ = 	snop  }
0x2c: {  	[spmem:s2] =	stream.indirect.scatter.add.f32 [tilespmem:s11], [sflag:$0x1], $0x10, s15, s10, $0xb8;
	[tilespmem:$0x7FD0] =	vst v63  }
0x2d: {  	_ = 	snop  }
0x2e: {  	[spmem:s2] =	stream.indirect.scatter.add.f32 [tilespmem:s11], [sflag:$0x1], $0x10, s16, s10, $0xb8;
	[tilespmem:$0x7FD0] =	vst v63  }
0x2f: {  	_ = 	snop  }
0x30: {  	[spmem:s2] =	stream.indirect.scatter.add.f32 [tilespmem:s11], [sflag:$0x1], $0x10, s17, s10, $0xb8;
	[tilespmem:$0x7FD0] =	vst v63  }
0x31: {  	_ = 	snop  }
0x32: {  	[spmem:s2] =	stream.indirect.scatter.add.f32 [tilespmem:s11], [sflag:$0x1], $0x10, s18, s10, $0xb8;
	[tilespmem:$0x7FD0] =	vst v63  }
0x33: {  	_ =	swait.ge [sflag:s19], $0x7D0  }
0x34: {  	[sflag:s19] =	ssyncset.done $0x0  }
0x35: {  	s23 =	simm.s32 $0x1200;
	s24 =	simm.s32 $0x400;
	[sflag:s19] =	ssyncadd.s32 $0xFFFFF830  }
.LBB2_6:
0x36: {  	[spmem:s2] =	stream.indirect.scatter.add.f32 [tilespmem:s11], [sflag:$0x1], $0x10, s24, s10, $0xb8;
	[tilespmem:$0x7FD0] =	vst v63  }
0x37: {  	s24 =	smov.u32 s23;
	p0 =	sne.s32 s23, $0x9E00  }
.Ltmp2:
0x38: {  	s23 =	sadd.s32 $0x200, s23;
	(pc) =	sbr.rel @p0 .LBB2_6-.Ltmp2, $4  }
0x39: {  	_ = 	snop  }
0x3a: {  	_ =	swait.ge [sflag:s19], $0x7D0  }
0x3b: {  	[sflag:s19] =	ssyncset.done $0x0  }
0x3c: {  	s24 =	sshra.s32 s24, $0x2;
	[sflag:s19] =	ssyncadd.s32 $0xFFFFF830  }
0x3d: {  	[spmem:s2] =	stream.indirect.scatter.add.f32 [tilespmem:s11], [sflag:$0x1], $0x10, s24, s10, $0xb8;
	[tilespmem:$0x7FD0] =	vst v63  }
0x3e: {  	_ =	swait.ge [sflag:s19], $0x7D0  }
0x3f: {  	[sflag:s19] =	ssyncset.done $0x0  }
0x40: {  	[sflag:s19] =	ssyncadd.s32 $0xFFFFF830  }
0x41: {  	_ =	swait.ge [sflag:s19], $0x7D0  }
0x42: {  	[sflag:s19] =	ssyncset.done $0x0  }
0x43: {  	[sflag:s19] =	ssyncadd.s32 $0xFFFFF830  }
0x44: {  	_ =	swait.ge [sflag:s19], $0x7D0  }
0x45: {  	[sflag:s19] =	ssyncset.done $0x0  }
0x46: {  	[sflag:s19] =	ssyncadd.s32 $0xFFFFF830  }
0x47: {  	_ =	swait.ge [sflag:s19], $0x7D0  }
0x48: {  	[sflag:s19] =	ssyncset.done $0x0  }
0x49: {  	[sflag:s19] =	ssyncadd.s32 $0xFFFFF830  }
0x4a: {  	_ =	swait.ge [sflag:s19], $0x7D0  }
0x4b: {  	[sflag:s19] =	ssyncset.done $0x0  }
0x4c: {  	[sflag:s19] =	ssyncadd.s32 $0xFFFFF830  }
0x4d: {  	_ =	swait.ge [sflag:s19], $0x7D0  }
0x4e: {  	[sflag:s19] =	ssyncset.done $0x0  }
0x4f: {  	[sflag:s19] =	ssyncadd.s32 $0xFFFFF830  }
0x50: {  	_ =	swait.ge [sflag:s19], $0x7D0  }
0x51: {  	[sflag:s19] =	ssyncset.done $0x0  }
0x52: {  	[sflag:s19] =	ssyncadd.s32 $0xFFFFF830  }
0x53: {  	_ =	swait.ge [sflag:s19], $0x7D0  }
0x54: {  	s22 =	sadd.s32 $0x1, s22;
	[sflag:s19] =	ssyncset.done $0x0  }
0x55: {  	p0 =	sne.s32 s22, s7;
	[sflag:s19] =	ssyncadd.s32 $0xFFFFF830  }
.Ltmp3:
0x56: {  	[bflag:$0x0] =	sbarrier.arrive $0xFFFF;
	(pc) =	sbr.rel @p0 .LBB2_1-.Ltmp3, $4  }
0x57: {  	[hbm:s6], [sflag:s20] =	dma.local [spmem:s21], $0x500  }
0x58: {  	_ =	swait.ge [sflag:s9], $0x500  }
0x59: {  	[sflag:s9] =	ssyncset.done $0x0  }
0x5a: {  	[sflag:s9] =	ssyncadd.s32 $0xFFFFFB00  }
0x5b: {  	_ =	sfence.sel $0x180000  }
0x5c: {  	[bflag:$0x0] =	sbarrier.arrive $0xFFFF  }
0x5d: {  	p0 =	sne.s32 s0, $0x0;
	_ =	strace $0x90000047  }
0x5e: {  	s0 =	sadd.s32 @!p0 $0x100000, s1;
	[bflag:$0x2] =	sbarrier.arrive $0xFFFF  }
0x5f: {  	[sflag:s0] =	ssyncadd.tile.s32 @!p0 $0x1;
	_ =	shalt  }
.Lfunc_end2:
_tile_overlayer_lowered:
.L_overlay_start_2:
0x60: {  	(tag) =	ssettag $0x2  }
0x61: {  	s0 =	rddreg [dreg:$0x0];
	s2 =	stileid.u32  }
0x62: {  	s1 =	rddreg [dreg:$0x1];
	p0 =	sne.s32 s2, $0x0  }
0x63: {  	s3 =	rddreg [dreg:$0x2];
	[bflag:$0x3] =	sbarrier.arrive $0xFFFF;
	s2 =	simm.s32 @!p0 $0x1C02  }
0x64: {  	[timem:s3], [sflag:s2] =	dma.local @!p0 [hbm:s0], s1  }
0x65: {  	s0 =	simm.s32 @!p0 $0x2  }
0x66: {  	_ =	swait.ge @!p0 [sflag:s0], s1  }
0x67: {  	s1 =	ssub.s32 @!p0 $0x0, s1;
	[sflag:s0] =	ssyncset.done @!p0 $0x0  }
0x68: {  	[sflag:s0] =	ssyncadd.s32 @!p0 s1  }
0x69: {  	[bflag:$0x3] =	sbarrier.arrive $0xFFFF  }
0x6a: {  	_ =	shalt  }

// kernel: kernel.14.cloned.1.call-start
scs
__scs_entry_jumppad:
0x0: {  	(pc) =	sbr.rel $0x88, $3  }
0x1: {  	(tag) =	ssettag $0x0;
	lr =	simm.s32 $0x1  }
0x2: {  	[smem:$0x3F98] =	sst lr;
	_ =	strace $0xD0000000  }
0x3: {  	_ = 	snop  }
0x4: {  	_ = 	snop  }
0x5: {  	_ = 	snop  }
0x6: {  	_ = 	snop  }
0x7: {  	_ = 	snop  }
__scs_overlays_trampoline_lowered:
0x8: {  	[smem:$0x3FA7] =	sst s0  }
0x9: {  	[smem:$0x3FA8] =	sst s1  }
0xa: {  	[smem:$0x3FA9] =	sst s2  }
0xb: {  	[smem:$0x3FAA] =	sst s3  }
0xc: {  	[smem:$0x3FAB] =	sst s4  }
0xd: {  	[smem:$0x3FAC] =	sst s5  }
0xe: {  	[smem:$0x3FAD] =	sst s6  }
0xf: {  	[smem:$0x3FAE] =	sst s7  }
0x10: {  	[smem:$0x3FAF] =	sst s8  }
0x11: {  	[smem:$0x3FB0] =	sst s9;
	s0 =	simm.s32 @!p0 $0x0  }
0x12: {  	s1 =	sld [smem:$0x3F96];
	s0 =	simm.s32 @p0 $0x1  }
0x13: {  	[smem:$0x3FB1] =	sst s0;
	s0 =	simm.s32 @!p1 $0x0  }
0x14: {  	s2 =	sld [smem:$0x3F95];
	s0 =	simm.s32 @p1 $0x1  }
0x15: {  	[smem:$0x3FB2] =	sst s0;
	s0 =	simm.s32 @!p2 $0x0  }
0x16: {  	s3 =	sld [smem:$0x3FDB];
	s0 =	simm.s32 @p2 $0x1  }
0x17: {  	s4 =	simm.s32 $0x1BF5;
	[smem:$0x3FB4] =	sst s0  }
0x18: {  	s0 =	sld [smem:$0x3F97];
	_ =	swait.ge [sflag:s4], $0x0  }
0x19: {  	s7 =	sld [smem:$0x3F98]  }
0x1a: {  	s8 =	sadd.s32 $0xFFFFE003, lr  }
0x1b: {  	s9 =	sadd.s32 $0xFFFFFEF7, lr;
	s5 =	simm.s32 $0xFFFFFFFF;
	p2 =	slt.u32 s8, $0xFFFFF086  }
0x1c: {  	p1 =	slt.u32 s9, $0xF7A;
	s5 =	simm.s32 @!p2 $0x0  }
0x1d: {  	s5 =	simm.s32 @p1 $0x1;
	p0 =	seq.s32 s7, s2  }
0x1e: {  	s7 =	smul.u32 @!p0 $0xF7A, s2;
	p2 =	seq.s32 @!p0 s5, $0x0  }
0x1f: {  	s9 =	smul.u32 $0xF7A, s1;
	s8 =	simm.s32 @!p0 $0x1BF5;
	p2 =	por !p2, p0  }
0x20: {  	[sflag:s8] =	ssyncset.s32 @!p0 $0xFFFFF086;
	s6 =	sadd.s32 @!p0 s3, s7;
	s7 =	simm.s32 @!p0 $0x108  }
0x21: {  	s3 =	sadd.s32 s3, s9;
	s6 =	sadd.s32 @!p0 $0x88, s6;
	s7 =	simm.s32 @p2 $0x1082  }
0x22: {  	[simem:s7], [sflag:s8] =	dma.local @!p0 [hbm:s6], $0xF7A  }
0x23: {  	s9 =	sor.u32 $0xD0000000, s2;
	s6 =	simm.s32 $0x108;
	_ =	swait.ge @!p0 [sflag:s8], $0x0  }
0x24: {  	s3 =	sadd.s32 $0x88, s3;
	s6 =	simm.s32 @!p1 $0x1082;
	[sflag:s4] =	ssyncset.s32 $0xFFFFF086  }
0x25: {  	[simem:s6], [sflag:s4] =	dma.local [hbm:s3], $0xF7A  }
0x26: {  	[smem:$0x3F98] =	sst s1;
	(tag) =	ssettag s2;
	_ =	strace s9  }
0x27: {  	s1 =	sld [smem:$0x3FA8]  }
0x28: {  	s2 =	sld [smem:$0x3FA9]  }
0x29: {  	s4 =	sld [smem:$0x3FAB]  }
0x2a: {  	p0 =	seq.s32 s5, $0x0;
	s5 =	sld [smem:$0x3FAC]  }
0x2b: {  	s6 =	sld [smem:$0x3FAD]  }
0x2c: {  	s7 =	sld [smem:$0x3FAE]  }
0x2d: {  	s3 =	simm.s32 $0x108;
	s8 =	sld [smem:$0x3FAF]  }
0x2e: {  	s3 =	simm.s32 @!p0 $0x1082;
	s9 =	sld [smem:$0x3FB0]  }
0x2f: {  	lr =	sadd.s32 s0, s3;
	s0 =	sld [smem:$0x3FA7]  }
0x30: {  	s3 =	sld [smem:$0x3FAA]  }
0x31: {  	[smem:$0x3FB3] =	sst s10  }
0x32: {  	s10 =	sld [smem:$0x3FB1];
	_ =	sdelay $0x3  }
0x33: {  	p0 =	seq.s32 s10, $0x1;
	s10 =	sld [smem:$0x3FB3];
	_ =	sdelay $0x3  }
0x34: {  	[smem:$0x3FB3] =	sst s10  }
0x35: {  	s10 =	sld [smem:$0x3FB2];
	_ =	sdelay $0x3  }
0x36: {  	p1 =	seq.s32 s10, $0x1;
	s10 =	sld [smem:$0x3FB3];
	_ =	sdelay $0x3  }
0x37: {  	[smem:$0x3FB3] =	sst s10  }
0x38: {  	s10 =	sld [smem:$0x3FB4]  }
0x39: {  	_ = 	snop;
	(pc) =	sbr.ind lr, $3  }
0x3a: {  	_ = 	snop  }
0x3b: {  	_ = 	snop  }
0x3c: {  	p2 =	seq.s32 s10, $0x1;
	s10 =	sld [smem:$0x3FB3]  }
0x3d: {  	_ =	shalt  }
0x3e: {  	_ =	shalt  }
0x3f: {  	_ =	shalt  }
0x40: {  	_ =	shalt  }
0x41: {  	_ =	shalt  }
0x42: {  	_ =	shalt  }
0x43: {  	_ =	shalt  }
0x44: {  	_ =	shalt  }
0x45: {  	_ =	shalt  }
0x46: {  	_ =	shalt  }
0x47: {  	_ =	shalt  }
0x48: {  	_ =	shalt  }
0x49: {  	_ =	shalt  }
0x4a: {  	_ =	shalt  }
0x4b: {  	_ =	shalt  }
0x4c: {  	_ =	shalt  }
0x4d: {  	_ =	shalt  }
0x4e: {  	_ =	shalt  }
0x4f: {  	_ =	shalt  }
0x50: {  	_ =	shalt  }
0x51: {  	_ =	shalt  }
0x52: {  	_ =	shalt  }
0x53: {  	_ =	shalt  }
0x54: {  	_ =	shalt  }
0x55: {  	_ =	shalt  }
0x56: {  	_ =	shalt  }
0x57: {  	_ =	shalt  }
0x58: {  	_ =	shalt  }
0x59: {  	_ =	shalt  }
0x5a: {  	_ =	shalt  }
0x5b: {  	_ =	shalt  }
0x5c: {  	_ =	shalt  }
0x5d: {  	_ =	shalt  }
0x5e: {  	_ =	shalt  }
0x5f: {  	_ =	shalt  }
0x60: {  	_ =	shalt  }
0x61: {  	_ =	shalt  }
0x62: {  	_ =	shalt  }
0x63: {  	_ =	shalt  }
0x64: {  	_ =	shalt  }
0x65: {  	_ =	shalt  }
0x66: {  	_ =	shalt  }
0x67: {  	_ =	shalt  }
0x68: {  	_ =	shalt  }
0x69: {  	_ =	shalt  }
0x6a: {  	_ =	shalt  }
0x6b: {  	_ =	shalt  }
0x6c: {  	_ =	shalt  }
0x6d: {  	_ =	shalt  }
0x6e: {  	_ =	shalt  }
0x6f: {  	_ =	shalt  }
0x70: {  	_ =	shalt  }
0x71: {  	_ =	shalt  }
0x72: {  	_ =	shalt  }
0x73: {  	_ =	shalt  }
0x74: {  	_ =	shalt  }
0x75: {  	_ =	shalt  }
0x76: {  	_ =	shalt  }
0x77: {  	_ =	shalt  }
0x78: {  	_ =	shalt  }
0x79: {  	_ =	shalt  }
0x7a: {  	_ =	shalt  }
0x7b: {  	_ =	shalt  }
0x7c: {  	_ =	shalt  }
0x7d: {  	_ =	shalt  }
0x7e: {  	_ =	shalt  }
0x7f: {  	_ =	shalt  }
0x80: {  	_ =	shalt  }
0x81: {  	_ =	shalt  }
0x82: {  	_ =	shalt  }
0x83: {  	_ =	shalt  }
0x84: {  	_ =	shalt  }
0x85: {  	_ =	shalt  }
0x86: {  	_ =	shalt  }
0x87: {  	_ =	shalt  }
.Lfunc_end0:
.L_simem_size_0:
called_computation.1_lowered:
.L_overlay_start_0:
0x88: {  	s2 =	sld [smem:$0x3FD9]  }
0x89: {  	s3 =	sld [smem:$0x3FFE];
	_ =	sdelay $0x1  }
0x8a: {  	s1 =	srdreg.scid  }
0x8b: {  	s0 =	sand.u32 $0x1, s1  }
0x8c: {  	s16 =	sshll.u32 s0, $0xA;
	s2 =	sadd.s32 s3, s2  }
0x8d: {  	s2 =	sadd.s32 s2, s16  }
0x8e: {  	[smem:$0x3FBF] =	sst s2  }
0x8f: {  	_ = 	snop  }
0x90: {  	(tm) =	ssettm $0x1  }
0x91: {  	s17 =	sld [smem:$0x3FFB];
	_ =	sdelay $0x3  }
0x92: {  	_ =	strace s17  }
0x93: {  	s2 =	sld [smem:$0x3FFC];
	_ =	sdelay $0x3  }
0x94: {  	_ =	strace s2  }
0x95: {  	s2 =	sld [smem:$0x3FFD];
	_ =	sdelay $0x3  }
0x96: {  	_ =	strace s2  }
0x97: {  	_ =	strace $0x8FFFFFFF  }
0x98: {  	s18 =	sld [smem:$0x3FDB];
	_ =	sdelay $0x1  }
0x99: {  	s19 =	simm.s32 $_scs_section_size  }
0x9a: {  	s4 =	simm.s32 $_size__tile_overlayer_lowered;
	s5 =	simm.s32 $_tile_overlayer_lowered  }
0x9b: {  	s22 =	simm.s32 $0x1BFF;
	s21 =	sshll.u32 s5, $0x1;
	s2 =	sadd.s32 s19, s18  }
0x9c: {  	s6 =	simm.s32 $0x0;
	s20 =	sshll.u32 s4, $0x1;
	s4 =	sadd.s32 s21, s2  }
0x9d: {  	[timem:s6], [sflag:s22] =	dma.local [hbm:s4], s20  }
0x9e: {  	_ =	swait.ge [sflag:s22], s20  }
0x9f: {  	s3 =	ssub.s32 $0x0, s20;
	[sflag:s22] =	ssyncset.done $0x0  }
0xa0: {  	[sflag:s22] =	ssyncadd.s32 s3;
	_ =	sdelay $0x1  }
0xa1: {  	s23 =	simm.s32 $0x1B8B  }
0xa2: {  	_ =	swait.ge [sflag:s23], $0x1  }
0xa3: {  	[sflag:s23] =	ssyncset.done $0x0  }
0xa4: {  	s25 =	simm.s32 $0x1B8E;
	s24 =	sld [smem:$0x3FFE];
	[sflag:s23] =	ssyncadd.s32 $0xFFFFFFFF  }
0xa5: {  	s26 =	simm.s32 $execute0_lowered;
	[smem:$0x3FD2] =	sst s25  }
0xa6: {  	s4 =	sshll.u32 s26, $0x1;
	_ =	strace $0x80000049;
	[dreg:$0x1] =	wrdreg $0xFFFFFFFF  }
0xa7: {  	s28 =	simm.s32 $_size_execute0_lowered;
	s2 =	sadd.s32 s2, s4;
	[dreg:$0x0] =	wrdreg $0x0  }
0xa8: {  	s4 =	sshll.u32 s28, $0x1;
	[dreg:$0x2] =	wrdreg s2  }
0xa9: {  	[dreg:$0x3] =	wrdreg s4  }
0xaa: {  	[dreg:$0x4] =	wrdreg $0xC0  }
0xab: {  	_ =	task [dreg:s6], $0x5FFFF  }
0xac: {  	[dreg:$0x1] =	wrdreg $0xFFFFFFFF  }
0xad: {  	[dreg:$0x0] =	wrdreg $0x60  }
0xae: {  	[dreg:$0x2] =	wrdreg s24  }
0xaf: {  	[dreg:$0x3] =	wrdreg $0xA5000  }
0xb0: {  	[dreg:$0x4] =	wrdreg $0x9  }
0xb1: {  	_ =	task.clear_ibuf [dreg:s6], $0x5FFFF;
	_ =	strace $0x90000049  }
0xb2: {  	s29 =	simm.s32 $0x9;
	_ =	strace $0x8000004B  }
0xb3: {  	_ =	swait.ge [sflag:s29], $0x1  }
0xb4: {  	[sflag:s29] =	ssyncadd.s32 $0xFFFFFFFF  }
0xb5: {  	_ =	strace $0x9000004B  }
0xb6: {  	_ =	sfence  }
0xb7: {  	s30 =	sld [smem:$0x0];
	_ =	sdelay $0x2  }
0xb8: {  	s31 =	sshll.u32 s1, $0xD;
	s1 =	sshrl.u32 s1, $0x2  }
0xb9: {  	s3 =	sand.u32 $0x4000, s31;
	s1 =	sadd.s32 s1, s30  }
0xba: {  	s0 =	sor.u32 s3, s0;
	s1 =	sshll.u32 s1, $0x11  }
0xbb: {  	s0 =	sor.u32 s1, s0  }
0xbc: {  	s0 =	sadd.s32 $0x8F2B, s0  }
0xbd: {  	[sflag:s0] =	ssyncadd.remote.s32 $0x1  }
0xbe: {  	_ =	sfence.sel $0xFFFF  }
0xbf: {  	[dreg:$0x0] =	wrdreg $0xFFFFFFFF;
	(pc) =	sbr.abs _section_cstart, $3  }
0xc0: {  	[dreg:$0x1] =	wrdreg $0xFFFFFFFF  }
0xc1: {  	_ =	task.clear_ibuf [dreg:s6], $0x2FFFF;
	_ =	strace $0x9FFFFFFF  }
0xc2: {  	(tm) =	ssettm $0x7FFFFFFF  }
0xc3: {  	_ =	shalt  }
tec
execute0_lowered:
.L_overlay_start_1:
0x0: {  	(tag) =	ssettag $0x1  }
0x1: {  	s5 =	rddreg [dreg:$0x0]  }
0x2: {  	s2 =	rddreg [dreg:$0x1]  }
0x3: {  	s4 =	srdreg.scid;
	s1 =	stileid.u32;
	s3 =	simm.s32 $0x0  }
0x4: {  	s18 =	simm.s32 $0x3;
	s19 =	simm.s32 $0x1400;
	s20 =	simm.s32 $0x7D  }
0x5: {  	s21 =	simm.s32 $0x6680;
	s22 =	simm.s32 $0x1;
	s23 =	simm.s32 $0x2  }
0x6: {  	s24 =	simm.s32 $0x1380;
	s25 =	simm.s32 $0x2700;
	s26 =	simm.s32 $0x2780  }
0x7: {  	s6 =	sand.u32 $0x1, s4;
	s7 =	smul.u32 $0x14000, s1;
	[smem:$0x7FF] =	sst s3  }
0x8: {  	s4 =	sadd.s32 $0x18200, s5;
	s13 =	sadd.s32 $0xE200, s5;
	s10 =	smul.u32 $0x50000, s1  }
0x9: {  	s14 =	sadd.s32 $0x4200, s5;
	s8 =	smul.u32 $0x140000, s6;
	s9 =	ssub.s32 $0x2, s6  }
0xa: {  	_ =	strace $0x8000004A;
	s6 =	sshll.u32 s6, $0x4;
	s29 =	sshrl.u32 s9, $0x1  }
0xb: {  	s30 =	sor.u32 s1, s6;
	s31 =	sshrl.u32 s10, $0x2;
	s8 =	sadd.s32 s7, s8  }
0xc: {  	s16 =	ssub.s32 s9, s29;
	s10 =	sadd.s32 s31, s2;
	s11 =	smul.u32 $0x2800, s30  }
0xd: {  	s12 =	smul.u32 $0x500, s30;
	s8 =	sshrl.u32 s8, $0x3;
	s6 =	sadd.s32 $0x3E80, s10  }
0xe: {  	s9 =	sadd.s32 $0xFA00, s10;
	s16 =	smax.u32 s16, $0x1;
	s15 =	sadd.s32 s8, s5  }
0xf: {  	s5 =	sadd.s32 s7, s2;
	s7 =	sadd.s32 $0x7D00, s10;
	s8 =	sadd.s32 $0xBB80, s10  }
0x10: {  	s17 =	sshrl.u32 s11, $0x3;
	s10 =	sadd.s32 $0x13880, s10;
	s11 =	sadd.s32 s13, s12  }
0x11: {  	s12 =	sadd.s32 s14, s12;
	s17 =	sadd.s32 $0x280, s17;
	s15 =	sadd.s32 $0x3F400, s15  }
0x12: {  	v0 =	vimm.f32 $0.0e+00;
	s13 =	sadd.s32 s13, s17;
	s14 =	sadd.s32 s14, s17;
	s17 =	simm.s32 $0x2800  }
.LBB2_1:
0x13: {  	s28 =	simm.s32 $0x0;
	s29 =	simm.s32 $0x200  }
.LBB2_2:
0x14: {  	p0 =	sne.s32 s29, $0xF800;
	[tilespmem:s28+$0x2870] =	vst v0  }
0x15: {  	[tilespmem:s28+$0x2800] =	vst v0  }
0x16: {  	[tilespmem:s28+$0x2810] =	vst v0  }
.Ltmp0:
0x17: {  	[tilespmem:s28+$0x2820] =	vst v0;
	(pc) =	sbr.rel @p0 .LBB2_2-.Ltmp0, $4  }
0x18: {  	[tilespmem:s28+$0x2830] =	vst v0  }
0x19: {  	[tilespmem:s28+$0x2840] =	vst v0  }
0x1a: {  	[tilespmem:s28+$0x2850] =	vst v0  }
0x1b: {  	[tilespmem:s28+$0x2860] =	vst v0;
	s28 =	sshra.s32 s29, $0x2;
	s29 =	sadd.s32 $0x200, s29  }
0x1c: {  	[tilespmem:s28+$0x2870] =	vst v0  }
0x1d: {  	[tilespmem:s28+$0x2800] =	vst v0  }
0x1e: {  	[tilespmem:s28+$0x2810] =	vst v0  }
0x1f: {  	[tilespmem:s28+$0x2820] =	vst v0  }
0x20: {  	[tilespmem:s28+$0x2830] =	vst v0  }
0x21: {  	[tilespmem:s28+$0x2840] =	vst v0  }
0x22: {  	[tilespmem:s28+$0x2850] =	vst v0  }
0x23: {  	[tilespmem:s28+$0x2860] =	vst v0  }
0x24: {  	[spmem:s5] =	stream.linear.scatter [tilespmem:s17], [sflag:$0x3], $0x3E80, $0x38;
	[tilespmem:$0x1E500] =	vst v63  }
0x25: {  	_ =	swait.ge [sflag:s18], $0x3E80  }
0x26: {  	[sflag:s18] =	ssyncset.done $0x0  }
0x27: {  	[sflag:s18] =	ssyncadd.s32 $0xFFFFC180  }
0x28: {  	[spmem:s6] =	stream.linear.scatter [tilespmem:s17], [sflag:$0x3], $0x3E80, $0x38;
	[tilespmem:$0x1E500] =	vst v63  }
0x29: {  	_ =	swait.ge [sflag:s18], $0x3E80  }
0x2a: {  	[sflag:s18] =	ssyncset.done $0x0  }
0x2b: {  	[sflag:s18] =	ssyncadd.s32 $0xFFFFC180  }
0x2c: {  	[spmem:s7] =	stream.linear.scatter [tilespmem:s17], [sflag:$0x3], $0x3E80, $0x38;
	[tilespmem:$0x1E500] =	vst v63  }
0x2d: {  	_ =	swait.ge [sflag:s18], $0x3E80  }
0x2e: {  	[sflag:s18] =	ssyncset.done $0x0  }
0x2f: {  	[sflag:s18] =	ssyncadd.s32 $0xFFFFC180  }
0x30: {  	[spmem:s8] =	stream.linear.scatter [tilespmem:s17], [sflag:$0x3], $0x3E80, $0x38;
	[tilespmem:$0x1E500] =	vst v63  }
0x31: {  	_ =	swait.ge [sflag:s18], $0x3E80  }
0x32: {  	[sflag:s18] =	ssyncset.done $0x0  }
0x33: {  	[sflag:s18] =	ssyncadd.s32 $0xFFFFC180  }
0x34: {  	[spmem:s9] =	stream.linear.scatter [tilespmem:s17], [sflag:$0x3], $0x3E80, $0x38;
	[tilespmem:$0x1E500] =	vst v63  }
0x35: {  	_ =	swait.ge [sflag:s18], $0x3E80  }
0x36: {  	[sflag:s18] =	ssyncset.done $0x0  }
0x37: {  	[sflag:s18] =	ssyncadd.s32 $0xFFFFC180  }
0x38: {  	[spmem:s10] =	stream.linear.scatter [tilespmem:s17], [sflag:$0x3], $0x780, $0x38;
	[tilespmem:$0x1E500] =	vst v63  }
0x39: {  	_ =	swait.ge [sflag:s18], $0x780  }
0x3a: {  	[sflag:s18] =	ssyncset.done $0x0  }
0x3b: {  	[sflag:s18] =	ssyncadd.s32 $0xFFFFF880  }
0x3c: {  	s28 =	simm.s32 $0x0;
	[bflag:$0x0] =	sbarrier.arrive $0xFFFF  }
0x3d: {  	[tilespmem:s28], [sflag:$0x3] =	stream.linear.gather [hbm4b:s11+s28], $0x1400, $0x38;
	[tilespmem:$0x1E500] =	vst v63  }
0x3e: {  	_ =	swait.ge [sflag:s18], $0x1400  }
0x3f: {  	[sflag:s18] =	ssyncset.done $0x0  }
0x40: {  	[sflag:s18] =	ssyncadd.s32 $0xFFFFEC00  }
0x41: {  	[tilespmem:s19], [sflag:$0x3] =	stream.linear.gather [hbm4b:s12+s28], $0x1400, $0x38;
	[tilespmem:$0x1E500] =	vst v63  }
0x42: {  	_ =	swait.ge [sflag:s18], $0x1400  }
0x43: {  	[sflag:s18] =	ssyncset.done $0x0  }
0x44: {  	[sflag:s18] =	ssyncadd.s32 $0xFFFFEC00  }
0x45: {  	[tilespmem:s17], [sflag:$0x1] =	stream.indirect.gather [hbm4b:s4+s20], $0x80, s28, s20, $0xb8;
	[tilespmem:$0x1E500] =	vst v63  }
0x46: {  	s28 =	simm.s32 $0x80  }
0x47: {  	[tilespmem:s21], [sflag:$0x2] =	stream.indirect.gather [hbm4b:s4+s20], $0x80, s28, s20, $0xb8;
	[tilespmem:$0x1E500] =	vst v63  }
0x48: {  	_ =	swait.ge [sflag:s22], $0x3E80  }
0x49: {  	[sflag:s22] =	ssyncset.done $0x0  }
0x4a: {  	s28 =	simm.s32 $0x1400;
	[sflag:s22] =	ssyncadd.s32 $0xFFFFC180  }
0x4b: {  	[spmem:s2] =	stream.indirect.scatter.add.f32 [tilespmem:s17], [sflag:$0x3], $0x80, s28, s20, $0xb8;
	[tilespmem:$0x1E500] =	vst v63  }
0x4c: {  	_ =	swait.ge [sflag:s18], $0x3E80  }
0x4d: {  	[sflag:s18] =	ssyncset.done $0x0  }
0x4e: {  	s28 =	simm.s32 $0x100;
	[sflag:s18] =	ssyncadd.s32 $0xFFFFC180  }
0x4f: {  	[tilespmem:s17], [sflag:$0x1] =	stream.indirect.gather [hbm4b:s4+s20], $0x80, s28, s20, $0xb8;
	[tilespmem:$0x1E500] =	vst v63  }
0x50: {  	_ =	swait.ge [sflag:s23], $0x3E80  }
0x51: {  	[sflag:s23] =	ssyncset.done $0x0  }
0x52: {  	s28 =	simm.s32 $0x1480;
	[sflag:s23] =	ssyncadd.s32 $0xFFFFC180  }
0x53: {  	[spmem:s2] =	stream.indirect.scatter.add.f32 [tilespmem:s21], [sflag:$0x3], $0x80, s28, s20, $0xb8;
	[tilespmem:$0x1E500] =	vst v63  }
0x54: {  	_ =	swait.ge [sflag:s18], $0x3E80  }
0x55: {  	s29 =	simm.s32 $0x800;
	s28 =	simm.s32 $0x100;
	[sflag:s18] =	ssyncset.done $0x0  }
.LBB2_4:
0x56: {  	s30 =	sadd.s32 $0x80, s28  }
0x57: {  	[sflag:s18] =	ssyncadd.s32 $0xFFFFC180;
	s31 =	smov.u32 s29;
	s0 =	sadd.s32 $0x400, s29  }
0x58: {  	[tilespmem:s21], [sflag:$0x2] =	stream.indirect.gather [hbm4b:s4+s20], $0x80, s30, s20, $0xb8;
	[tilespmem:$0x1E500] =	vst v63  }
0x59: {  	p0 =	sne.s32 s29, $0x4800;
	_ =	swait.ge [sflag:s22], $0x3E80  }
0x5a: {  	[sflag:s22] =	ssyncset.done $0x0  }
0x5b: {  	s29 =	sadd.s32 $0x1400, s28;
	[sflag:s22] =	ssyncadd.s32 $0xFFFFC180  }
0x5c: {  	[spmem:s2] =	stream.indirect.scatter.add.f32 [tilespmem:s17], [sflag:$0x3], $0x80, s29, s20, $0xb8;
	[tilespmem:$0x1E500] =	vst v63  }
0x5d: {  	_ =	swait.ge [sflag:s18], $0x3E80  }
0x5e: {  	[sflag:s18] =	ssyncset.done $0x0  }
0x5f: {  	s29 =	sadd.s32 $0x100, s28;
	[sflag:s18] =	ssyncadd.s32 $0xFFFFC180  }
0x60: {  	[tilespmem:s17], [sflag:$0x1] =	stream.indirect.gather [hbm4b:s4+s20], $0x80, s29, s20, $0xb8;
	[tilespmem:$0x1E500] =	vst v63  }
0x61: {  	_ =	swait.ge [sflag:s23], $0x3E80  }
.Ltmp1:
0x62: {  	[sflag:s23] =	ssyncset.done $0x0;
	(pc) =	sbr.rel @p0 .LBB2_4-.Ltmp1, $4  }
0x63: {  	s28 =	sadd.s32 $0x1480, s28;
	[sflag:s23] =	ssyncadd.s32 $0xFFFFC180  }
0x64: {  	[spmem:s2] =	stream.indirect.scatter.add.f32 [tilespmem:s21], [sflag:$0x3], $0x80, s28, s20, $0xb8;
	[tilespmem:$0x1E500] =	vst v63  }
0x65: {  	_ =	swait.ge [sflag:s18], $0x3E80  }
0x66: {  	s29 =	smov.u32 s0;
	s28 =	sshra.s32 s31, $0x2;
	[sflag:s18] =	ssyncset.done $0x0  }
0x67: {  	s0 =	sadd.s32 $0x80, s28;
	[sflag:s18] =	ssyncadd.s32 $0xFFFFC180  }
0x68: {  	[tilespmem:s21], [sflag:$0x2] =	stream.indirect.gather [hbm4b:s4+s20], $0x80, s0, s20, $0xb8;
	[tilespmem:$0x1E500] =	vst v63  }
0x69: {  	_ =	swait.ge [sflag:s22], $0x3E80  }
0x6a: {  	[sflag:s22] =	ssyncset.done $0x0  }
0x6b: {  	s30 =	sadd.s32 $0x1400, s28;
	[sflag:s22] =	ssyncadd.s32 $0xFFFFC180  }
0x6c: {  	[spmem:s2] =	stream.indirect.scatter.add.f32 [tilespmem:s17], [sflag:$0x3], $0x80, s30, s20, $0xb8;
	[tilespmem:$0x1E500] =	vst v63  }
0x6d: {  	_ =	swait.ge [sflag:s18], $0x3E80  }
0x6e: {  	[sflag:s18] =	ssyncset.done $0x0  }
0x6f: {  	s31 =	sadd.s32 $0x100, s28;
	[sflag:s18] =	ssyncadd.s32 $0xFFFFC180  }
0x70: {  	[tilespmem:s17], [sflag:$0x1] =	stream.indirect.gather [hbm4b:s4+s20], $0x80, s31, s20, $0xb8;
	[tilespmem:$0x1E500] =	vst v63  }
0x71: {  	_ =	swait.ge [sflag:s23], $0x3E80  }
0x72: {  	[sflag:s23] =	ssyncset.done $0x0  }
0x73: {  	s30 =	sadd.s32 $0x1480, s28;
	[sflag:s23] =	ssyncadd.s32 $0xFFFFC180  }
0x74: {  	[spmem:s2] =	stream.indirect.scatter.add.f32 [tilespmem:s21], [sflag:$0x3], $0x80, s30, s20, $0xb8;
	[tilespmem:$0x1E500] =	vst v63  }
0x75: {  	_ =	swait.ge [sflag:s18], $0x3E80  }
0x76: {  	[sflag:s18] =	ssyncset.done $0x0  }
0x77: {  	[sflag:s18] =	ssyncadd.s32 $0xFFFFC180  }
0x78: {  	[tilespmem:s21], [sflag:$0x2] =	stream.indirect.gather [hbm4b:s4+s20], $0x80, s24, s20, $0xb8;
	[tilespmem:$0x1E500] =	vst v63  }
0x79: {  	_ =	swait.ge [sflag:s22], $0x3E80  }
0x7a: {  	[sflag:s22] =	ssyncset.done $0x0  }
0x7b: {  	[sflag:s22] =	ssyncadd.s32 $0xFFFFC180  }
0x7c: {  	[spmem:s2] =	stream.indirect.scatter.add.f32 [tilespmem:s17], [sflag:$0x3], $0x80, s25, s20, $0xb8;
	[tilespmem:$0x1E500] =	vst v63  }
0x7d: {  	_ =	swait.ge [sflag:s18], $0x3E80  }
0x7e: {  	[sflag:s18] =	ssyncset.done $0x0  }
0x7f: {  	[sflag:s18] =	ssyncadd.s32 $0xFFFFC180  }
0x80: {  	_ =	swait.ge [sflag:s23], $0x3E80  }
0x81: {  	[sflag:s23] =	ssyncset.done $0x0  }
0x82: {  	[sflag:s23] =	ssyncadd.s32 $0xFFFFC180  }
0x83: {  	[spmem:s2] =	stream.indirect.scatter.add.f32 [tilespmem:s21], [sflag:$0x3], $0x80, s26, s20, $0xb8;
	[tilespmem:$0x1E500] =	vst v63  }
0x84: {  	_ =	swait.ge [sflag:s18], $0x3E80  }
0x85: {  	[sflag:s18] =	ssyncset.done $0x0  }
0x86: {  	s31 =	simm.s32 $0x0;
	[sflag:s18] =	ssyncadd.s32 $0xFFFFC180  }
0x87: {  	[tilespmem:s31], [sflag:$0x3] =	stream.linear.gather [hbm4b:s13+s31], $0x1400, $0x38;
	[tilespmem:$0x1E500] =	vst v63  }
0x88: {  	_ =	swait.ge [sflag:s18], $0x1400  }
0x89: {  	[sflag:s18] =	ssyncset.done $0x0  }
0x8a: {  	[sflag:s18] =	ssyncadd.s32 $0xFFFFEC00  }
0x8b: {  	[tilespmem:s19], [sflag:$0x3] =	stream.linear.gather [hbm4b:s14+s31], $0x1400, $0x38;
	[tilespmem:$0x1E500] =	vst v63  }
0x8c: {  	_ =	swait.ge [sflag:s18], $0x1400  }
0x8d: {  	[sflag:s18] =	ssyncset.done $0x0  }
0x8e: {  	[sflag:s18] =	ssyncadd.s32 $0xFFFFEC00  }
0x8f: {  	[tilespmem:s17], [sflag:$0x1] =	stream.indirect.gather [hbm4b:s4+s20], $0x80, s31, s20, $0xb8;
	[tilespmem:$0x1E500] =	vst v63  }
0x90: {  	s30 =	simm.s32 $0x80  }
0x91: {  	[tilespmem:s21], [sflag:$0x2] =	stream.indirect.gather [hbm4b:s4+s20], $0x80, s30, s20, $0xb8;
	[tilespmem:$0x1E500] =	vst v63  }
0x92: {  	_ =	swait.ge [sflag:s22], $0x3E80  }
0x93: {  	[sflag:s22] =	ssyncset.done $0x0  }
0x94: {  	s31 =	simm.s32 $0x1400;
	[sflag:s22] =	ssyncadd.s32 $0xFFFFC180  }
0x95: {  	[spmem:s2] =	stream.indirect.scatter.add.f32 [tilespmem:s17], [sflag:$0x3], $0x80, s31, s20, $0xb8;
	[tilespmem:$0x1E500] =	vst v63  }
0x96: {  	_ =	swait.ge [sflag:s18], $0x3E80  }
0x97: {  	[sflag:s18] =	ssyncset.done $0x0  }
0x98: {  	s30 =	simm.s32 $0x100;
	[sflag:s18] =	ssyncadd.s32 $0xFFFFC180  }
0x99: {  	[tilespmem:s17], [sflag:$0x1] =	stream.indirect.gather [hbm4b:s4+s20], $0x80, s30, s20, $0xb8;
	[tilespmem:$0x1E500] =	vst v63  }
0x9a: {  	_ =	swait.ge [sflag:s23], $0x3E80  }
0x9b: {  	[sflag:s23] =	ssyncset.done $0x0  }
0x9c: {  	s31 =	simm.s32 $0x1480;
	[sflag:s23] =	ssyncadd.s32 $0xFFFFC180  }
0x9d: {  	[spmem:s2] =	stream.indirect.scatter.add.f32 [tilespmem:s21], [sflag:$0x3], $0x80, s31, s20, $0xb8;
	[tilespmem:$0x1E500] =	vst v63  }
0x9e: {  	_ =	swait.ge [sflag:s18], $0x3E80  }
0x9f: {  	s29 =	simm.s32 $0x800;
	s28 =	simm.s32 $0x100;
	[sflag:s18] =	ssyncset.done $0x0  }
.LBB2_6:
0xa0: {  	s0 =	sadd.s32 $0x80, s28  }
0xa1: {  	[sflag:s18] =	ssyncadd.s32 $0xFFFFC180;
	s30 =	smov.u32 s29;
	s31 =	sadd.s32 $0x400, s29  }
0xa2: {  	[tilespmem:s21], [sflag:$0x2] =	stream.indirect.gather [hbm4b:s4+s20], $0x80, s0, s20, $0xb8;
	[tilespmem:$0x1E500] =	vst v63  }
0xa3: {  	p0 =	sne.s32 s29, $0x4800;
	_ =	swait.ge [sflag:s22], $0x3E80  }
0xa4: {  	[sflag:s22] =	ssyncset.done $0x0  }
0xa5: {  	s0 =	sadd.s32 $0x1400, s28;
	[sflag:s22] =	ssyncadd.s32 $0xFFFFC180  }
0xa6: {  	[spmem:s2] =	stream.indirect.scatter.add.f32 [tilespmem:s17], [sflag:$0x3], $0x80, s0, s20, $0xb8;
	[tilespmem:$0x1E500] =	vst v63  }
0xa7: {  	_ =	swait.ge [sflag:s18], $0x3E80  }
0xa8: {  	[sflag:s18] =	ssyncset.done $0x0  }
0xa9: {  	s0 =	sadd.s32 $0x100, s28;
	[sflag:s18] =	ssyncadd.s32 $0xFFFFC180  }
0xaa: {  	[tilespmem:s17], [sflag:$0x1] =	stream.indirect.gather [hbm4b:s4+s20], $0x80, s0, s20, $0xb8;
	[tilespmem:$0x1E500] =	vst v63  }
0xab: {  	_ =	swait.ge [sflag:s23], $0x3E80  }
.Ltmp2:
0xac: {  	[sflag:s23] =	ssyncset.done $0x0;
	(pc) =	sbr.rel @p0 .LBB2_6-.Ltmp2, $4  }
0xad: {  	s0 =	sadd.s32 $0x1480, s28;
	[sflag:s23] =	ssyncadd.s32 $0xFFFFC180  }
0xae: {  	[spmem:s2] =	stream.indirect.scatter.add.f32 [tilespmem:s21], [sflag:$0x3], $0x80, s0, s20, $0xb8;
	[tilespmem:$0x1E500] =	vst v63  }
0xaf: {  	_ =	swait.ge [sflag:s18], $0x3E80  }
0xb0: {  	s29 =	smov.u32 s31;
	s28 =	sshra.s32 s30, $0x2;
	[sflag:s18] =	ssyncset.done $0x0  }
0xb1: {  	s0 =	sadd.s32 $0x80, s28;
	[sflag:s18] =	ssyncadd.s32 $0xFFFFC180  }
0xb2: {  	[tilespmem:s21], [sflag:$0x2] =	stream.indirect.gather [hbm4b:s4+s20], $0x80, s0, s20, $0xb8;
	[tilespmem:$0x1E500] =	vst v63  }
0xb3: {  	_ =	swait.ge [sflag:s22], $0x3E80  }
0xb4: {  	[sflag:s22] =	ssyncset.done $0x0  }
0xb5: {  	s30 =	sadd.s32 $0x1400, s28;
	[sflag:s22] =	ssyncadd.s32 $0xFFFFC180  }
0xb6: {  	[spmem:s2] =	stream.indirect.scatter.add.f32 [tilespmem:s17], [sflag:$0x3], $0x80, s30, s20, $0xb8;
	[tilespmem:$0x1E500] =	vst v63  }
0xb7: {  	_ =	swait.ge [sflag:s18], $0x3E80  }
0xb8: {  	[sflag:s18] =	ssyncset.done $0x0  }
0xb9: {  	s31 =	sadd.s32 $0x100, s28;
	[sflag:s18] =	ssyncadd.s32 $0xFFFFC180  }
0xba: {  	[tilespmem:s17], [sflag:$0x1] =	stream.indirect.gather [hbm4b:s4+s20], $0x80, s31, s20, $0xb8;
	[tilespmem:$0x1E500] =	vst v63  }
0xbb: {  	_ =	swait.ge [sflag:s23], $0x3E80  }
0xbc: {  	[sflag:s23] =	ssyncset.done $0x0  }
0xbd: {  	s29 =	sadd.s32 $0x1480, s28;
	[sflag:s23] =	ssyncadd.s32 $0xFFFFC180  }
0xbe: {  	[spmem:s2] =	stream.indirect.scatter.add.f32 [tilespmem:s21], [sflag:$0x3], $0x80, s29, s20, $0xb8;
	[tilespmem:$0x1E500] =	vst v63  }
0xbf: {  	_ =	swait.ge [sflag:s18], $0x3E80  }
0xc0: {  	[sflag:s18] =	ssyncset.done $0x0  }
0xc1: {  	[sflag:s18] =	ssyncadd.s32 $0xFFFFC180  }
0xc2: {  	[tilespmem:s21], [sflag:$0x2] =	stream.indirect.gather [hbm4b:s4+s20], $0x80, s24, s20, $0xb8;
	[tilespmem:$0x1E500] =	vst v63  }
0xc3: {  	_ =	swait.ge [sflag:s22], $0x3E80  }
0xc4: {  	[sflag:s22] =	ssyncset.done $0x0  }
0xc5: {  	[sflag:s22] =	ssyncadd.s32 $0xFFFFC180  }
0xc6: {  	[spmem:s2] =	stream.indirect.scatter.add.f32 [tilespmem:s17], [sflag:$0x3], $0x80, s25, s20, $0xb8;
	[tilespmem:$0x1E500] =	vst v63  }
0xc7: {  	_ =	swait.ge [sflag:s18], $0x3E80  }
0xc8: {  	[sflag:s18] =	ssyncset.done $0x0  }
0xc9: {  	[sflag:s18] =	ssyncadd.s32 $0xFFFFC180  }
0xca: {  	_ =	swait.ge [sflag:s23], $0x3E80  }
0xcb: {  	[sflag:s23] =	ssyncset.done $0x0  }
0xcc: {  	[sflag:s23] =	ssyncadd.s32 $0xFFFFC180  }
0xcd: {  	[spmem:s2] =	stream.indirect.scatter.add.f32 [tilespmem:s21], [sflag:$0x3], $0x80, s26, s20, $0xb8;
	[tilespmem:$0x1E500] =	vst v63  }
0xce: {  	_ =	swait.ge [sflag:s18], $0x3E80  }
0xcf: {  	s3 =	sadd.s32 $0x1, s3;
	s30 =	sshll.u32 s1, $0x6;
	[sflag:s18] =	ssyncset.done $0x0  }
0xd0: {  	p0 =	sne.s32 s3, s16;
	s0 =	sor.u32 $0x1C03, s30;
	[sflag:s18] =	ssyncadd.s32 $0xFFFFC180  }
.Ltmp3:
0xd1: {  	s31 =	sshrl.u32 s5, $0x3;
	[bflag:$0x0] =	sbarrier.arrive $0xFFFF;
	(pc) =	sbr.rel @p0 .LBB2_1-.Ltmp3, $4  }
0xd2: {  	[hbm:s15], [sflag:s0] =	dma.local [spmem:s31], $0x2800  }
0xd3: {  	_ =	swait.ge [sflag:s18], $0x2800  }
0xd4: {  	[sflag:s18] =	ssyncset.done $0x0  }
0xd5: {  	[sflag:s18] =	ssyncadd.s32 $0xFFFFD800  }
0xd6: {  	_ =	sfence.sel $0x180000  }
0xd7: {  	[bflag:$0x0] =	sbarrier.arrive $0xFFFF  }
0xd8: {  	_ =	strace $0x9000004A  }
0xd9: {  	[bflag:$0x2] =	sbarrier.arrive $0xFFFF  }
0xda: {  	p0 =	sne.s32 s1, $0x0;
	s0 =	rddreg [dreg:$0x2]  }
0xdb: {  	s0 =	sadd.s32 @!p0 $0x100000, s0  }
0xdc: {  	[sflag:s0] =	ssyncadd.tile.s32 @!p0 $0x1;
	_ =	shalt  }
.Lfunc_end2:
_tile_overlayer_lowered:
.L_overlay_start_2:
0xdd: {  	(tag) =	ssettag $0x2  }
0xde: {  	s0 =	rddreg [dreg:$0x0];
	s2 =	stileid.u32  }
0xdf: {  	s1 =	rddreg [dreg:$0x1];
	p0 =	sne.s32 s2, $0x0  }
0xe0: {  	s3 =	rddreg [dreg:$0x2];
	[bflag:$0x3] =	sbarrier.arrive $0xFFFF;
	s2 =	simm.s32 @!p0 $0x1C03  }
0xe1: {  	[timem:s3], [sflag:s2] =	dma.local @!p0 [hbm:s0], s1  }
0xe2: {  	s0 =	simm.s32 @!p0 $0x3  }
0xe3: {  	_ =	swait.ge @!p0 [sflag:s0], s1  }
0xe4: {  	s1 =	ssub.s32 @!p0 $0x0, s1;
	[sflag:s0] =	ssyncset.done @!p0 $0x0  }
0xe5: {  	[sflag:s0] =	ssyncadd.s32 @!p0 s1  }
0xe6: {  	[bflag:$0x3] =	sbarrier.arrive $0xFFFF  }
0xe7: {  	_ =	shalt  }

// kernel: kernel.17.cloned.1.call-start
scs
__scs_entry_jumppad:
0x0: {  	(pc) =	sbr.rel $0x88, $3  }
0x1: {  	(tag) =	ssettag $0x0;
	lr =	simm.s32 $0x1  }
0x2: {  	[smem:$0x3F98] =	sst lr;
	_ =	strace $0xD0000000  }
0x3: {  	_ = 	snop  }
0x4: {  	_ = 	snop  }
0x5: {  	_ = 	snop  }
0x6: {  	_ = 	snop  }
0x7: {  	_ = 	snop  }
__scs_overlays_trampoline_lowered:
0x8: {  	[smem:$0x3FA7] =	sst s0  }
0x9: {  	[smem:$0x3FA8] =	sst s1  }
0xa: {  	[smem:$0x3FA9] =	sst s2  }
0xb: {  	[smem:$0x3FAA] =	sst s3  }
0xc: {  	[smem:$0x3FAB] =	sst s4  }
0xd: {  	[smem:$0x3FAC] =	sst s5  }
0xe: {  	[smem:$0x3FAD] =	sst s6  }
0xf: {  	[smem:$0x3FAE] =	sst s7  }
0x10: {  	[smem:$0x3FAF] =	sst s8  }
0x11: {  	[smem:$0x3FB0] =	sst s9;
	s0 =	simm.s32 @!p0 $0x0  }
0x12: {  	s1 =	sld [smem:$0x3F96];
	s0 =	simm.s32 @p0 $0x1  }
0x13: {  	[smem:$0x3FB1] =	sst s0;
	s0 =	simm.s32 @!p1 $0x0  }
0x14: {  	s2 =	sld [smem:$0x3F95];
	s0 =	simm.s32 @p1 $0x1  }
0x15: {  	[smem:$0x3FB2] =	sst s0;
	s0 =	simm.s32 @!p2 $0x0  }
0x16: {  	s3 =	sld [smem:$0x3FDB];
	s0 =	simm.s32 @p2 $0x1  }
0x17: {  	s4 =	simm.s32 $0x1BF5;
	[smem:$0x3FB4] =	sst s0  }
0x18: {  	s0 =	sld [smem:$0x3F97];
	_ =	swait.ge [sflag:s4], $0x0  }
0x19: {  	s7 =	sld [smem:$0x3F98]  }
0x1a: {  	s8 =	sadd.s32 $0xFFFFE003, lr  }
0x1b: {  	s9 =	sadd.s32 $0xFFFFFEF7, lr;
	s5 =	simm.s32 $0xFFFFFFFF;
	p2 =	slt.u32 s8, $0xFFFFF086  }
0x1c: {  	p1 =	slt.u32 s9, $0xF7A;
	s5 =	simm.s32 @!p2 $0x0  }
0x1d: {  	s5 =	simm.s32 @p1 $0x1;
	p0 =	seq.s32 s7, s2  }
0x1e: {  	s7 =	smul.u32 @!p0 $0xF7A, s2;
	p2 =	seq.s32 @!p0 s5, $0x0  }
0x1f: {  	s9 =	smul.u32 $0xF7A, s1;
	s8 =	simm.s32 @!p0 $0x1BF5;
	p2 =	por !p2, p0  }
0x20: {  	[sflag:s8] =	ssyncset.s32 @!p0 $0xFFFFF086;
	s6 =	sadd.s32 @!p0 s3, s7;
	s7 =	simm.s32 @!p0 $0x108  }
0x21: {  	s3 =	sadd.s32 s3, s9;
	s6 =	sadd.s32 @!p0 $0x88, s6;
	s7 =	simm.s32 @p2 $0x1082  }
0x22: {  	[simem:s7], [sflag:s8] =	dma.local @!p0 [hbm:s6], $0xF7A  }
0x23: {  	s9 =	sor.u32 $0xD0000000, s2;
	s6 =	simm.s32 $0x108;
	_ =	swait.ge @!p0 [sflag:s8], $0x0  }
0x24: {  	s3 =	sadd.s32 $0x88, s3;
	s6 =	simm.s32 @!p1 $0x1082;
	[sflag:s4] =	ssyncset.s32 $0xFFFFF086  }
0x25: {  	[simem:s6], [sflag:s4] =	dma.local [hbm:s3], $0xF7A  }
0x26: {  	[smem:$0x3F98] =	sst s1;
	(tag) =	ssettag s2;
	_ =	strace s9  }
0x27: {  	s1 =	sld [smem:$0x3FA8]  }
0x28: {  	s2 =	sld [smem:$0x3FA9]  }
0x29: {  	s4 =	sld [smem:$0x3FAB]  }
0x2a: {  	p0 =	seq.s32 s5, $0x0;
	s5 =	sld [smem:$0x3FAC]  }
0x2b: {  	s6 =	sld [smem:$0x3FAD]  }
0x2c: {  	s7 =	sld [smem:$0x3FAE]  }
0x2d: {  	s3 =	simm.s32 $0x108;
	s8 =	sld [smem:$0x3FAF]  }
0x2e: {  	s3 =	simm.s32 @!p0 $0x1082;
	s9 =	sld [smem:$0x3FB0]  }
0x2f: {  	lr =	sadd.s32 s0, s3;
	s0 =	sld [smem:$0x3FA7]  }
0x30: {  	s3 =	sld [smem:$0x3FAA]  }
0x31: {  	[smem:$0x3FB3] =	sst s10  }
0x32: {  	s10 =	sld [smem:$0x3FB1];
	_ =	sdelay $0x3  }
0x33: {  	p0 =	seq.s32 s10, $0x1;
	s10 =	sld [smem:$0x3FB3];
	_ =	sdelay $0x3  }
0x34: {  	[smem:$0x3FB3] =	sst s10  }
0x35: {  	s10 =	sld [smem:$0x3FB2];
	_ =	sdelay $0x3  }
0x36: {  	p1 =	seq.s32 s10, $0x1;
	s10 =	sld [smem:$0x3FB3];
	_ =	sdelay $0x3  }
0x37: {  	[smem:$0x3FB3] =	sst s10  }
0x38: {  	s10 =	sld [smem:$0x3FB4]  }
0x39: {  	_ = 	snop;
	(pc) =	sbr.ind lr, $3  }
0x3a: {  	_ = 	snop  }
0x3b: {  	_ = 	snop  }
0x3c: {  	p2 =	seq.s32 s10, $0x1;
	s10 =	sld [smem:$0x3FB3]  }
0x3d: {  	_ =	shalt  }
0x3e: {  	_ =	shalt  }
0x3f: {  	_ =	shalt  }
0x40: {  	_ =	shalt  }
0x41: {  	_ =	shalt  }
0x42: {  	_ =	shalt  }
0x43: {  	_ =	shalt  }
0x44: {  	_ =	shalt  }
0x45: {  	_ =	shalt  }
0x46: {  	_ =	shalt  }
0x47: {  	_ =	shalt  }
0x48: {  	_ =	shalt  }
0x49: {  	_ =	shalt  }
0x4a: {  	_ =	shalt  }
0x4b: {  	_ =	shalt  }
0x4c: {  	_ =	shalt  }
0x4d: {  	_ =	shalt  }
0x4e: {  	_ =	shalt  }
0x4f: {  	_ =	shalt  }
0x50: {  	_ =	shalt  }
0x51: {  	_ =	shalt  }
0x52: {  	_ =	shalt  }
0x53: {  	_ =	shalt  }
0x54: {  	_ =	shalt  }
0x55: {  	_ =	shalt  }
0x56: {  	_ =	shalt  }
0x57: {  	_ =	shalt  }
0x58: {  	_ =	shalt  }
0x59: {  	_ =	shalt  }
0x5a: {  	_ =	shalt  }
0x5b: {  	_ =	shalt  }
0x5c: {  	_ =	shalt  }
0x5d: {  	_ =	shalt  }
0x5e: {  	_ =	shalt  }
0x5f: {  	_ =	shalt  }
0x60: {  	_ =	shalt  }
0x61: {  	_ =	shalt  }
0x62: {  	_ =	shalt  }
0x63: {  	_ =	shalt  }
0x64: {  	_ =	shalt  }
0x65: {  	_ =	shalt  }
0x66: {  	_ =	shalt  }
0x67: {  	_ =	shalt  }
0x68: {  	_ =	shalt  }
0x69: {  	_ =	shalt  }
0x6a: {  	_ =	shalt  }
0x6b: {  	_ =	shalt  }
0x6c: {  	_ =	shalt  }
0x6d: {  	_ =	shalt  }
0x6e: {  	_ =	shalt  }
0x6f: {  	_ =	shalt  }
0x70: {  	_ =	shalt  }
0x71: {  	_ =	shalt  }
0x72: {  	_ =	shalt  }
0x73: {  	_ =	shalt  }
0x74: {  	_ =	shalt  }
0x75: {  	_ =	shalt  }
0x76: {  	_ =	shalt  }
0x77: {  	_ =	shalt  }
0x78: {  	_ =	shalt  }
0x79: {  	_ =	shalt  }
0x7a: {  	_ =	shalt  }
0x7b: {  	_ =	shalt  }
0x7c: {  	_ =	shalt  }
0x7d: {  	_ =	shalt  }
0x7e: {  	_ =	shalt  }
0x7f: {  	_ =	shalt  }
0x80: {  	_ =	shalt  }
0x81: {  	_ =	shalt  }
0x82: {  	_ =	shalt  }
0x83: {  	_ =	shalt  }
0x84: {  	_ =	shalt  }
0x85: {  	_ =	shalt  }
0x86: {  	_ =	shalt  }
0x87: {  	_ =	shalt  }
.Lfunc_end0:
.L_simem_size_0:
called_computation.2_lowered:
.L_overlay_start_0:
0x88: {  	s2 =	sld [smem:$0x3FD9]  }
0x89: {  	s3 =	sld [smem:$0x3FFE];
	_ =	sdelay $0x1  }
0x8a: {  	s1 =	srdreg.scid  }
0x8b: {  	s0 =	sand.u32 $0x1, s1  }
0x8c: {  	s16 =	sshll.u32 s0, $0xA;
	s2 =	sadd.s32 s3, s2  }
0x8d: {  	s2 =	sadd.s32 s2, s16  }
0x8e: {  	[smem:$0x3FBF] =	sst s2  }
0x8f: {  	_ = 	snop  }
0x90: {  	(tm) =	ssettm $0x1  }
0x91: {  	s17 =	sld [smem:$0x3FFB];
	_ =	sdelay $0x3  }
0x92: {  	_ =	strace s17  }
0x93: {  	s2 =	sld [smem:$0x3FFC];
	_ =	sdelay $0x3  }
0x94: {  	_ =	strace s2  }
0x95: {  	s2 =	sld [smem:$0x3FFD];
	_ =	sdelay $0x3  }
0x96: {  	_ =	strace s2  }
0x97: {  	_ =	strace $0x8FFFFFFF  }
0x98: {  	s18 =	sld [smem:$0x3FDB];
	_ =	sdelay $0x1  }
0x99: {  	s19 =	simm.s32 $_scs_section_size  }
0x9a: {  	s4 =	simm.s32 $_size__tile_overlayer_lowered;
	s5 =	simm.s32 $_tile_overlayer_lowered  }
0x9b: {  	s22 =	simm.s32 $0x1BFF;
	s21 =	sshll.u32 s5, $0x1;
	s2 =	sadd.s32 s19, s18  }
0x9c: {  	s6 =	simm.s32 $0x0;
	s20 =	sshll.u32 s4, $0x1;
	s4 =	sadd.s32 s21, s2  }
0x9d: {  	[timem:s6], [sflag:s22] =	dma.local [hbm:s4], s20  }
0x9e: {  	_ =	swait.ge [sflag:s22], s20  }
0x9f: {  	s3 =	ssub.s32 $0x0, s20;
	[sflag:s22] =	ssyncset.done $0x0  }
0xa0: {  	[sflag:s22] =	ssyncadd.s32 s3;
	_ =	sdelay $0x1  }
0xa1: {  	s23 =	simm.s32 $0x1B8B  }
0xa2: {  	_ =	swait.ge [sflag:s23], $0x1  }
0xa3: {  	[sflag:s23] =	ssyncset.done $0x0  }
0xa4: {  	s25 =	simm.s32 $0x1B8E;
	s24 =	sld [smem:$0x3FFE];
	[sflag:s23] =	ssyncadd.s32 $0xFFFFFFFF  }
0xa5: {  	s26 =	simm.s32 $execute0_lowered;
	[smem:$0x3FD2] =	sst s25  }
0xa6: {  	s4 =	sshll.u32 s26, $0x1;
	_ =	strace $0x8000004C;
	[dreg:$0x1] =	wrdreg $0xFFFFFFFF  }
0xa7: {  	s28 =	simm.s32 $_size_execute0_lowered;
	s2 =	sadd.s32 s2, s4;
	[dreg:$0x0] =	wrdreg $0x0  }
0xa8: {  	s4 =	sshll.u32 s28, $0x1;
	[dreg:$0x2] =	wrdreg s2  }
0xa9: {  	[dreg:$0x3] =	wrdreg s4  }
0xaa: {  	[dreg:$0x4] =	wrdreg $0xC0  }
0xab: {  	_ =	task [dreg:s6], $0x5FFFF  }
0xac: {  	[dreg:$0x1] =	wrdreg $0xFFFFFFFF  }
0xad: {  	[dreg:$0x0] =	wrdreg $0x60  }
0xae: {  	[dreg:$0x2] =	wrdreg s24  }
0xaf: {  	[dreg:$0x3] =	wrdreg $0xA5000  }
0xb0: {  	[dreg:$0x4] =	wrdreg $0x9  }
0xb1: {  	_ =	task.clear_ibuf [dreg:s6], $0x5FFFF;
	_ =	strace $0x9000004C  }
0xb2: {  	s29 =	simm.s32 $0x9;
	_ =	strace $0x8000004E  }
0xb3: {  	_ =	swait.ge [sflag:s29], $0x1  }
0xb4: {  	[sflag:s29] =	ssyncadd.s32 $0xFFFFFFFF  }
0xb5: {  	_ =	strace $0x9000004E  }
0xb6: {  	_ =	sfence  }
0xb7: {  	s30 =	sld [smem:$0x0];
	_ =	sdelay $0x2  }
0xb8: {  	s31 =	sshll.u32 s1, $0xD;
	s1 =	sshrl.u32 s1, $0x2  }
0xb9: {  	s3 =	sand.u32 $0x4000, s31;
	s1 =	sadd.s32 s1, s30  }
0xba: {  	s0 =	sor.u32 s3, s0;
	s1 =	sshll.u32 s1, $0x11  }
0xbb: {  	s0 =	sor.u32 s1, s0  }
0xbc: {  	s0 =	sadd.s32 $0x8F2B, s0  }
0xbd: {  	[sflag:s0] =	ssyncadd.remote.s32 $0x1  }
0xbe: {  	_ =	sfence.sel $0xFFFF  }
0xbf: {  	[dreg:$0x0] =	wrdreg $0xFFFFFFFF;
	(pc) =	sbr.abs _section_cstart, $3  }
0xc0: {  	[dreg:$0x1] =	wrdreg $0xFFFFFFFF  }
0xc1: {  	_ =	task.clear_ibuf [dreg:s6], $0x2FFFF;
	_ =	strace $0x9FFFFFFF  }
0xc2: {  	(tm) =	ssettm $0x7FFFFFFF  }
0xc3: {  	_ =	shalt  }
tec
execute0_lowered:
.L_overlay_start_1:
0x0: {  	(tag) =	ssettag $0x1  }
0x1: {  	s0 =	rddreg [dreg:$0x0]  }
0x2: {  	s2 =	rddreg [dreg:$0x1]  }
0x3: {  	s1 =	srdreg.scid;
	s10 =	stileid.u32;
	s4 =	simm.s32 $0x0  }
0x4: {  	s28 =	simm.s32 $0x1;
	s29 =	simm.s32 $0x2;
	s3 =	smul.u32 $0x14000, s10  }
0x5: {  	s30 =	simm.s32 $0x1380;
	s31 =	simm.s32 $0x2700;
	s8 =	smul.u32 $0x50000, s10  }
0x6: {  	s1 =	sand.u32 $0x1, s1;
	[smem:$0x7FF] =	sst s4;
	s12 =	smul.u32 $0x5000, s10  }
0x7: {  	s4 =	sadd.s32 $0x18200, s0;
	s5 =	sadd.s32 $0x3F400, s0;
	s13 =	smul.u32 $0xA00, s10  }
0x8: {  	s7 =	sadd.s32 $0xE200, s0;
	s19 =	sadd.s32 $0x4200, s0;
	s6 =	smul.u32 $0x140000, s1  }
0x9: {  	_ =	strace $0x8000004D;
	s9 =	ssub.s32 $0x2, s1;
	p0 =	seq.s32 s1, $0x1  }
0xa: {  	s17 =	sshrl.u32 s9, $0x1;
	s8 =	sshrl.u32 s8, $0x2;
	s24 =	sshrl.u32 s12, $0x3  }
0xb: {  	s12 =	sadd.s32 s7, s13;
	s13 =	sadd.s32 s19, s13;
	s6 =	sadd.s32 s3, s6  }
0xc: {  	s21 =	ssub.s32 s9, s17;
	s18 =	sadd.s32 s8, s2;
	s25 =	sadd.s32 $0x280, s24  }
0xd: {  	s26 =	sadd.s32 $0x500, s24;
	s1 =	sadd.s32 $0x780, s24;
	s24 =	simm.s32 $0x1400  }
0xe: {  	s6 =	sshrl.u32 s6, $0x3;
	s8 =	sadd.s32 $0x3E80, s18;
	s20 =	sadd.s32 $0x7D00, s18  }
0xf: {  	s22 =	sadd.s32 $0xBB80, s18;
	s23 =	sadd.s32 $0xFA00, s18;
	s11 =	sadd.s32 $0x13880, s18  }
0x10: {  	s14 =	sadd.s32 s7, s25;
	s15 =	sadd.s32 s19, s25;
	s16 =	sadd.s32 s7, s26  }
0x11: {  	s17 =	sadd.s32 s19, s26;
	s18 =	sadd.s32 s7, s1;
	s19 =	sadd.s32 s19, s1  }
.Ltmp0:
0x12: {  	s21 =	smax.u32 s21, $0x1;
	[dreg:$0x3] =	wrdreg s8;
	(pc) =	sbr.rel .LBB2_1-.Ltmp0, $4  }
0x13: {  	s25 =	simm.s32 $0x7D;
	s26 =	simm.s32 $0x6680;
	[dreg:$0x4] =	wrdreg s20  }
0x14: {  	s1 =	simm.s32 $0x0;
	s0 =	sadd.s32 s6, s0;
	[dreg:$0x5] =	wrdreg s22  }
0x15: {  	s6 =	sadd.s32 s3, s2;
	[dreg:$0x6] =	wrdreg s23;
	s22 =	simm.s32 $0x2800  }
0x16: {  	v0 =	vimm.f32 $0.0e+00;
	s23 =	simm.s32 $0x3;
	s20 =	sadd.s32 $0x66600, s0;
	s0 =	simm.s32 $0x2780  }
.LBB2_12:
0x17: {  	s7 =	sadd.s32 $0x80, s3;
	[sflag:s23] =	ssyncadd.s32 $0xFFFFC180  }
0x18: {  	[tilespmem:s26], [sflag:$0x2] =	stream.indirect.gather [hbm4b:s4+s25], $0x80, s7, s25, $0xb8;
	[tilespmem:$0x1E500] =	vst v63  }
0x19: {  	_ =	swait.ge [sflag:s28], $0x3E80  }
0x1a: {  	[sflag:s28] =	ssyncset.done $0x0  }
0x1b: {  	s8 =	sadd.s32 $0x1400, s3;
	[sflag:s28] =	ssyncadd.s32 $0xFFFFC180  }
0x1c: {  	[spmem:s2] =	stream.indirect.scatter.add.f32 [tilespmem:s22], [sflag:$0x3], $0x80, s8, s25, $0xb8;
	[tilespmem:$0x1E500] =	vst v63  }
0x1d: {  	_ =	swait.ge [sflag:s23], $0x3E80  }
0x1e: {  	[sflag:s23] =	ssyncset.done $0x0  }
0x1f: {  	s9 =	sadd.s32 $0x100, s3;
	[sflag:s23] =	ssyncadd.s32 $0xFFFFC180  }
0x20: {  	[tilespmem:s22], [sflag:$0x1] =	stream.indirect.gather [hbm4b:s4+s25], $0x80, s9, s25, $0xb8;
	[tilespmem:$0x1E500] =	vst v63  }
0x21: {  	_ =	swait.ge [sflag:s29], $0x3E80  }
0x22: {  	[sflag:s29] =	ssyncset.done $0x0  }
0x23: {  	s10 =	sadd.s32 $0x1480, s3;
	[sflag:s29] =	ssyncadd.s32 $0xFFFFC180  }
0x24: {  	[spmem:s2] =	stream.indirect.scatter.add.f32 [tilespmem:s26], [sflag:$0x3], $0x80, s10, s25, $0xb8;
	[tilespmem:$0x1E500] =	vst v63  }
0x25: {  	_ =	swait.ge [sflag:s23], $0x3E80  }
0x26: {  	[sflag:s23] =	ssyncset.done $0x0  }
0x27: {  	[sflag:s23] =	ssyncadd.s32 $0xFFFFC180  }
0x28: {  	[tilespmem:s26], [sflag:$0x2] =	stream.indirect.gather [hbm4b:s4+s25], $0x80, s30, s25, $0xb8;
	[tilespmem:$0x1E500] =	vst v63  }
.LBB2_22:
0x29: {  	_ =	swait.ge [sflag:s28], $0x3E80  }
0x2a: {  	[sflag:s28] =	ssyncset.done $0x0  }
0x2b: {  	[sflag:s28] =	ssyncadd.s32 $0xFFFFC180  }
0x2c: {  	[spmem:s2] =	stream.indirect.scatter.add.f32 [tilespmem:s22], [sflag:$0x3], $0x80, s31, s25, $0xb8;
	[tilespmem:$0x1E500] =	vst v63  }
0x2d: {  	_ =	swait.ge [sflag:s23], $0x3E80  }
0x2e: {  	[sflag:s23] =	ssyncset.done $0x0  }
0x2f: {  	[sflag:s23] =	ssyncadd.s32 $0xFFFFC180  }
0x30: {  	_ =	swait.ge [sflag:s29], $0x3E80  }
0x31: {  	[sflag:s29] =	ssyncset.done $0x0  }
0x32: {  	[sflag:s29] =	ssyncadd.s32 $0xFFFFC180  }
0x33: {  	[spmem:s2] =	stream.indirect.scatter.add.f32 [tilespmem:s26], [sflag:$0x3], $0x80, s0, s25, $0xb8;
	[tilespmem:$0x1E500] =	vst v63  }
0x34: {  	s3 =	stileid.u32;
	_ =	swait.ge [sflag:s23], $0x3E80  }
0x35: {  	s7 =	sshrl.u32 s6, $0x3;
	s1 =	sadd.s32 $0x1, s1;
	[sflag:s23] =	ssyncset.done $0x0  }
0x36: {  	s3 =	sshll.u32 s3, $0x6;
	p1 =	sne.s32 s1, s21;
	[sflag:s23] =	ssyncadd.s32 $0xFFFFC180  }
.Ltmp1:
0x37: {  	s3 =	sor.u32 $0x1C03, s3;
	[bflag:$0x0] =	sbarrier.arrive $0xFFFF;
	(pc) =	sbr.rel @!p1 .LBB2_23-.Ltmp1, $4  }
0x38: {  	[hbm:s20], [sflag:s3] =	dma.local [spmem:s7], $0x2800  }
0x39: {  	_ =	swait.ge [sflag:s23], $0x2800  }
0x3a: {  	[sflag:s23] =	ssyncset.done $0x0  }
0x3b: {  	[sflag:s23] =	ssyncadd.s32 $0xFFFFD800  }
.LBB2_1:
0x3c: {  	s3 =	simm.s32 $0x0;
	s7 =	simm.s32 $0x200  }
.LBB2_2:
0x3d: {  	p1 =	sne.s32 s7, $0xF800;
	[tilespmem:s3+$0x2870] =	vst v0  }
0x3e: {  	[tilespmem:s3+$0x2800] =	vst v0  }
0x3f: {  	[tilespmem:s3+$0x2810] =	vst v0  }
.Ltmp2:
0x40: {  	[tilespmem:s3+$0x2820] =	vst v0;
	(pc) =	sbr.rel @p1 .LBB2_2-.Ltmp2, $4  }
0x41: {  	[tilespmem:s3+$0x2830] =	vst v0  }
0x42: {  	[tilespmem:s3+$0x2840] =	vst v0  }
0x43: {  	[tilespmem:s3+$0x2850] =	vst v0  }
0x44: {  	[tilespmem:s3+$0x2860] =	vst v0;
	s3 =	sshra.s32 s7, $0x2;
	s7 =	sadd.s32 $0x200, s7  }
0x45: {  	[tilespmem:s3+$0x2870] =	vst v0  }
0x46: {  	[tilespmem:s3+$0x2800] =	vst v0  }
0x47: {  	[tilespmem:s3+$0x2810] =	vst v0  }
0x48: {  	[tilespmem:s3+$0x2820] =	vst v0  }
0x49: {  	[tilespmem:s3+$0x2830] =	vst v0  }
0x4a: {  	[tilespmem:s3+$0x2840] =	vst v0  }
0x4b: {  	[tilespmem:s3+$0x2850] =	vst v0  }
0x4c: {  	[tilespmem:s3+$0x2860] =	vst v0  }
0x4d: {  	[spmem:s6] =	stream.linear.scatter [tilespmem:s22], [sflag:$0x3], $0x3E80, $0x38;
	[tilespmem:$0x1E500] =	vst v63  }
0x4e: {  	_ =	swait.ge [sflag:s23], $0x3E80  }
0x4f: {  	[sflag:s23] =	ssyncset.done $0x0  }
0x50: {  	s10 =	rddreg [dreg:$0x3];
	[sflag:s23] =	ssyncadd.s32 $0xFFFFC180  }
0x51: {  	[spmem:s10] =	stream.linear.scatter [tilespmem:s22], [sflag:$0x3], $0x3E80, $0x38;
	[tilespmem:$0x1E500] =	vst v63  }
0x52: {  	_ =	swait.ge [sflag:s23], $0x3E80  }
0x53: {  	[sflag:s23] =	ssyncset.done $0x0  }
0x54: {  	s7 =	rddreg [dreg:$0x4];
	[sflag:s23] =	ssyncadd.s32 $0xFFFFC180  }
0x55: {  	[spmem:s7] =	stream.linear.scatter [tilespmem:s22], [sflag:$0x3], $0x3E80, $0x38;
	[tilespmem:$0x1E500] =	vst v63  }
0x56: {  	_ =	swait.ge [sflag:s23], $0x3E80  }
0x57: {  	[sflag:s23] =	ssyncset.done $0x0  }
0x58: {  	s8 =	rddreg [dreg:$0x5];
	[sflag:s23] =	ssyncadd.s32 $0xFFFFC180  }
0x59: {  	[spmem:s8] =	stream.linear.scatter [tilespmem:s22], [sflag:$0x3], $0x3E80, $0x38;
	[tilespmem:$0x1E500] =	vst v63  }
0x5a: {  	_ =	swait.ge [sflag:s23], $0x3E80  }
0x5b: {  	[sflag:s23] =	ssyncset.done $0x0  }
0x5c: {  	s9 =	rddreg [dreg:$0x6];
	[sflag:s23] =	ssyncadd.s32 $0xFFFFC180  }
0x5d: {  	[spmem:s9] =	stream.linear.scatter [tilespmem:s22], [sflag:$0x3], $0x3E80, $0x38;
	[tilespmem:$0x1E500] =	vst v63  }
0x5e: {  	_ =	swait.ge [sflag:s23], $0x3E80  }
0x5f: {  	[sflag:s23] =	ssyncset.done $0x0  }
0x60: {  	[sflag:s23] =	ssyncadd.s32 $0xFFFFC180  }
0x61: {  	[spmem:s11] =	stream.linear.scatter [tilespmem:s22], [sflag:$0x3], $0x780, $0x38;
	[tilespmem:$0x1E500] =	vst v63  }
0x62: {  	_ =	swait.ge [sflag:s23], $0x780  }
0x63: {  	[sflag:s23] =	ssyncset.done $0x0  }
0x64: {  	[sflag:s23] =	ssyncadd.s32 $0xFFFFF880  }
0x65: {  	s10 =	simm.s32 $0x0;
	[bflag:$0x0] =	sbarrier.arrive $0xFFFF  }
0x66: {  	[tilespmem:s10], [sflag:$0x3] =	stream.linear.gather [hbm4b:s12+s10], $0x1400, $0x38;
	[tilespmem:$0x1E500] =	vst v63  }
0x67: {  	_ =	swait.ge [sflag:s23], $0x1400  }
0x68: {  	[sflag:s23] =	ssyncset.done $0x0  }
.Ltmp3:
0x69: {  	[sflag:s23] =	ssyncadd.s32 $0xFFFFEC00;
	(pc) =	sbr.rel @!p0 .LBB2_4-.Ltmp3, $4  }
0x6a: {  	[tilespmem:s24], [sflag:$0x3] =	stream.linear.gather [hbm4b:s13+s10], $0x1400, $0x38;
	[tilespmem:$0x1E500] =	vst v63  }
0x6b: {  	_ =	swait.ge [sflag:s23], $0x1400  }
0x6c: {  	[sflag:s23] =	ssyncset.done $0x0  }
0x6d: {  	s3 =	simm.s32 $0x0;
	[sflag:s23] =	ssyncadd.s32 $0xFFFFEC00  }
0x6e: {  	[tilespmem:s22], [sflag:$0x1] =	stream.indirect.gather [hbm4b:s5+s25], $0x80, s3, s25, $0xb8;
	[tilespmem:$0x1E500] =	vst v63  }
0x6f: {  	s7 =	simm.s32 $0x80  }
0x70: {  	[tilespmem:s26], [sflag:$0x2] =	stream.indirect.gather [hbm4b:s5+s25], $0x80, s7, s25, $0xb8;
	[tilespmem:$0x1E500] =	vst v63  }
0x71: {  	_ =	swait.ge [sflag:s28], $0x3E80  }
0x72: {  	[sflag:s28] =	ssyncset.done $0x0  }
0x73: {  	s8 =	simm.s32 $0x1400;
	[sflag:s28] =	ssyncadd.s32 $0xFFFFC180  }
0x74: {  	[spmem:s2] =	stream.indirect.scatter.add.f32 [tilespmem:s22], [sflag:$0x3], $0x80, s8, s25, $0xb8;
	[tilespmem:$0x1E500] =	vst v63  }
0x75: {  	_ =	swait.ge [sflag:s23], $0x3E80  }
0x76: {  	[sflag:s23] =	ssyncset.done $0x0  }
0x77: {  	s9 =	simm.s32 $0x100;
	[sflag:s23] =	ssyncadd.s32 $0xFFFFC180  }
0x78: {  	[tilespmem:s22], [sflag:$0x1] =	stream.indirect.gather [hbm4b:s5+s25], $0x80, s9, s25, $0xb8;
	[tilespmem:$0x1E500] =	vst v63  }
0x79: {  	_ =	swait.ge [sflag:s29], $0x3E80  }
0x7a: {  	[sflag:s29] =	ssyncset.done $0x0  }
0x7b: {  	s10 =	simm.s32 $0x1480;
	[sflag:s29] =	ssyncadd.s32 $0xFFFFC180  }
0x7c: {  	[spmem:s2] =	stream.indirect.scatter.add.f32 [tilespmem:s26], [sflag:$0x3], $0x80, s10, s25, $0xb8;
	[tilespmem:$0x1E500] =	vst v63  }
0x7d: {  	_ =	swait.ge [sflag:s23], $0x3E80  }
0x7e: {  	s3 =	simm.s32 $0x100;
	s7 =	simm.s32 $0x800;
	[sflag:s23] =	ssyncset.done $0x0  }
.LBB2_14:
0x7f: {  	s8 =	sadd.s32 $0x80, s3  }
0x80: {  	[sflag:s23] =	ssyncadd.s32 $0xFFFFC180;
	s9 =	smov.u32 s7;
	s10 =	sadd.s32 $0x400, s7  }
0x81: {  	[tilespmem:s26], [sflag:$0x2] =	stream.indirect.gather [hbm4b:s5+s25], $0x80, s8, s25, $0xb8;
	[tilespmem:$0x1E500] =	vst v63  }
0x82: {  	p1 =	sne.s32 s7, $0x4800;
	_ =	swait.ge [sflag:s28], $0x3E80  }
0x83: {  	[sflag:s28] =	ssyncset.done $0x0  }
0x84: {  	s7 =	sadd.s32 $0x1400, s3;
	[sflag:s28] =	ssyncadd.s32 $0xFFFFC180  }
0x85: {  	[spmem:s2] =	stream.indirect.scatter.add.f32 [tilespmem:s22], [sflag:$0x3], $0x80, s7, s25, $0xb8;
	[tilespmem:$0x1E500] =	vst v63  }
0x86: {  	_ =	swait.ge [sflag:s23], $0x3E80  }
0x87: {  	[sflag:s23] =	ssyncset.done $0x0  }
0x88: {  	s7 =	sadd.s32 $0x100, s3;
	[sflag:s23] =	ssyncadd.s32 $0xFFFFC180  }
0x89: {  	[tilespmem:s22], [sflag:$0x1] =	stream.indirect.gather [hbm4b:s5+s25], $0x80, s7, s25, $0xb8;
	[tilespmem:$0x1E500] =	vst v63  }
0x8a: {  	_ =	swait.ge [sflag:s29], $0x3E80  }
.Ltmp4:
0x8b: {  	[sflag:s29] =	ssyncset.done $0x0;
	(pc) =	sbr.rel @p1 .LBB2_14-.Ltmp4, $4  }
0x8c: {  	s3 =	sadd.s32 $0x1480, s3;
	[sflag:s29] =	ssyncadd.s32 $0xFFFFC180  }
0x8d: {  	[spmem:s2] =	stream.indirect.scatter.add.f32 [tilespmem:s26], [sflag:$0x3], $0x80, s3, s25, $0xb8;
	[tilespmem:$0x1E500] =	vst v63  }
0x8e: {  	_ =	swait.ge [sflag:s23], $0x3E80  }
0x8f: {  	s7 =	smov.u32 s10;
	s3 =	sshra.s32 s9, $0x2;
	[sflag:s23] =	ssyncset.done $0x0  }
0x90: {  	s7 =	sadd.s32 $0x80, s3;
	[sflag:s23] =	ssyncadd.s32 $0xFFFFC180  }
0x91: {  	[tilespmem:s26], [sflag:$0x2] =	stream.indirect.gather [hbm4b:s5+s25], $0x80, s7, s25, $0xb8;
	[tilespmem:$0x1E500] =	vst v63  }
0x92: {  	_ =	swait.ge [sflag:s28], $0x3E80  }
0x93: {  	[sflag:s28] =	ssyncset.done $0x0  }
0x94: {  	s10 =	sadd.s32 $0x1400, s3;
	[sflag:s28] =	ssyncadd.s32 $0xFFFFC180  }
0x95: {  	[spmem:s2] =	stream.indirect.scatter.add.f32 [tilespmem:s22], [sflag:$0x3], $0x80, s10, s25, $0xb8;
	[tilespmem:$0x1E500] =	vst v63  }
0x96: {  	_ =	swait.ge [sflag:s23], $0x3E80  }
0x97: {  	[sflag:s23] =	ssyncset.done $0x0  }
0x98: {  	s8 =	sadd.s32 $0x100, s3;
	[sflag:s23] =	ssyncadd.s32 $0xFFFFC180  }
0x99: {  	[tilespmem:s22], [sflag:$0x1] =	stream.indirect.gather [hbm4b:s5+s25], $0x80, s8, s25, $0xb8;
	[tilespmem:$0x1E500] =	vst v63  }
0x9a: {  	_ =	swait.ge [sflag:s29], $0x3E80  }
0x9b: {  	[sflag:s29] =	ssyncset.done $0x0  }
0x9c: {  	s9 =	sadd.s32 $0x1480, s3;
	[sflag:s29] =	ssyncadd.s32 $0xFFFFC180  }
0x9d: {  	[spmem:s2] =	stream.indirect.scatter.add.f32 [tilespmem:s26], [sflag:$0x3], $0x80, s9, s25, $0xb8;
	[tilespmem:$0x1E500] =	vst v63  }
0x9e: {  	_ =	swait.ge [sflag:s23], $0x3E80  }
0x9f: {  	[sflag:s23] =	ssyncset.done $0x0  }
0xa0: {  	[sflag:s23] =	ssyncadd.s32 $0xFFFFC180  }
0xa1: {  	[tilespmem:s26], [sflag:$0x2] =	stream.indirect.gather [hbm4b:s5+s25], $0x80, s30, s25, $0xb8;
	[tilespmem:$0x1E500] =	vst v63  }
0xa2: {  	_ =	swait.ge [sflag:s28], $0x3E80  }
0xa3: {  	[sflag:s28] =	ssyncset.done $0x0  }
0xa4: {  	[sflag:s28] =	ssyncadd.s32 $0xFFFFC180  }
0xa5: {  	[spmem:s2] =	stream.indirect.scatter.add.f32 [tilespmem:s22], [sflag:$0x3], $0x80, s31, s25, $0xb8;
	[tilespmem:$0x1E500] =	vst v63  }
0xa6: {  	_ =	swait.ge [sflag:s23], $0x3E80  }
0xa7: {  	[sflag:s23] =	ssyncset.done $0x0  }
0xa8: {  	[sflag:s23] =	ssyncadd.s32 $0xFFFFC180  }
0xa9: {  	_ =	swait.ge [sflag:s29], $0x3E80  }
0xaa: {  	[sflag:s29] =	ssyncset.done $0x0  }
0xab: {  	[sflag:s29] =	ssyncadd.s32 $0xFFFFC180  }
0xac: {  	[spmem:s2] =	stream.indirect.scatter.add.f32 [tilespmem:s26], [sflag:$0x3], $0x80, s0, s25, $0xb8;
	[tilespmem:$0x1E500] =	vst v63  }
0xad: {  	_ =	swait.ge [sflag:s23], $0x3E80  }
0xae: {  	[sflag:s23] =	ssyncset.done $0x0  }
0xaf: {  	s10 =	simm.s32 $0x0;
	[sflag:s23] =	ssyncadd.s32 $0xFFFFC180  }
0xb0: {  	[tilespmem:s10], [sflag:$0x3] =	stream.linear.gather [hbm4b:s14+s10], $0x1400, $0x38;
	[tilespmem:$0x1E500] =	vst v63  }
0xb1: {  	_ =	swait.ge [sflag:s23], $0x1400  }
0xb2: {  	[sflag:s23] =	ssyncset.done $0x0  }
0xb3: {  	[sflag:s23] =	ssyncadd.s32 $0xFFFFEC00  }
0xb4: {  	[tilespmem:s24], [sflag:$0x3] =	stream.linear.gather [hbm4b:s15+s10], $0x1400, $0x38;
	[tilespmem:$0x1E500] =	vst v63  }
0xb5: {  	_ =	swait.ge [sflag:s23], $0x1400  }
0xb6: {  	[sflag:s23] =	ssyncset.done $0x0  }
0xb7: {  	[sflag:s23] =	ssyncadd.s32 $0xFFFFEC00  }
0xb8: {  	[tilespmem:s22], [sflag:$0x1] =	stream.indirect.gather [hbm4b:s5+s25], $0x80, s10, s25, $0xb8;
	[tilespmem:$0x1E500] =	vst v63  }
0xb9: {  	s7 =	simm.s32 $0x80  }
0xba: {  	[tilespmem:s26], [sflag:$0x2] =	stream.indirect.gather [hbm4b:s5+s25], $0x80, s7, s25, $0xb8;
	[tilespmem:$0x1E500] =	vst v63  }
0xbb: {  	_ =	swait.ge [sflag:s28], $0x3E80  }
0xbc: {  	[sflag:s28] =	ssyncset.done $0x0  }
0xbd: {  	s8 =	simm.s32 $0x1400;
	[sflag:s28] =	ssyncadd.s32 $0xFFFFC180  }
0xbe: {  	[spmem:s2] =	stream.indirect.scatter.add.f32 [tilespmem:s22], [sflag:$0x3], $0x80, s8, s25, $0xb8;
	[tilespmem:$0x1E500] =	vst v63  }
0xbf: {  	_ =	swait.ge [sflag:s23], $0x3E80  }
0xc0: {  	[sflag:s23] =	ssyncset.done $0x0  }
0xc1: {  	s9 =	simm.s32 $0x100;
	[sflag:s23] =	ssyncadd.s32 $0xFFFFC180  }
0xc2: {  	[tilespmem:s22], [sflag:$0x1] =	stream.indirect.gather [hbm4b:s5+s25], $0x80, s9, s25, $0xb8;
	[tilespmem:$0x1E500] =	vst v63  }
0xc3: {  	_ =	swait.ge [sflag:s29], $0x3E80  }
0xc4: {  	[sflag:s29] =	ssyncset.done $0x0  }
0xc5: {  	s10 =	simm.s32 $0x1480;
	[sflag:s29] =	ssyncadd.s32 $0xFFFFC180  }
0xc6: {  	[spmem:s2] =	stream.indirect.scatter.add.f32 [tilespmem:s26], [sflag:$0x3], $0x80, s10, s25, $0xb8;
	[tilespmem:$0x1E500] =	vst v63  }
0xc7: {  	_ =	swait.ge [sflag:s23], $0x3E80  }
0xc8: {  	s3 =	simm.s32 $0x100;
	s7 =	simm.s32 $0x800;
	[sflag:s23] =	ssyncset.done $0x0  }
.LBB2_16:
0xc9: {  	s8 =	sadd.s32 $0x80, s3  }
0xca: {  	[sflag:s23] =	ssyncadd.s32 $0xFFFFC180;
	s9 =	smov.u32 s7;
	s10 =	sadd.s32 $0x400, s7  }
0xcb: {  	[tilespmem:s26], [sflag:$0x2] =	stream.indirect.gather [hbm4b:s5+s25], $0x80, s8, s25, $0xb8;
	[tilespmem:$0x1E500] =	vst v63  }
0xcc: {  	p1 =	sne.s32 s7, $0x4800;
	_ =	swait.ge [sflag:s28], $0x3E80  }
0xcd: {  	[sflag:s28] =	ssyncset.done $0x0  }
0xce: {  	s7 =	sadd.s32 $0x1400, s3;
	[sflag:s28] =	ssyncadd.s32 $0xFFFFC180  }
0xcf: {  	[spmem:s2] =	stream.indirect.scatter.add.f32 [tilespmem:s22], [sflag:$0x3], $0x80, s7, s25, $0xb8;
	[tilespmem:$0x1E500] =	vst v63  }
0xd0: {  	_ =	swait.ge [sflag:s23], $0x3E80  }
0xd1: {  	[sflag:s23] =	ssyncset.done $0x0  }
0xd2: {  	s7 =	sadd.s32 $0x100, s3;
	[sflag:s23] =	ssyncadd.s32 $0xFFFFC180  }
0xd3: {  	[tilespmem:s22], [sflag:$0x1] =	stream.indirect.gather [hbm4b:s5+s25], $0x80, s7, s25, $0xb8;
	[tilespmem:$0x1E500] =	vst v63  }
0xd4: {  	_ =	swait.ge [sflag:s29], $0x3E80  }
.Ltmp5:
0xd5: {  	[sflag:s29] =	ssyncset.done $0x0;
	(pc) =	sbr.rel @p1 .LBB2_16-.Ltmp5, $4  }
0xd6: {  	s3 =	sadd.s32 $0x1480, s3;
	[sflag:s29] =	ssyncadd.s32 $0xFFFFC180  }
0xd7: {  	[spmem:s2] =	stream.indirect.scatter.add.f32 [tilespmem:s26], [sflag:$0x3], $0x80, s3, s25, $0xb8;
	[tilespmem:$0x1E500] =	vst v63  }
0xd8: {  	_ =	swait.ge [sflag:s23], $0x3E80  }
0xd9: {  	s7 =	smov.u32 s10;
	s3 =	sshra.s32 s9, $0x2;
	[sflag:s23] =	ssyncset.done $0x0  }
0xda: {  	s7 =	sadd.s32 $0x80, s3;
	[sflag:s23] =	ssyncadd.s32 $0xFFFFC180  }
0xdb: {  	[tilespmem:s26], [sflag:$0x2] =	stream.indirect.gather [hbm4b:s5+s25], $0x80, s7, s25, $0xb8;
	[tilespmem:$0x1E500] =	vst v63  }
0xdc: {  	_ =	swait.ge [sflag:s28], $0x3E80  }
0xdd: {  	[sflag:s28] =	ssyncset.done $0x0  }
0xde: {  	s10 =	sadd.s32 $0x1400, s3;
	[sflag:s28] =	ssyncadd.s32 $0xFFFFC180  }
0xdf: {  	[spmem:s2] =	stream.indirect.scatter.add.f32 [tilespmem:s22], [sflag:$0x3], $0x80, s10, s25, $0xb8;
	[tilespmem:$0x1E500] =	vst v63  }
0xe0: {  	_ =	swait.ge [sflag:s23], $0x3E80  }
0xe1: {  	[sflag:s23] =	ssyncset.done $0x0  }
0xe2: {  	s8 =	sadd.s32 $0x100, s3;
	[sflag:s23] =	ssyncadd.s32 $0xFFFFC180  }
0xe3: {  	[tilespmem:s22], [sflag:$0x1] =	stream.indirect.gather [hbm4b:s5+s25], $0x80, s8, s25, $0xb8;
	[tilespmem:$0x1E500] =	vst v63  }
0xe4: {  	_ =	swait.ge [sflag:s29], $0x3E80  }
0xe5: {  	[sflag:s29] =	ssyncset.done $0x0  }
0xe6: {  	s9 =	sadd.s32 $0x1480, s3;
	[sflag:s29] =	ssyncadd.s32 $0xFFFFC180  }
0xe7: {  	[spmem:s2] =	stream.indirect.scatter.add.f32 [tilespmem:s26], [sflag:$0x3], $0x80, s9, s25, $0xb8;
	[tilespmem:$0x1E500] =	vst v63  }
0xe8: {  	_ =	swait.ge [sflag:s23], $0x3E80  }
0xe9: {  	[sflag:s23] =	ssyncset.done $0x0  }
0xea: {  	[sflag:s23] =	ssyncadd.s32 $0xFFFFC180  }
0xeb: {  	[tilespmem:s26], [sflag:$0x2] =	stream.indirect.gather [hbm4b:s5+s25], $0x80, s30, s25, $0xb8;
	[tilespmem:$0x1E500] =	vst v63  }
0xec: {  	_ =	swait.ge [sflag:s28], $0x3E80  }
0xed: {  	[sflag:s28] =	ssyncset.done $0x0  }
0xee: {  	[sflag:s28] =	ssyncadd.s32 $0xFFFFC180  }
0xef: {  	[spmem:s2] =	stream.indirect.scatter.add.f32 [tilespmem:s22], [sflag:$0x3], $0x80, s31, s25, $0xb8;
	[tilespmem:$0x1E500] =	vst v63  }
0xf0: {  	_ =	swait.ge [sflag:s23], $0x3E80  }
0xf1: {  	[sflag:s23] =	ssyncset.done $0x0  }
0xf2: {  	[sflag:s23] =	ssyncadd.s32 $0xFFFFC180  }
0xf3: {  	_ =	swait.ge [sflag:s29], $0x3E80  }
0xf4: {  	[sflag:s29] =	ssyncset.done $0x0  }
0xf5: {  	[sflag:s29] =	ssyncadd.s32 $0xFFFFC180  }
0xf6: {  	[spmem:s2] =	stream.indirect.scatter.add.f32 [tilespmem:s26], [sflag:$0x3], $0x80, s0, s25, $0xb8;
	[tilespmem:$0x1E500] =	vst v63  }
0xf7: {  	_ =	swait.ge [sflag:s23], $0x3E80  }
0xf8: {  	[sflag:s23] =	ssyncset.done $0x0  }
0xf9: {  	s10 =	simm.s32 $0x0;
	[sflag:s23] =	ssyncadd.s32 $0xFFFFC180  }
0xfa: {  	[tilespmem:s10], [sflag:$0x3] =	stream.linear.gather [hbm4b:s16+s10], $0x1400, $0x38;
	[tilespmem:$0x1E500] =	vst v63  }
0xfb: {  	_ =	swait.ge [sflag:s23], $0x1400  }
0xfc: {  	[sflag:s23] =	ssyncset.done $0x0  }
0xfd: {  	[sflag:s23] =	ssyncadd.s32 $0xFFFFEC00  }
0xfe: {  	[tilespmem:s24], [sflag:$0x3] =	stream.linear.gather [hbm4b:s17+s10], $0x1400, $0x38;
	[tilespmem:$0x1E500] =	vst v63  }
0xff: {  	_ =	swait.ge [sflag:s23], $0x1400  }
0x100: {  	[sflag:s23] =	ssyncset.done $0x0  }
0x101: {  	[sflag:s23] =	ssyncadd.s32 $0xFFFFEC00  }
0x102: {  	[tilespmem:s22], [sflag:$0x1] =	stream.indirect.gather [hbm4b:s5+s25], $0x80, s10, s25, $0xb8;
	[tilespmem:$0x1E500] =	vst v63  }
0x103: {  	s7 =	simm.s32 $0x80  }
0x104: {  	[tilespmem:s26], [sflag:$0x2] =	stream.indirect.gather [hbm4b:s5+s25], $0x80, s7, s25, $0xb8;
	[tilespmem:$0x1E500] =	vst v63  }
0x105: {  	_ =	swait.ge [sflag:s28], $0x3E80  }
0x106: {  	[sflag:s28] =	ssyncset.done $0x0  }
0x107: {  	s8 =	simm.s32 $0x1400;
	[sflag:s28] =	ssyncadd.s32 $0xFFFFC180  }
0x108: {  	[spmem:s2] =	stream.indirect.scatter.add.f32 [tilespmem:s22], [sflag:$0x3], $0x80, s8, s25, $0xb8;
	[tilespmem:$0x1E500] =	vst v63  }
0x109: {  	_ =	swait.ge [sflag:s23], $0x3E80  }
0x10a: {  	[sflag:s23] =	ssyncset.done $0x0  }
0x10b: {  	s9 =	simm.s32 $0x100;
	[sflag:s23] =	ssyncadd.s32 $0xFFFFC180  }
0x10c: {  	[tilespmem:s22], [sflag:$0x1] =	stream.indirect.gather [hbm4b:s5+s25], $0x80, s9, s25, $0xb8;
	[tilespmem:$0x1E500] =	vst v63  }
0x10d: {  	_ =	swait.ge [sflag:s29], $0x3E80  }
0x10e: {  	[sflag:s29] =	ssyncset.done $0x0  }
0x10f: {  	s10 =	simm.s32 $0x1480;
	[sflag:s29] =	ssyncadd.s32 $0xFFFFC180  }
0x110: {  	[spmem:s2] =	stream.indirect.scatter.add.f32 [tilespmem:s26], [sflag:$0x3], $0x80, s10, s25, $0xb8;
	[tilespmem:$0x1E500] =	vst v63  }
0x111: {  	_ =	swait.ge [sflag:s23], $0x3E80  }
0x112: {  	s3 =	simm.s32 $0x100;
	s7 =	simm.s32 $0x800;
	[sflag:s23] =	ssyncset.done $0x0  }
.LBB2_18:
0x113: {  	s8 =	sadd.s32 $0x80, s3  }
0x114: {  	[sflag:s23] =	ssyncadd.s32 $0xFFFFC180;
	s9 =	smov.u32 s7;
	s10 =	sadd.s32 $0x400, s7  }
0x115: {  	[tilespmem:s26], [sflag:$0x2] =	stream.indirect.gather [hbm4b:s5+s25], $0x80, s8, s25, $0xb8;
	[tilespmem:$0x1E500] =	vst v63  }
0x116: {  	p1 =	sne.s32 s7, $0x4800;
	_ =	swait.ge [sflag:s28], $0x3E80  }
0x117: {  	[sflag:s28] =	ssyncset.done $0x0  }
0x118: {  	s7 =	sadd.s32 $0x1400, s3;
	[sflag:s28] =	ssyncadd.s32 $0xFFFFC180  }
0x119: {  	[spmem:s2] =	stream.indirect.scatter.add.f32 [tilespmem:s22], [sflag:$0x3], $0x80, s7, s25, $0xb8;
	[tilespmem:$0x1E500] =	vst v63  }
0x11a: {  	_ =	swait.ge [sflag:s23], $0x3E80  }
0x11b: {  	[sflag:s23] =	ssyncset.done $0x0  }
0x11c: {  	s7 =	sadd.s32 $0x100, s3;
	[sflag:s23] =	ssyncadd.s32 $0xFFFFC180  }
0x11d: {  	[tilespmem:s22], [sflag:$0x1] =	stream.indirect.gather [hbm4b:s5+s25], $0x80, s7, s25, $0xb8;
	[tilespmem:$0x1E500] =	vst v63  }
0x11e: {  	_ =	swait.ge [sflag:s29], $0x3E80  }
.Ltmp6:
0x11f: {  	[sflag:s29] =	ssyncset.done $0x0;
	(pc) =	sbr.rel @p1 .LBB2_18-.Ltmp6, $4  }
0x120: {  	s3 =	sadd.s32 $0x1480, s3;
	[sflag:s29] =	ssyncadd.s32 $0xFFFFC180  }
0x121: {  	[spmem:s2] =	stream.indirect.scatter.add.f32 [tilespmem:s26], [sflag:$0x3], $0x80, s3, s25, $0xb8;
	[tilespmem:$0x1E500] =	vst v63  }
0x122: {  	_ =	swait.ge [sflag:s23], $0x3E80  }
0x123: {  	s7 =	smov.u32 s10;
	s3 =	sshra.s32 s9, $0x2;
	[sflag:s23] =	ssyncset.done $0x0  }
0x124: {  	s7 =	sadd.s32 $0x80, s3;
	[sflag:s23] =	ssyncadd.s32 $0xFFFFC180  }
0x125: {  	[tilespmem:s26], [sflag:$0x2] =	stream.indirect.gather [hbm4b:s5+s25], $0x80, s7, s25, $0xb8;
	[tilespmem:$0x1E500] =	vst v63  }
0x126: {  	_ =	swait.ge [sflag:s28], $0x3E80  }
0x127: {  	[sflag:s28] =	ssyncset.done $0x0  }
0x128: {  	s10 =	sadd.s32 $0x1400, s3;
	[sflag:s28] =	ssyncadd.s32 $0xFFFFC180  }
0x129: {  	[spmem:s2] =	stream.indirect.scatter.add.f32 [tilespmem:s22], [sflag:$0x3], $0x80, s10, s25, $0xb8;
	[tilespmem:$0x1E500] =	vst v63  }
0x12a: {  	_ =	swait.ge [sflag:s23], $0x3E80  }
0x12b: {  	[sflag:s23] =	ssyncset.done $0x0  }
0x12c: {  	s8 =	sadd.s32 $0x100, s3;
	[sflag:s23] =	ssyncadd.s32 $0xFFFFC180  }
0x12d: {  	[tilespmem:s22], [sflag:$0x1] =	stream.indirect.gather [hbm4b:s5+s25], $0x80, s8, s25, $0xb8;
	[tilespmem:$0x1E500] =	vst v63  }
0x12e: {  	_ =	swait.ge [sflag:s29], $0x3E80  }
0x12f: {  	[sflag:s29] =	ssyncset.done $0x0  }
0x130: {  	s9 =	sadd.s32 $0x1480, s3;
	[sflag:s29] =	ssyncadd.s32 $0xFFFFC180  }
0x131: {  	[spmem:s2] =	stream.indirect.scatter.add.f32 [tilespmem:s26], [sflag:$0x3], $0x80, s9, s25, $0xb8;
	[tilespmem:$0x1E500] =	vst v63  }
0x132: {  	_ =	swait.ge [sflag:s23], $0x3E80  }
0x133: {  	[sflag:s23] =	ssyncset.done $0x0  }
0x134: {  	[sflag:s23] =	ssyncadd.s32 $0xFFFFC180  }
0x135: {  	[tilespmem:s26], [sflag:$0x2] =	stream.indirect.gather [hbm4b:s5+s25], $0x80, s30, s25, $0xb8;
	[tilespmem:$0x1E500] =	vst v63  }
0x136: {  	_ =	swait.ge [sflag:s28], $0x3E80  }
0x137: {  	[sflag:s28] =	ssyncset.done $0x0  }
0x138: {  	[sflag:s28] =	ssyncadd.s32 $0xFFFFC180  }
0x139: {  	[spmem:s2] =	stream.indirect.scatter.add.f32 [tilespmem:s22], [sflag:$0x3], $0x80, s31, s25, $0xb8;
	[tilespmem:$0x1E500] =	vst v63  }
0x13a: {  	_ =	swait.ge [sflag:s23], $0x3E80  }
0x13b: {  	[sflag:s23] =	ssyncset.done $0x0  }
0x13c: {  	[sflag:s23] =	ssyncadd.s32 $0xFFFFC180  }
0x13d: {  	_ =	swait.ge [sflag:s29], $0x3E80  }
0x13e: {  	[sflag:s29] =	ssyncset.done $0x0  }
0x13f: {  	[sflag:s29] =	ssyncadd.s32 $0xFFFFC180  }
0x140: {  	[spmem:s2] =	stream.indirect.scatter.add.f32 [tilespmem:s26], [sflag:$0x3], $0x80, s0, s25, $0xb8;
	[tilespmem:$0x1E500] =	vst v63  }
0x141: {  	_ =	swait.ge [sflag:s23], $0x3E80  }
0x142: {  	[sflag:s23] =	ssyncset.done $0x0  }
0x143: {  	s10 =	simm.s32 $0x0;
	[sflag:s23] =	ssyncadd.s32 $0xFFFFC180  }
0x144: {  	[tilespmem:s10], [sflag:$0x3] =	stream.linear.gather [hbm4b:s18+s10], $0x1400, $0x38;
	[tilespmem:$0x1E500] =	vst v63  }
0x145: {  	_ =	swait.ge [sflag:s23], $0x1400  }
0x146: {  	[sflag:s23] =	ssyncset.done $0x0  }
0x147: {  	[sflag:s23] =	ssyncadd.s32 $0xFFFFEC00  }
0x148: {  	[tilespmem:s24], [sflag:$0x3] =	stream.linear.gather [hbm4b:s19+s10], $0x1400, $0x38;
	[tilespmem:$0x1E500] =	vst v63  }
0x149: {  	_ =	swait.ge [sflag:s23], $0x1400  }
0x14a: {  	[sflag:s23] =	ssyncset.done $0x0  }
0x14b: {  	[sflag:s23] =	ssyncadd.s32 $0xFFFFEC00  }
0x14c: {  	[tilespmem:s22], [sflag:$0x1] =	stream.indirect.gather [hbm4b:s5+s25], $0x80, s10, s25, $0xb8;
	[tilespmem:$0x1E500] =	vst v63  }
0x14d: {  	s7 =	simm.s32 $0x80  }
0x14e: {  	[tilespmem:s26], [sflag:$0x2] =	stream.indirect.gather [hbm4b:s5+s25], $0x80, s7, s25, $0xb8;
	[tilespmem:$0x1E500] =	vst v63  }
0x14f: {  	_ =	swait.ge [sflag:s28], $0x3E80  }
0x150: {  	[sflag:s28] =	ssyncset.done $0x0  }
0x151: {  	s8 =	simm.s32 $0x1400;
	[sflag:s28] =	ssyncadd.s32 $0xFFFFC180  }
0x152: {  	[spmem:s2] =	stream.indirect.scatter.add.f32 [tilespmem:s22], [sflag:$0x3], $0x80, s8, s25, $0xb8;
	[tilespmem:$0x1E500] =	vst v63  }
0x153: {  	_ =	swait.ge [sflag:s23], $0x3E80  }
0x154: {  	[sflag:s23] =	ssyncset.done $0x0  }
0x155: {  	s9 =	simm.s32 $0x100;
	[sflag:s23] =	ssyncadd.s32 $0xFFFFC180  }
0x156: {  	[tilespmem:s22], [sflag:$0x1] =	stream.indirect.gather [hbm4b:s5+s25], $0x80, s9, s25, $0xb8;
	[tilespmem:$0x1E500] =	vst v63  }
0x157: {  	_ =	swait.ge [sflag:s29], $0x3E80  }
0x158: {  	[sflag:s29] =	ssyncset.done $0x0  }
0x159: {  	s10 =	simm.s32 $0x1480;
	[sflag:s29] =	ssyncadd.s32 $0xFFFFC180  }
0x15a: {  	[spmem:s2] =	stream.indirect.scatter.add.f32 [tilespmem:s26], [sflag:$0x3], $0x80, s10, s25, $0xb8;
	[tilespmem:$0x1E500] =	vst v63  }
0x15b: {  	_ =	swait.ge [sflag:s23], $0x3E80  }
0x15c: {  	s3 =	simm.s32 $0x100;
	s7 =	simm.s32 $0x800;
	[sflag:s23] =	ssyncset.done $0x0  }
.LBB2_20:
0x15d: {  	s8 =	sadd.s32 $0x80, s3  }
0x15e: {  	[sflag:s23] =	ssyncadd.s32 $0xFFFFC180;
	s9 =	smov.u32 s7;
	s10 =	sadd.s32 $0x400, s7  }
0x15f: {  	[tilespmem:s26], [sflag:$0x2] =	stream.indirect.gather [hbm4b:s5+s25], $0x80, s8, s25, $0xb8;
	[tilespmem:$0x1E500] =	vst v63  }
0x160: {  	p1 =	sne.s32 s7, $0x4800;
	_ =	swait.ge [sflag:s28], $0x3E80  }
0x161: {  	[sflag:s28] =	ssyncset.done $0x0  }
0x162: {  	s7 =	sadd.s32 $0x1400, s3;
	[sflag:s28] =	ssyncadd.s32 $0xFFFFC180  }
0x163: {  	[spmem:s2] =	stream.indirect.scatter.add.f32 [tilespmem:s22], [sflag:$0x3], $0x80, s7, s25, $0xb8;
	[tilespmem:$0x1E500] =	vst v63  }
0x164: {  	_ =	swait.ge [sflag:s23], $0x3E80  }
0x165: {  	[sflag:s23] =	ssyncset.done $0x0  }
0x166: {  	s7 =	sadd.s32 $0x100, s3;
	[sflag:s23] =	ssyncadd.s32 $0xFFFFC180  }
0x167: {  	[tilespmem:s22], [sflag:$0x1] =	stream.indirect.gather [hbm4b:s5+s25], $0x80, s7, s25, $0xb8;
	[tilespmem:$0x1E500] =	vst v63  }
0x168: {  	_ =	swait.ge [sflag:s29], $0x3E80  }
.Ltmp7:
0x169: {  	[sflag:s29] =	ssyncset.done $0x0;
	(pc) =	sbr.rel @p1 .LBB2_20-.Ltmp7, $4  }
0x16a: {  	s3 =	sadd.s32 $0x1480, s3;
	[sflag:s29] =	ssyncadd.s32 $0xFFFFC180  }
0x16b: {  	[spmem:s2] =	stream.indirect.scatter.add.f32 [tilespmem:s26], [sflag:$0x3], $0x80, s3, s25, $0xb8;
	[tilespmem:$0x1E500] =	vst v63  }
0x16c: {  	_ =	swait.ge [sflag:s23], $0x3E80  }
0x16d: {  	s7 =	smov.u32 s10;
	s3 =	sshra.s32 s9, $0x2;
	[sflag:s23] =	ssyncset.done $0x0  }
0x16e: {  	s7 =	sadd.s32 $0x80, s3;
	[sflag:s23] =	ssyncadd.s32 $0xFFFFC180  }
0x16f: {  	[tilespmem:s26], [sflag:$0x2] =	stream.indirect.gather [hbm4b:s5+s25], $0x80, s7, s25, $0xb8;
	[tilespmem:$0x1E500] =	vst v63  }
0x170: {  	_ =	swait.ge [sflag:s28], $0x3E80  }
0x171: {  	[sflag:s28] =	ssyncset.done $0x0  }
0x172: {  	s8 =	sadd.s32 $0x1400, s3;
	[sflag:s28] =	ssyncadd.s32 $0xFFFFC180  }
0x173: {  	[spmem:s2] =	stream.indirect.scatter.add.f32 [tilespmem:s22], [sflag:$0x3], $0x80, s8, s25, $0xb8;
	[tilespmem:$0x1E500] =	vst v63  }
0x174: {  	_ =	swait.ge [sflag:s23], $0x3E80  }
0x175: {  	[sflag:s23] =	ssyncset.done $0x0  }
0x176: {  	s9 =	sadd.s32 $0x100, s3;
	[sflag:s23] =	ssyncadd.s32 $0xFFFFC180  }
0x177: {  	[tilespmem:s22], [sflag:$0x1] =	stream.indirect.gather [hbm4b:s5+s25], $0x80, s9, s25, $0xb8;
	[tilespmem:$0x1E500] =	vst v63  }
0x178: {  	_ =	swait.ge [sflag:s29], $0x3E80  }
0x179: {  	[sflag:s29] =	ssyncset.done $0x0  }
0x17a: {  	s10 =	sadd.s32 $0x1480, s3;
	[sflag:s29] =	ssyncadd.s32 $0xFFFFC180  }
0x17b: {  	[spmem:s2] =	stream.indirect.scatter.add.f32 [tilespmem:s26], [sflag:$0x3], $0x80, s10, s25, $0xb8;
	[tilespmem:$0x1E500] =	vst v63  }
.Ltmp8:
0x17c: {  	_ = 	snop;
	(pc) =	sbr.rel .LBB2_22-.Ltmp8, $4  }
0x17d: {  	_ =	swait.ge [sflag:s23], $0x3E80  }
0x17e: {  	[sflag:s23] =	ssyncset.done $0x0  }
0x17f: {  	[sflag:s23] =	ssyncadd.s32 $0xFFFFC180  }
0x180: {  	[tilespmem:s26], [sflag:$0x2] =	stream.indirect.gather [hbm4b:s5+s25], $0x80, s30, s25, $0xb8;
	[tilespmem:$0x1E500] =	vst v63  }
.LBB2_4:
0x181: {  	[tilespmem:s22], [sflag:$0x1] =	stream.indirect.gather [hbm4b:s4+s25], $0x80, s3, s25, $0xb8;
	[tilespmem:$0x1E500] =	vst v63  }
0x182: {  	s7 =	simm.s32 $0x80  }
0x183: {  	[tilespmem:s26], [sflag:$0x2] =	stream.indirect.gather [hbm4b:s4+s25], $0x80, s7, s25, $0xb8;
	[tilespmem:$0x1E500] =	vst v63  }
0x184: {  	_ =	swait.ge [sflag:s28], $0x3E80  }
0x185: {  	[sflag:s28] =	ssyncset.done $0x0  }
0x186: {  	s8 =	simm.s32 $0x1400;
	[sflag:s28] =	ssyncadd.s32 $0xFFFFC180  }
0x187: {  	[spmem:s2] =	stream.indirect.scatter.add.f32 [tilespmem:s22], [sflag:$0x3], $0x80, s8, s25, $0xb8;
	[tilespmem:$0x1E500] =	vst v63  }
0x188: {  	_ =	swait.ge [sflag:s23], $0x3E80  }
0x189: {  	[sflag:s23] =	ssyncset.done $0x0  }
0x18a: {  	s9 =	simm.s32 $0x100;
	[sflag:s23] =	ssyncadd.s32 $0xFFFFC180  }
0x18b: {  	[tilespmem:s22], [sflag:$0x1] =	stream.indirect.gather [hbm4b:s4+s25], $0x80, s9, s25, $0xb8;
	[tilespmem:$0x1E500] =	vst v63  }
0x18c: {  	_ =	swait.ge [sflag:s29], $0x3E80  }
0x18d: {  	[sflag:s29] =	ssyncset.done $0x0  }
0x18e: {  	s10 =	simm.s32 $0x1480;
	[sflag:s29] =	ssyncadd.s32 $0xFFFFC180  }
0x18f: {  	[spmem:s2] =	stream.indirect.scatter.add.f32 [tilespmem:s26], [sflag:$0x3], $0x80, s10, s25, $0xb8;
	[tilespmem:$0x1E500] =	vst v63  }
0x190: {  	_ =	swait.ge [sflag:s23], $0x3E80  }
0x191: {  	s3 =	simm.s32 $0x100;
	s7 =	simm.s32 $0x800;
	[sflag:s23] =	ssyncset.done $0x0  }
.LBB2_5:
0x192: {  	s8 =	sadd.s32 $0x80, s3  }
0x193: {  	[sflag:s23] =	ssyncadd.s32 $0xFFFFC180;
	s9 =	smov.u32 s7;
	s10 =	sadd.s32 $0x400, s7  }
0x194: {  	[tilespmem:s26], [sflag:$0x2] =	stream.indirect.gather [hbm4b:s4+s25], $0x80, s8, s25, $0xb8;
	[tilespmem:$0x1E500] =	vst v63  }
0x195: {  	p1 =	sne.s32 s7, $0x4800;
	_ =	swait.ge [sflag:s28], $0x3E80  }
0x196: {  	[sflag:s28] =	ssyncset.done $0x0  }
0x197: {  	s7 =	sadd.s32 $0x1400, s3;
	[sflag:s28] =	ssyncadd.s32 $0xFFFFC180  }
0x198: {  	[spmem:s2] =	stream.indirect.scatter.add.f32 [tilespmem:s22], [sflag:$0x3], $0x80, s7, s25, $0xb8;
	[tilespmem:$0x1E500] =	vst v63  }
0x199: {  	_ =	swait.ge [sflag:s23], $0x3E80  }
0x19a: {  	[sflag:s23] =	ssyncset.done $0x0  }
0x19b: {  	s7 =	sadd.s32 $0x100, s3;
	[sflag:s23] =	ssyncadd.s32 $0xFFFFC180  }
0x19c: {  	[tilespmem:s22], [sflag:$0x1] =	stream.indirect.gather [hbm4b:s4+s25], $0x80, s7, s25, $0xb8;
	[tilespmem:$0x1E500] =	vst v63  }
0x19d: {  	_ =	swait.ge [sflag:s29], $0x3E80  }
.Ltmp9:
0x19e: {  	[sflag:s29] =	ssyncset.done $0x0;
	(pc) =	sbr.rel @p1 .LBB2_5-.Ltmp9, $4  }
0x19f: {  	s3 =	sadd.s32 $0x1480, s3;
	[sflag:s29] =	ssyncadd.s32 $0xFFFFC180  }
0x1a0: {  	[spmem:s2] =	stream.indirect.scatter.add.f32 [tilespmem:s26], [sflag:$0x3], $0x80, s3, s25, $0xb8;
	[tilespmem:$0x1E500] =	vst v63  }
0x1a1: {  	_ =	swait.ge [sflag:s23], $0x3E80  }
0x1a2: {  	s7 =	smov.u32 s10;
	s3 =	sshra.s32 s9, $0x2;
	[sflag:s23] =	ssyncset.done $0x0  }
0x1a3: {  	s7 =	sadd.s32 $0x80, s3;
	[sflag:s23] =	ssyncadd.s32 $0xFFFFC180  }
0x1a4: {  	[tilespmem:s26], [sflag:$0x2] =	stream.indirect.gather [hbm4b:s4+s25], $0x80, s7, s25, $0xb8;
	[tilespmem:$0x1E500] =	vst v63  }
0x1a5: {  	_ =	swait.ge [sflag:s28], $0x3E80  }
0x1a6: {  	[sflag:s28] =	ssyncset.done $0x0  }
0x1a7: {  	s10 =	sadd.s32 $0x1400, s3;
	[sflag:s28] =	ssyncadd.s32 $0xFFFFC180  }
0x1a8: {  	[spmem:s2] =	stream.indirect.scatter.add.f32 [tilespmem:s22], [sflag:$0x3], $0x80, s10, s25, $0xb8;
	[tilespmem:$0x1E500] =	vst v63  }
0x1a9: {  	_ =	swait.ge [sflag:s23], $0x3E80  }
0x1aa: {  	[sflag:s23] =	ssyncset.done $0x0  }
0x1ab: {  	s8 =	sadd.s32 $0x100, s3;
	[sflag:s23] =	ssyncadd.s32 $0xFFFFC180  }
0x1ac: {  	[tilespmem:s22], [sflag:$0x1] =	stream.indirect.gather [hbm4b:s4+s25], $0x80, s8, s25, $0xb8;
	[tilespmem:$0x1E500] =	vst v63  }
0x1ad: {  	_ =	swait.ge [sflag:s29], $0x3E80  }
0x1ae: {  	[sflag:s29] =	ssyncset.done $0x0  }
0x1af: {  	s9 =	sadd.s32 $0x1480, s3;
	[sflag:s29] =	ssyncadd.s32 $0xFFFFC180  }
0x1b0: {  	[spmem:s2] =	stream.indirect.scatter.add.f32 [tilespmem:s26], [sflag:$0x3], $0x80, s9, s25, $0xb8;
	[tilespmem:$0x1E500] =	vst v63  }
0x1b1: {  	_ =	swait.ge [sflag:s23], $0x3E80  }
0x1b2: {  	[sflag:s23] =	ssyncset.done $0x0  }
0x1b3: {  	[sflag:s23] =	ssyncadd.s32 $0xFFFFC180  }
0x1b4: {  	[tilespmem:s26], [sflag:$0x2] =	stream.indirect.gather [hbm4b:s4+s25], $0x80, s30, s25, $0xb8;
	[tilespmem:$0x1E500] =	vst v63  }
0x1b5: {  	_ =	swait.ge [sflag:s28], $0x3E80  }
0x1b6: {  	[sflag:s28] =	ssyncset.done $0x0  }
0x1b7: {  	[sflag:s28] =	ssyncadd.s32 $0xFFFFC180  }
0x1b8: {  	[spmem:s2] =	stream.indirect.scatter.add.f32 [tilespmem:s22], [sflag:$0x3], $0x80, s31, s25, $0xb8;
	[tilespmem:$0x1E500] =	vst v63  }
0x1b9: {  	_ =	swait.ge [sflag:s23], $0x3E80  }
0x1ba: {  	[sflag:s23] =	ssyncset.done $0x0  }
0x1bb: {  	[sflag:s23] =	ssyncadd.s32 $0xFFFFC180  }
0x1bc: {  	_ =	swait.ge [sflag:s29], $0x3E80  }
0x1bd: {  	[sflag:s29] =	ssyncset.done $0x0  }
0x1be: {  	[sflag:s29] =	ssyncadd.s32 $0xFFFFC180  }
0x1bf: {  	[spmem:s2] =	stream.indirect.scatter.add.f32 [tilespmem:s26], [sflag:$0x3], $0x80, s0, s25, $0xb8;
	[tilespmem:$0x1E500] =	vst v63  }
0x1c0: {  	_ =	swait.ge [sflag:s23], $0x3E80  }
0x1c1: {  	[sflag:s23] =	ssyncset.done $0x0  }
0x1c2: {  	s10 =	simm.s32 $0x0;
	[sflag:s23] =	ssyncadd.s32 $0xFFFFC180  }
0x1c3: {  	[tilespmem:s10], [sflag:$0x3] =	stream.linear.gather [hbm4b:s14+s10], $0x1400, $0x38;
	[tilespmem:$0x1E500] =	vst v63  }
0x1c4: {  	_ =	swait.ge [sflag:s23], $0x1400  }
0x1c5: {  	[sflag:s23] =	ssyncset.done $0x0  }
0x1c6: {  	[sflag:s23] =	ssyncadd.s32 $0xFFFFEC00  }
0x1c7: {  	[tilespmem:s24], [sflag:$0x3] =	stream.linear.gather [hbm4b:s15+s10], $0x1400, $0x38;
	[tilespmem:$0x1E500] =	vst v63  }
0x1c8: {  	_ =	swait.ge [sflag:s23], $0x1400  }
0x1c9: {  	[sflag:s23] =	ssyncset.done $0x0  }
0x1ca: {  	[sflag:s23] =	ssyncadd.s32 $0xFFFFEC00  }
0x1cb: {  	[tilespmem:s22], [sflag:$0x1] =	stream.indirect.gather [hbm4b:s4+s25], $0x80, s10, s25, $0xb8;
	[tilespmem:$0x1E500] =	vst v63  }
0x1cc: {  	s7 =	simm.s32 $0x80  }
0x1cd: {  	[tilespmem:s26], [sflag:$0x2] =	stream.indirect.gather [hbm4b:s4+s25], $0x80, s7, s25, $0xb8;
	[tilespmem:$0x1E500] =	vst v63  }
0x1ce: {  	_ =	swait.ge [sflag:s28], $0x3E80  }
0x1cf: {  	[sflag:s28] =	ssyncset.done $0x0  }
0x1d0: {  	s8 =	simm.s32 $0x1400;
	[sflag:s28] =	ssyncadd.s32 $0xFFFFC180  }
0x1d1: {  	[spmem:s2] =	stream.indirect.scatter.add.f32 [tilespmem:s22], [sflag:$0x3], $0x80, s8, s25, $0xb8;
	[tilespmem:$0x1E500] =	vst v63  }
0x1d2: {  	_ =	swait.ge [sflag:s23], $0x3E80  }
0x1d3: {  	[sflag:s23] =	ssyncset.done $0x0  }
0x1d4: {  	s9 =	simm.s32 $0x100;
	[sflag:s23] =	ssyncadd.s32 $0xFFFFC180  }
0x1d5: {  	[tilespmem:s22], [sflag:$0x1] =	stream.indirect.gather [hbm4b:s4+s25], $0x80, s9, s25, $0xb8;
	[tilespmem:$0x1E500] =	vst v63  }
0x1d6: {  	_ =	swait.ge [sflag:s29], $0x3E80  }
0x1d7: {  	[sflag:s29] =	ssyncset.done $0x0  }
0x1d8: {  	s10 =	simm.s32 $0x1480;
	[sflag:s29] =	ssyncadd.s32 $0xFFFFC180  }
0x1d9: {  	[spmem:s2] =	stream.indirect.scatter.add.f32 [tilespmem:s26], [sflag:$0x3], $0x80, s10, s25, $0xb8;
	[tilespmem:$0x1E500] =	vst v63  }
0x1da: {  	_ =	swait.ge [sflag:s23], $0x3E80  }
0x1db: {  	s3 =	simm.s32 $0x100;
	s7 =	simm.s32 $0x800;
	[sflag:s23] =	ssyncset.done $0x0  }
.LBB2_7:
0x1dc: {  	s8 =	sadd.s32 $0x80, s3  }
0x1dd: {  	[sflag:s23] =	ssyncadd.s32 $0xFFFFC180;
	s9 =	smov.u32 s7;
	s10 =	sadd.s32 $0x400, s7  }
0x1de: {  	[tilespmem:s26], [sflag:$0x2] =	stream.indirect.gather [hbm4b:s4+s25], $0x80, s8, s25, $0xb8;
	[tilespmem:$0x1E500] =	vst v63  }
0x1df: {  	p1 =	sne.s32 s7, $0x4800;
	_ =	swait.ge [sflag:s28], $0x3E80  }
0x1e0: {  	[sflag:s28] =	ssyncset.done $0x0  }
0x1e1: {  	s7 =	sadd.s32 $0x1400, s3;
	[sflag:s28] =	ssyncadd.s32 $0xFFFFC180  }
0x1e2: {  	[spmem:s2] =	stream.indirect.scatter.add.f32 [tilespmem:s22], [sflag:$0x3], $0x80, s7, s25, $0xb8;
	[tilespmem:$0x1E500] =	vst v63  }
0x1e3: {  	_ =	swait.ge [sflag:s23], $0x3E80  }
0x1e4: {  	[sflag:s23] =	ssyncset.done $0x0  }
0x1e5: {  	s7 =	sadd.s32 $0x100, s3;
	[sflag:s23] =	ssyncadd.s32 $0xFFFFC180  }
0x1e6: {  	[tilespmem:s22], [sflag:$0x1] =	stream.indirect.gather [hbm4b:s4+s25], $0x80, s7, s25, $0xb8;
	[tilespmem:$0x1E500] =	vst v63  }
0x1e7: {  	_ =	swait.ge [sflag:s29], $0x3E80  }
.Ltmp10:
0x1e8: {  	[sflag:s29] =	ssyncset.done $0x0;
	(pc) =	sbr.rel @p1 .LBB2_7-.Ltmp10, $4  }
0x1e9: {  	s3 =	sadd.s32 $0x1480, s3;
	[sflag:s29] =	ssyncadd.s32 $0xFFFFC180  }
0x1ea: {  	[spmem:s2] =	stream.indirect.scatter.add.f32 [tilespmem:s26], [sflag:$0x3], $0x80, s3, s25, $0xb8;
	[tilespmem:$0x1E500] =	vst v63  }
0x1eb: {  	_ =	swait.ge [sflag:s23], $0x3E80  }
0x1ec: {  	s7 =	smov.u32 s10;
	s3 =	sshra.s32 s9, $0x2;
	[sflag:s23] =	ssyncset.done $0x0  }
0x1ed: {  	s7 =	sadd.s32 $0x80, s3;
	[sflag:s23] =	ssyncadd.s32 $0xFFFFC180  }
0x1ee: {  	[tilespmem:s26], [sflag:$0x2] =	stream.indirect.gather [hbm4b:s4+s25], $0x80, s7, s25, $0xb8;
	[tilespmem:$0x1E500] =	vst v63  }
0x1ef: {  	_ =	swait.ge [sflag:s28], $0x3E80  }
0x1f0: {  	[sflag:s28] =	ssyncset.done $0x0  }
0x1f1: {  	s10 =	sadd.s32 $0x1400, s3;
	[sflag:s28] =	ssyncadd.s32 $0xFFFFC180  }
0x1f2: {  	[spmem:s2] =	stream.indirect.scatter.add.f32 [tilespmem:s22], [sflag:$0x3], $0x80, s10, s25, $0xb8;
	[tilespmem:$0x1E500] =	vst v63  }
0x1f3: {  	_ =	swait.ge [sflag:s23], $0x3E80  }
0x1f4: {  	[sflag:s23] =	ssyncset.done $0x0  }
0x1f5: {  	s8 =	sadd.s32 $0x100, s3;
	[sflag:s23] =	ssyncadd.s32 $0xFFFFC180  }
0x1f6: {  	[tilespmem:s22], [sflag:$0x1] =	stream.indirect.gather [hbm4b:s4+s25], $0x80, s8, s25, $0xb8;
	[tilespmem:$0x1E500] =	vst v63  }
0x1f7: {  	_ =	swait.ge [sflag:s29], $0x3E80  }
0x1f8: {  	[sflag:s29] =	ssyncset.done $0x0  }
0x1f9: {  	s9 =	sadd.s32 $0x1480, s3;
	[sflag:s29] =	ssyncadd.s32 $0xFFFFC180  }
0x1fa: {  	[spmem:s2] =	stream.indirect.scatter.add.f32 [tilespmem:s26], [sflag:$0x3], $0x80, s9, s25, $0xb8;
	[tilespmem:$0x1E500] =	vst v63  }
0x1fb: {  	_ =	swait.ge [sflag:s23], $0x3E80  }
0x1fc: {  	[sflag:s23] =	ssyncset.done $0x0  }
0x1fd: {  	[sflag:s23] =	ssyncadd.s32 $0xFFFFC180  }
0x1fe: {  	[tilespmem:s26], [sflag:$0x2] =	stream.indirect.gather [hbm4b:s4+s25], $0x80, s30, s25, $0xb8;
	[tilespmem:$0x1E500] =	vst v63  }
0x1ff: {  	_ =	swait.ge [sflag:s28], $0x3E80  }
0x200: {  	[sflag:s28] =	ssyncset.done $0x0  }
0x201: {  	[sflag:s28] =	ssyncadd.s32 $0xFFFFC180  }
0x202: {  	[spmem:s2] =	stream.indirect.scatter.add.f32 [tilespmem:s22], [sflag:$0x3], $0x80, s31, s25, $0xb8;
	[tilespmem:$0x1E500] =	vst v63  }
0x203: {  	_ =	swait.ge [sflag:s23], $0x3E80  }
0x204: {  	[sflag:s23] =	ssyncset.done $0x0  }
0x205: {  	[sflag:s23] =	ssyncadd.s32 $0xFFFFC180  }
0x206: {  	_ =	swait.ge [sflag:s29], $0x3E80  }
0x207: {  	[sflag:s29] =	ssyncset.done $0x0  }
0x208: {  	[sflag:s29] =	ssyncadd.s32 $0xFFFFC180  }
0x209: {  	[spmem:s2] =	stream.indirect.scatter.add.f32 [tilespmem:s26], [sflag:$0x3], $0x80, s0, s25, $0xb8;
	[tilespmem:$0x1E500] =	vst v63  }
0x20a: {  	_ =	swait.ge [sflag:s23], $0x3E80  }
0x20b: {  	[sflag:s23] =	ssyncset.done $0x0  }
0x20c: {  	s10 =	simm.s32 $0x0;
	[sflag:s23] =	ssyncadd.s32 $0xFFFFC180  }
0x20d: {  	[tilespmem:s10], [sflag:$0x3] =	stream.linear.gather [hbm4b:s16+s10], $0x1400, $0x38;
	[tilespmem:$0x1E500] =	vst v63  }
0x20e: {  	_ =	swait.ge [sflag:s23], $0x1400  }
0x20f: {  	[sflag:s23] =	ssyncset.done $0x0  }
0x210: {  	[sflag:s23] =	ssyncadd.s32 $0xFFFFEC00  }
0x211: {  	[tilespmem:s24], [sflag:$0x3] =	stream.linear.gather [hbm4b:s17+s10], $0x1400, $0x38;
	[tilespmem:$0x1E500] =	vst v63  }
0x212: {  	_ =	swait.ge [sflag:s23], $0x1400  }
0x213: {  	[sflag:s23] =	ssyncset.done $0x0  }
0x214: {  	[sflag:s23] =	ssyncadd.s32 $0xFFFFEC00  }
0x215: {  	[tilespmem:s22], [sflag:$0x1] =	stream.indirect.gather [hbm4b:s4+s25], $0x80, s10, s25, $0xb8;
	[tilespmem:$0x1E500] =	vst v63  }
0x216: {  	s7 =	simm.s32 $0x80  }
0x217: {  	[tilespmem:s26], [sflag:$0x2] =	stream.indirect.gather [hbm4b:s4+s25], $0x80, s7, s25, $0xb8;
	[tilespmem:$0x1E500] =	vst v63  }
0x218: {  	_ =	swait.ge [sflag:s28], $0x3E80  }
0x219: {  	[sflag:s28] =	ssyncset.done $0x0  }
0x21a: {  	s8 =	simm.s32 $0x1400;
	[sflag:s28] =	ssyncadd.s32 $0xFFFFC180  }
0x21b: {  	[spmem:s2] =	stream.indirect.scatter.add.f32 [tilespmem:s22], [sflag:$0x3], $0x80, s8, s25, $0xb8;
	[tilespmem:$0x1E500] =	vst v63  }
0x21c: {  	_ =	swait.ge [sflag:s23], $0x3E80  }
0x21d: {  	[sflag:s23] =	ssyncset.done $0x0  }
0x21e: {  	s9 =	simm.s32 $0x100;
	[sflag:s23] =	ssyncadd.s32 $0xFFFFC180  }
0x21f: {  	[tilespmem:s22], [sflag:$0x1] =	stream.indirect.gather [hbm4b:s4+s25], $0x80, s9, s25, $0xb8;
	[tilespmem:$0x1E500] =	vst v63  }
0x220: {  	_ =	swait.ge [sflag:s29], $0x3E80  }
0x221: {  	[sflag:s29] =	ssyncset.done $0x0  }
0x222: {  	s10 =	simm.s32 $0x1480;
	[sflag:s29] =	ssyncadd.s32 $0xFFFFC180  }
0x223: {  	[spmem:s2] =	stream.indirect.scatter.add.f32 [tilespmem:s26], [sflag:$0x3], $0x80, s10, s25, $0xb8;
	[tilespmem:$0x1E500] =	vst v63  }
0x224: {  	_ =	swait.ge [sflag:s23], $0x3E80  }
0x225: {  	s3 =	simm.s32 $0x100;
	s7 =	simm.s32 $0x800;
	[sflag:s23] =	ssyncset.done $0x0  }
.LBB2_9:
0x226: {  	s8 =	sadd.s32 $0x80, s3  }
0x227: {  	[sflag:s23] =	ssyncadd.s32 $0xFFFFC180;
	s9 =	smov.u32 s7;
	s10 =	sadd.s32 $0x400, s7  }
0x228: {  	[tilespmem:s26], [sflag:$0x2] =	stream.indirect.gather [hbm4b:s4+s25], $0x80, s8, s25, $0xb8;
	[tilespmem:$0x1E500] =	vst v63  }
0x229: {  	p1 =	sne.s32 s7, $0x4800;
	_ =	swait.ge [sflag:s28], $0x3E80  }
0x22a: {  	[sflag:s28] =	ssyncset.done $0x0  }
0x22b: {  	s7 =	sadd.s32 $0x1400, s3;
	[sflag:s28] =	ssyncadd.s32 $0xFFFFC180  }
0x22c: {  	[spmem:s2] =	stream.indirect.scatter.add.f32 [tilespmem:s22], [sflag:$0x3], $0x80, s7, s25, $0xb8;
	[tilespmem:$0x1E500] =	vst v63  }
0x22d: {  	_ =	swait.ge [sflag:s23], $0x3E80  }
0x22e: {  	[sflag:s23] =	ssyncset.done $0x0  }
0x22f: {  	s7 =	sadd.s32 $0x100, s3;
	[sflag:s23] =	ssyncadd.s32 $0xFFFFC180  }
0x230: {  	[tilespmem:s22], [sflag:$0x1] =	stream.indirect.gather [hbm4b:s4+s25], $0x80, s7, s25, $0xb8;
	[tilespmem:$0x1E500] =	vst v63  }
0x231: {  	_ =	swait.ge [sflag:s29], $0x3E80  }
.Ltmp11:
0x232: {  	[sflag:s29] =	ssyncset.done $0x0;
	(pc) =	sbr.rel @p1 .LBB2_9-.Ltmp11, $4  }
0x233: {  	s3 =	sadd.s32 $0x1480, s3;
	[sflag:s29] =	ssyncadd.s32 $0xFFFFC180  }
0x234: {  	[spmem:s2] =	stream.indirect.scatter.add.f32 [tilespmem:s26], [sflag:$0x3], $0x80, s3, s25, $0xb8;
	[tilespmem:$0x1E500] =	vst v63  }
0x235: {  	_ =	swait.ge [sflag:s23], $0x3E80  }
0x236: {  	s7 =	smov.u32 s10;
	s3 =	sshra.s32 s9, $0x2;
	[sflag:s23] =	ssyncset.done $0x0  }
0x237: {  	s7 =	sadd.s32 $0x80, s3;
	[sflag:s23] =	ssyncadd.s32 $0xFFFFC180  }
0x238: {  	[tilespmem:s26], [sflag:$0x2] =	stream.indirect.gather [hbm4b:s4+s25], $0x80, s7, s25, $0xb8;
	[tilespmem:$0x1E500] =	vst v63  }
0x239: {  	_ =	swait.ge [sflag:s28], $0x3E80  }
0x23a: {  	[sflag:s28] =	ssyncset.done $0x0  }
0x23b: {  	s10 =	sadd.s32 $0x1400, s3;
	[sflag:s28] =	ssyncadd.s32 $0xFFFFC180  }
0x23c: {  	[spmem:s2] =	stream.indirect.scatter.add.f32 [tilespmem:s22], [sflag:$0x3], $0x80, s10, s25, $0xb8;
	[tilespmem:$0x1E500] =	vst v63  }
0x23d: {  	_ =	swait.ge [sflag:s23], $0x3E80  }
0x23e: {  	[sflag:s23] =	ssyncset.done $0x0  }
0x23f: {  	s8 =	sadd.s32 $0x100, s3;
	[sflag:s23] =	ssyncadd.s32 $0xFFFFC180  }
0x240: {  	[tilespmem:s22], [sflag:$0x1] =	stream.indirect.gather [hbm4b:s4+s25], $0x80, s8, s25, $0xb8;
	[tilespmem:$0x1E500] =	vst v63  }
0x241: {  	_ =	swait.ge [sflag:s29], $0x3E80  }
0x242: {  	[sflag:s29] =	ssyncset.done $0x0  }
0x243: {  	s9 =	sadd.s32 $0x1480, s3;
	[sflag:s29] =	ssyncadd.s32 $0xFFFFC180  }
0x244: {  	[spmem:s2] =	stream.indirect.scatter.add.f32 [tilespmem:s26], [sflag:$0x3], $0x80, s9, s25, $0xb8;
	[tilespmem:$0x1E500] =	vst v63  }
0x245: {  	_ =	swait.ge [sflag:s23], $0x3E80  }
0x246: {  	[sflag:s23] =	ssyncset.done $0x0  }
0x247: {  	[sflag:s23] =	ssyncadd.s32 $0xFFFFC180  }
0x248: {  	[tilespmem:s26], [sflag:$0x2] =	stream.indirect.gather [hbm4b:s4+s25], $0x80, s30, s25, $0xb8;
	[tilespmem:$0x1E500] =	vst v63  }
0x249: {  	_ =	swait.ge [sflag:s28], $0x3E80  }
0x24a: {  	[sflag:s28] =	ssyncset.done $0x0  }
0x24b: {  	[sflag:s28] =	ssyncadd.s32 $0xFFFFC180  }
0x24c: {  	[spmem:s2] =	stream.indirect.scatter.add.f32 [tilespmem:s22], [sflag:$0x3], $0x80, s31, s25, $0xb8;
	[tilespmem:$0x1E500] =	vst v63  }
0x24d: {  	_ =	swait.ge [sflag:s23], $0x3E80  }
0x24e: {  	[sflag:s23] =	ssyncset.done $0x0  }
0x24f: {  	[sflag:s23] =	ssyncadd.s32 $0xFFFFC180  }
0x250: {  	_ =	swait.ge [sflag:s29], $0x3E80  }
0x251: {  	[sflag:s29] =	ssyncset.done $0x0  }
0x252: {  	[sflag:s29] =	ssyncadd.s32 $0xFFFFC180  }
0x253: {  	[spmem:s2] =	stream.indirect.scatter.add.f32 [tilespmem:s26], [sflag:$0x3], $0x80, s0, s25, $0xb8;
	[tilespmem:$0x1E500] =	vst v63  }
0x254: {  	_ =	swait.ge [sflag:s23], $0x3E80  }
0x255: {  	[sflag:s23] =	ssyncset.done $0x0  }
0x256: {  	s10 =	simm.s32 $0x0;
	[sflag:s23] =	ssyncadd.s32 $0xFFFFC180  }
0x257: {  	[tilespmem:s10], [sflag:$0x3] =	stream.linear.gather [hbm4b:s18+s10], $0x1400, $0x38;
	[tilespmem:$0x1E500] =	vst v63  }
0x258: {  	_ =	swait.ge [sflag:s23], $0x1400  }
0x259: {  	[sflag:s23] =	ssyncset.done $0x0  }
0x25a: {  	[sflag:s23] =	ssyncadd.s32 $0xFFFFEC00  }
0x25b: {  	[tilespmem:s24], [sflag:$0x3] =	stream.linear.gather [hbm4b:s19+s10], $0x1400, $0x38;
	[tilespmem:$0x1E500] =	vst v63  }
0x25c: {  	_ =	swait.ge [sflag:s23], $0x1400  }
0x25d: {  	[sflag:s23] =	ssyncset.done $0x0  }
0x25e: {  	[sflag:s23] =	ssyncadd.s32 $0xFFFFEC00  }
0x25f: {  	[tilespmem:s22], [sflag:$0x1] =	stream.indirect.gather [hbm4b:s4+s25], $0x80, s10, s25, $0xb8;
	[tilespmem:$0x1E500] =	vst v63  }
0x260: {  	s7 =	simm.s32 $0x80  }
0x261: {  	[tilespmem:s26], [sflag:$0x2] =	stream.indirect.gather [hbm4b:s4+s25], $0x80, s7, s25, $0xb8;
	[tilespmem:$0x1E500] =	vst v63  }
0x262: {  	_ =	swait.ge [sflag:s28], $0x3E80  }
0x263: {  	[sflag:s28] =	ssyncset.done $0x0  }
0x264: {  	s8 =	simm.s32 $0x1400;
	[sflag:s28] =	ssyncadd.s32 $0xFFFFC180  }
0x265: {  	[spmem:s2] =	stream.indirect.scatter.add.f32 [tilespmem:s22], [sflag:$0x3], $0x80, s8, s25, $0xb8;
	[tilespmem:$0x1E500] =	vst v63  }
0x266: {  	_ =	swait.ge [sflag:s23], $0x3E80  }
0x267: {  	[sflag:s23] =	ssyncset.done $0x0  }
0x268: {  	s9 =	simm.s32 $0x100;
	[sflag:s23] =	ssyncadd.s32 $0xFFFFC180  }
0x269: {  	[tilespmem:s22], [sflag:$0x1] =	stream.indirect.gather [hbm4b:s4+s25], $0x80, s9, s25, $0xb8;
	[tilespmem:$0x1E500] =	vst v63  }
0x26a: {  	_ =	swait.ge [sflag:s29], $0x3E80  }
0x26b: {  	[sflag:s29] =	ssyncset.done $0x0  }
0x26c: {  	s10 =	simm.s32 $0x1480;
	[sflag:s29] =	ssyncadd.s32 $0xFFFFC180  }
0x26d: {  	[spmem:s2] =	stream.indirect.scatter.add.f32 [tilespmem:s26], [sflag:$0x3], $0x80, s10, s25, $0xb8;
	[tilespmem:$0x1E500] =	vst v63  }
0x26e: {  	_ =	swait.ge [sflag:s23], $0x3E80  }
0x26f: {  	s3 =	simm.s32 $0x100;
	s7 =	simm.s32 $0x800;
	[sflag:s23] =	ssyncset.done $0x0  }
.LBB2_11:
0x270: {  	s8 =	sadd.s32 $0x80, s3  }
0x271: {  	[sflag:s23] =	ssyncadd.s32 $0xFFFFC180;
	s9 =	smov.u32 s7;
	s10 =	sadd.s32 $0x400, s7  }
0x272: {  	[tilespmem:s26], [sflag:$0x2] =	stream.indirect.gather [hbm4b:s4+s25], $0x80, s8, s25, $0xb8;
	[tilespmem:$0x1E500] =	vst v63  }
0x273: {  	p1 =	seq.s32 s7, $0x4800;
	_ =	swait.ge [sflag:s28], $0x3E80  }
0x274: {  	[sflag:s28] =	ssyncset.done $0x0  }
0x275: {  	s7 =	sadd.s32 $0x1400, s3;
	[sflag:s28] =	ssyncadd.s32 $0xFFFFC180  }
0x276: {  	[spmem:s2] =	stream.indirect.scatter.add.f32 [tilespmem:s22], [sflag:$0x3], $0x80, s7, s25, $0xb8;
	[tilespmem:$0x1E500] =	vst v63  }
0x277: {  	_ =	swait.ge [sflag:s23], $0x3E80  }
0x278: {  	[sflag:s23] =	ssyncset.done $0x0  }
0x279: {  	s7 =	sadd.s32 $0x100, s3;
	[sflag:s23] =	ssyncadd.s32 $0xFFFFC180  }
0x27a: {  	[tilespmem:s22], [sflag:$0x1] =	stream.indirect.gather [hbm4b:s4+s25], $0x80, s7, s25, $0xb8;
	[tilespmem:$0x1E500] =	vst v63  }
0x27b: {  	_ =	swait.ge [sflag:s29], $0x3E80  }
.Ltmp12:
0x27c: {  	[sflag:s29] =	ssyncset.done $0x0;
	(pc) =	sbr.rel @!p1 .LBB2_11-.Ltmp12, $4  }
0x27d: {  	s3 =	sadd.s32 $0x1480, s3;
	[sflag:s29] =	ssyncadd.s32 $0xFFFFC180  }
0x27e: {  	[spmem:s2] =	stream.indirect.scatter.add.f32 [tilespmem:s26], [sflag:$0x3], $0x80, s3, s25, $0xb8;
	[tilespmem:$0x1E500] =	vst v63  }
0x27f: {  	_ =	swait.ge [sflag:s23], $0x3E80  }
0x280: {  	s7 =	smov.u32 s10;
	s3 =	sshra.s32 s9, $0x2;
	[sflag:s23] =	ssyncset.done $0x0  }
.Ltmp13:
0x281: {  	_ = 	snop;
	(pc) =	sbr.rel .LBB2_12-.Ltmp13, $1  }
0x282: {  	_ =	sdelay $0x3  }
.LBB2_23:
0x283: {  	_ =	sfence.sel $0x180000  }
0x284: {  	[bflag:$0x0] =	sbarrier.arrive $0xFFFF  }
0x285: {  	_ =	strace $0x9000004D  }
0x286: {  	s0 =	stileid.u32;
	[bflag:$0x2] =	sbarrier.arrive $0xFFFF  }
0x287: {  	p0 =	sne.s32 s0, $0x0;
	s0 =	rddreg [dreg:$0x2]  }
0x288: {  	s0 =	sadd.s32 @!p0 $0x100000, s0  }
0x289: {  	[sflag:s0] =	ssyncadd.tile.s32 @!p0 $0x1;
	_ =	shalt  }
.Lfunc_end2:
_tile_overlayer_lowered:
.L_overlay_start_2:
0x28a: {  	(tag) =	ssettag $0x2  }
0x28b: {  	s0 =	rddreg [dreg:$0x0];
	s2 =	stileid.u32  }
0x28c: {  	s1 =	rddreg [dreg:$0x1];
	p0 =	sne.s32 s2, $0x0  }
0x28d: {  	s3 =	rddreg [dreg:$0x2];
	[bflag:$0x3] =	sbarrier.arrive $0xFFFF;
	s2 =	simm.s32 @!p0 $0x1C03  }
0x28e: {  	[timem:s3], [sflag:s2] =	dma.local @!p0 [hbm:s0], s1  }
0x28f: {  	s0 =	simm.s32 @!p0 $0x3  }
0x290: {  	_ =	swait.ge @!p0 [sflag:s0], s1  }
0x291: {  	s1 =	ssub.s32 @!p0 $0x0, s1;
	[sflag:s0] =	ssyncset.done @!p0 $0x0  }
0x292: {  	[sflag:s0] =	ssyncadd.s32 @!p0 s1  }
0x293: {  	[bflag:$0x3] =	sbarrier.arrive $0xFFFF  }
0x294: {  	_ =	shalt  }

// kernel: kernel.20.cloned.1.call-start
scs
__scs_entry_jumppad:
0x0: {  	(pc) =	sbr.rel $0x88, $3  }
0x1: {  	(tag) =	ssettag $0x0;
	lr =	simm.s32 $0x1  }
0x2: {  	[smem:$0x3F98] =	sst lr;
	_ =	strace $0xD0000000  }
0x3: {  	_ = 	snop  }
0x4: {  	_ = 	snop  }
0x5: {  	_ = 	snop  }
0x6: {  	_ = 	snop  }
0x7: {  	_ = 	snop  }
__scs_overlays_trampoline_lowered:
0x8: {  	[smem:$0x3FA7] =	sst s0  }
0x9: {  	[smem:$0x3FA8] =	sst s1  }
0xa: {  	[smem:$0x3FA9] =	sst s2  }
0xb: {  	[smem:$0x3FAA] =	sst s3  }
0xc: {  	[smem:$0x3FAB] =	sst s4  }
0xd: {  	[smem:$0x3FAC] =	sst s5  }
0xe: {  	[smem:$0x3FAD] =	sst s6  }
0xf: {  	[smem:$0x3FAE] =	sst s7  }
0x10: {  	[smem:$0x3FAF] =	sst s8  }
0x11: {  	[smem:$0x3FB0] =	sst s9;
	s0 =	simm.s32 @!p0 $0x0  }
0x12: {  	s1 =	sld [smem:$0x3F96];
	s0 =	simm.s32 @p0 $0x1  }
0x13: {  	[smem:$0x3FB1] =	sst s0;
	s0 =	simm.s32 @!p1 $0x0  }
0x14: {  	s2 =	sld [smem:$0x3F95];
	s0 =	simm.s32 @p1 $0x1  }
0x15: {  	[smem:$0x3FB2] =	sst s0;
	s0 =	simm.s32 @!p2 $0x0  }
0x16: {  	s3 =	sld [smem:$0x3FDB];
	s0 =	simm.s32 @p2 $0x1  }
0x17: {  	s4 =	simm.s32 $0x1BF5;
	[smem:$0x3FB4] =	sst s0  }
0x18: {  	s0 =	sld [smem:$0x3F97];
	_ =	swait.ge [sflag:s4], $0x0  }
0x19: {  	s7 =	sld [smem:$0x3F98]  }
0x1a: {  	s8 =	sadd.s32 $0xFFFFE003, lr  }
0x1b: {  	s9 =	sadd.s32 $0xFFFFFEF7, lr;
	s5 =	simm.s32 $0xFFFFFFFF;
	p2 =	slt.u32 s8, $0xFFFFF086  }
0x1c: {  	p1 =	slt.u32 s9, $0xF7A;
	s5 =	simm.s32 @!p2 $0x0  }
0x1d: {  	s5 =	simm.s32 @p1 $0x1;
	p0 =	seq.s32 s7, s2  }
0x1e: {  	s7 =	smul.u32 @!p0 $0xF7A, s2;
	p2 =	seq.s32 @!p0 s5, $0x0  }
0x1f: {  	s9 =	smul.u32 $0xF7A, s1;
	s8 =	simm.s32 @!p0 $0x1BF5;
	p2 =	por !p2, p0  }
0x20: {  	[sflag:s8] =	ssyncset.s32 @!p0 $0xFFFFF086;
	s6 =	sadd.s32 @!p0 s3, s7;
	s7 =	simm.s32 @!p0 $0x108  }
0x21: {  	s3 =	sadd.s32 s3, s9;
	s6 =	sadd.s32 @!p0 $0x88, s6;
	s7 =	simm.s32 @p2 $0x1082  }
0x22: {  	[simem:s7], [sflag:s8] =	dma.local @!p0 [hbm:s6], $0xF7A  }
0x23: {  	s9 =	sor.u32 $0xD0000000, s2;
	s6 =	simm.s32 $0x108;
	_ =	swait.ge @!p0 [sflag:s8], $0x0  }
0x24: {  	s3 =	sadd.s32 $0x88, s3;
	s6 =	simm.s32 @!p1 $0x1082;
	[sflag:s4] =	ssyncset.s32 $0xFFFFF086  }
0x25: {  	[simem:s6], [sflag:s4] =	dma.local [hbm:s3], $0xF7A  }
0x26: {  	[smem:$0x3F98] =	sst s1;
	(tag) =	ssettag s2;
	_ =	strace s9  }
0x27: {  	s1 =	sld [smem:$0x3FA8]  }
0x28: {  	s2 =	sld [smem:$0x3FA9]  }
0x29: {  	s4 =	sld [smem:$0x3FAB]  }
0x2a: {  	p0 =	seq.s32 s5, $0x0;
	s5 =	sld [smem:$0x3FAC]  }
0x2b: {  	s6 =	sld [smem:$0x3FAD]  }
0x2c: {  	s7 =	sld [smem:$0x3FAE]  }
0x2d: {  	s3 =	simm.s32 $0x108;
	s8 =	sld [smem:$0x3FAF]  }
0x2e: {  	s3 =	simm.s32 @!p0 $0x1082;
	s9 =	sld [smem:$0x3FB0]  }
0x2f: {  	lr =	sadd.s32 s0, s3;
	s0 =	sld [smem:$0x3FA7]  }
0x30: {  	s3 =	sld [smem:$0x3FAA]  }
0x31: {  	[smem:$0x3FB3] =	sst s10  }
0x32: {  	s10 =	sld [smem:$0x3FB1];
	_ =	sdelay $0x3  }
0x33: {  	p0 =	seq.s32 s10, $0x1;
	s10 =	sld [smem:$0x3FB3];
	_ =	sdelay $0x3  }
0x34: {  	[smem:$0x3FB3] =	sst s10  }
0x35: {  	s10 =	sld [smem:$0x3FB2];
	_ =	sdelay $0x3  }
0x36: {  	p1 =	seq.s32 s10, $0x1;
	s10 =	sld [smem:$0x3FB3];
	_ =	sdelay $0x3  }
0x37: {  	[smem:$0x3FB3] =	sst s10  }
0x38: {  	s10 =	sld [smem:$0x3FB4]  }
0x39: {  	_ = 	snop;
	(pc) =	sbr.ind lr, $3  }
0x3a: {  	_ = 	snop  }
0x3b: {  	_ = 	snop  }
0x3c: {  	p2 =	seq.s32 s10, $0x1;
	s10 =	sld [smem:$0x3FB3]  }
0x3d: {  	_ =	shalt  }
0x3e: {  	_ =	shalt  }
0x3f: {  	_ =	shalt  }
0x40: {  	_ =	shalt  }
0x41: {  	_ =	shalt  }
0x42: {  	_ =	shalt  }
0x43: {  	_ =	shalt  }
0x44: {  	_ =	shalt  }
0x45: {  	_ =	shalt  }
0x46: {  	_ =	shalt  }
0x47: {  	_ =	shalt  }
0x48: {  	_ =	shalt  }
0x49: {  	_ =	shalt  }
0x4a: {  	_ =	shalt  }
0x4b: {  	_ =	shalt  }
0x4c: {  	_ =	shalt  }
0x4d: {  	_ =	shalt  }
0x4e: {  	_ =	shalt  }
0x4f: {  	_ =	shalt  }
0x50: {  	_ =	shalt  }
0x51: {  	_ =	shalt  }
0x52: {  	_ =	shalt  }
0x53: {  	_ =	shalt  }
0x54: {  	_ =	shalt  }
0x55: {  	_ =	shalt  }
0x56: {  	_ =	shalt  }
0x57: {  	_ =	shalt  }
0x58: {  	_ =	shalt  }
0x59: {  	_ =	shalt  }
0x5a: {  	_ =	shalt  }
0x5b: {  	_ =	shalt  }
0x5c: {  	_ =	shalt  }
0x5d: {  	_ =	shalt  }
0x5e: {  	_ =	shalt  }
0x5f: {  	_ =	shalt  }
0x60: {  	_ =	shalt  }
0x61: {  	_ =	shalt  }
0x62: {  	_ =	shalt  }
0x63: {  	_ =	shalt  }
0x64: {  	_ =	shalt  }
0x65: {  	_ =	shalt  }
0x66: {  	_ =	shalt  }
0x67: {  	_ =	shalt  }
0x68: {  	_ =	shalt  }
0x69: {  	_ =	shalt  }
0x6a: {  	_ =	shalt  }
0x6b: {  	_ =	shalt  }
0x6c: {  	_ =	shalt  }
0x6d: {  	_ =	shalt  }
0x6e: {  	_ =	shalt  }
0x6f: {  	_ =	shalt  }
0x70: {  	_ =	shalt  }
0x71: {  	_ =	shalt  }
0x72: {  	_ =	shalt  }
0x73: {  	_ =	shalt  }
0x74: {  	_ =	shalt  }
0x75: {  	_ =	shalt  }
0x76: {  	_ =	shalt  }
0x77: {  	_ =	shalt  }
0x78: {  	_ =	shalt  }
0x79: {  	_ =	shalt  }
0x7a: {  	_ =	shalt  }
0x7b: {  	_ =	shalt  }
0x7c: {  	_ =	shalt  }
0x7d: {  	_ =	shalt  }
0x7e: {  	_ =	shalt  }
0x7f: {  	_ =	shalt  }
0x80: {  	_ =	shalt  }
0x81: {  	_ =	shalt  }
0x82: {  	_ =	shalt  }
0x83: {  	_ =	shalt  }
0x84: {  	_ =	shalt  }
0x85: {  	_ =	shalt  }
0x86: {  	_ =	shalt  }
0x87: {  	_ =	shalt  }
.Lfunc_end0:
.L_simem_size_0:
called_computation.3_lowered:
.L_overlay_start_0:
0x88: {  	s2 =	sld [smem:$0x3FD9]  }
0x89: {  	s3 =	sld [smem:$0x3FFE];
	_ =	sdelay $0x1  }
0x8a: {  	s1 =	srdreg.scid  }
0x8b: {  	s0 =	sand.u32 $0x1, s1  }
0x8c: {  	s17 =	sshll.u32 s0, $0xA;
	s2 =	sadd.s32 s3, s2  }
0x8d: {  	s2 =	sadd.s32 s2, s17  }
0x8e: {  	[smem:$0x3FBF] =	sst s2  }
0x8f: {  	_ = 	snop  }
0x90: {  	s2 =	sld [smem:$0x3FD0];
	(tm) =	ssettm $0x1  }
0x91: {  	s18 =	sld [smem:$0x3FFB];
	_ =	sdelay $0x3  }
0x92: {  	_ =	strace s18  }
0x93: {  	s3 =	sld [smem:$0x3FFC];
	_ =	sdelay $0x3  }
0x94: {  	_ =	strace s3  }
0x95: {  	s3 =	sld [smem:$0x3FFD];
	_ =	sdelay $0x3  }
0x96: {  	_ =	strace s3  }
0x97: {  	_ =	strace $0x8FFFFFFF  }
0x98: {  	s19 =	sld [smem:$0x3FDB];
	_ =	sdelay $0x1  }
0x99: {  	s4 =	simm.s32 $_scs_section_size  }
0x9a: {  	s5 =	simm.s32 $_size__tile_overlayer_lowered;
	s6 =	simm.s32 $_tile_overlayer_lowered  }
0x9b: {  	s22 =	simm.s32 $0x1BFF;
	s21 =	sshll.u32 s6, $0x1;
	s3 =	sadd.s32 s4, s19  }
0x9c: {  	s7 =	simm.s32 $0x0;
	s20 =	sshll.u32 s5, $0x1;
	s5 =	sadd.s32 s21, s3  }
0x9d: {  	[timem:s7], [sflag:s22] =	dma.local [hbm:s5], s20  }
0x9e: {  	_ =	swait.ge [sflag:s22], s20  }
0x9f: {  	s4 =	ssub.s32 $0x0, s20;
	[sflag:s22] =	ssyncset.done $0x0  }
0xa0: {  	[sflag:s22] =	ssyncadd.s32 s4;
	_ =	sdelay $0x1  }
0xa1: {  	s23 =	simm.s32 $0x1B8B  }
0xa2: {  	_ =	swait.ge [sflag:s23], $0x1  }
0xa3: {  	[sflag:s23] =	ssyncset.done $0x0  }
0xa4: {  	s25 =	simm.s32 $0x1B8E;
	s24 =	sld [smem:$0x3FFE];
	[sflag:s23] =	ssyncadd.s32 $0xFFFFFFFF  }
0xa5: {  	s26 =	simm.s32 $execute0_lowered;
	[smem:$0x3FD2] =	sst s25  }
0xa6: {  	s5 =	sshll.u32 s26, $0x1;
	_ =	strace $0x8000004F;
	[dreg:$0x1] =	wrdreg $0xFFFFFFFF  }
0xa7: {  	s28 =	simm.s32 $_size_execute0_lowered;
	s3 =	sadd.s32 s3, s5;
	[dreg:$0x0] =	wrdreg $0x0  }
0xa8: {  	s5 =	sshll.u32 s28, $0x1;
	[dreg:$0x2] =	wrdreg s3  }
0xa9: {  	[dreg:$0x3] =	wrdreg s5  }
0xaa: {  	[dreg:$0x4] =	wrdreg $0xC0  }
0xab: {  	_ =	task [dreg:s7], $0x5FFFF  }
0xac: {  	[dreg:$0x1] =	wrdreg $0xFFFFFFFF  }
0xad: {  	[dreg:$0x0] =	wrdreg $0x60  }
0xae: {  	[dreg:$0x2] =	wrdreg s2  }
0xaf: {  	[dreg:$0x3] =	wrdreg s24  }
0xb0: {  	[dreg:$0x4] =	wrdreg $0xEC400  }
0xb1: {  	[dreg:$0x5] =	wrdreg $0x9  }
0xb2: {  	_ =	task.clear_ibuf [dreg:s7], $0x6FFFF;
	_ =	strace $0x9000004F  }
0xb3: {  	s29 =	simm.s32 $0x9;
	_ =	strace $0x80000051  }
0xb4: {  	_ =	swait.ge [sflag:s29], $0x1  }
0xb5: {  	[sflag:s29] =	ssyncadd.s32 $0xFFFFFFFF  }
0xb6: {  	_ =	strace $0x90000051  }
0xb7: {  	_ =	sfence  }
0xb8: {  	s30 =	sld [smem:$0x0];
	_ =	sdelay $0x2  }
0xb9: {  	s31 =	sshll.u32 s1, $0xD;
	s1 =	sshrl.u32 s1, $0x2  }
0xba: {  	s3 =	sand.u32 $0x4000, s31;
	s1 =	sadd.s32 s1, s30  }
0xbb: {  	s0 =	sor.u32 s3, s0;
	s1 =	sshll.u32 s1, $0x11  }
0xbc: {  	s0 =	sor.u32 s1, s0  }
0xbd: {  	s0 =	sadd.s32 $0x8F2B, s0  }
0xbe: {  	[sflag:s0] =	ssyncadd.remote.s32 $0x1  }
0xbf: {  	_ =	sfence.sel $0xFFFF  }
0xc0: {  	[dreg:$0x0] =	wrdreg $0xFFFFFFFF;
	(pc) =	sbr.abs _section_cstart, $3  }
0xc1: {  	[dreg:$0x1] =	wrdreg $0xFFFFFFFF  }
0xc2: {  	_ =	task.clear_ibuf [dreg:s7], $0x2FFFF;
	_ =	strace $0x9FFFFFFF  }
0xc3: {  	(tm) =	ssettm $0x7FFFFFFF  }
tec
execute0_lowered:
.L_overlay_start_1:
0x0: {  	(tag) =	ssettag $0x1  }
0x1: {  	s2 =	rddreg [dreg:$0x0]  }
0x2: {  	s0 =	rddreg [dreg:$0x1]  }
0x3: {  	s3 =	rddreg [dreg:$0x2];
	s1 =	srdreg.scid  }
0x4: {  	s8 =	stileid.u32;
	s4 =	simm.s32 $0x0;
	s15 =	simm.s32 $0x6  }
0x5: {  	s16 =	simm.s32 $0x2800;
	s17 =	simm.s32 $0x5000;
	s18 =	simm.s32 $0x7D  }
0x6: {  	s20 =	simm.s32 $0x6F40;
	s22 =	simm.s32 $0x8E80;
	s23 =	simm.s32 $0x1  }
0x7: {  	s25 =	simm.s32 $0xADC0;
	s26 =	simm.s32 $0x2;
	s30 =	simm.s32 $0xCD00  }
0x8: {  	s31 =	simm.s32 $0x3;
	s21 =	simm.s32 $0x4;
	s28 =	simm.s32 $0x5  }
0x9: {  	s24 =	simm.s32 $0x0;
	s1 =	sand.u32 $0x1, s1;
	s7 =	smul.u32 $0xA000, s8  }
0xa: {  	[smem:$0x7FF] =	sst s4;
	s5 =	sshll.u32 s1, $0x4;
	s6 =	smul.u32 $0xA0000, s1  }
0xb: {  	s1 =	ssub.s32 $0x2, s1;
	s5 =	sor.u32 s8, s5;
	s8 =	smul.u32 $0x28000, s8  }
0xc: {  	_ =	strace $0x80000050;
	s29 =	sshrl.u32 s1, $0x1;
	s5 =	smul.u32 $0x500, s5  }
0xd: {  	s6 =	sadd.s32 s7, s6;
	s1 =	ssub.s32 s1, s29;
	s7 =	sadd.s32 s7, s3  }
0xe: {  	s6 =	sshrl.u32 s6, $0x3;
	s8 =	sshrl.u32 s8, $0x2;
	s14 =	smax.u32 s1, $0x1  }
0xf: {  	s1 =	simm.s32 $0x4F80;
	s9 =	sadd.s32 s5, s0;
	s0 =	sadd.s32 s6, s0  }
0x10: {  	s12 =	sadd.s32 s8, s3;
	s5 =	sadd.s32 $0xE200, s9;
	s6 =	sadd.s32 $0x4200, s9  }
0x11: {  	s8 =	sadd.s32 $0x1F40, s12;
	s9 =	sadd.s32 $0x3E80, s12;
	s10 =	sadd.s32 $0x5DC0, s12  }
0x12: {  	v0 =	vimm.f32 $0.0e+00;
	s11 =	sadd.s32 $0x7D00, s12;
	s12 =	sadd.s32 $0x9C40, s12;
	s13 =	sadd.s32 $0x18200, s0  }
.LBB2_1:
0x13: {  	[tilespmem:s4], [sflag:$0x6] =	stream.linear.gather [hbm4b:s5+s4], $0x2800, $0x38;
	[tilespmem:$0x18C40] =	vst v63  }
0x14: {  	_ =	swait.ge [sflag:s15], $0x2800  }
0x15: {  	[sflag:s15] =	ssyncset.done $0x0  }
0x16: {  	[sflag:s15] =	ssyncadd.s32 $0xFFFFD800  }
0x17: {  	[tilespmem:s16], [sflag:$0x6] =	stream.linear.gather [hbm4b:s6+s4], $0x2800, $0x38;
	[tilespmem:$0x18C40] =	vst v63  }
0x18: {  	_ =	swait.ge [sflag:s15], $0x2800  }
0x19: {  	[sflag:s15] =	ssyncset.done $0x0  }
0x1a: {  	s29 =	simm.s32 $0x100;
	s0 =	simm.s32 $0x0;
	[sflag:s15] =	ssyncadd.s32 $0xFFFFD800  }
.LBB2_2:
0x1b: {  	p0 =	sne.s32 s29, $0x7C00;
	[tilespmem:s0+$0x5030] =	vst v0;
	s19 =	smov.u32 s29;
	s29 =	sadd.s32 $0x100, s29  }
.Ltmp0:
0x1c: {  	[tilespmem:s0+$0x5020] =	vst v0;
	(pc) =	sbr.rel @p0 .LBB2_2-.Ltmp0, $3  }
0x1d: {  	[tilespmem:s0+$0x5000] =	vst v0  }
0x1e: {  	[tilespmem:s0+$0x5010] =	vst v0;
	_ =	sdelay $0x1  }
0x1f: {  	s0 =	sshra.s32 s19, $0x2  }
0x20: {  	[tilespmem:s0+$0x5030] =	vst v0  }
0x21: {  	[tilespmem:s0+$0x5020] =	vst v0  }
0x22: {  	[tilespmem:s0+$0x5000] =	vst v0  }
0x23: {  	[tilespmem:s0+$0x5010] =	vst v0  }
0x24: {  	[spmem:s7] =	stream.linear.scatter [tilespmem:s17], [sflag:$0x6], $0x1F40, $0x38;
	[tilespmem:$0x18C40] =	vst v63  }
0x25: {  	_ =	swait.ge [sflag:s15], $0x1F40  }
0x26: {  	[sflag:s15] =	ssyncset.done $0x0  }
0x27: {  	[sflag:s15] =	ssyncadd.s32 $0xFFFFE0C0  }
0x28: {  	[spmem:s8] =	stream.linear.scatter [tilespmem:s17], [sflag:$0x6], $0x1F40, $0x38;
	[tilespmem:$0x18C40] =	vst v63  }
0x29: {  	_ =	swait.ge [sflag:s15], $0x1F40  }
0x2a: {  	[sflag:s15] =	ssyncset.done $0x0  }
0x2b: {  	[sflag:s15] =	ssyncadd.s32 $0xFFFFE0C0  }
0x2c: {  	[spmem:s9] =	stream.linear.scatter [tilespmem:s17], [sflag:$0x6], $0x1F40, $0x38;
	[tilespmem:$0x18C40] =	vst v63  }
0x2d: {  	_ =	swait.ge [sflag:s15], $0x1F40  }
0x2e: {  	[sflag:s15] =	ssyncset.done $0x0  }
0x2f: {  	[sflag:s15] =	ssyncadd.s32 $0xFFFFE0C0  }
0x30: {  	[spmem:s10] =	stream.linear.scatter [tilespmem:s17], [sflag:$0x6], $0x1F40, $0x38;
	[tilespmem:$0x18C40] =	vst v63  }
0x31: {  	_ =	swait.ge [sflag:s15], $0x1F40  }
0x32: {  	[sflag:s15] =	ssyncset.done $0x0  }
0x33: {  	[sflag:s15] =	ssyncadd.s32 $0xFFFFE0C0  }
0x34: {  	[spmem:s11] =	stream.linear.scatter [tilespmem:s17], [sflag:$0x6], $0x1F40, $0x38;
	[tilespmem:$0x18C40] =	vst v63  }
0x35: {  	_ =	swait.ge [sflag:s15], $0x1F40  }
0x36: {  	[sflag:s15] =	ssyncset.done $0x0  }
0x37: {  	[sflag:s15] =	ssyncadd.s32 $0xFFFFE0C0  }
0x38: {  	[spmem:s12] =	stream.linear.scatter [tilespmem:s17], [sflag:$0x6], $0x3C0, $0x38;
	[tilespmem:$0x18C40] =	vst v63  }
0x39: {  	_ =	swait.ge [sflag:s15], $0x3C0  }
0x3a: {  	[sflag:s15] =	ssyncset.done $0x0  }
0x3b: {  	[sflag:s15] =	ssyncadd.s32 $0xFFFFFC40  }
0x3c: {  	s19 =	simm.s32 $0x0;
	[bflag:$0x0] =	sbarrier.arrive $0xFFFF  }
0x3d: {  	[tilespmem:s17], [sflag:$0x1] =	stream.indirect.gather [hbm4b:s2+s18], $0x40, s19, s18, $0xb8;
	[tilespmem:$0x18C40] =	vst v63  }
0x3e: {  	s19 =	simm.s32 $0x80  }
0x3f: {  	[tilespmem:s20], [sflag:$0x2] =	stream.indirect.gather [hbm4b:s2+s18], $0x40, s19, s18, $0xb8;
	[tilespmem:$0x18C40] =	vst v63  }
0x40: {  	s19 =	simm.s32 $0x100  }
0x41: {  	[tilespmem:s22], [sflag:$0x3] =	stream.indirect.gather [hbm4b:s2+s18], $0x40, s19, s18, $0xb8;
	[tilespmem:$0x18C40] =	vst v63  }
0x42: {  	_ =	swait.ge [sflag:s23], $0x1F40  }
0x43: {  	[sflag:s23] =	ssyncset.done $0x0  }
0x44: {  	[sflag:s23] =	ssyncadd.s32 $0xFFFFE0C0  }
0x45: {  	[spmem:s3] =	stream.indirect.scatter.add.f32 [tilespmem:s17], [sflag:$0x1], $0x40, s16, s18, $0xb8;
	[tilespmem:$0x18C40] =	vst v63  }
0x46: {  	s19 =	simm.s32 $0x180  }
0x47: {  	[tilespmem:s25], [sflag:$0x4] =	stream.indirect.gather [hbm4b:s2+s18], $0x40, s19, s18, $0xb8;
	[tilespmem:$0x18C40] =	vst v63  }
0x48: {  	_ =	swait.ge [sflag:s26], $0x1F40  }
0x49: {  	[sflag:s26] =	ssyncset.done $0x0  }
0x4a: {  	s19 =	simm.s32 $0x2880;
	[sflag:s26] =	ssyncadd.s32 $0xFFFFE0C0  }
0x4b: {  	[spmem:s3] =	stream.indirect.scatter.add.f32 [tilespmem:s20], [sflag:$0x2], $0x40, s19, s18, $0xb8;
	[tilespmem:$0x18C40] =	vst v63  }
0x4c: {  	s19 =	simm.s32 $0x200  }
0x4d: {  	[tilespmem:s30], [sflag:$0x5] =	stream.indirect.gather [hbm4b:s2+s18], $0x40, s19, s18, $0xb8;
	[tilespmem:$0x18C40] =	vst v63  }
0x4e: {  	_ =	swait.ge [sflag:s31], $0x1F40  }
0x4f: {  	[sflag:s31] =	ssyncset.done $0x0  }
0x50: {  	s19 =	simm.s32 $0x2900;
	[sflag:s31] =	ssyncadd.s32 $0xFFFFE0C0  }
0x51: {  	[spmem:s3] =	stream.indirect.scatter.add.f32 [tilespmem:s22], [sflag:$0x3], $0x40, s19, s18, $0xb8;
	[tilespmem:$0x18C40] =	vst v63  }
0x52: {  	_ =	swait.ge [sflag:s23], $0x1F40  }
0x53: {  	[sflag:s23] =	ssyncset.done $0x0  }
0x54: {  	s19 =	simm.s32 $0x280;
	[sflag:s23] =	ssyncadd.s32 $0xFFFFE0C0  }
0x55: {  	[tilespmem:s17], [sflag:$0x1] =	stream.indirect.gather [hbm4b:s2+s18], $0x40, s19, s18, $0xb8;
	[tilespmem:$0x18C40] =	vst v63  }
0x56: {  	_ =	swait.ge [sflag:s21], $0x1F40  }
0x57: {  	[sflag:s21] =	ssyncset.done $0x0  }
0x58: {  	s19 =	simm.s32 $0x2980;
	[sflag:s21] =	ssyncadd.s32 $0xFFFFE0C0  }
0x59: {  	[spmem:s3] =	stream.indirect.scatter.add.f32 [tilespmem:s25], [sflag:$0x4], $0x40, s19, s18, $0xb8;
	[tilespmem:$0x18C40] =	vst v63  }
0x5a: {  	_ =	swait.ge [sflag:s26], $0x1F40  }
0x5b: {  	[sflag:s26] =	ssyncset.done $0x0  }
0x5c: {  	s19 =	simm.s32 $0x300;
	[sflag:s26] =	ssyncadd.s32 $0xFFFFE0C0  }
0x5d: {  	[tilespmem:s20], [sflag:$0x2] =	stream.indirect.gather [hbm4b:s2+s18], $0x40, s19, s18, $0xb8;
	[tilespmem:$0x18C40] =	vst v63  }
0x5e: {  	_ =	swait.ge [sflag:s28], $0x1F40  }
0x5f: {  	[sflag:s28] =	ssyncset.done $0x0  }
0x60: {  	s19 =	simm.s32 $0x2A00;
	[sflag:s28] =	ssyncadd.s32 $0xFFFFE0C0  }
0x61: {  	[spmem:s3] =	stream.indirect.scatter.add.f32 [tilespmem:s30], [sflag:$0x5], $0x40, s19, s18, $0xb8;
	[tilespmem:$0x18C40] =	vst v63  }
0x62: {  	_ =	swait.ge [sflag:s31], $0x1F40  }
0x63: {  	[sflag:s31] =	ssyncset.done $0x0  }
0x64: {  	s19 =	simm.s32 $0x380;
	[sflag:s31] =	ssyncadd.s32 $0xFFFFE0C0  }
0x65: {  	[tilespmem:s22], [sflag:$0x3] =	stream.indirect.gather [hbm4b:s2+s18], $0x40, s19, s18, $0xb8;
	[tilespmem:$0x18C40] =	vst v63  }
0x66: {  	_ =	swait.ge [sflag:s23], $0x1F40  }
0x67: {  	[sflag:s23] =	ssyncset.done $0x0  }
0x68: {  	s19 =	simm.s32 $0x2A80;
	[sflag:s23] =	ssyncadd.s32 $0xFFFFE0C0  }
0x69: {  	[spmem:s3] =	stream.indirect.scatter.add.f32 [tilespmem:s17], [sflag:$0x1], $0x40, s19, s18, $0xb8;
	[tilespmem:$0x18C40] =	vst v63  }
0x6a: {  	_ =	swait.ge [sflag:s21], $0x1F40  }
0x6b: {  	[sflag:s21] =	ssyncset.done $0x0  }
0x6c: {  	s19 =	simm.s32 $0x400;
	[sflag:s21] =	ssyncadd.s32 $0xFFFFE0C0  }
0x6d: {  	[tilespmem:s25], [sflag:$0x4] =	stream.indirect.gather [hbm4b:s2+s18], $0x40, s19, s18, $0xb8;
	[tilespmem:$0x18C40] =	vst v63  }
0x6e: {  	_ =	swait.ge [sflag:s26], $0x1F40  }
0x6f: {  	[sflag:s26] =	ssyncset.done $0x0  }
0x70: {  	s19 =	simm.s32 $0x2B00;
	[sflag:s26] =	ssyncadd.s32 $0xFFFFE0C0  }
0x71: {  	[spmem:s3] =	stream.indirect.scatter.add.f32 [tilespmem:s20], [sflag:$0x2], $0x40, s19, s18, $0xb8;
	[tilespmem:$0x18C40] =	vst v63  }
0x72: {  	_ =	swait.ge [sflag:s28], $0x1F40  }
0x73: {  	[sflag:s28] =	ssyncset.done $0x0  }
0x74: {  	s19 =	simm.s32 $0x480;
	[sflag:s28] =	ssyncadd.s32 $0xFFFFE0C0  }
0x75: {  	[tilespmem:s30], [sflag:$0x5] =	stream.indirect.gather [hbm4b:s2+s18], $0x40, s19, s18, $0xb8;
	[tilespmem:$0x18C40] =	vst v63  }
0x76: {  	_ =	swait.ge [sflag:s31], $0x1F40  }
0x77: {  	[sflag:s31] =	ssyncset.done $0x0  }
0x78: {  	s19 =	simm.s32 $0x2B80;
	[sflag:s31] =	ssyncadd.s32 $0xFFFFE0C0  }
0x79: {  	[spmem:s3] =	stream.indirect.scatter.add.f32 [tilespmem:s22], [sflag:$0x3], $0x40, s19, s18, $0xb8;
	[tilespmem:$0x18C40] =	vst v63  }
0x7a: {  	_ =	swait.ge [sflag:s23], $0x1F40  }
0x7b: {  	[sflag:s23] =	ssyncset.done $0x0  }
0x7c: {  	s19 =	simm.s32 $0x500;
	[sflag:s23] =	ssyncadd.s32 $0xFFFFE0C0  }
0x7d: {  	[tilespmem:s17], [sflag:$0x1] =	stream.indirect.gather [hbm4b:s2+s18], $0x40, s19, s18, $0xb8;
	[tilespmem:$0x18C40] =	vst v63  }
0x7e: {  	_ =	swait.ge [sflag:s21], $0x1F40  }
0x7f: {  	[sflag:s21] =	ssyncset.done $0x0  }
0x80: {  	s19 =	simm.s32 $0x2C00;
	[sflag:s21] =	ssyncadd.s32 $0xFFFFE0C0  }
0x81: {  	[spmem:s3] =	stream.indirect.scatter.add.f32 [tilespmem:s25], [sflag:$0x4], $0x40, s19, s18, $0xb8;
	[tilespmem:$0x18C40] =	vst v63  }
0x82: {  	_ =	swait.ge [sflag:s26], $0x1F40  }
0x83: {  	[sflag:s26] =	ssyncset.done $0x0  }
0x84: {  	s19 =	simm.s32 $0x580;
	[sflag:s26] =	ssyncadd.s32 $0xFFFFE0C0  }
0x85: {  	[tilespmem:s20], [sflag:$0x2] =	stream.indirect.gather [hbm4b:s2+s18], $0x40, s19, s18, $0xb8;
	[tilespmem:$0x18C40] =	vst v63  }
0x86: {  	_ =	swait.ge [sflag:s28], $0x1F40  }
0x87: {  	[sflag:s28] =	ssyncset.done $0x0  }
0x88: {  	s29 =	simm.s32 $0xA00;
	s0 =	simm.s32 $0x2C80;
	[sflag:s28] =	ssyncadd.s32 $0xFFFFE0C0  }
.LBB2_4:
0x89: {  	[spmem:s3] =	stream.indirect.scatter.add.f32 [tilespmem:s30], [sflag:$0x5], $0x40, s0, s18, $0xb8;
	[tilespmem:$0x18C40] =	vst v63  }
0x8a: {  	s0 =	smov.u32 s29  }
0x8b: {  	p0 =	sne.s32 s29, $0x8200;
	s29 =	sadd.s32 $0xA00, s29;
	_ =	swait.ge [sflag:s31], $0x1F40  }
0x8c: {  	s0 =	sshra.s32 s0, $0x2;
	[sflag:s31] =	ssyncset.done $0x0  }
0x8d: {  	s19 =	sadd.s32 $0x380, s0;
	[sflag:s31] =	ssyncadd.s32 $0xFFFFE0C0  }
0x8e: {  	[tilespmem:s22], [sflag:$0x3] =	stream.indirect.gather [hbm4b:s2+s18], $0x40, s19, s18, $0xb8;
	[tilespmem:$0x18C40] =	vst v63  }
0x8f: {  	_ =	swait.ge [sflag:s23], $0x1F40  }
0x90: {  	[sflag:s23] =	ssyncset.done $0x0  }
0x91: {  	s19 =	sadd.s32 $0x2A80, s0;
	[sflag:s23] =	ssyncadd.s32 $0xFFFFE0C0  }
0x92: {  	[spmem:s3] =	stream.indirect.scatter.add.f32 [tilespmem:s17], [sflag:$0x1], $0x40, s19, s18, $0xb8;
	[tilespmem:$0x18C40] =	vst v63  }
0x93: {  	_ =	swait.ge [sflag:s21], $0x1F40  }
0x94: {  	[sflag:s21] =	ssyncset.done $0x0  }
0x95: {  	s19 =	sadd.s32 $0x400, s0;
	[sflag:s21] =	ssyncadd.s32 $0xFFFFE0C0  }
0x96: {  	[tilespmem:s25], [sflag:$0x4] =	stream.indirect.gather [hbm4b:s2+s18], $0x40, s19, s18, $0xb8;
	[tilespmem:$0x18C40] =	vst v63  }
0x97: {  	_ =	swait.ge [sflag:s26], $0x1F40  }
0x98: {  	[sflag:s26] =	ssyncset.done $0x0  }
0x99: {  	s19 =	sadd.s32 $0x2B00, s0;
	[sflag:s26] =	ssyncadd.s32 $0xFFFFE0C0  }
0x9a: {  	[spmem:s3] =	stream.indirect.scatter.add.f32 [tilespmem:s20], [sflag:$0x2], $0x40, s19, s18, $0xb8;
	[tilespmem:$0x18C40] =	vst v63  }
0x9b: {  	_ =	swait.ge [sflag:s28], $0x1F40  }
0x9c: {  	[sflag:s28] =	ssyncset.done $0x0  }
0x9d: {  	s19 =	sadd.s32 $0x480, s0;
	[sflag:s28] =	ssyncadd.s32 $0xFFFFE0C0  }
0x9e: {  	[tilespmem:s30], [sflag:$0x5] =	stream.indirect.gather [hbm4b:s2+s18], $0x40, s19, s18, $0xb8;
	[tilespmem:$0x18C40] =	vst v63  }
0x9f: {  	_ =	swait.ge [sflag:s31], $0x1F40  }
0xa0: {  	[sflag:s31] =	ssyncset.done $0x0  }
0xa1: {  	s19 =	sadd.s32 $0x2B80, s0;
	[sflag:s31] =	ssyncadd.s32 $0xFFFFE0C0  }
0xa2: {  	[spmem:s3] =	stream.indirect.scatter.add.f32 [tilespmem:s22], [sflag:$0x3], $0x40, s19, s18, $0xb8;
	[tilespmem:$0x18C40] =	vst v63  }
0xa3: {  	_ =	swait.ge [sflag:s23], $0x1F40  }
0xa4: {  	[sflag:s23] =	ssyncset.done $0x0  }
0xa5: {  	s19 =	sadd.s32 $0x500, s0;
	[sflag:s23] =	ssyncadd.s32 $0xFFFFE0C0  }
0xa6: {  	[tilespmem:s17], [sflag:$0x1] =	stream.indirect.gather [hbm4b:s2+s18], $0x40, s19, s18, $0xb8;
	[tilespmem:$0x18C40] =	vst v63  }
0xa7: {  	_ =	swait.ge [sflag:s21], $0x1F40  }
0xa8: {  	[sflag:s21] =	ssyncset.done $0x0  }
0xa9: {  	s19 =	sadd.s32 $0x2C00, s0;
	[sflag:s21] =	ssyncadd.s32 $0xFFFFE0C0  }
0xaa: {  	[spmem:s3] =	stream.indirect.scatter.add.f32 [tilespmem:s25], [sflag:$0x4], $0x40, s19, s18, $0xb8;
	[tilespmem:$0x18C40] =	vst v63  }
0xab: {  	_ =	swait.ge [sflag:s26], $0x1F40  }
0xac: {  	[sflag:s26] =	ssyncset.done $0x0  }
.Ltmp1:
0xad: {  	s19 =	sadd.s32 $0x580, s0;
	[sflag:s26] =	ssyncadd.s32 $0xFFFFE0C0;
	(pc) =	sbr.rel @p0 .LBB2_4-.Ltmp1, $4  }
0xae: {  	[tilespmem:s20], [sflag:$0x2] =	stream.indirect.gather [hbm4b:s2+s18], $0x40, s19, s18, $0xb8;
	[tilespmem:$0x18C40] =	vst v63  }
0xaf: {  	_ =	swait.ge [sflag:s28], $0x1F40  }
0xb0: {  	[sflag:s28] =	ssyncset.done $0x0  }
0xb1: {  	s0 =	sadd.s32 $0x2C80, s0;
	[sflag:s28] =	ssyncadd.s32 $0xFFFFE0C0  }
0xb2: {  	[spmem:s3] =	stream.indirect.scatter.add.f32 [tilespmem:s30], [sflag:$0x5], $0x40, s0, s18, $0xb8;
	[tilespmem:$0x18C40] =	vst v63  }
0xb3: {  	_ =	swait.ge [sflag:s31], $0x1F40  }
0xb4: {  	[sflag:s31] =	ssyncset.done $0x0  }
0xb5: {  	s19 =	simm.s32 $0x2680;
	[sflag:s31] =	ssyncadd.s32 $0xFFFFE0C0  }
0xb6: {  	[tilespmem:s22], [sflag:$0x3] =	stream.indirect.gather [hbm4b:s2+s18], $0x40, s19, s18, $0xb8;
	[tilespmem:$0x18C40] =	vst v63  }
0xb7: {  	_ =	swait.ge [sflag:s23], $0x1F40  }
0xb8: {  	[sflag:s23] =	ssyncset.done $0x0  }
0xb9: {  	s29 =	simm.s32 $0x4D80;
	[sflag:s23] =	ssyncadd.s32 $0xFFFFE0C0  }
0xba: {  	[spmem:s3] =	stream.indirect.scatter.add.f32 [tilespmem:s17], [sflag:$0x1], $0x40, s29, s18, $0xb8;
	[tilespmem:$0x18C40] =	vst v63  }
0xbb: {  	_ =	swait.ge [sflag:s21], $0x1F40  }
0xbc: {  	[sflag:s21] =	ssyncset.done $0x0  }
0xbd: {  	s19 =	simm.s32 $0x2700;
	[sflag:s21] =	ssyncadd.s32 $0xFFFFE0C0  }
0xbe: {  	[tilespmem:s25], [sflag:$0x4] =	stream.indirect.gather [hbm4b:s2+s18], $0x40, s19, s18, $0xb8;
	[tilespmem:$0x18C40] =	vst v63  }
0xbf: {  	_ =	swait.ge [sflag:s26], $0x1F40  }
0xc0: {  	[sflag:s26] =	ssyncset.done $0x0  }
0xc1: {  	s29 =	simm.s32 $0x4E00;
	[sflag:s26] =	ssyncadd.s32 $0xFFFFE0C0  }
0xc2: {  	[spmem:s3] =	stream.indirect.scatter.add.f32 [tilespmem:s20], [sflag:$0x2], $0x40, s29, s18, $0xb8;
	[tilespmem:$0x18C40] =	vst v63  }
0xc3: {  	_ =	swait.ge [sflag:s28], $0x1F40  }
0xc4: {  	[sflag:s28] =	ssyncset.done $0x0  }
0xc5: {  	s19 =	simm.s32 $0x2780;
	[sflag:s28] =	ssyncadd.s32 $0xFFFFE0C0  }
0xc6: {  	[tilespmem:s30], [sflag:$0x5] =	stream.indirect.gather [hbm4b:s2+s18], $0x40, s19, s18, $0xb8;
	[tilespmem:$0x18C40] =	vst v63  }
0xc7: {  	_ =	swait.ge [sflag:s31], $0x1F40  }
0xc8: {  	[sflag:s31] =	ssyncset.done $0x0  }
0xc9: {  	s29 =	simm.s32 $0x4E80;
	[sflag:s31] =	ssyncadd.s32 $0xFFFFE0C0  }
0xca: {  	[spmem:s3] =	stream.indirect.scatter.add.f32 [tilespmem:s22], [sflag:$0x3], $0x40, s29, s18, $0xb8;
	[tilespmem:$0x18C40] =	vst v63  }
0xcb: {  	_ =	swait.ge [sflag:s23], $0x1F40  }
0xcc: {  	[sflag:s23] =	ssyncset.done $0x0  }
0xcd: {  	[sflag:s23] =	ssyncadd.s32 $0xFFFFE0C0  }
0xce: {  	_ =	swait.ge [sflag:s21], $0x1F40  }
0xcf: {  	[sflag:s21] =	ssyncset.done $0x0  }
0xd0: {  	s19 =	simm.s32 $0x4F00;
	[sflag:s21] =	ssyncadd.s32 $0xFFFFE0C0  }
0xd1: {  	[spmem:s3] =	stream.indirect.scatter.add.f32 [tilespmem:s25], [sflag:$0x4], $0x40, s19, s18, $0xb8;
	[tilespmem:$0x18C40] =	vst v63  }
0xd2: {  	_ =	swait.ge [sflag:s26], $0x1F40  }
0xd3: {  	[sflag:s26] =	ssyncset.done $0x0  }
0xd4: {  	[sflag:s26] =	ssyncadd.s32 $0xFFFFE0C0  }
0xd5: {  	_ =	swait.ge [sflag:s28], $0x1F40  }
0xd6: {  	[sflag:s28] =	ssyncset.done $0x0  }
0xd7: {  	[sflag:s28] =	ssyncadd.s32 $0xFFFFE0C0  }
0xd8: {  	[spmem:s3] =	stream.indirect.scatter.add.f32 [tilespmem:s30], [sflag:$0x5], $0x40, s1, s18, $0xb8;
	[tilespmem:$0x18C40] =	vst v63  }
0xd9: {  	_ =	swait.ge [sflag:s31], $0x1F40  }
0xda: {  	[sflag:s31] =	ssyncset.done $0x0  }
0xdb: {  	[sflag:s31] =	ssyncadd.s32 $0xFFFFE0C0  }
0xdc: {  	_ =	swait.ge [sflag:s21], $0x1F40  }
0xdd: {  	[sflag:s21] =	ssyncset.done $0x0  }
0xde: {  	[sflag:s21] =	ssyncadd.s32 $0xFFFFE0C0  }
0xdf: {  	s29 =	stileid.u32;
	_ =	swait.ge [sflag:s28], $0x1F40  }
0xe0: {  	s24 =	sadd.s32 $0x1, s24;
	s0 =	sshll.u32 s29, $0x6;
	[sflag:s28] =	ssyncset.done $0x0  }
0xe1: {  	p0 =	sne.s32 s24, s14;
	s0 =	sor.u32 $0x1C06, s0;
	[sflag:s28] =	ssyncadd.s32 $0xFFFFE0C0  }
.Ltmp2:
0xe2: {  	s19 =	sshrl.u32 s7, $0x3;
	[bflag:$0x0] =	sbarrier.arrive $0xFFFF;
	(pc) =	sbr.rel @p0 .LBB2_1-.Ltmp2, $4  }
0xe3: {  	[hbm:s13], [sflag:s0] =	dma.local [spmem:s19], $0x1400  }
0xe4: {  	_ =	swait.ge [sflag:s15], $0x1400  }
0xe5: {  	[sflag:s15] =	ssyncset.done $0x0  }
0xe6: {  	[sflag:s15] =	ssyncadd.s32 $0xFFFFEC00  }
0xe7: {  	_ =	sfence.sel $0x180000  }
0xe8: {  	[bflag:$0x0] =	sbarrier.arrive $0xFFFF  }
0xe9: {  	_ =	strace $0x90000050  }
0xea: {  	s0 =	stileid.u32;
	[bflag:$0x2] =	sbarrier.arrive $0xFFFF  }
0xeb: {  	p0 =	sne.s32 s0, $0x0;
	s0 =	rddreg [dreg:$0x3]  }
0xec: {  	s0 =	sadd.s32 @!p0 $0x100000, s0  }
0xed: {  	[sflag:s0] =	ssyncadd.tile.s32 @!p0 $0x1;
	_ =	shalt  }
.Lfunc_end2:
_tile_overlayer_lowered:
.L_overlay_start_2:
0xee: {  	(tag) =	ssettag $0x2  }
0xef: {  	s0 =	rddreg [dreg:$0x0];
	s2 =	stileid.u32  }
0xf0: {  	s1 =	rddreg [dreg:$0x1];
	p0 =	sne.s32 s2, $0x0  }
0xf1: {  	s3 =	rddreg [dreg:$0x2];
	[bflag:$0x3] =	sbarrier.arrive $0xFFFF;
	s2 =	simm.s32 @!p0 $0x1C06  }
0xf2: {  	[timem:s3], [sflag:s2] =	dma.local @!p0 [hbm:s0], s1  }
0xf3: {  	s0 =	simm.s32 @!p0 $0x6  }
0xf4: {  	_ =	swait.ge @!p0 [sflag:s0], s1  }
0xf5: {  	s1 =	ssub.s32 @!p0 $0x0, s1;
	[sflag:s0] =	ssyncset.done @!p0 $0x0  }
0xf6: {  	[sflag:s0] =	ssyncadd.s32 @!p0 s1  }
0xf7: {  	[bflag:$0x3] =	sbarrier.arrive $0xFFFF  }
0xf8: {  	_ =	shalt  }

// kernel: kernel.23.cloned.1.call-start
scs
__scs_entry_jumppad:
0x0: {  	(pc) =	sbr.rel $0x88, $3  }
0x1: {  	(tag) =	ssettag $0x0;
	lr =	simm.s32 $0x1  }
0x2: {  	[smem:$0x3F98] =	sst lr;
	_ =	strace $0xD0000000  }
0x3: {  	_ = 	snop  }
0x4: {  	_ = 	snop  }
0x5: {  	_ = 	snop  }
0x6: {  	_ = 	snop  }
0x7: {  	_ = 	snop  }
__scs_overlays_trampoline_lowered:
0x8: {  	[smem:$0x3FA7] =	sst s0  }
0x9: {  	[smem:$0x3FA8] =	sst s1  }
0xa: {  	[smem:$0x3FA9] =	sst s2  }
0xb: {  	[smem:$0x3FAA] =	sst s3  }
0xc: {  	[smem:$0x3FAB] =	sst s4  }
0xd: {  	[smem:$0x3FAC] =	sst s5  }
0xe: {  	[smem:$0x3FAD] =	sst s6  }
0xf: {  	[smem:$0x3FAE] =	sst s7  }
0x10: {  	[smem:$0x3FAF] =	sst s8  }
0x11: {  	[smem:$0x3FB0] =	sst s9;
	s0 =	simm.s32 @!p0 $0x0  }
0x12: {  	s1 =	sld [smem:$0x3F96];
	s0 =	simm.s32 @p0 $0x1  }
0x13: {  	[smem:$0x3FB1] =	sst s0;
	s0 =	simm.s32 @!p1 $0x0  }
0x14: {  	s2 =	sld [smem:$0x3F95];
	s0 =	simm.s32 @p1 $0x1  }
0x15: {  	[smem:$0x3FB2] =	sst s0;
	s0 =	simm.s32 @!p2 $0x0  }
0x16: {  	s3 =	sld [smem:$0x3FDB];
	s0 =	simm.s32 @p2 $0x1  }
0x17: {  	s4 =	simm.s32 $0x1BF5;
	[smem:$0x3FB4] =	sst s0  }
0x18: {  	s0 =	sld [smem:$0x3F97];
	_ =	swait.ge [sflag:s4], $0x0  }
0x19: {  	s7 =	sld [smem:$0x3F98]  }
0x1a: {  	s8 =	sadd.s32 $0xFFFFE003, lr  }
0x1b: {  	s9 =	sadd.s32 $0xFFFFFEF7, lr;
	s5 =	simm.s32 $0xFFFFFFFF;
	p2 =	slt.u32 s8, $0xFFFFF086  }
0x1c: {  	p1 =	slt.u32 s9, $0xF7A;
	s5 =	simm.s32 @!p2 $0x0  }
0x1d: {  	s5 =	simm.s32 @p1 $0x1;
	p0 =	seq.s32 s7, s2  }
0x1e: {  	s7 =	smul.u32 @!p0 $0xF7A, s2;
	p2 =	seq.s32 @!p0 s5, $0x0  }
0x1f: {  	s9 =	smul.u32 $0xF7A, s1;
	s8 =	simm.s32 @!p0 $0x1BF5;
	p2 =	por !p2, p0  }
0x20: {  	[sflag:s8] =	ssyncset.s32 @!p0 $0xFFFFF086;
	s6 =	sadd.s32 @!p0 s3, s7;
	s7 =	simm.s32 @!p0 $0x108  }
0x21: {  	s3 =	sadd.s32 s3, s9;
	s6 =	sadd.s32 @!p0 $0x88, s6;
	s7 =	simm.s32 @p2 $0x1082  }
0x22: {  	[simem:s7], [sflag:s8] =	dma.local @!p0 [hbm:s6], $0xF7A  }
0x23: {  	s9 =	sor.u32 $0xD0000000, s2;
	s6 =	simm.s32 $0x108;
	_ =	swait.ge @!p0 [sflag:s8], $0x0  }
0x24: {  	s3 =	sadd.s32 $0x88, s3;
	s6 =	simm.s32 @!p1 $0x1082;
	[sflag:s4] =	ssyncset.s32 $0xFFFFF086  }
0x25: {  	[simem:s6], [sflag:s4] =	dma.local [hbm:s3], $0xF7A  }
0x26: {  	[smem:$0x3F98] =	sst s1;
	(tag) =	ssettag s2;
	_ =	strace s9  }
0x27: {  	s1 =	sld [smem:$0x3FA8]  }
0x28: {  	s2 =	sld [smem:$0x3FA9]  }
0x29: {  	s4 =	sld [smem:$0x3FAB]  }
0x2a: {  	p0 =	seq.s32 s5, $0x0;
	s5 =	sld [smem:$0x3FAC]  }
0x2b: {  	s6 =	sld [smem:$0x3FAD]  }
0x2c: {  	s7 =	sld [smem:$0x3FAE]  }
0x2d: {  	s3 =	simm.s32 $0x108;
	s8 =	sld [smem:$0x3FAF]  }
0x2e: {  	s3 =	simm.s32 @!p0 $0x1082;
	s9 =	sld [smem:$0x3FB0]  }
0x2f: {  	lr =	sadd.s32 s0, s3;
	s0 =	sld [smem:$0x3FA7]  }
0x30: {  	s3 =	sld [smem:$0x3FAA]  }
0x31: {  	[smem:$0x3FB3] =	sst s10  }
0x32: {  	s10 =	sld [smem:$0x3FB1];
	_ =	sdelay $0x3  }
0x33: {  	p0 =	seq.s32 s10, $0x1;
	s10 =	sld [smem:$0x3FB3];
	_ =	sdelay $0x3  }
0x34: {  	[smem:$0x3FB3] =	sst s10  }
0x35: {  	s10 =	sld [smem:$0x3FB2];
	_ =	sdelay $0x3  }
0x36: {  	p1 =	seq.s32 s10, $0x1;
	s10 =	sld [smem:$0x3FB3];
	_ =	sdelay $0x3  }
0x37: {  	[smem:$0x3FB3] =	sst s10  }
0x38: {  	s10 =	sld [smem:$0x3FB4]  }
0x39: {  	_ = 	snop;
	(pc) =	sbr.ind lr, $3  }
0x3a: {  	_ = 	snop  }
0x3b: {  	_ = 	snop  }
0x3c: {  	p2 =	seq.s32 s10, $0x1;
	s10 =	sld [smem:$0x3FB3]  }
0x3d: {  	_ =	shalt  }
0x3e: {  	_ =	shalt  }
0x3f: {  	_ =	shalt  }
0x40: {  	_ =	shalt  }
0x41: {  	_ =	shalt  }
0x42: {  	_ =	shalt  }
0x43: {  	_ =	shalt  }
0x44: {  	_ =	shalt  }
0x45: {  	_ =	shalt  }
0x46: {  	_ =	shalt  }
0x47: {  	_ =	shalt  }
0x48: {  	_ =	shalt  }
0x49: {  	_ =	shalt  }
0x4a: {  	_ =	shalt  }
0x4b: {  	_ =	shalt  }
0x4c: {  	_ =	shalt  }
0x4d: {  	_ =	shalt  }
0x4e: {  	_ =	shalt  }
0x4f: {  	_ =	shalt  }
0x50: {  	_ =	shalt  }
0x51: {  	_ =	shalt  }
0x52: {  	_ =	shalt  }
0x53: {  	_ =	shalt  }
0x54: {  	_ =	shalt  }
0x55: {  	_ =	shalt  }
0x56: {  	_ =	shalt  }
0x57: {  	_ =	shalt  }
0x58: {  	_ =	shalt  }
0x59: {  	_ =	shalt  }
0x5a: {  	_ =	shalt  }
0x5b: {  	_ =	shalt  }
0x5c: {  	_ =	shalt  }
0x5d: {  	_ =	shalt  }
0x5e: {  	_ =	shalt  }
0x5f: {  	_ =	shalt  }
0x60: {  	_ =	shalt  }
0x61: {  	_ =	shalt  }
0x62: {  	_ =	shalt  }
0x63: {  	_ =	shalt  }
0x64: {  	_ =	shalt  }
0x65: {  	_ =	shalt  }
0x66: {  	_ =	shalt  }
0x67: {  	_ =	shalt  }
0x68: {  	_ =	shalt  }
0x69: {  	_ =	shalt  }
0x6a: {  	_ =	shalt  }
0x6b: {  	_ =	shalt  }
0x6c: {  	_ =	shalt  }
0x6d: {  	_ =	shalt  }
0x6e: {  	_ =	shalt  }
0x6f: {  	_ =	shalt  }
0x70: {  	_ =	shalt  }
0x71: {  	_ =	shalt  }
0x72: {  	_ =	shalt  }
0x73: {  	_ =	shalt  }
0x74: {  	_ =	shalt  }
0x75: {  	_ =	shalt  }
0x76: {  	_ =	shalt  }
0x77: {  	_ =	shalt  }
0x78: {  	_ =	shalt  }
0x79: {  	_ =	shalt  }
0x7a: {  	_ =	shalt  }
0x7b: {  	_ =	shalt  }
0x7c: {  	_ =	shalt  }
0x7d: {  	_ =	shalt  }
0x7e: {  	_ =	shalt  }
0x7f: {  	_ =	shalt  }
0x80: {  	_ =	shalt  }
0x81: {  	_ =	shalt  }
0x82: {  	_ =	shalt  }
0x83: {  	_ =	shalt  }
0x84: {  	_ =	shalt  }
0x85: {  	_ =	shalt  }
0x86: {  	_ =	shalt  }
0x87: {  	_ =	shalt  }
.Lfunc_end0:
.L_simem_size_0:
called_computation.4_lowered:
.L_overlay_start_0:
0x88: {  	s2 =	sld [smem:$0x3FD9]  }
0x89: {  	s3 =	sld [smem:$0x3FFE];
	_ =	sdelay $0x1  }
0x8a: {  	s1 =	srdreg.scid  }
0x8b: {  	s0 =	sand.u32 $0x1, s1  }
0x8c: {  	s17 =	sshll.u32 s0, $0xA;
	s2 =	sadd.s32 s3, s2  }
0x8d: {  	s2 =	sadd.s32 s2, s17  }
0x8e: {  	[smem:$0x3FBF] =	sst s2  }
0x8f: {  	_ = 	snop  }
0x90: {  	s2 =	sld [smem:$0x3FC9]  }
0x91: {  	s18 =	sld [smem:$0x3FD0];
	(tm) =	ssettm $0x1  }
0x92: {  	s4 =	sld [smem:$0x3FFB];
	_ =	sdelay $0x3  }
0x93: {  	_ =	strace s4  }
0x94: {  	s4 =	sld [smem:$0x3FFC];
	_ =	sdelay $0x3  }
0x95: {  	_ =	strace s4  }
0x96: {  	s4 =	sld [smem:$0x3FFD];
	_ =	sdelay $0x3  }
0x97: {  	_ =	strace s4  }
0x98: {  	_ =	strace $0x8FFFFFFF  }
0x99: {  	s19 =	sld [smem:$0x3FDB];
	_ =	sdelay $0x1  }
0x9a: {  	s5 =	simm.s32 $_scs_section_size  }
0x9b: {  	s6 =	simm.s32 $_size__tile_overlayer_lowered;
	s7 =	simm.s32 $_tile_overlayer_lowered  }
0x9c: {  	s22 =	simm.s32 $0x1BFF;
	s21 =	sshll.u32 s7, $0x1;
	s4 =	sadd.s32 s5, s19  }
0x9d: {  	s8 =	simm.s32 $0x0;
	s20 =	sshll.u32 s6, $0x1;
	s6 =	sadd.s32 s21, s4  }
0x9e: {  	[timem:s8], [sflag:s22] =	dma.local [hbm:s6], s20  }
0x9f: {  	_ =	swait.ge [sflag:s22], s20  }
0xa0: {  	s5 =	ssub.s32 $0x0, s20;
	[sflag:s22] =	ssyncset.done $0x0  }
0xa1: {  	[sflag:s22] =	ssyncadd.s32 s5;
	_ =	sdelay $0x1  }
0xa2: {  	s23 =	simm.s32 $0x1B8B  }
0xa3: {  	_ =	swait.ge [sflag:s23], $0x1  }
0xa4: {  	[sflag:s23] =	ssyncset.done $0x0  }
0xa5: {  	s25 =	simm.s32 $0x1B8E;
	s24 =	sld [smem:$0x3FFE];
	[sflag:s23] =	ssyncadd.s32 $0xFFFFFFFF  }
0xa6: {  	s26 =	simm.s32 $execute0_lowered;
	[smem:$0x3FD2] =	sst s25  }
0xa7: {  	s6 =	sshll.u32 s26, $0x1;
	_ =	strace $0x80000052;
	[dreg:$0x1] =	wrdreg $0xFFFFFFFF  }
0xa8: {  	s28 =	simm.s32 $_size_execute0_lowered;
	s4 =	sadd.s32 s4, s6;
	[dreg:$0x0] =	wrdreg $0x0  }
0xa9: {  	s6 =	sshll.u32 s28, $0x1;
	[dreg:$0x2] =	wrdreg s4  }
0xaa: {  	[dreg:$0x3] =	wrdreg s6  }
0xab: {  	[dreg:$0x4] =	wrdreg $0xC0  }
0xac: {  	_ =	task [dreg:s8], $0x5FFFF  }
0xad: {  	[dreg:$0x1] =	wrdreg $0xFFFFFFFF  }
0xae: {  	[dreg:$0x0] =	wrdreg $0x60  }
0xaf: {  	[dreg:$0x2] =	wrdreg s18  }
0xb0: {  	[dreg:$0x3] =	wrdreg s2  }
0xb1: {  	[dreg:$0x4] =	wrdreg s24  }
0xb2: {  	[dreg:$0x5] =	wrdreg $0x9  }
0xb3: {  	_ =	task.clear_ibuf [dreg:s8], $0x6FFFF;
	_ =	strace $0x90000052  }
0xb4: {  	s29 =	simm.s32 $0x9;
	_ =	strace $0x80000054  }
0xb5: {  	_ =	swait.ge [sflag:s29], $0x1  }
0xb6: {  	[sflag:s29] =	ssyncadd.s32 $0xFFFFFFFF  }
0xb7: {  	_ =	strace $0x90000054  }
0xb8: {  	_ =	sfence  }
0xb9: {  	s30 =	sld [smem:$0x0];
	_ =	sdelay $0x2  }
0xba: {  	s31 =	sshll.u32 s1, $0xD;
	s1 =	sshrl.u32 s1, $0x2  }
0xbb: {  	s3 =	sand.u32 $0x4000, s31;
	s1 =	sadd.s32 s1, s30  }
0xbc: {  	s0 =	sor.u32 s3, s0;
	s1 =	sshll.u32 s1, $0x11  }
0xbd: {  	s0 =	sor.u32 s1, s0  }
0xbe: {  	s0 =	sadd.s32 $0x8F2B, s0  }
0xbf: {  	[sflag:s0] =	ssyncadd.remote.s32 $0x1  }
0xc0: {  	_ =	sfence.sel $0xFFFF  }
0xc1: {  	[dreg:$0x0] =	wrdreg $0xFFFFFFFF;
	(pc) =	sbr.abs _section_cstart, $3  }
0xc2: {  	[dreg:$0x1] =	wrdreg $0xFFFFFFFF  }
0xc3: {  	_ =	task.clear_ibuf [dreg:s8], $0x2FFFF;
	_ =	strace $0x9FFFFFFF  }
0xc4: {  	(tm) =	ssettm $0x7FFFFFFF  }
0xc5: {  	_ =	shalt  }
tec
execute0_lowered:
.L_overlay_start_1:
0x0: {  	(tag) =	ssettag $0x1  }
0x1: {  	s1 =	srdreg.scid;
	s0 =	stileid.u32  }
0x2: {  	s13 =	sand.u32 $0x1, s1;
	s29 =	sshll.u32 s0, $0x1  }
0x3: {  	s2 =	rddreg [dreg:$0x0];
	s1 =	sor.u32 s13, s29  }
0x4: {  	s4 =	rddreg [dreg:$0x1];
	s5 =	smul.u32 $0x140, s1  }
0x5: {  	s14 =	rddreg [dreg:$0x2];
	s3 =	simm.s32 $0x0  }
0x6: {  	[smem:$0x7FF] =	sst s3;
	s15 =	smin.u32 s5, $0x25D0  }
0x7: {  	s1 =	rddreg [dreg:$0x3];
	s5 =	sshrl.u32 s15, $0x3  }
0x8: {  	_ =	strace $0x80000053;
	s5 =	sadd.s32 s4, s5;
	s4 =	simm.s32 $0x2  }
0x9: {  	[tilespmem:s3], [sflag:$0x2] =	stream.linear.gather [hbm4b:s5+s3], $0x140, $0x38;
	[tilespmem:$0x5140] =	vst v63  }
0xa: {  	_ =	swait.ge [sflag:s4], $0x140  }
0xb: {  	[sflag:s4] =	ssyncset.done $0x0  }
0xc: {  	s6 =	simm.s32 $0x80;
	s7 =	simm.s32 $0x140;
	[sflag:s4] =	ssyncadd.s32 $0xFFFFFEC0  }
0xd: {  	[tilespmem:s7], [sflag:$0x1] =	stream.indirect.gather [hbm4b:s2+s6], $0x40, s3, s6, $0xb8;
	[tilespmem:$0x5140] =	vst v63  }
0xe: {  	s8 =	simm.s32 $0x2140;
	s9 =	simm.s32 $0x40  }
0xf: {  	[tilespmem:s8], [sflag:$0x1] =	stream.indirect.gather [hbm4b:s2+s6], $0x40, s6, s6, $0xb8;
	[tilespmem:$0x5140] =	vst v63  }
0x10: {  	s10 =	simm.s32 $0x100;
	s11 =	simm.s32 $0x4140;
	s12 =	simm.s32 $0x1  }
0x11: {  	[tilespmem:s11], [sflag:$0x1] =	stream.indirect.gather [hbm4b:s2+s9], $0x40, s10, s9, $0xb8;
	[tilespmem:$0x5140] =	vst v63  }
0x12: {  	_ =	swait.ge [sflag:s12], $0x2000  }
0x13: {  	[sflag:s12] =	ssyncset.done $0x0  }
0x14: {  	s13 =	ssub.s32 $0x2, s13;
	[sflag:s12] =	ssyncadd.s32 $0xFFFFE000  }
0x15: {  	s16 =	sshrl.u32 s13, $0x1;
	_ =	swait.ge [sflag:s12], $0x2000  }
0x16: {  	s30 =	ssub.s32 s13, s16;
	[sflag:s12] =	ssyncset.done $0x0  }
0x17: {  	s31 =	smax.u32 s30, $0x1;
	[sflag:s12] =	ssyncadd.s32 $0xFFFFE000  }
0x18: {  	s15 =	sshll.u32 s15, $0x3;
	p0 =	sne.s32 s31, $0x1;
	_ =	swait.ge [sflag:s12], $0x1000  }
.Ltmp0:
0x19: {  	s14 =	sadd.s32 s15, s14;
	[sflag:s12] =	ssyncset.done $0x0;
	(pc) =	sbr.rel @!p0 .LBB2_2-.Ltmp0, $4  }
0x1a: {  	s13 =	sadd.s32 $0x4200, s14;
	[sflag:s12] =	ssyncadd.s32 $0xFFFFF000  }
0x1b: {  	[hbm4b:s13+s3] =	stream.linear.scatter [tilespmem:s7], [sflag:$0x2], $0x5000, $0x38;
	[tilespmem:$0x5140] =	vst v63  }
0x1c: {  	_ =	swait.ge [sflag:s4], $0x5000  }
0x1d: {  	s14 =	sadd.s32 $0xFFFFFFFF, s31;
	[sflag:s4] =	ssyncset.done $0x0  }
.LBB2_1:
0x1e: {  	p0 =	sne.s32 s14, $0x1;
	s14 =	sadd.s32 $0xFFFFFFFF, s14;
	[sflag:s4] =	ssyncadd.s32 $0xFFFFB000  }
0x1f: {  	[tilespmem:s3], [sflag:$0x2] =	stream.linear.gather [hbm4b:s5+s3], $0x140, $0x38;
	[tilespmem:$0x5140] =	vst v63  }
0x20: {  	_ =	swait.ge [sflag:s4], $0x140  }
0x21: {  	[sflag:s4] =	ssyncset.done $0x0  }
0x22: {  	[sflag:s4] =	ssyncadd.s32 $0xFFFFFEC0  }
0x23: {  	[tilespmem:s7], [sflag:$0x1] =	stream.indirect.gather [hbm4b:s2+s6], $0x40, s3, s6, $0xb8;
	[tilespmem:$0x5140] =	vst v63  }
0x24: {  	_ = 	snop  }
0x25: {  	[tilespmem:s8], [sflag:$0x1] =	stream.indirect.gather [hbm4b:s2+s6], $0x40, s6, s6, $0xb8;
	[tilespmem:$0x5140] =	vst v63  }
0x26: {  	_ = 	snop  }
0x27: {  	[tilespmem:s11], [sflag:$0x1] =	stream.indirect.gather [hbm4b:s2+s9], $0x40, s10, s9, $0xb8;
	[tilespmem:$0x5140] =	vst v63  }
0x28: {  	_ =	swait.ge [sflag:s12], $0x2000  }
0x29: {  	[sflag:s12] =	ssyncset.done $0x0  }
0x2a: {  	[sflag:s12] =	ssyncadd.s32 $0xFFFFE000  }
0x2b: {  	_ =	swait.ge [sflag:s12], $0x2000  }
0x2c: {  	[sflag:s12] =	ssyncset.done $0x0  }
0x2d: {  	[sflag:s12] =	ssyncadd.s32 $0xFFFFE000  }
0x2e: {  	_ =	swait.ge [sflag:s12], $0x1000  }
.Ltmp1:
0x2f: {  	[sflag:s12] =	ssyncset.done $0x0;
	(pc) =	sbr.rel @p0 .LBB2_1-.Ltmp1, $4  }
0x30: {  	[sflag:s12] =	ssyncadd.s32 $0xFFFFF000  }
0x31: {  	[hbm4b:s13+s3] =	stream.linear.scatter [tilespmem:s7], [sflag:$0x2], $0x5000, $0x38;
	[tilespmem:$0x5140] =	vst v63  }
0x32: {  	_ =	swait.ge [sflag:s4], $0x5000  }
0x33: {  	[sflag:s4] =	ssyncset.done $0x0  }
.LBB2_2:
0x34: {  	[sflag:s4] =	ssyncadd.s32 $0xFFFFB000  }
0x35: {  	_ =	sfence.sel $0x180000  }
0x36: {  	[bflag:$0x0] =	sbarrier.arrive $0xFFFF  }
0x37: {  	p0 =	sne.s32 s0, $0x0;
	_ =	strace $0x90000053  }
0x38: {  	s0 =	sadd.s32 @!p0 $0x100000, s1;
	[bflag:$0x2] =	sbarrier.arrive $0xFFFF  }
0x39: {  	[sflag:s0] =	ssyncadd.tile.s32 @!p0 $0x1;
	_ =	shalt  }
.Lfunc_end2:
_tile_overlayer_lowered:
.L_overlay_start_2:
0x3a: {  	(tag) =	ssettag $0x2  }
0x3b: {  	s0 =	rddreg [dreg:$0x0];
	s2 =	stileid.u32  }
0x3c: {  	s1 =	rddreg [dreg:$0x1];
	p0 =	sne.s32 s2, $0x0  }
0x3d: {  	s3 =	rddreg [dreg:$0x2];
	[bflag:$0x3] =	sbarrier.arrive $0xFFFF;
	s2 =	simm.s32 @!p0 $0x1C02  }
0x3e: {  	[timem:s3], [sflag:s2] =	dma.local @!p0 [hbm:s0], s1  }
0x3f: {  	s0 =	simm.s32 @!p0 $0x2  }
0x40: {  	_ =	swait.ge @!p0 [sflag:s0], s1  }
0x41: {  	s1 =	ssub.s32 @!p0 $0x0, s1;
	[sflag:s0] =	ssyncset.done @!p0 $0x0  }
0x42: {  	[sflag:s0] =	ssyncadd.s32 @!p0 s1  }
0x43: {  	[bflag:$0x3] =	sbarrier.arrive $0xFFFF  }
0x44: {  	_ =	shalt  }

</sc_bundles>
